<compile_context>
chip_gen: v7x
topology: tpu7x:2x2x1
jax: 0.10.2.dev20260603
libtpu: 0.0.44.dev20260713+nightly
codegen_flags: <defaults>
</compile_context>

<pallas_src>
import functools

import jax
import jax.numpy as jnp
from jax import lax
from jax.experimental import pallas as pl
from jax.experimental.pallas import tpu as pltpu
from jax.experimental.pallas import tpu_sc as plsc

N = 10000
E = 20000
DIN = 128
DE = 16
D = 64
DH = 32
B = 64
STEPS = 3

NP = 10240
EP = 20480
ES = 2 * EP
NS2 = 2 * NP
KDIM = (DH + 1) * D
AGG_R = NP + 128

_HI = jax.lax.Precision.HIGHEST


def _mmb(a, b):
    return lax.dot_general(a.astype(jnp.bfloat16), b.astype(jnp.bfloat16),
                           (((1,), (0,)), ((), ())),
                           preferred_element_type=jnp.float32)


def _pad_rows(x, rows):
    return jnp.pad(x, ((0, rows - x.shape[0]), (0, 0)))


def _pad_vec(x, n, val):
    return jnp.pad(x, (0, n - x.shape[0]), constant_values=val)



def _proj_body(x_ref, w_ref, b_ref, o_ref):
    o_ref[...] = jnp.maximum(_mmb(x_ref[...], w_ref[...]) + b_ref[...], 0.0)


def _proj(x, w, b):
    blk = 2048
    g = x.shape[0] // blk
    return pl.pallas_call(
        _proj_body,
        grid=(g,),
        in_specs=[
            pl.BlockSpec((blk, x.shape[1]), lambda i: (i, 0)),
            pl.BlockSpec((x.shape[1], w.shape[1]), lambda i: (0, 0)),
            pl.BlockSpec((1, w.shape[1]), lambda i: (0, 0)),
        ],
        out_specs=pl.BlockSpec((blk, w.shape[1]), lambda i: (i, 0)),
        out_shape=jax.ShapeDtypeStruct((x.shape[0], w.shape[1]), jnp.float32),
    )(x, w, b.reshape(1, -1))


def _bdot(a, b):
    return lax.dot_general(a, b, (((1,), (0,)), ((), ())),
                           preferred_element_type=jnp.float32)


def _msg_body(h_ref, z_ref, wz_ref, e2b_ref, o_ref, zhhi_ref, zhlo_ref):
    h = h_ref[...]
    zb = z_ref[...].astype(jnp.bfloat16).astype(jnp.float32)
    f32 = jnp.float32
    for j in range(DH // 2):
        piece = jnp.concatenate(
            [zb[:, 2 * j:2 * j + 1] * h, zb[:, 2 * j + 1:2 * j + 2] * h], axis=1)
        hi = piece.astype(jnp.bfloat16)
        zhhi_ref[:, j * 2 * D:(j + 1) * 2 * D] = hi
        zhlo_ref[:, j * 2 * D:(j + 1) * 2 * D] = (piece - hi.astype(f32)).astype(jnp.bfloat16)
    wz = wz_ref[...]
    m = _bdot(zhhi_ref[...], wz) + _bdot(zhlo_ref[...], wz)
    hhi = h.astype(jnp.bfloat16)
    hlo = (h - hhi.astype(f32)).astype(jnp.bfloat16)
    e2b = e2b_ref[...]
    bhi = e2b.astype(jnp.bfloat16)
    blo = (e2b - bhi.astype(f32)).astype(jnp.bfloat16)
    m = m + _bdot(hhi, bhi) + _bdot(hlo, bhi) + _bdot(hhi, blo)
    o_ref[...] = m


def _msg(hsrc, z, w2z, e2b_mat):
    blk = 512
    g = ES // blk
    return pl.pallas_call(
        _msg_body,
        grid=(g,),
        in_specs=[
            pl.BlockSpec((blk, D), lambda i: (i, 0)),
            pl.BlockSpec((blk, DH), lambda i: (i, 0)),
            pl.BlockSpec((DH * D, D), lambda i: (0, 0)),
            pl.BlockSpec((D, D), lambda i: (0, 0)),
        ],
        out_specs=pl.BlockSpec((blk, D), lambda i: (i, 0)),
        out_shape=jax.ShapeDtypeStruct((ES, D), jnp.float32),
        scratch_shapes=[pltpu.VMEM((blk, DH * D), jnp.bfloat16),
                        pltpu.VMEM((blk, DH * D), jnp.bfloat16)],
    )(hsrc, z, w2z, e2b_mat)


def _gru_body(agg_ref, h_ref, cb_ref, wi_ref, bi_ref, wh_ref, bh_ref, o_ref):
    a = jnp.maximum(agg_ref[...] + cb_ref[...], 0.0)
    h = h_ref[...]
    gi = _mmb(a, wi_ref[...]) + bi_ref[...]
    gh = _mmb(h, wh_ref[...]) + bh_ref[...]
    r = jax.nn.sigmoid(gi[:, :D] + gh[:, :D])
    zg = jax.nn.sigmoid(gi[:, D:2 * D] + gh[:, D:2 * D])
    ng = jnp.tanh(gi[:, 2 * D:] + r * gh[:, 2 * D:])
    o_ref[...] = (1.0 - zg) * ng + zg * h


def _gru(agg, h, conv_b, wi, bi, wh, bh):
    blk = 2048
    g = NS2 // blk
    return pl.pallas_call(
        _gru_body,
        grid=(g,),
        in_specs=[
            pl.BlockSpec((blk, D), lambda i: (i, 0)),
            pl.BlockSpec((blk, D), lambda i: (i, 0)),
            pl.BlockSpec((1, D), lambda i: (0, 0)),
            pl.BlockSpec((D, 3 * D), lambda i: (0, 0)),
            pl.BlockSpec((1, 3 * D), lambda i: (0, 0)),
            pl.BlockSpec((D, 3 * D), lambda i: (0, 0)),
            pl.BlockSpec((1, 3 * D), lambda i: (0, 0)),
        ],
        out_specs=pl.BlockSpec((blk, D), lambda i: (i, 0)),
        out_shape=jax.ShapeDtypeStruct((NS2, D), jnp.float32),
    )(agg, h, conv_b.reshape(1, -1), wi, bi.reshape(1, -1), wh, bh.reshape(1, -1))


def _fin_body(hp_ref, rg_ref, gid_ref, ld1w_ref, ld1b_ref, ld2w_ref, ld2b_ref,
              le1w_ref, le1b_ref, le2w_ref, le2b_ref, o_ref, acc_ref):
    i = pl.program_id(0)

    @pl.when(i == 0)
    def _():
        acc_ref[...] = jnp.zeros((B, D), jnp.float32)

    diff = hp_ref[...] - rg_ref[...]
    t = jnp.maximum(_mmb(diff, ld1w_ref[...]) + ld1b_ref[...], 0.0)
    dh = _mmb(t, ld2w_ref[...]) + ld2b_ref[...]
    gid = gid_ref[...]
    lanes = lax.broadcasted_iota(jnp.int32, (gid.shape[0], B), 1).astype(jnp.float32)
    onehot = jnp.where(gid == lanes, 1.0, 0.0)
    acc_ref[...] += lax.dot_general(onehot, dh, (((0,), (0,)), ((), ())),
                                    precision=_HI, preferred_element_type=jnp.float32)

    @pl.when(i == pl.num_programs(0) - 1)
    def _():
        eaf = acc_ref[...]
        t2 = jnp.maximum(_mmb(eaf, le1w_ref[...]) + le1b_ref[...], 0.0)
        t2b = t2.astype(jnp.bfloat16).astype(jnp.float32)
        l2b = le2w_ref[...].astype(jnp.bfloat16).astype(jnp.float32)
        ea = jnp.sum(t2b * l2b, axis=1, keepdims=True) + le2b_ref[...]
        o_ref[...] = ea


def _final(hp, rg, gidf, ld1w, ld1b, ld2w, ld2b, le1w, le1b, le2w, le2b):
    blk = 1024
    g = NP // blk
    return pl.pallas_call(
        _fin_body,
        grid=(g,),
        in_specs=[
            pl.BlockSpec((blk, D), lambda i: (i, 0)),
            pl.BlockSpec((blk, D), lambda i: (i, 0)),
            pl.BlockSpec((blk, 1), lambda i: (i, 0)),
            pl.BlockSpec((D, 2 * D), lambda i: (0, 0)),
            pl.BlockSpec((1, 2 * D), lambda i: (0, 0)),
            pl.BlockSpec((2 * D, D), lambda i: (0, 0)),
            pl.BlockSpec((1, D), lambda i: (0, 0)),
            pl.BlockSpec((D, D), lambda i: (0, 0)),
            pl.BlockSpec((1, D), lambda i: (0, 0)),
            pl.BlockSpec((1, D), lambda i: (0, 0)),
            pl.BlockSpec((1, 1), lambda i: (0, 0)),
        ],
        out_specs=pl.BlockSpec((B, 1), lambda i: (0, 0)),
        out_shape=jax.ShapeDtypeStruct((B, 1), jnp.float32),
        scratch_shapes=[pltpu.VMEM((B, D), jnp.float32)],
    )(hp, rg, gidf, ld1w, ld1b.reshape(1, -1), ld2w, ld2b.reshape(1, -1),
      le1w, le1b.reshape(1, -1), le2w.reshape(1, -1), le2b.reshape(1, 1))



def _sc_mesh():
    return plsc.VectorSubcoreMesh(core_axis_name="c", subcore_axis_name="s",
                                  num_cores=2, num_subcores=16)


def _gather_rows(table, idx3):
    c_chunks = idx3.shape[1]

    @functools.partial(
        pl.kernel,
        mesh=_sc_mesh(),
        compiler_params=pltpu.CompilerParams(use_tc_tiling_on_sc=False),
        out_type=jax.ShapeDtypeStruct((32 * c_chunks * 128, D), jnp.float32),
        scratch_types=[
            pltpu.VMEM((c_chunks, 128), jnp.int32),
            pltpu.VMEM((c_chunks * 128, D), jnp.float32),
            pltpu.SemaphoreType.DMA,
        ],
    )
    def k(table_hbm, idx_hbm, out_hbm, idxv, rows, sem):
        cid = lax.axis_index("c")
        sid = lax.axis_index("s")
        w = sid * 2 + cid
        pltpu.sync_copy(idx_hbm.at[w], idxv)
        base = w * (c_chunks * 128)
        descs = []
        for j in range(c_chunks):
            descs.append(pltpu.async_copy(
                table_hbm.at[idxv.at[j]], rows.at[pl.ds(j * 128, 128)], sem))
        for dsc in descs:
            dsc.wait()
        pltpu.sync_copy(rows, out_hbm.at[pl.ds(base, c_chunks * 128)])

    return k(table, idx3)


def _scatter_graphs(m, dst3, zrows):
    rows_per_tile = AGG_R // 16

    @functools.partial(
        pl.kernel,
        mesh=_sc_mesh(),
        compiler_params=pltpu.CompilerParams(use_tc_tiling_on_sc=False),
        out_type=jax.ShapeDtypeStruct((2, NP, D), jnp.float32),
        scratch_types=[
            pltpu.VMEM((10, 128), jnp.int32),
            pltpu.VMEM((1280, D), jnp.float32),
            pltpu.VMEM_SHARED((AGG_R, D), jnp.float32),
        ],
    )
    def k(m_hbm, dst_hbm, z_hbm, out_hbm, idxv, mbuf, agg_sh):
        cid = lax.axis_index("c")
        sid = lax.axis_index("s")
        pltpu.sync_copy(z_hbm.at[pl.ds(sid * rows_per_tile, rows_per_tile)],
                        agg_sh.at[pl.ds(sid * rows_per_tile, rows_per_tile)])
        pltpu.sync_copy(dst_hbm.at[cid, sid], idxv)
        pltpu.sync_copy(m_hbm.at[pl.ds(cid * EP + sid * 1280, 1280)], mbuf)
        plsc.subcore_barrier()
        for j in range(10):
            pltpu.sync_copy(mbuf.at[pl.ds(j * 128, 128)],
                            agg_sh.at[idxv.at[j]], add=True)
        plsc.subcore_barrier()
        pltpu.sync_copy(agg_sh.at[pl.ds(sid * 640, 640)],
                        out_hbm.at[cid, pl.ds(sid * 640, 640)])

    return k(m, dst3, zrows)



def kernel(rnode_feats, pnode_feats, redge_feats, pedge_feats, redge_index,
           pedge_index, p2r, pgraph_ids, proj_W, proj_b, e1_W, e1_b, e2_W,
           e2_b, conv_b, gru_Wi, gru_bi, gru_Wh, gru_bh, ld1_W, ld1_b, ld2_W,
           ld2_b, le1_W, le1_b, le2_W, le2_b):
    x = jnp.concatenate([_pad_rows(rnode_feats, NP), _pad_rows(pnode_feats, NP)], 0)
    ef = jnp.concatenate([_pad_rows(redge_feats, EP), _pad_rows(pedge_feats, EP)], 0)
    src = jnp.concatenate([
        _pad_vec(redge_index[0], EP, 0),
        _pad_vec(pedge_index[0], EP, 0) + NP,
    ]).reshape(32, 10, 128)
    dst3 = jnp.stack([
        _pad_vec(redge_index[1], EP, NP).reshape(16, 10, 128),
        _pad_vec(pedge_index[1], EP, NP).reshape(16, 10, 128),
    ])
    p2r3 = _pad_vec(p2r, 12288, 0).reshape(32, 3, 128)
    gidf = _pad_vec(pgraph_ids, NP, B).astype(jnp.float32).reshape(NP, 1)
    w2z = e2_W.astype(jnp.bfloat16).reshape(DH * D, D)
    e2b_mat = e2_b.reshape(D, D)
    zrows = jnp.zeros((AGG_R, D), jnp.float32)

    h = _proj(x, proj_W, proj_b)
    z = _proj(ef, e1_W, e1_b)
    for _ in range(STEPS):
        hsrc = _gather_rows(h, src)
        m = _msg(hsrc, z, w2z, e2b_mat)
        agg = _scatter_graphs(m, dst3, zrows)
        h = _gru(agg.reshape(NS2, D), h, conv_b, gru_Wi, gru_bi, gru_Wh, gru_bh)
    rg = _gather_rows(h, p2r3)[:NP]
    ea = _final(h[NP:], rg, gidf, ld1_W, ld1_b, ld2_W, ld2_b,
                le1_W, le1_b, le2_W, le2_b)
    return ea.reshape(-1)

# --- scband reference (transcript-rebuilt; emitter-appended) ---
"""Pipeline reference for scband-local-diff-35038343201154 (READ-ONLY COPY).

The authoritative reference and input builder live on the scoring server;
editing this copy changes nothing except your own understanding.
"""

import jax, jax.numpy as jnp
import numpy as np

N = 10000
E = 20000
DIN = 128
DE = 16
D = 64
DH = 32
B = 64
STEPS = 3

def _param(key, shape):
    return jax.random.normal(key, shape, dtype=jnp.float32) * 0.05

def setup_inputs(seed: int = 0):
    key = jax.random.key(seed)
    ks = jax.random.split(key, 32)
    inp = {}
    inp["rnode_feats"] = jax.random.normal(ks[0], (N, DIN), dtype=jnp.float32)
    inp["pnode_feats"] = jax.random.normal(ks[1], (N, DIN), dtype=jnp.float32)
    inp["redge_feats"] = jax.random.normal(ks[2], (E, DE), dtype=jnp.float32)
    inp["pedge_feats"] = jax.random.normal(ks[3], (E, DE), dtype=jnp.float32)
    inp["redge_index"] = jax.random.randint(ks[4], (2, E), 0, N, dtype=jnp.int32)
    inp["pedge_index"] = jax.random.randint(ks[5], (2, E), 0, N, dtype=jnp.int32)
    inp["p2r"] = jax.random.randint(ks[6], (N,), 0, N, dtype=jnp.int32)
    inp["pgraph_ids"] = jnp.sort(jax.random.randint(ks[7], (N,), 0, B, dtype=jnp.int32))
    inp["proj_W"] = _param(ks[8], (DIN, D)); inp["proj_b"] = _param(ks[9], (D,))
    inp["e1_W"] = _param(ks[10], (DE, DH)); inp["e1_b"] = _param(ks[11], (DH,))
    inp["e2_W"] = _param(ks[12], (DH, D * D)); inp["e2_b"] = _param(ks[13], (D * D,))
    inp["conv_b"] = _param(ks[14], (D,))
    inp["gru_Wi"] = _param(ks[15], (D, 3 * D)); inp["gru_bi"] = _param(ks[16], (3 * D,))
    inp["gru_Wh"] = _param(ks[17], (D, 3 * D)); inp["gru_bh"] = _param(ks[18], (3 * D,))
    inp["ld1_W"] = _param(ks[19], (D, 2 * D)); inp["ld1_b"] = _param(ks[20], (2 * D,))
    inp["ld2_W"] = _param(ks[21], (2 * D, D)); inp["ld2_b"] = _param(ks[22], (D,))
    inp["le1_W"] = _param(ks[23], (D, D)); inp["le1_b"] = _param(ks[24], (D,))
    inp["le2_W"] = _param(ks[25], (D, 1)); inp["le2_b"] = _param(ks[26], (1,))
    return inp

def _mpnn(x, efeat, edge_index, proj_W, proj_b, e1_W, e1_b, e2_W, e2_b, conv_b, gru_Wi, gru_bi, gru_Wh, gru_bh):
    n_nodes = x.shape[0]
    h = jax.nn.relu(x @ proj_W + proj_b)
    hidden = h
    We = (jax.nn.relu(efeat @ e1_W + e1_b) @ e2_W + e2_b).reshape(-1, D, D)
    src = edge_index[0]
    dst = edge_index[1]
    for _ in range(STEPS):
        m = jnp.einsum('ei,eio->eo', h[src], We)
        agg = jax.ops.segment_sum(m, dst, num_segments=n_nodes) + conv_b
        a = jax.nn.relu(agg)
        gi = a @ gru_Wi + gru_bi
        gh = hidden @ gru_Wh + gru_bh
        i_r, i_z, i_n = jnp.split(gi, 3, axis=-1)
        h_r, h_z, h_n = jnp.split(gh, 3, axis=-1)
        r = jax.nn.sigmoid(i_r + h_r)
        z = jax.nn.sigmoid(i_z + h_z)
        n_g = jnp.tanh(i_n + r * h_n)
        h = (1.0 - z) * n_g + z * hidden
        hidden = h
    return h

def reference(rnode_feats, pnode_feats, redge_feats, pedge_feats, redge_index, pedge_index, p2r, pgraph_ids, proj_W, proj_b, e1_W, e1_b, e2_W, e2_b, conv_b, gru_Wi, gru_bi, gru_Wh, gru_bh, ld1_W, ld1_b, ld2_W, ld2_b, le1_W, le1_b, le2_W, le2_b):
    mp = (proj_W, proj_b, e1_W, e1_b, e2_W, e2_b, conv_b, gru_Wi, gru_bi, gru_Wh, gru_bh)
    ratom = _mpnn(rnode_feats, redge_feats, redge_index, *mp)
    patom = _mpnn(pnode_feats, pedge_feats, pedge_index, *mp)
    diff = patom - ratom[p2r]
    dh = jax.nn.relu(diff @ ld1_W + ld1_b) @ ld2_W + ld2_b
    ea_feats = jax.ops.segment_sum(dh, pgraph_ids, num_segments=B)
    ea = jax.nn.relu(ea_feats @ le1_W + le1_b) @ le2_W + le2_b
    return ea.reshape(-1)

if __name__ == "__main__":
    import jax
    _d = setup_inputs()
    print(jax.jit(kernel)(*tuple(_d.values())))

</pallas_src>

<mosaic_0001>
#map = affine_map<(d0, d1) -> (0, 0)>
#map1 = affine_map<(d0, d1) -> (0, 0, 0, 0)>
#map2 = affine_map<(d0, d1) -> (0, 0, 0)>
module attributes {stable_mosaic.version = 14 : i64} {
  func.func @k(%arg0: i32, %arg1: i32, %arg2: memref<40960x64xf32, #tpu.memory_space<hbm>>, %arg3: memref<2x16x10x128xi32, #tpu.memory_space<hbm>>, %arg4: memref<10368x64xf32, #tpu.memory_space<hbm>>, %arg5: memref<2x10240x64xf32, #tpu.memory_space<hbm>>, %arg6: memref<10x128xi32, #tpu.memory_space<vmem>>, %arg7: memref<1280x64xf32, #tpu.memory_space<vmem>>, %arg8: memref<10368x64xf32, #tpu.memory_space<vmem_shared>>) attributes {dimension_semantics = [#tpu.dimension_semantics<core_parallel>, #tpu.dimension_semantics<subcore_parallel>], iteration_bounds = array<i64: 2, 16>, scalar_prefetch = 0 : i64, scratch_operands = 3 : i64, tpu.core_type = #tpu.core_type<sc_vector_subcore>, window_params = [{transform_indices = #map}, {transform_indices = #map1}, {transform_indices = #map}, {transform_indices = #map2}]} {
    %mul3A = arith.constant 648 : i32
    %mul3A_0 = arith.muli %arg1, %mul3A : i32
    %mul3A_1 = arith.constant 648 : i32
    %mul3A_2 = arith.muli %arg1, %mul3A_1 : i32
    "tpu.region"() ({
      %run_scoped3A_21 = tpu.sem_alloc : memref<!tpu.dma_semaphore, #tpu.memory_space<semaphore_mem>>
      %dma_start3A = arith.constant 0 : i32
      %dma_start3A_22 = tpu.memref_slice %arg8[%mul3A_2, %dma_start3A] : memref<10368x64xf32, #tpu.memory_space<vmem_shared>> -> memref<648x64xf32, #tpu.memory_space<vmem_shared>>
      %dma_start3A_23 = arith.constant 0 : i32
      %dma_start3A_24 = tpu.memref_slice %arg4[%mul3A_0, %dma_start3A_23] : memref<10368x64xf32, #tpu.memory_space<hbm>> -> memref<648x64xf32, #tpu.memory_space<hbm>>
      tpu.enqueue_dma source(%dma_start3A_24 : memref<648x64xf32, #tpu.memory_space<hbm>>) target(%dma_start3A_22 : memref<648x64xf32, #tpu.memory_space<vmem_shared>>) target_semaphore(%run_scoped3A_21 : memref<!tpu.dma_semaphore, #tpu.memory_space<semaphore_mem>>)
      %dma_wait3A = arith.constant 0 : i32
      %dma_wait3A_25 = tpu.memref_slice %arg8[%mul3A_2, %dma_wait3A] : memref<10368x64xf32, #tpu.memory_space<vmem_shared>> -> memref<648x64xf32, #tpu.memory_space<vmem_shared>>
      %dma_wait3A_26 = arith.constant 0 : i32
      %dma_wait3A_27 = tpu.memref_slice %arg4[%mul3A_0, %dma_wait3A_26] : memref<10368x64xf32, #tpu.memory_space<hbm>> -> memref<648x64xf32, #tpu.memory_space<hbm>>
      tpu.wait_dma2 semaphore(%run_scoped3A_21 : memref<!tpu.dma_semaphore, #tpu.memory_space<semaphore_mem>>) src(%dma_wait3A_27 : memref<648x64xf32, #tpu.memory_space<hbm>>) dst(%dma_wait3A_25 : memref<648x64xf32, #tpu.memory_space<vmem_shared>>)
      tpu.yield
    }) : () -> ()
    "tpu.region"() ({
      %run_scoped3A_21 = tpu.sem_alloc : memref<!tpu.dma_semaphore, #tpu.memory_space<semaphore_mem>>
      %dma_start3A = arith.constant 0 : i32
      %dma_start3A_22 = arith.constant 0 : i32
      %dma_start3A_23 = tpu.memref_slice %arg3[%arg0, %arg1, %dma_start3A, %dma_start3A_22] : memref<2x16x10x128xi32, #tpu.memory_space<hbm>> -> memref<1x1x10x128xi32, #tpu.memory_space<hbm>>
      %dma_start3A_24 = tpu.memref_squeeze %dma_start3A_23 : memref<1x1x10x128xi32, #tpu.memory_space<hbm>> -> memref<10x128xi32, #tpu.memory_space<hbm>>
      %dma_start3A_25 = arith.constant 0 : i32
      %dma_start3A_26 = arith.constant 0 : i32
      %dma_start3A_27 = tpu.memref_slice %arg3[%arg0, %arg1, %dma_start3A_25, %dma_start3A_26] : memref<2x16x10x128xi32, #tpu.memory_space<hbm>> -> memref<1x1x10x128xi32, #tpu.memory_space<hbm>>
      %dma_start3A_28 = tpu.memref_squeeze %dma_start3A_27 : memref<1x1x10x128xi32, #tpu.memory_space<hbm>> -> memref<10x128xi32, #tpu.memory_space<hbm>>
      tpu.enqueue_dma source(%dma_start3A_28 : memref<10x128xi32, #tpu.memory_space<hbm>>) target(%arg6 : memref<10x128xi32, #tpu.memory_space<vmem>>) target_semaphore(%run_scoped3A_21 : memref<!tpu.dma_semaphore, #tpu.memory_space<semaphore_mem>>)
      %dma_wait3A = arith.constant 0 : i32
      %dma_wait3A_29 = arith.constant 0 : i32
      %dma_wait3A_30 = tpu.memref_slice %arg3[%arg0, %arg1, %dma_wait3A, %dma_wait3A_29] : memref<2x16x10x128xi32, #tpu.memory_space<hbm>> -> memref<1x1x10x128xi32, #tpu.memory_space<hbm>>
      %dma_wait3A_31 = tpu.memref_squeeze %dma_wait3A_30 : memref<1x1x10x128xi32, #tpu.memory_space<hbm>> -> memref<10x128xi32, #tpu.memory_space<hbm>>
      %dma_wait3A_32 = arith.constant 0 : i32
      %dma_wait3A_33 = arith.constant 0 : i32
      %dma_wait3A_34 = tpu.memref_slice %arg3[%arg0, %arg1, %dma_wait3A_32, %dma_wait3A_33] : memref<2x16x10x128xi32, #tpu.memory_space<hbm>> -> memref<1x1x10x128xi32, #tpu.memory_space<hbm>>
      %dma_wait3A_35 = tpu.memref_squeeze %dma_wait3A_34 : memref<1x1x10x128xi32, #tpu.memory_space<hbm>> -> memref<10x128xi32, #tpu.memory_space<hbm>>
      tpu.wait_dma2 semaphore(%run_scoped3A_21 : memref<!tpu.dma_semaphore, #tpu.memory_space<semaphore_mem>>) src(%dma_wait3A_35 : memref<10x128xi32, #tpu.memory_space<hbm>>) dst(%arg6 : memref<10x128xi32, #tpu.memory_space<vmem>>)
      tpu.yield
    }) : () -> ()
    %mul3A_3 = arith.constant 20480 : i32
    %mul3A_4 = arith.muli %arg0, %mul3A_3 : i32
    %mul3A_5 = arith.constant 1280 : i32
    %mul3A_6 = arith.muli %arg1, %mul3A_5 : i32
    %add3A = arith.addi %mul3A_4, %mul3A_6 : i32
    "tpu.region"() ({
      %run_scoped3A_21 = tpu.sem_alloc : memref<!tpu.dma_semaphore, #tpu.memory_space<semaphore_mem>>
      %dma_start3A = arith.constant 0 : i32
      %dma_start3A_22 = tpu.memref_slice %arg2[%add3A, %dma_start3A] : memref<40960x64xf32, #tpu.memory_space<hbm>> -> memref<1280x64xf32, #tpu.memory_space<hbm>>
      %dma_start3A_23 = arith.constant 0 : i32
      %dma_start3A_24 = tpu.memref_slice %arg2[%add3A, %dma_start3A_23] : memref<40960x64xf32, #tpu.memory_space<hbm>> -> memref<1280x64xf32, #tpu.memory_space<hbm>>
      tpu.enqueue_dma source(%dma_start3A_24 : memref<1280x64xf32, #tpu.memory_space<hbm>>) target(%arg7 : memref<1280x64xf32, #tpu.memory_space<vmem>>) target_semaphore(%run_scoped3A_21 : memref<!tpu.dma_semaphore, #tpu.memory_space<semaphore_mem>>)
      %dma_wait3A = arith.constant 0 : i32
      %dma_wait3A_25 = tpu.memref_slice %arg2[%add3A, %dma_wait3A] : memref<40960x64xf32, #tpu.memory_space<hbm>> -> memref<1280x64xf32, #tpu.memory_space<hbm>>
      %dma_wait3A_26 = arith.constant 0 : i32
      %dma_wait3A_27 = tpu.memref_slice %arg2[%add3A, %dma_wait3A_26] : memref<40960x64xf32, #tpu.memory_space<hbm>> -> memref<1280x64xf32, #tpu.memory_space<hbm>>
      tpu.wait_dma2 semaphore(%run_scoped3A_21 : memref<!tpu.dma_semaphore, #tpu.memory_space<semaphore_mem>>) src(%dma_wait3A_27 : memref<1280x64xf32, #tpu.memory_space<hbm>>) dst(%arg7 : memref<1280x64xf32, #tpu.memory_space<vmem>>)
      tpu.yield
    }) : () -> ()
    %barrier3A = arith.constant 0 : index
    tpu.barrier barrier_id(%barrier3A)
    %run_scoped3A = arith.constant 0 : i32
    "tpu.region"() ({
      %run_scoped3A_21 = tpu.sem_alloc : memref<!tpu.dma_semaphore, #tpu.memory_space<semaphore_mem>>
      %dma_start3A = arith.constant 0 : i32
      %dma_start3A_22 = arith.constant 0 : i32
      %dma_start3A_23 = tpu.memref_slice %arg7[%dma_start3A, %dma_start3A_22] : memref<1280x64xf32, #tpu.memory_space<vmem>> -> memref<128x64xf32, #tpu.memory_space<vmem>>
      %dma_start3A_24 = arith.constant 0 : i32
      %dma_start3A_25 = tpu.memref_slice %arg6[%run_scoped3A, %dma_start3A_24] : memref<10x128xi32, #tpu.memory_space<vmem>> -> memref<1x128xi32, #tpu.memory_space<vmem>>
      %dma_start3A_26 = tpu.memref_squeeze %dma_start3A_25 : memref<1x128xi32, #tpu.memory_space<vmem>> -> memref<128xi32, #tpu.memory_space<vmem>>
      %dma_start3A_27 = arith.constant 0 : i32
      %dma_start3A_28 = arith.constant 0 : i32
      %dma_start3A_29 = tpu.memref_slice %arg8[%dma_start3A_27, %dma_start3A_28] : memref<10368x64xf32, #tpu.memory_space<vmem_shared>> -> memref<10368x64xf32, #tpu.memory_space<vmem_shared>>
      tpu.enqueue_indirect_dma source(%dma_start3A_23 : memref<128x64xf32, #tpu.memory_space<vmem>>) target(%dma_start3A_29 : memref<10368x64xf32, #tpu.memory_space<vmem_shared>>) offsets(%dma_start3A_26 : memref<128xi32, #tpu.memory_space<vmem>>) semaphore(%run_scoped3A_21 : memref<!tpu.dma_semaphore, #tpu.memory_space<semaphore_mem>>) {add = true}
      %dma_wait3A = arith.constant 0 : i32
      %dma_wait3A_30 = arith.constant 0 : i32
      %dma_wait3A_31 = tpu.memref_slice %arg7[%dma_wait3A, %dma_wait3A_30] : memref<1280x64xf32, #tpu.memory_space<vmem>> -> memref<128x64xf32, #tpu.memory_space<vmem>>
      %dma_wait3A_32 = arith.constant 0 : i32
      %dma_wait3A_33 = tpu.memref_slice %arg6[%run_scoped3A, %dma_wait3A_32] : memref<10x128xi32, #tpu.memory_space<vmem>> -> memref<1x128xi32, #tpu.memory_space<vmem>>
      %dma_wait3A_34 = tpu.memref_squeeze %dma_wait3A_33 : memref<1x128xi32, #tpu.memory_space<vmem>> -> memref<128xi32, #tpu.memory_space<vmem>>
      %dma_wait3A_35 = arith.constant 0 : i32
      %dma_wait3A_36 = arith.constant 0 : i32
      %dma_wait3A_37 = tpu.memref_slice %arg8[%dma_wait3A_35, %dma_wait3A_36] : memref<10368x64xf32, #tpu.memory_space<vmem_shared>> -> memref<10368x64xf32, #tpu.memory_space<vmem_shared>>
      tpu.wait_indirect_dma semaphore(%run_scoped3A_21 : memref<!tpu.dma_semaphore, #tpu.memory_space<semaphore_mem>>) src(%dma_wait3A_31 : memref<128x64xf32, #tpu.memory_space<vmem>>) dst(%dma_wait3A_37 : memref<10368x64xf32, #tpu.memory_space<vmem_shared>>)
      tpu.yield
    }) : () -> ()
    %run_scoped3A_7 = arith.constant 1 : i32
    "tpu.region"() ({
      %run_scoped3A_21 = tpu.sem_alloc : memref<!tpu.dma_semaphore, #tpu.memory_space<semaphore_mem>>
      %dma_start3A = arith.constant 128 : i32
      %dma_start3A_22 = arith.constant 0 : i32
      %dma_start3A_23 = tpu.memref_slice %arg7[%dma_start3A, %dma_start3A_22] : memref<1280x64xf32, #tpu.memory_space<vmem>> -> memref<128x64xf32, #tpu.memory_space<vmem>>
      %dma_start3A_24 = arith.constant 0 : i32
      %dma_start3A_25 = tpu.memref_slice %arg6[%run_scoped3A_7, %dma_start3A_24] : memref<10x128xi32, #tpu.memory_space<vmem>> -> memref<1x128xi32, #tpu.memory_space<vmem>>
      %dma_start3A_26 = tpu.memref_squeeze %dma_start3A_25 : memref<1x128xi32, #tpu.memory_space<vmem>> -> memref<128xi32, #tpu.memory_space<vmem>>
      %dma_start3A_27 = arith.constant 0 : i32
      %dma_start3A_28 = arith.constant 0 : i32
      %dma_start3A_29 = tpu.memref_slice %arg8[%dma_start3A_27, %dma_start3A_28] : memref<10368x64xf32, #tpu.memory_space<vmem_shared>> -> memref<10368x64xf32, #tpu.memory_space<vmem_shared>>
      tpu.enqueue_indirect_dma source(%dma_start3A_23 : memref<128x64xf32, #tpu.memory_space<vmem>>) target(%dma_start3A_29 : memref<10368x64xf32, #tpu.memory_space<vmem_shared>>) offsets(%dma_start3A_26 : memref<128xi32, #tpu.memory_space<vmem>>) semaphore(%run_scoped3A_21 : memref<!tpu.dma_semaphore, #tpu.memory_space<semaphore_mem>>) {add = true}
      %dma_wait3A = arith.constant 128 : i32
      %dma_wait3A_30 = arith.constant 0 : i32
      %dma_wait3A_31 = tpu.memref_slice %arg7[%dma_wait3A, %dma_wait3A_30] : memref<1280x64xf32, #tpu.memory_space<vmem>> -> memref<128x64xf32, #tpu.memory_space<vmem>>
      %dma_wait3A_32 = arith.constant 0 : i32
      %dma_wait3A_33 = tpu.memref_slice %arg6[%run_scoped3A_7, %dma_wait3A_32] : memref<10x128xi32, #tpu.memory_space<vmem>> -> memref<1x128xi32, #tpu.memory_space<vmem>>
      %dma_wait3A_34 = tpu.memref_squeeze %dma_wait3A_33 : memref<1x128xi32, #tpu.memory_space<vmem>> -> memref<128xi32, #tpu.memory_space<vmem>>
      %dma_wait3A_35 = arith.constant 0 : i32
      %dma_wait3A_36 = arith.constant 0 : i32
      %dma_wait3A_37 = tpu.memref_slice %arg8[%dma_wait3A_35, %dma_wait3A_36] : memref<10368x64xf32, #tpu.memory_space<vmem_shared>> -> memref<10368x64xf32, #tpu.memory_space<vmem_shared>>
      tpu.wait_indirect_dma semaphore(%run_scoped3A_21 : memref<!tpu.dma_semaphore, #tpu.memory_space<semaphore_mem>>) src(%dma_wait3A_31 : memref<128x64xf32, #tpu.memory_space<vmem>>) dst(%dma_wait3A_37 : memref<10368x64xf32, #tpu.memory_space<vmem_shared>>)
      tpu.yield
    }) : () -> ()
    %run_scoped3A_8 = arith.constant 2 : i32
    "tpu.region"() ({
      %run_scoped3A_21 = tpu.sem_alloc : memref<!tpu.dma_semaphore, #tpu.memory_space<semaphore_mem>>
      %dma_start3A = arith.constant 256 : i32
      %dma_start3A_22 = arith.constant 0 : i32
      %dma_start3A_23 = tpu.memref_slice %arg7[%dma_start3A, %dma_start3A_22] : memref<1280x64xf32, #tpu.memory_space<vmem>> -> memref<128x64xf32, #tpu.memory_space<vmem>>
      %dma_start3A_24 = arith.constant 0 : i32
      %dma_start3A_25 = tpu.memref_slice %arg6[%run_scoped3A_8, %dma_start3A_24] : memref<10x128xi32, #tpu.memory_space<vmem>> -> memref<1x128xi32, #tpu.memory_space<vmem>>
      %dma_start3A_26 = tpu.memref_squeeze %dma_start3A_25 : memref<1x128xi32, #tpu.memory_space<vmem>> -> memref<128xi32, #tpu.memory_space<vmem>>
      %dma_start3A_27 = arith.constant 0 : i32
      %dma_start3A_28 = arith.constant 0 : i32
      %dma_start3A_29 = tpu.memref_slice %arg8[%dma_start3A_27, %dma_start3A_28] : memref<10368x64xf32, #tpu.memory_space<vmem_shared>> -> memref<10368x64xf32, #tpu.memory_space<vmem_shared>>
      tpu.enqueue_indirect_dma source(%dma_start3A_23 : memref<128x64xf32, #tpu.memory_space<vmem>>) target(%dma_start3A_29 : memref<10368x64xf32, #tpu.memory_space<vmem_shared>>) offsets(%dma_start3A_26 : memref<128xi32, #tpu.memory_space<vmem>>) semaphore(%run_scoped3A_21 : memref<!tpu.dma_semaphore, #tpu.memory_space<semaphore_mem>>) {add = true}
      %dma_wait3A = arith.constant 256 : i32
      %dma_wait3A_30 = arith.constant 0 : i32
      %dma_wait3A_31 = tpu.memref_slice %arg7[%dma_wait3A, %dma_wait3A_30] : memref<1280x64xf32, #tpu.memory_space<vmem>> -> memref<128x64xf32, #tpu.memory_space<vmem>>
      %dma_wait3A_32 = arith.constant 0 : i32
      %dma_wait3A_33 = tpu.memref_slice %arg6[%run_scoped3A_8, %dma_wait3A_32] : memref<10x128xi32, #tpu.memory_space<vmem>> -> memref<1x128xi32, #tpu.memory_space<vmem>>
      %dma_wait3A_34 = tpu.memref_squeeze %dma_wait3A_33 : memref<1x128xi32, #tpu.memory_space<vmem>> -> memref<128xi32, #tpu.memory_space<vmem>>
      %dma_wait3A_35 = arith.constant 0 : i32
      %dma_wait3A_36 = arith.constant 0 : i32
      %dma_wait3A_37 = tpu.memref_slice %arg8[%dma_wait3A_35, %dma_wait3A_36] : memref<10368x64xf32, #tpu.memory_space<vmem_shared>> -> memref<10368x64xf32, #tpu.memory_space<vmem_shared>>
      tpu.wait_indirect_dma semaphore(%run_scoped3A_21 : memref<!tpu.dma_semaphore, #tpu.memory_space<semaphore_mem>>) src(%dma_wait3A_31 : memref<128x64xf32, #tpu.memory_space<vmem>>) dst(%dma_wait3A_37 : memref<10368x64xf32, #tpu.memory_space<vmem_shared>>)
      tpu.yield
    }) : () -> ()
    %run_scoped3A_9 = arith.constant 3 : i32
    "tpu.region"() ({
      %run_scoped3A_21 = tpu.sem_alloc : memref<!tpu.dma_semaphore, #tpu.memory_space<semaphore_mem>>
      %dma_start3A = arith.constant 384 : i32
      %dma_start3A_22 = arith.constant 0 : i32
      %dma_start3A_23 = tpu.memref_slice %arg7[%dma_start3A, %dma_start3A_22] : memref<1280x64xf32, #tpu.memory_space<vmem>> -> memref<128x64xf32, #tpu.memory_space<vmem>>
      %dma_start3A_24 = arith.constant 0 : i32
      %dma_start3A_25 = tpu.memref_slice %arg6[%run_scoped3A_9, %dma_start3A_24] : memref<10x128xi32, #tpu.memory_space<vmem>> -> memref<1x128xi32, #tpu.memory_space<vmem>>
      %dma_start3A_26 = tpu.memref_squeeze %dma_start3A_25 : memref<1x128xi32, #tpu.memory_space<vmem>> -> memref<128xi32, #tpu.memory_space<vmem>>
      %dma_start3A_27 = arith.constant 0 : i32
      %dma_start3A_28 = arith.constant 0 : i32
      %dma_start3A_29 = tpu.memref_slice %arg8[%dma_start3A_27, %dma_start3A_28] : memref<10368x64xf32, #tpu.memory_space<vmem_shared>> -> memref<10368x64xf32, #tpu.memory_space<vmem_shared>>
      tpu.enqueue_indirect_dma source(%dma_start3A_23 : memref<128x64xf32, #tpu.memory_space<vmem>>) target(%dma_start3A_29 : memref<10368x64xf32, #tpu.memory_space<vmem_shared>>) offsets(%dma_start3A_26 : memref<128xi32, #tpu.memory_space<vmem>>) semaphore(%run_scoped3A_21 : memref<!tpu.dma_semaphore, #tpu.memory_space<semaphore_mem>>) {add = true}
      %dma_wait3A = arith.constant 384 : i32
      %dma_wait3A_30 = arith.constant 0 : i32
      %dma_wait3A_31 = tpu.memref_slice %arg7[%dma_wait3A, %dma_wait3A_30] : memref<1280x64xf32, #tpu.memory_space<vmem>> -> memref<128x64xf32, #tpu.memory_space<vmem>>
      %dma_wait3A_32 = arith.constant 0 : i32
      %dma_wait3A_33 = tpu.memref_slice %arg6[%run_scoped3A_9, %dma_wait3A_32] : memref<10x128xi32, #tpu.memory_space<vmem>> -> memref<1x128xi32, #tpu.memory_space<vmem>>
      %dma_wait3A_34 = tpu.memref_squeeze %dma_wait3A_33 : memref<1x128xi32, #tpu.memory_space<vmem>> -> memref<128xi32, #tpu.memory_space<vmem>>
      %dma_wait3A_35 = arith.constant 0 : i32
      %dma_wait3A_36 = arith.constant 0 : i32
      %dma_wait3A_37 = tpu.memref_slice %arg8[%dma_wait3A_35, %dma_wait3A_36] : memref<10368x64xf32, #tpu.memory_space<vmem_shared>> -> memref<10368x64xf32, #tpu.memory_space<vmem_shared>>
      tpu.wait_indirect_dma semaphore(%run_scoped3A_21 : memref<!tpu.dma_semaphore, #tpu.memory_space<semaphore_mem>>) src(%dma_wait3A_31 : memref<128x64xf32, #tpu.memory_space<vmem>>) dst(%dma_wait3A_37 : memref<10368x64xf32, #tpu.memory_space<vmem_shared>>)
      tpu.yield
    }) : () -> ()
    %run_scoped3A_10 = arith.constant 4 : i32
    "tpu.region"() ({
      %run_scoped3A_21 = tpu.sem_alloc : memref<!tpu.dma_semaphore, #tpu.memory_space<semaphore_mem>>
      %dma_start3A = arith.constant 512 : i32
      %dma_start3A_22 = arith.constant 0 : i32
      %dma_start3A_23 = tpu.memref_slice %arg7[%dma_start3A, %dma_start3A_22] : memref<1280x64xf32, #tpu.memory_space<vmem>> -> memref<128x64xf32, #tpu.memory_space<vmem>>
      %dma_start3A_24 = arith.constant 0 : i32
      %dma_start3A_25 = tpu.memref_slice %arg6[%run_scoped3A_10, %dma_start3A_24] : memref<10x128xi32, #tpu.memory_space<vmem>> -> memref<1x128xi32, #tpu.memory_space<vmem>>
      %dma_start3A_26 = tpu.memref_squeeze %dma_start3A_25 : memref<1x128xi32, #tpu.memory_space<vmem>> -> memref<128xi32, #tpu.memory_space<vmem>>
      %dma_start3A_27 = arith.constant 0 : i32
      %dma_start3A_28 = arith.constant 0 : i32
      %dma_start3A_29 = tpu.memref_slice %arg8[%dma_start3A_27, %dma_start3A_28] : memref<10368x64xf32, #tpu.memory_space<vmem_shared>> -> memref<10368x64xf32, #tpu.memory_space<vmem_shared>>
      tpu.enqueue_indirect_dma source(%dma_start3A_23 : memref<128x64xf32, #tpu.memory_space<vmem>>) target(%dma_start3A_29 : memref<10368x64xf32, #tpu.memory_space<vmem_shared>>) offsets(%dma_start3A_26 : memref<128xi32, #tpu.memory_space<vmem>>) semaphore(%run_scoped3A_21 : memref<!tpu.dma_semaphore, #tpu.memory_space<semaphore_mem>>) {add = true}
      %dma_wait3A = arith.constant 512 : i32
      %dma_wait3A_30 = arith.constant 0 : i32
      %dma_wait3A_31 = tpu.memref_slice %arg7[%dma_wait3A, %dma_wait3A_30] : memref<1280x64xf32, #tpu.memory_space<vmem>> -> memref<128x64xf32, #tpu.memory_space<vmem>>
      %dma_wait3A_32 = arith.constant 0 : i32
      %dma_wait3A_33 = tpu.memref_slice %arg6[%run_scoped3A_10, %dma_wait3A_32] : memref<10x128xi32, #tpu.memory_space<vmem>> -> memref<1x128xi32, #tpu.memory_space<vmem>>
      %dma_wait3A_34 = tpu.memref_squeeze %dma_wait3A_33 : memref<1x128xi32, #tpu.memory_space<vmem>> -> memref<128xi32, #tpu.memory_space<vmem>>
      %dma_wait3A_35 = arith.constant 0 : i32
      %dma_wait3A_36 = arith.constant 0 : i32
      %dma_wait3A_37 = tpu.memref_slice %arg8[%dma_wait3A_35, %dma_wait3A_36] : memref<10368x64xf32, #tpu.memory_space<vmem_shared>> -> memref<10368x64xf32, #tpu.memory_space<vmem_shared>>
      tpu.wait_indirect_dma semaphore(%run_scoped3A_21 : memref<!tpu.dma_semaphore, #tpu.memory_space<semaphore_mem>>) src(%dma_wait3A_31 : memref<128x64xf32, #tpu.memory_space<vmem>>) dst(%dma_wait3A_37 : memref<10368x64xf32, #tpu.memory_space<vmem_shared>>)
      tpu.yield
    }) : () -> ()
    %run_scoped3A_11 = arith.constant 5 : i32
    "tpu.region"() ({
      %run_scoped3A_21 = tpu.sem_alloc : memref<!tpu.dma_semaphore, #tpu.memory_space<semaphore_mem>>
      %dma_start3A = arith.constant 640 : i32
      %dma_start3A_22 = arith.constant 0 : i32
      %dma_start3A_23 = tpu.memref_slice %arg7[%dma_start3A, %dma_start3A_22] : memref<1280x64xf32, #tpu.memory_space<vmem>> -> memref<128x64xf32, #tpu.memory_space<vmem>>
      %dma_start3A_24 = arith.constant 0 : i32
      %dma_start3A_25 = tpu.memref_slice %arg6[%run_scoped3A_11, %dma_start3A_24] : memref<10x128xi32, #tpu.memory_space<vmem>> -> memref<1x128xi32, #tpu.memory_space<vmem>>
      %dma_start3A_26 = tpu.memref_squeeze %dma_start3A_25 : memref<1x128xi32, #tpu.memory_space<vmem>> -> memref<128xi32, #tpu.memory_space<vmem>>
      %dma_start3A_27 = arith.constant 0 : i32
      %dma_start3A_28 = arith.constant 0 : i32
      %dma_start3A_29 = tpu.memref_slice %arg8[%dma_start3A_27, %dma_start3A_28] : memref<10368x64xf32, #tpu.memory_space<vmem_shared>> -> memref<10368x64xf32, #tpu.memory_space<vmem_shared>>
      tpu.enqueue_indirect_dma source(%dma_start3A_23 : memref<128x64xf32, #tpu.memory_space<vmem>>) target(%dma_start3A_29 : memref<10368x64xf32, #tpu.memory_space<vmem_shared>>) offsets(%dma_start3A_26 : memref<128xi32, #tpu.memory_space<vmem>>) semaphore(%run_scoped3A_21 : memref<!tpu.dma_semaphore, #tpu.memory_space<semaphore_mem>>) {add = true}
      %dma_wait3A = arith.constant 640 : i32
      %dma_wait3A_30 = arith.constant 0 : i32
      %dma_wait3A_31 = tpu.memref_slice %arg7[%dma_wait3A, %dma_wait3A_30] : memref<1280x64xf32, #tpu.memory_space<vmem>> -> memref<128x64xf32, #tpu.memory_space<vmem>>
      %dma_wait3A_32 = arith.constant 0 : i32
      %dma_wait3A_33 = tpu.memref_slice %arg6[%run_scoped3A_11, %dma_wait3A_32] : memref<10x128xi32, #tpu.memory_space<vmem>> -> memref<1x128xi32, #tpu.memory_space<vmem>>
      %dma_wait3A_34 = tpu.memref_squeeze %dma_wait3A_33 : memref<1x128xi32, #tpu.memory_space<vmem>> -> memref<128xi32, #tpu.memory_space<vmem>>
      %dma_wait3A_35 = arith.constant 0 : i32
      %dma_wait3A_36 = arith.constant 0 : i32
      %dma_wait3A_37 = tpu.memref_slice %arg8[%dma_wait3A_35, %dma_wait3A_36] : memref<10368x64xf32, #tpu.memory_space<vmem_shared>> -> memref<10368x64xf32, #tpu.memory_space<vmem_shared>>
      tpu.wait_indirect_dma semaphore(%run_scoped3A_21 : memref<!tpu.dma_semaphore, #tpu.memory_space<semaphore_mem>>) src(%dma_wait3A_31 : memref<128x64xf32, #tpu.memory_space<vmem>>) dst(%dma_wait3A_37 : memref<10368x64xf32, #tpu.memory_space<vmem_shared>>)
      tpu.yield
    }) : () -> ()
    %run_scoped3A_12 = arith.constant 6 : i32
    "tpu.region"() ({
      %run_scoped3A_21 = tpu.sem_alloc : memref<!tpu.dma_semaphore, #tpu.memory_space<semaphore_mem>>
      %dma_start3A = arith.constant 768 : i32
      %dma_start3A_22 = arith.constant 0 : i32
      %dma_start3A_23 = tpu.memref_slice %arg7[%dma_start3A, %dma_start3A_22] : memref<1280x64xf32, #tpu.memory_space<vmem>> -> memref<128x64xf32, #tpu.memory_space<vmem>>
      %dma_start3A_24 = arith.constant 0 : i32
      %dma_start3A_25 = tpu.memref_slice %arg6[%run_scoped3A_12, %dma_start3A_24] : memref<10x128xi32, #tpu.memory_space<vmem>> -> memref<1x128xi32, #tpu.memory_space<vmem>>
      %dma_start3A_26 = tpu.memref_squeeze %dma_start3A_25 : memref<1x128xi32, #tpu.memory_space<vmem>> -> memref<128xi32, #tpu.memory_space<vmem>>
      %dma_start3A_27 = arith.constant 0 : i32
      %dma_start3A_28 = arith.constant 0 : i32
      %dma_start3A_29 = tpu.memref_slice %arg8[%dma_start3A_27, %dma_start3A_28] : memref<10368x64xf32, #tpu.memory_space<vmem_shared>> -> memref<10368x64xf32, #tpu.memory_space<vmem_shared>>
      tpu.enqueue_indirect_dma source(%dma_start3A_23 : memref<128x64xf32, #tpu.memory_space<vmem>>) target(%dma_start3A_29 : memref<10368x64xf32, #tpu.memory_space<vmem_shared>>) offsets(%dma_start3A_26 : memref<128xi32, #tpu.memory_space<vmem>>) semaphore(%run_scoped3A_21 : memref<!tpu.dma_semaphore, #tpu.memory_space<semaphore_mem>>) {add = true}
      %dma_wait3A = arith.constant 768 : i32
      %dma_wait3A_30 = arith.constant 0 : i32
      %dma_wait3A_31 = tpu.memref_slice %arg7[%dma_wait3A, %dma_wait3A_30] : memref<1280x64xf32, #tpu.memory_space<vmem>> -> memref<128x64xf32, #tpu.memory_space<vmem>>
      %dma_wait3A_32 = arith.constant 0 : i32
      %dma_wait3A_33 = tpu.memref_slice %arg6[%run_scoped3A_12, %dma_wait3A_32] : memref<10x128xi32, #tpu.memory_space<vmem>> -> memref<1x128xi32, #tpu.memory_space<vmem>>
      %dma_wait3A_34 = tpu.memref_squeeze %dma_wait3A_33 : memref<1x128xi32, #tpu.memory_space<vmem>> -> memref<128xi32, #tpu.memory_space<vmem>>
      %dma_wait3A_35 = arith.constant 0 : i32
      %dma_wait3A_36 = arith.constant 0 : i32
      %dma_wait3A_37 = tpu.memref_slice %arg8[%dma_wait3A_35, %dma_wait3A_36] : memref<10368x64xf32, #tpu.memory_space<vmem_shared>> -> memref<10368x64xf32, #tpu.memory_space<vmem_shared>>
      tpu.wait_indirect_dma semaphore(%run_scoped3A_21 : memref<!tpu.dma_semaphore, #tpu.memory_space<semaphore_mem>>) src(%dma_wait3A_31 : memref<128x64xf32, #tpu.memory_space<vmem>>) dst(%dma_wait3A_37 : memref<10368x64xf32, #tpu.memory_space<vmem_shared>>)
      tpu.yield
    }) : () -> ()
    %run_scoped3A_13 = arith.constant 7 : i32
    "tpu.region"() ({
      %run_scoped3A_21 = tpu.sem_alloc : memref<!tpu.dma_semaphore, #tpu.memory_space<semaphore_mem>>
      %dma_start3A = arith.constant 896 : i32
      %dma_start3A_22 = arith.constant 0 : i32
      %dma_start3A_23 = tpu.memref_slice %arg7[%dma_start3A, %dma_start3A_22] : memref<1280x64xf32, #tpu.memory_space<vmem>> -> memref<128x64xf32, #tpu.memory_space<vmem>>
      %dma_start3A_24 = arith.constant 0 : i32
      %dma_start3A_25 = tpu.memref_slice %arg6[%run_scoped3A_13, %dma_start3A_24] : memref<10x128xi32, #tpu.memory_space<vmem>> -> memref<1x128xi32, #tpu.memory_space<vmem>>
      %dma_start3A_26 = tpu.memref_squeeze %dma_start3A_25 : memref<1x128xi32, #tpu.memory_space<vmem>> -> memref<128xi32, #tpu.memory_space<vmem>>
      %dma_start3A_27 = arith.constant 0 : i32
      %dma_start3A_28 = arith.constant 0 : i32
      %dma_start3A_29 = tpu.memref_slice %arg8[%dma_start3A_27, %dma_start3A_28] : memref<10368x64xf32, #tpu.memory_space<vmem_shared>> -> memref<10368x64xf32, #tpu.memory_space<vmem_shared>>
      tpu.enqueue_indirect_dma source(%dma_start3A_23 : memref<128x64xf32, #tpu.memory_space<vmem>>) target(%dma_start3A_29 : memref<10368x64xf32, #tpu.memory_space<vmem_shared>>) offsets(%dma_start3A_26 : memref<128xi32, #tpu.memory_space<vmem>>) semaphore(%run_scoped3A_21 : memref<!tpu.dma_semaphore, #tpu.memory_space<semaphore_mem>>) {add = true}
      %dma_wait3A = arith.constant 896 : i32
      %dma_wait3A_30 = arith.constant 0 : i32
      %dma_wait3A_31 = tpu.memref_slice %arg7[%dma_wait3A, %dma_wait3A_30] : memref<1280x64xf32, #tpu.memory_space<vmem>> -> memref<128x64xf32, #tpu.memory_space<vmem>>
      %dma_wait3A_32 = arith.constant 0 : i32
      %dma_wait3A_33 = tpu.memref_slice %arg6[%run_scoped3A_13, %dma_wait3A_32] : memref<10x128xi32, #tpu.memory_space<vmem>> -> memref<1x128xi32, #tpu.memory_space<vmem>>
      %dma_wait3A_34 = tpu.memref_squeeze %dma_wait3A_33 : memref<1x128xi32, #tpu.memory_space<vmem>> -> memref<128xi32, #tpu.memory_space<vmem>>
      %dma_wait3A_35 = arith.constant 0 : i32
      %dma_wait3A_36 = arith.constant 0 : i32
      %dma_wait3A_37 = tpu.memref_slice %arg8[%dma_wait3A_35, %dma_wait3A_36] : memref<10368x64xf32, #tpu.memory_space<vmem_shared>> -> memref<10368x64xf32, #tpu.memory_space<vmem_shared>>
      tpu.wait_indirect_dma semaphore(%run_scoped3A_21 : memref<!tpu.dma_semaphore, #tpu.memory_space<semaphore_mem>>) src(%dma_wait3A_31 : memref<128x64xf32, #tpu.memory_space<vmem>>) dst(%dma_wait3A_37 : memref<10368x64xf32, #tpu.memory_space<vmem_shared>>)
      tpu.yield
    }) : () -> ()
    %run_scoped3A_14 = arith.constant 8 : i32
    "tpu.region"() ({
      %run_scoped3A_21 = tpu.sem_alloc : memref<!tpu.dma_semaphore, #tpu.memory_space<semaphore_mem>>
      %dma_start3A = arith.constant 1024 : i32
      %dma_start3A_22 = arith.constant 0 : i32
      %dma_start3A_23 = tpu.memref_slice %arg7[%dma_start3A, %dma_start3A_22] : memref<1280x64xf32, #tpu.memory_space<vmem>> -> memref<128x64xf32, #tpu.memory_space<vmem>>
      %dma_start3A_24 = arith.constant 0 : i32
      %dma_start3A_25 = tpu.memref_slice %arg6[%run_scoped3A_14, %dma_start3A_24] : memref<10x128xi32, #tpu.memory_space<vmem>> -> memref<1x128xi32, #tpu.memory_space<vmem>>
      %dma_start3A_26 = tpu.memref_squeeze %dma_start3A_25 : memref<1x128xi32, #tpu.memory_space<vmem>> -> memref<128xi32, #tpu.memory_space<vmem>>
      %dma_start3A_27 = arith.constant 0 : i32
      %dma_start3A_28 = arith.constant 0 : i32
      %dma_start3A_29 = tpu.memref_slice %arg8[%dma_start3A_27, %dma_start3A_28] : memref<10368x64xf32, #tpu.memory_space<vmem_shared>> -> memref<10368x64xf32, #tpu.memory_space<vmem_shared>>
      tpu.enqueue_indirect_dma source(%dma_start3A_23 : memref<128x64xf32, #tpu.memory_space<vmem>>) target(%dma_start3A_29 : memref<10368x64xf32, #tpu.memory_space<vmem_shared>>) offsets(%dma_start3A_26 : memref<128xi32, #tpu.memory_space<vmem>>) semaphore(%run_scoped3A_21 : memref<!tpu.dma_semaphore, #tpu.memory_space<semaphore_mem>>) {add = true}
      %dma_wait3A = arith.constant 1024 : i32
      %dma_wait3A_30 = arith.constant 0 : i32
      %dma_wait3A_31 = tpu.memref_slice %arg7[%dma_wait3A, %dma_wait3A_30] : memref<1280x64xf32, #tpu.memory_space<vmem>> -> memref<128x64xf32, #tpu.memory_space<vmem>>
      %dma_wait3A_32 = arith.constant 0 : i32
      %dma_wait3A_33 = tpu.memref_slice %arg6[%run_scoped3A_14, %dma_wait3A_32] : memref<10x128xi32, #tpu.memory_space<vmem>> -> memref<1x128xi32, #tpu.memory_space<vmem>>
      %dma_wait3A_34 = tpu.memref_squeeze %dma_wait3A_33 : memref<1x128xi32, #tpu.memory_space<vmem>> -> memref<128xi32, #tpu.memory_space<vmem>>
      %dma_wait3A_35 = arith.constant 0 : i32
      %dma_wait3A_36 = arith.constant 0 : i32
      %dma_wait3A_37 = tpu.memref_slice %arg8[%dma_wait3A_35, %dma_wait3A_36] : memref<10368x64xf32, #tpu.memory_space<vmem_shared>> -> memref<10368x64xf32, #tpu.memory_space<vmem_shared>>
      tpu.wait_indirect_dma semaphore(%run_scoped3A_21 : memref<!tpu.dma_semaphore, #tpu.memory_space<semaphore_mem>>) src(%dma_wait3A_31 : memref<128x64xf32, #tpu.memory_space<vmem>>) dst(%dma_wait3A_37 : memref<10368x64xf32, #tpu.memory_space<vmem_shared>>)
      tpu.yield
    }) : () -> ()
    %run_scoped3A_15 = arith.constant 9 : i32
    "tpu.region"() ({
      %run_scoped3A_21 = tpu.sem_alloc : memref<!tpu.dma_semaphore, #tpu.memory_space<semaphore_mem>>
      %dma_start3A = arith.constant 1152 : i32
      %dma_start3A_22 = arith.constant 0 : i32
      %dma_start3A_23 = tpu.memref_slice %arg7[%dma_start3A, %dma_start3A_22] : memref<1280x64xf32, #tpu.memory_space<vmem>> -> memref<128x64xf32, #tpu.memory_space<vmem>>
      %dma_start3A_24 = arith.constant 0 : i32
      %dma_start3A_25 = tpu.memref_slice %arg6[%run_scoped3A_15, %dma_start3A_24] : memref<10x128xi32, #tpu.memory_space<vmem>> -> memref<1x128xi32, #tpu.memory_space<vmem>>
      %dma_start3A_26 = tpu.memref_squeeze %dma_start3A_25 : memref<1x128xi32, #tpu.memory_space<vmem>> -> memref<128xi32, #tpu.memory_space<vmem>>
      %dma_start3A_27 = arith.constant 0 : i32
      %dma_start3A_28 = arith.constant 0 : i32
      %dma_start3A_29 = tpu.memref_slice %arg8[%dma_start3A_27, %dma_start3A_28] : memref<10368x64xf32, #tpu.memory_space<vmem_shared>> -> memref<10368x64xf32, #tpu.memory_space<vmem_shared>>
      tpu.enqueue_indirect_dma source(%dma_start3A_23 : memref<128x64xf32, #tpu.memory_space<vmem>>) target(%dma_start3A_29 : memref<10368x64xf32, #tpu.memory_space<vmem_shared>>) offsets(%dma_start3A_26 : memref<128xi32, #tpu.memory_space<vmem>>) semaphore(%run_scoped3A_21 : memref<!tpu.dma_semaphore, #tpu.memory_space<semaphore_mem>>) {add = true}
      %dma_wait3A = arith.constant 1152 : i32
      %dma_wait3A_30 = arith.constant 0 : i32
      %dma_wait3A_31 = tpu.memref_slice %arg7[%dma_wait3A, %dma_wait3A_30] : memref<1280x64xf32, #tpu.memory_space<vmem>> -> memref<128x64xf32, #tpu.memory_space<vmem>>
      %dma_wait3A_32 = arith.constant 0 : i32
      %dma_wait3A_33 = tpu.memref_slice %arg6[%run_scoped3A_15, %dma_wait3A_32] : memref<10x128xi32, #tpu.memory_space<vmem>> -> memref<1x128xi32, #tpu.memory_space<vmem>>
      %dma_wait3A_34 = tpu.memref_squeeze %dma_wait3A_33 : memref<1x128xi32, #tpu.memory_space<vmem>> -> memref<128xi32, #tpu.memory_space<vmem>>
      %dma_wait3A_35 = arith.constant 0 : i32
      %dma_wait3A_36 = arith.constant 0 : i32
      %dma_wait3A_37 = tpu.memref_slice %arg8[%dma_wait3A_35, %dma_wait3A_36] : memref<10368x64xf32, #tpu.memory_space<vmem_shared>> -> memref<10368x64xf32, #tpu.memory_space<vmem_shared>>
      tpu.wait_indirect_dma semaphore(%run_scoped3A_21 : memref<!tpu.dma_semaphore, #tpu.memory_space<semaphore_mem>>) src(%dma_wait3A_31 : memref<128x64xf32, #tpu.memory_space<vmem>>) dst(%dma_wait3A_37 : memref<10368x64xf32, #tpu.memory_space<vmem_shared>>)
      tpu.yield
    }) : () -> ()
    %barrier3A_16 = arith.constant 0 : index
    tpu.barrier barrier_id(%barrier3A_16)
    %mul3A_17 = arith.constant 640 : i32
    %mul3A_18 = arith.muli %arg1, %mul3A_17 : i32
    %mul3A_19 = arith.constant 640 : i32
    %mul3A_20 = arith.muli %arg1, %mul3A_19 : i32
    "tpu.region"() ({
      %run_scoped3A_21 = tpu.sem_alloc : memref<!tpu.dma_semaphore, #tpu.memory_space<semaphore_mem>>
      %dma_start3A = arith.constant 0 : i32
      %dma_start3A_22 = tpu.memref_slice %arg5[%arg0, %mul3A_20, %dma_start3A] : memref<2x10240x64xf32, #tpu.memory_space<hbm>> -> memref<1x640x64xf32, #tpu.memory_space<hbm>>
      %dma_start3A_23 = tpu.memref_squeeze %dma_start3A_22 : memref<1x640x64xf32, #tpu.memory_space<hbm>> -> memref<640x64xf32, #tpu.memory_space<hbm>>
      %dma_start3A_24 = arith.constant 0 : i32
      %dma_start3A_25 = tpu.memref_slice %arg8[%mul3A_18, %dma_start3A_24] : memref<10368x64xf32, #tpu.memory_space<vmem_shared>> -> memref<640x64xf32, #tpu.memory_space<vmem_shared>>
      tpu.enqueue_dma source(%dma_start3A_25 : memref<640x64xf32, #tpu.memory_space<vmem_shared>>) target(%dma_start3A_23 : memref<640x64xf32, #tpu.memory_space<hbm>>) target_semaphore(%run_scoped3A_21 : memref<!tpu.dma_semaphore, #tpu.memory_space<semaphore_mem>>)
      %dma_wait3A = arith.constant 0 : i32
      %dma_wait3A_26 = tpu.memref_slice %arg5[%arg0, %mul3A_20, %dma_wait3A] : memref<2x10240x64xf32, #tpu.memory_space<hbm>> -> memref<1x640x64xf32, #tpu.memory_space<hbm>>
      %dma_wait3A_27 = tpu.memref_squeeze %dma_wait3A_26 : memref<1x640x64xf32, #tpu.memory_space<hbm>> -> memref<640x64xf32, #tpu.memory_space<hbm>>
      %dma_wait3A_28 = arith.constant 0 : i32
      %dma_wait3A_29 = tpu.memref_slice %arg8[%mul3A_18, %dma_wait3A_28] : memref<10368x64xf32, #tpu.memory_space<vmem_shared>> -> memref<640x64xf32, #tpu.memory_space<vmem_shared>>
      tpu.wait_dma2 semaphore(%run_scoped3A_21 : memref<!tpu.dma_semaphore, #tpu.memory_space<semaphore_mem>>) src(%dma_wait3A_29 : memref<640x64xf32, #tpu.memory_space<vmem_shared>>) dst(%dma_wait3A_27 : memref<640x64xf32, #tpu.memory_space<hbm>>)
      tpu.yield
    }) : () -> ()
    return
  }
}

#map = affine_map<(d0, d1) -> (0, 0)>
#map1 = affine_map<(d0, d1) -> (0, 0, 0)>
module attributes {stable_mosaic.version = 14 : i64} {
  func.func @k(%arg0: i32, %arg1: i32, %arg2: memref<20480x64xf32, #tpu.memory_space<hbm>>, %arg3: memref<32x10x128xi32, #tpu.memory_space<hbm>>, %arg4: memref<40960x64xf32, #tpu.memory_space<hbm>>, %arg5: memref<10x128xi32, #tpu.memory_space<vmem>>, %arg6: memref<1280x64xf32, #tpu.memory_space<vmem>>, %arg7: memref<!tpu.dma_semaphore, #tpu.memory_space<semaphore_mem>>) attributes {dimension_semantics = [#tpu.dimension_semantics<core_parallel>, #tpu.dimension_semantics<subcore_parallel>], iteration_bounds = array<i64: 2, 16>, scalar_prefetch = 0 : i64, scratch_operands = 3 : i64, tpu.core_type = #tpu.core_type<sc_vector_subcore>, window_params = [{transform_indices = #map}, {transform_indices = #map1}, {transform_indices = #map}]} {
    %mul3A = arith.constant 2 : i32
    %mul3A_0 = arith.muli %arg1, %mul3A : i32
    %add3A = arith.addi %mul3A_0, %arg0 : i32
    "tpu.region"() ({
      %run_scoped3A = tpu.sem_alloc : memref<!tpu.dma_semaphore, #tpu.memory_space<semaphore_mem>>
      %dma_start3A_201 = arith.constant 0 : i32
      %dma_start3A_202 = arith.constant 0 : i32
      %dma_start3A_203 = tpu.memref_slice %arg3[%add3A, %dma_start3A_201, %dma_start3A_202] : memref<32x10x128xi32, #tpu.memory_space<hbm>> -> memref<1x10x128xi32, #tpu.memory_space<hbm>>
      %dma_start3A_204 = tpu.memref_squeeze %dma_start3A_203 : memref<1x10x128xi32, #tpu.memory_space<hbm>> -> memref<10x128xi32, #tpu.memory_space<hbm>>
      %dma_start3A_205 = arith.constant 0 : i32
      %dma_start3A_206 = arith.constant 0 : i32
      %dma_start3A_207 = tpu.memref_slice %arg3[%add3A, %dma_start3A_205, %dma_start3A_206] : memref<32x10x128xi32, #tpu.memory_space<hbm>> -> memref<1x10x128xi32, #tpu.memory_space<hbm>>
      %dma_start3A_208 = tpu.memref_squeeze %dma_start3A_207 : memref<1x10x128xi32, #tpu.memory_space<hbm>> -> memref<10x128xi32, #tpu.memory_space<hbm>>
      tpu.enqueue_dma source(%dma_start3A_208 : memref<10x128xi32, #tpu.memory_space<hbm>>) target(%arg5 : memref<10x128xi32, #tpu.memory_space<vmem>>) target_semaphore(%run_scoped3A : memref<!tpu.dma_semaphore, #tpu.memory_space<semaphore_mem>>)
      %dma_wait3A_209 = arith.constant 0 : i32
      %dma_wait3A_210 = arith.constant 0 : i32
      %dma_wait3A_211 = tpu.memref_slice %arg3[%add3A, %dma_wait3A_209, %dma_wait3A_210] : memref<32x10x128xi32, #tpu.memory_space<hbm>> -> memref<1x10x128xi32, #tpu.memory_space<hbm>>
      %dma_wait3A_212 = tpu.memref_squeeze %dma_wait3A_211 : memref<1x10x128xi32, #tpu.memory_space<hbm>> -> memref<10x128xi32, #tpu.memory_space<hbm>>
      %dma_wait3A_213 = arith.constant 0 : i32
      %dma_wait3A_214 = arith.constant 0 : i32
      %dma_wait3A_215 = tpu.memref_slice %arg3[%add3A, %dma_wait3A_213, %dma_wait3A_214] : memref<32x10x128xi32, #tpu.memory_space<hbm>> -> memref<1x10x128xi32, #tpu.memory_space<hbm>>
      %dma_wait3A_216 = tpu.memref_squeeze %dma_wait3A_215 : memref<1x10x128xi32, #tpu.memory_space<hbm>> -> memref<10x128xi32, #tpu.memory_space<hbm>>
      tpu.wait_dma2 semaphore(%run_scoped3A : memref<!tpu.dma_semaphore, #tpu.memory_space<semaphore_mem>>) src(%dma_wait3A_216 : memref<10x128xi32, #tpu.memory_space<hbm>>) dst(%arg5 : memref<10x128xi32, #tpu.memory_space<vmem>>)
      tpu.yield
    }) : () -> ()
    %mul3A_1 = arith.constant 1280 : i32
    %mul3A_2 = arith.muli %add3A, %mul3A_1 : i32
    %dma_start3A = arith.constant 0 : i32
    %dma_start3A_3 = arith.constant 0 : i32
    %dma_start3A_4 = arith.constant 0 : i32
    %dma_start3A_5 = tpu.memref_slice %arg6[%dma_start3A_3, %dma_start3A_4] : memref<1280x64xf32, #tpu.memory_space<vmem>> -> memref<128x64xf32, #tpu.memory_space<vmem>>
    %dma_start3A_6 = arith.constant 0 : i32
    %dma_start3A_7 = tpu.memref_slice %arg5[%dma_start3A, %dma_start3A_6] : memref<10x128xi32, #tpu.memory_space<vmem>> -> memref<1x128xi32, #tpu.memory_space<vmem>>
    %dma_start3A_8 = tpu.memref_squeeze %dma_start3A_7 : memref<1x128xi32, #tpu.memory_space<vmem>> -> memref<128xi32, #tpu.memory_space<vmem>>
    %dma_start3A_9 = arith.constant 0 : i32
    %dma_start3A_10 = arith.constant 0 : i32
    %dma_start3A_11 = tpu.memref_slice %arg2[%dma_start3A_9, %dma_start3A_10] : memref<20480x64xf32, #tpu.memory_space<hbm>> -> memref<20480x64xf32, #tpu.memory_space<hbm>>
    tpu.enqueue_indirect_dma source(%dma_start3A_11 : memref<20480x64xf32, #tpu.memory_space<hbm>>) target(%dma_start3A_5 : memref<128x64xf32, #tpu.memory_space<vmem>>) offsets(%dma_start3A_8 : memref<128xi32, #tpu.memory_space<vmem>>) semaphore(%arg7 : memref<!tpu.dma_semaphore, #tpu.memory_space<semaphore_mem>>)
    %dma_start3A_12 = arith.constant 1 : i32
    %dma_start3A_13 = arith.constant 128 : i32
    %dma_start3A_14 = arith.constant 0 : i32
    %dma_start3A_15 = tpu.memref_slice %arg6[%dma_start3A_13, %dma_start3A_14] : memref<1280x64xf32, #tpu.memory_space<vmem>> -> memref<128x64xf32, #tpu.memory_space<vmem>>
    %dma_start3A_16 = arith.constant 0 : i32
    %dma_start3A_17 = tpu.memref_slice %arg5[%dma_start3A_12, %dma_start3A_16] : memref<10x128xi32, #tpu.memory_space<vmem>> -> memref<1x128xi32, #tpu.memory_space<vmem>>
    %dma_start3A_18 = tpu.memref_squeeze %dma_start3A_17 : memref<1x128xi32, #tpu.memory_space<vmem>> -> memref<128xi32, #tpu.memory_space<vmem>>
    %dma_start3A_19 = arith.constant 0 : i32
    %dma_start3A_20 = arith.constant 0 : i32
    %dma_start3A_21 = tpu.memref_slice %arg2[%dma_start3A_19, %dma_start3A_20] : memref<20480x64xf32, #tpu.memory_space<hbm>> -> memref<20480x64xf32, #tpu.memory_space<hbm>>
    tpu.enqueue_indirect_dma source(%dma_start3A_21 : memref<20480x64xf32, #tpu.memory_space<hbm>>) target(%dma_start3A_15 : memref<128x64xf32, #tpu.memory_space<vmem>>) offsets(%dma_start3A_18 : memref<128xi32, #tpu.memory_space<vmem>>) semaphore(%arg7 : memref<!tpu.dma_semaphore, #tpu.memory_space<semaphore_mem>>)
    %dma_start3A_22 = arith.constant 2 : i32
    %dma_start3A_23 = arith.constant 256 : i32
    %dma_start3A_24 = arith.constant 0 : i32
    %dma_start3A_25 = tpu.memref_slice %arg6[%dma_start3A_23, %dma_start3A_24] : memref<1280x64xf32, #tpu.memory_space<vmem>> -> memref<128x64xf32, #tpu.memory_space<vmem>>
    %dma_start3A_26 = arith.constant 0 : i32
    %dma_start3A_27 = tpu.memref_slice %arg5[%dma_start3A_22, %dma_start3A_26] : memref<10x128xi32, #tpu.memory_space<vmem>> -> memref<1x128xi32, #tpu.memory_space<vmem>>
    %dma_start3A_28 = tpu.memref_squeeze %dma_start3A_27 : memref<1x128xi32, #tpu.memory_space<vmem>> -> memref<128xi32, #tpu.memory_space<vmem>>
    %dma_start3A_29 = arith.constant 0 : i32
    %dma_start3A_30 = arith.constant 0 : i32
    %dma_start3A_31 = tpu.memref_slice %arg2[%dma_start3A_29, %dma_start3A_30] : memref<20480x64xf32, #tpu.memory_space<hbm>> -> memref<20480x64xf32, #tpu.memory_space<hbm>>
    tpu.enqueue_indirect_dma source(%dma_start3A_31 : memref<20480x64xf32, #tpu.memory_space<hbm>>) target(%dma_start3A_25 : memref<128x64xf32, #tpu.memory_space<vmem>>) offsets(%dma_start3A_28 : memref<128xi32, #tpu.memory_space<vmem>>) semaphore(%arg7 : memref<!tpu.dma_semaphore, #tpu.memory_space<semaphore_mem>>)
    %dma_start3A_32 = arith.constant 3 : i32
    %dma_start3A_33 = arith.constant 384 : i32
    %dma_start3A_34 = arith.constant 0 : i32
    %dma_start3A_35 = tpu.memref_slice %arg6[%dma_start3A_33, %dma_start3A_34] : memref<1280x64xf32, #tpu.memory_space<vmem>> -> memref<128x64xf32, #tpu.memory_space<vmem>>
    %dma_start3A_36 = arith.constant 0 : i32
    %dma_start3A_37 = tpu.memref_slice %arg5[%dma_start3A_32, %dma_start3A_36] : memref<10x128xi32, #tpu.memory_space<vmem>> -> memref<1x128xi32, #tpu.memory_space<vmem>>
    %dma_start3A_38 = tpu.memref_squeeze %dma_start3A_37 : memref<1x128xi32, #tpu.memory_space<vmem>> -> memref<128xi32, #tpu.memory_space<vmem>>
    %dma_start3A_39 = arith.constant 0 : i32
    %dma_start3A_40 = arith.constant 0 : i32
    %dma_start3A_41 = tpu.memref_slice %arg2[%dma_start3A_39, %dma_start3A_40] : memref<20480x64xf32, #tpu.memory_space<hbm>> -> memref<20480x64xf32, #tpu.memory_space<hbm>>
    tpu.enqueue_indirect_dma source(%dma_start3A_41 : memref<20480x64xf32, #tpu.memory_space<hbm>>) target(%dma_start3A_35 : memref<128x64xf32, #tpu.memory_space<vmem>>) offsets(%dma_start3A_38 : memref<128xi32, #tpu.memory_space<vmem>>) semaphore(%arg7 : memref<!tpu.dma_semaphore, #tpu.memory_space<semaphore_mem>>)
    %dma_start3A_42 = arith.constant 4 : i32
    %dma_start3A_43 = arith.constant 512 : i32
    %dma_start3A_44 = arith.constant 0 : i32
    %dma_start3A_45 = tpu.memref_slice %arg6[%dma_start3A_43, %dma_start3A_44] : memref<1280x64xf32, #tpu.memory_space<vmem>> -> memref<128x64xf32, #tpu.memory_space<vmem>>
    %dma_start3A_46 = arith.constant 0 : i32
    %dma_start3A_47 = tpu.memref_slice %arg5[%dma_start3A_42, %dma_start3A_46] : memref<10x128xi32, #tpu.memory_space<vmem>> -> memref<1x128xi32, #tpu.memory_space<vmem>>
    %dma_start3A_48 = tpu.memref_squeeze %dma_start3A_47 : memref<1x128xi32, #tpu.memory_space<vmem>> -> memref<128xi32, #tpu.memory_space<vmem>>
    %dma_start3A_49 = arith.constant 0 : i32
    %dma_start3A_50 = arith.constant 0 : i32
    %dma_start3A_51 = tpu.memref_slice %arg2[%dma_start3A_49, %dma_start3A_50] : memref<20480x64xf32, #tpu.memory_space<hbm>> -> memref<20480x64xf32, #tpu.memory_space<hbm>>
    tpu.enqueue_indirect_dma source(%dma_start3A_51 : memref<20480x64xf32, #tpu.memory_space<hbm>>) target(%dma_start3A_45 : memref<128x64xf32, #tpu.memory_space<vmem>>) offsets(%dma_start3A_48 : memref<128xi32, #tpu.memory_space<vmem>>) semaphore(%arg7 : memref<!tpu.dma_semaphore, #tpu.memory_space<semaphore_mem>>)
    %dma_start3A_52 = arith.constant 5 : i32
    %dma_start3A_53 = arith.constant 640 : i32
    %dma_start3A_54 = arith.constant 0 : i32
    %dma_start3A_55 = tpu.memref_slice %arg6[%dma_start3A_53, %dma_start3A_54] : memref<1280x64xf32, #tpu.memory_space<vmem>> -> memref<128x64xf32, #tpu.memory_space<vmem>>
    %dma_start3A_56 = arith.constant 0 : i32
    %dma_start3A_57 = tpu.memref_slice %arg5[%dma_start3A_52, %dma_start3A_56] : memref<10x128xi32, #tpu.memory_space<vmem>> -> memref<1x128xi32, #tpu.memory_space<vmem>>
    %dma_start3A_58 = tpu.memref_squeeze %dma_start3A_57 : memref<1x128xi32, #tpu.memory_space<vmem>> -> memref<128xi32, #tpu.memory_space<vmem>>
    %dma_start3A_59 = arith.constant 0 : i32
    %dma_start3A_60 = arith.constant 0 : i32
    %dma_start3A_61 = tpu.memref_slice %arg2[%dma_start3A_59, %dma_start3A_60] : memref<20480x64xf32, #tpu.memory_space<hbm>> -> memref<20480x64xf32, #tpu.memory_space<hbm>>
    tpu.enqueue_indirect_dma source(%dma_start3A_61 : memref<20480x64xf32, #tpu.memory_space<hbm>>) target(%dma_start3A_55 : memref<128x64xf32, #tpu.memory_space<vmem>>) offsets(%dma_start3A_58 : memref<128xi32, #tpu.memory_space<vmem>>) semaphore(%arg7 : memref<!tpu.dma_semaphore, #tpu.memory_space<semaphore_mem>>)
    %dma_start3A_62 = arith.constant 6 : i32
    %dma_start3A_63 = arith.constant 768 : i32
    %dma_start3A_64 = arith.constant 0 : i32
    %dma_start3A_65 = tpu.memref_slice %arg6[%dma_start3A_63, %dma_start3A_64] : memref<1280x64xf32, #tpu.memory_space<vmem>> -> memref<128x64xf32, #tpu.memory_space<vmem>>
    %dma_start3A_66 = arith.constant 0 : i32
    %dma_start3A_67 = tpu.memref_slice %arg5[%dma_start3A_62, %dma_start3A_66] : memref<10x128xi32, #tpu.memory_space<vmem>> -> memref<1x128xi32, #tpu.memory_space<vmem>>
    %dma_start3A_68 = tpu.memref_squeeze %dma_start3A_67 : memref<1x128xi32, #tpu.memory_space<vmem>> -> memref<128xi32, #tpu.memory_space<vmem>>
    %dma_start3A_69 = arith.constant 0 : i32
    %dma_start3A_70 = arith.constant 0 : i32
    %dma_start3A_71 = tpu.memref_slice %arg2[%dma_start3A_69, %dma_start3A_70] : memref<20480x64xf32, #tpu.memory_space<hbm>> -> memref<20480x64xf32, #tpu.memory_space<hbm>>
    tpu.enqueue_indirect_dma source(%dma_start3A_71 : memref<20480x64xf32, #tpu.memory_space<hbm>>) target(%dma_start3A_65 : memref<128x64xf32, #tpu.memory_space<vmem>>) offsets(%dma_start3A_68 : memref<128xi32, #tpu.memory_space<vmem>>) semaphore(%arg7 : memref<!tpu.dma_semaphore, #tpu.memory_space<semaphore_mem>>)
    %dma_start3A_72 = arith.constant 7 : i32
    %dma_start3A_73 = arith.constant 896 : i32
    %dma_start3A_74 = arith.constant 0 : i32
    %dma_start3A_75 = tpu.memref_slice %arg6[%dma_start3A_73, %dma_start3A_74] : memref<1280x64xf32, #tpu.memory_space<vmem>> -> memref<128x64xf32, #tpu.memory_space<vmem>>
    %dma_start3A_76 = arith.constant 0 : i32
    %dma_start3A_77 = tpu.memref_slice %arg5[%dma_start3A_72, %dma_start3A_76] : memref<10x128xi32, #tpu.memory_space<vmem>> -> memref<1x128xi32, #tpu.memory_space<vmem>>
    %dma_start3A_78 = tpu.memref_squeeze %dma_start3A_77 : memref<1x128xi32, #tpu.memory_space<vmem>> -> memref<128xi32, #tpu.memory_space<vmem>>
    %dma_start3A_79 = arith.constant 0 : i32
    %dma_start3A_80 = arith.constant 0 : i32
    %dma_start3A_81 = tpu.memref_slice %arg2[%dma_start3A_79, %dma_start3A_80] : memref<20480x64xf32, #tpu.memory_space<hbm>> -> memref<20480x64xf32, #tpu.memory_space<hbm>>
    tpu.enqueue_indirect_dma source(%dma_start3A_81 : memref<20480x64xf32, #tpu.memory_space<hbm>>) target(%dma_start3A_75 : memref<128x64xf32, #tpu.memory_space<vmem>>) offsets(%dma_start3A_78 : memref<128xi32, #tpu.memory_space<vmem>>) semaphore(%arg7 : memref<!tpu.dma_semaphore, #tpu.memory_space<semaphore_mem>>)
    %dma_start3A_82 = arith.constant 8 : i32
    %dma_start3A_83 = arith.constant 1024 : i32
    %dma_start3A_84 = arith.constant 0 : i32
    %dma_start3A_85 = tpu.memref_slice %arg6[%dma_start3A_83, %dma_start3A_84] : memref<1280x64xf32, #tpu.memory_space<vmem>> -> memref<128x64xf32, #tpu.memory_space<vmem>>
    %dma_start3A_86 = arith.constant 0 : i32
    %dma_start3A_87 = tpu.memref_slice %arg5[%dma_start3A_82, %dma_start3A_86] : memref<10x128xi32, #tpu.memory_space<vmem>> -> memref<1x128xi32, #tpu.memory_space<vmem>>
    %dma_start3A_88 = tpu.memref_squeeze %dma_start3A_87 : memref<1x128xi32, #tpu.memory_space<vmem>> -> memref<128xi32, #tpu.memory_space<vmem>>
    %dma_start3A_89 = arith.constant 0 : i32
    %dma_start3A_90 = arith.constant 0 : i32
    %dma_start3A_91 = tpu.memref_slice %arg2[%dma_start3A_89, %dma_start3A_90] : memref<20480x64xf32, #tpu.memory_space<hbm>> -> memref<20480x64xf32, #tpu.memory_space<hbm>>
    tpu.enqueue_indirect_dma source(%dma_start3A_91 : memref<20480x64xf32, #tpu.memory_space<hbm>>) target(%dma_start3A_85 : memref<128x64xf32, #tpu.memory_space<vmem>>) offsets(%dma_start3A_88 : memref<128xi32, #tpu.memory_space<vmem>>) semaphore(%arg7 : memref<!tpu.dma_semaphore, #tpu.memory_space<semaphore_mem>>)
    %dma_start3A_92 = arith.constant 9 : i32
    %dma_start3A_93 = arith.constant 1152 : i32
    %dma_start3A_94 = arith.constant 0 : i32
    %dma_start3A_95 = tpu.memref_slice %arg6[%dma_start3A_93, %dma_start3A_94] : memref<1280x64xf32, #tpu.memory_space<vmem>> -> memref<128x64xf32, #tpu.memory_space<vmem>>
    %dma_start3A_96 = arith.constant 0 : i32
    %dma_start3A_97 = tpu.memref_slice %arg5[%dma_start3A_92, %dma_start3A_96] : memref<10x128xi32, #tpu.memory_space<vmem>> -> memref<1x128xi32, #tpu.memory_space<vmem>>
    %dma_start3A_98 = tpu.memref_squeeze %dma_start3A_97 : memref<1x128xi32, #tpu.memory_space<vmem>> -> memref<128xi32, #tpu.memory_space<vmem>>
    %dma_start3A_99 = arith.constant 0 : i32
    %dma_start3A_100 = arith.constant 0 : i32
    %dma_start3A_101 = tpu.memref_slice %arg2[%dma_start3A_99, %dma_start3A_100] : memref<20480x64xf32, #tpu.memory_space<hbm>> -> memref<20480x64xf32, #tpu.memory_space<hbm>>
    tpu.enqueue_indirect_dma source(%dma_start3A_101 : memref<20480x64xf32, #tpu.memory_space<hbm>>) target(%dma_start3A_95 : memref<128x64xf32, #tpu.memory_space<vmem>>) offsets(%dma_start3A_98 : memref<128xi32, #tpu.memory_space<vmem>>) semaphore(%arg7 : memref<!tpu.dma_semaphore, #tpu.memory_space<semaphore_mem>>)
    %dma_wait3A = arith.constant 0 : i32
    %dma_wait3A_102 = arith.constant 0 : i32
    %dma_wait3A_103 = arith.constant 0 : i32
    %dma_wait3A_104 = tpu.memref_slice %arg6[%dma_wait3A_102, %dma_wait3A_103] : memref<1280x64xf32, #tpu.memory_space<vmem>> -> memref<128x64xf32, #tpu.memory_space<vmem>>
    %dma_wait3A_105 = arith.constant 0 : i32
    %dma_wait3A_106 = tpu.memref_slice %arg5[%dma_wait3A, %dma_wait3A_105] : memref<10x128xi32, #tpu.memory_space<vmem>> -> memref<1x128xi32, #tpu.memory_space<vmem>>
    %dma_wait3A_107 = tpu.memref_squeeze %dma_wait3A_106 : memref<1x128xi32, #tpu.memory_space<vmem>> -> memref<128xi32, #tpu.memory_space<vmem>>
    %dma_wait3A_108 = arith.constant 0 : i32
    %dma_wait3A_109 = arith.constant 0 : i32
    %dma_wait3A_110 = tpu.memref_slice %arg2[%dma_wait3A_108, %dma_wait3A_109] : memref<20480x64xf32, #tpu.memory_space<hbm>> -> memref<20480x64xf32, #tpu.memory_space<hbm>>
    tpu.wait_indirect_dma semaphore(%arg7 : memref<!tpu.dma_semaphore, #tpu.memory_space<semaphore_mem>>) src(%dma_wait3A_110 : memref<20480x64xf32, #tpu.memory_space<hbm>>) dst(%dma_wait3A_104 : memref<128x64xf32, #tpu.memory_space<vmem>>)
    %dma_wait3A_111 = arith.constant 1 : i32
    %dma_wait3A_112 = arith.constant 128 : i32
    %dma_wait3A_113 = arith.constant 0 : i32
    %dma_wait3A_114 = tpu.memref_slice %arg6[%dma_wait3A_112, %dma_wait3A_113] : memref<1280x64xf32, #tpu.memory_space<vmem>> -> memref<128x64xf32, #tpu.memory_space<vmem>>
    %dma_wait3A_115 = arith.constant 0 : i32
    %dma_wait3A_116 = tpu.memref_slice %arg5[%dma_wait3A_111, %dma_wait3A_115] : memref<10x128xi32, #tpu.memory_space<vmem>> -> memref<1x128xi32, #tpu.memory_space<vmem>>
    %dma_wait3A_117 = tpu.memref_squeeze %dma_wait3A_116 : memref<1x128xi32, #tpu.memory_space<vmem>> -> memref<128xi32, #tpu.memory_space<vmem>>
    %dma_wait3A_118 = arith.constant 0 : i32
    %dma_wait3A_119 = arith.constant 0 : i32
    %dma_wait3A_120 = tpu.memref_slice %arg2[%dma_wait3A_118, %dma_wait3A_119] : memref<20480x64xf32, #tpu.memory_space<hbm>> -> memref<20480x64xf32, #tpu.memory_space<hbm>>
    tpu.wait_indirect_dma semaphore(%arg7 : memref<!tpu.dma_semaphore, #tpu.memory_space<semaphore_mem>>) src(%dma_wait3A_120 : memref<20480x64xf32, #tpu.memory_space<hbm>>) dst(%dma_wait3A_114 : memref<128x64xf32, #tpu.memory_space<vmem>>)
    %dma_wait3A_121 = arith.constant 2 : i32
    %dma_wait3A_122 = arith.constant 256 : i32
    %dma_wait3A_123 = arith.constant 0 : i32
    %dma_wait3A_124 = tpu.memref_slice %arg6[%dma_wait3A_122, %dma_wait3A_123] : memref<1280x64xf32, #tpu.memory_space<vmem>> -> memref<128x64xf32, #tpu.memory_space<vmem>>
    %dma_wait3A_125 = arith.constant 0 : i32
    %dma_wait3A_126 = tpu.memref_slice %arg5[%dma_wait3A_121, %dma_wait3A_125] : memref<10x128xi32, #tpu.memory_space<vmem>> -> memref<1x128xi32, #tpu.memory_space<vmem>>
    %dma_wait3A_127 = tpu.memref_squeeze %dma_wait3A_126 : memref<1x128xi32, #tpu.memory_space<vmem>> -> memref<128xi32, #tpu.memory_space<vmem>>
    %dma_wait3A_128 = arith.constant 0 : i32
    %dma_wait3A_129 = arith.constant 0 : i32
    %dma_wait3A_130 = tpu.memref_slice %arg2[%dma_wait3A_128, %dma_wait3A_129] : memref<20480x64xf32, #tpu.memory_space<hbm>> -> memref<20480x64xf32, #tpu.memory_space<hbm>>
    tpu.wait_indirect_dma semaphore(%arg7 : memref<!tpu.dma_semaphore, #tpu.memory_space<semaphore_mem>>) src(%dma_wait3A_130 : memref<20480x64xf32, #tpu.memory_space<hbm>>) dst(%dma_wait3A_124 : memref<128x64xf32, #tpu.memory_space<vmem>>)
    %dma_wait3A_131 = arith.constant 3 : i32
    %dma_wait3A_132 = arith.constant 384 : i32
    %dma_wait3A_133 = arith.constant 0 : i32
    %dma_wait3A_134 = tpu.memref_slice %arg6[%dma_wait3A_132, %dma_wait3A_133] : memref<1280x64xf32, #tpu.memory_space<vmem>> -> memref<128x64xf32, #tpu.memory_space<vmem>>
    %dma_wait3A_135 = arith.constant 0 : i32
    %dma_wait3A_136 = tpu.memref_slice %arg5[%dma_wait3A_131, %dma_wait3A_135] : memref<10x128xi32, #tpu.memory_space<vmem>> -> memref<1x128xi32, #tpu.memory_space<vmem>>
    %dma_wait3A_137 = tpu.memref_squeeze %dma_wait3A_136 : memref<1x128xi32, #tpu.memory_space<vmem>> -> memref<128xi32, #tpu.memory_space<vmem>>
    %dma_wait3A_138 = arith.constant 0 : i32
    %dma_wait3A_139 = arith.constant 0 : i32
    %dma_wait3A_140 = tpu.memref_slice %arg2[%dma_wait3A_138, %dma_wait3A_139] : memref<20480x64xf32, #tpu.memory_space<hbm>> -> memref<20480x64xf32, #tpu.memory_space<hbm>>
    tpu.wait_indirect_dma semaphore(%arg7 : memref<!tpu.dma_semaphore, #tpu.memory_space<semaphore_mem>>) src(%dma_wait3A_140 : memref<20480x64xf32, #tpu.memory_space<hbm>>) dst(%dma_wait3A_134 : memref<128x64xf32, #tpu.memory_space<vmem>>)
    %dma_wait3A_141 = arith.constant 4 : i32
    %dma_wait3A_142 = arith.constant 512 : i32
    %dma_wait3A_143 = arith.constant 0 : i32
    %dma_wait3A_144 = tpu.memref_slice %arg6[%dma_wait3A_142, %dma_wait3A_143] : memref<1280x64xf32, #tpu.memory_space<vmem>> -> memref<128x64xf32, #tpu.memory_space<vmem>>
    %dma_wait3A_145 = arith.constant 0 : i32
    %dma_wait3A_146 = tpu.memref_slice %arg5[%dma_wait3A_141, %dma_wait3A_145] : memref<10x128xi32, #tpu.memory_space<vmem>> -> memref<1x128xi32, #tpu.memory_space<vmem>>
    %dma_wait3A_147 = tpu.memref_squeeze %dma_wait3A_146 : memref<1x128xi32, #tpu.memory_space<vmem>> -> memref<128xi32, #tpu.memory_space<vmem>>
    %dma_wait3A_148 = arith.constant 0 : i32
    %dma_wait3A_149 = arith.constant 0 : i32
    %dma_wait3A_150 = tpu.memref_slice %arg2[%dma_wait3A_148, %dma_wait3A_149] : memref<20480x64xf32, #tpu.memory_space<hbm>> -> memref<20480x64xf32, #tpu.memory_space<hbm>>
    tpu.wait_indirect_dma semaphore(%arg7 : memref<!tpu.dma_semaphore, #tpu.memory_space<semaphore_mem>>) src(%dma_wait3A_150 : memref<20480x64xf32, #tpu.memory_space<hbm>>) dst(%dma_wait3A_144 : memref<128x64xf32, #tpu.memory_space<vmem>>)
    %dma_wait3A_151 = arith.constant 5 : i32
    %dma_wait3A_152 = arith.constant 640 : i32
    %dma_wait3A_153 = arith.constant 0 : i32
    %dma_wait3A_154 = tpu.memref_slice %arg6[%dma_wait3A_152, %dma_wait3A_153] : memref<1280x64xf32, #tpu.memory_space<vmem>> -> memref<128x64xf32, #tpu.memory_space<vmem>>
    %dma_wait3A_155 = arith.constant 0 : i32
    %dma_wait3A_156 = tpu.memref_slice %arg5[%dma_wait3A_151, %dma_wait3A_155] : memref<10x128xi32, #tpu.memory_space<vmem>> -> memref<1x128xi32, #tpu.memory_space<vmem>>
    %dma_wait3A_157 = tpu.memref_squeeze %dma_wait3A_156 : memref<1x128xi32, #tpu.memory_space<vmem>> -> memref<128xi32, #tpu.memory_space<vmem>>
    %dma_wait3A_158 = arith.constant 0 : i32
    %dma_wait3A_159 = arith.constant 0 : i32
    %dma_wait3A_160 = tpu.memref_slice %arg2[%dma_wait3A_158, %dma_wait3A_159] : memref<20480x64xf32, #tpu.memory_space<hbm>> -> memref<20480x64xf32, #tpu.memory_space<hbm>>
    tpu.wait_indirect_dma semaphore(%arg7 : memref<!tpu.dma_semaphore, #tpu.memory_space<semaphore_mem>>) src(%dma_wait3A_160 : memref<20480x64xf32, #tpu.memory_space<hbm>>) dst(%dma_wait3A_154 : memref<128x64xf32, #tpu.memory_space<vmem>>)
    %dma_wait3A_161 = arith.constant 6 : i32
    %dma_wait3A_162 = arith.constant 768 : i32
    %dma_wait3A_163 = arith.constant 0 : i32
    %dma_wait3A_164 = tpu.memref_slice %arg6[%dma_wait3A_162, %dma_wait3A_163] : memref<1280x64xf32, #tpu.memory_space<vmem>> -> memref<128x64xf32, #tpu.memory_space<vmem>>
    %dma_wait3A_165 = arith.constant 0 : i32
    %dma_wait3A_166 = tpu.memref_slice %arg5[%dma_wait3A_161, %dma_wait3A_165] : memref<10x128xi32, #tpu.memory_space<vmem>> -> memref<1x128xi32, #tpu.memory_space<vmem>>
    %dma_wait3A_167 = tpu.memref_squeeze %dma_wait3A_166 : memref<1x128xi32, #tpu.memory_space<vmem>> -> memref<128xi32, #tpu.memory_space<vmem>>
    %dma_wait3A_168 = arith.constant 0 : i32
    %dma_wait3A_169 = arith.constant 0 : i32
    %dma_wait3A_170 = tpu.memref_slice %arg2[%dma_wait3A_168, %dma_wait3A_169] : memref<20480x64xf32, #tpu.memory_space<hbm>> -> memref<20480x64xf32, #tpu.memory_space<hbm>>
    tpu.wait_indirect_dma semaphore(%arg7 : memref<!tpu.dma_semaphore, #tpu.memory_space<semaphore_mem>>) src(%dma_wait3A_170 : memref<20480x64xf32, #tpu.memory_space<hbm>>) dst(%dma_wait3A_164 : memref<128x64xf32, #tpu.memory_space<vmem>>)
    %dma_wait3A_171 = arith.constant 7 : i32
    %dma_wait3A_172 = arith.constant 896 : i32
    %dma_wait3A_173 = arith.constant 0 : i32
    %dma_wait3A_174 = tpu.memref_slice %arg6[%dma_wait3A_172, %dma_wait3A_173] : memref<1280x64xf32, #tpu.memory_space<vmem>> -> memref<128x64xf32, #tpu.memory_space<vmem>>
    %dma_wait3A_175 = arith.constant 0 : i32
    %dma_wait3A_176 = tpu.memref_slice %arg5[%dma_wait3A_171, %dma_wait3A_175] : memref<10x128xi32, #tpu.memory_space<vmem>> -> memref<1x128xi32, #tpu.memory_space<vmem>>
    %dma_wait3A_177 = tpu.memref_squeeze %dma_wait3A_176 : memref<1x128xi32, #tpu.memory_space<vmem>> -> memref<128xi32, #tpu.memory_space<vmem>>
    %dma_wait3A_178 = arith.constant 0 : i32
    %dma_wait3A_179 = arith.constant 0 : i32
    %dma_wait3A_180 = tpu.memref_slice %arg2[%dma_wait3A_178, %dma_wait3A_179] : memref<20480x64xf32, #tpu.memory_space<hbm>> -> memref<20480x64xf32, #tpu.memory_space<hbm>>
    tpu.wait_indirect_dma semaphore(%arg7 : memref<!tpu.dma_semaphore, #tpu.memory_space<semaphore_mem>>) src(%dma_wait3A_180 : memref<20480x64xf32, #tpu.memory_space<hbm>>) dst(%dma_wait3A_174 : memref<128x64xf32, #tpu.memory_space<vmem>>)
    %dma_wait3A_181 = arith.constant 8 : i32
    %dma_wait3A_182 = arith.constant 1024 : i32
    %dma_wait3A_183 = arith.constant 0 : i32
    %dma_wait3A_184 = tpu.memref_slice %arg6[%dma_wait3A_182, %dma_wait3A_183] : memref<1280x64xf32, #tpu.memory_space<vmem>> -> memref<128x64xf32, #tpu.memory_space<vmem>>
    %dma_wait3A_185 = arith.constant 0 : i32
    %dma_wait3A_186 = tpu.memref_slice %arg5[%dma_wait3A_181, %dma_wait3A_185] : memref<10x128xi32, #tpu.memory_space<vmem>> -> memref<1x128xi32, #tpu.memory_space<vmem>>
    %dma_wait3A_187 = tpu.memref_squeeze %dma_wait3A_186 : memref<1x128xi32, #tpu.memory_space<vmem>> -> memref<128xi32, #tpu.memory_space<vmem>>
    %dma_wait3A_188 = arith.constant 0 : i32
    %dma_wait3A_189 = arith.constant 0 : i32
    %dma_wait3A_190 = tpu.memref_slice %arg2[%dma_wait3A_188, %dma_wait3A_189] : memref<20480x64xf32, #tpu.memory_space<hbm>> -> memref<20480x64xf32, #tpu.memory_space<hbm>>
    tpu.wait_indirect_dma semaphore(%arg7 : memref<!tpu.dma_semaphore, #tpu.memory_space<semaphore_mem>>) src(%dma_wait3A_190 : memref<20480x64xf32, #tpu.memory_space<hbm>>) dst(%dma_wait3A_184 : memref<128x64xf32, #tpu.memory_space<vmem>>)
    %dma_wait3A_191 = arith.constant 9 : i32
    %dma_wait3A_192 = arith.constant 1152 : i32
    %dma_wait3A_193 = arith.constant 0 : i32
    %dma_wait3A_194 = tpu.memref_slice %arg6[%dma_wait3A_192, %dma_wait3A_193] : memref<1280x64xf32, #tpu.memory_space<vmem>> -> memref<128x64xf32, #tpu.memory_space<vmem>>
    %dma_wait3A_195 = arith.constant 0 : i32
    %dma_wait3A_196 = tpu.memref_slice %arg5[%dma_wait3A_191, %dma_wait3A_195] : memref<10x128xi32, #tpu.memory_space<vmem>> -> memref<1x128xi32, #tpu.memory_space<vmem>>
    %dma_wait3A_197 = tpu.memref_squeeze %dma_wait3A_196 : memref<1x128xi32, #tpu.memory_space<vmem>> -> memref<128xi32, #tpu.memory_space<vmem>>
    %dma_wait3A_198 = arith.constant 0 : i32
    %dma_wait3A_199 = arith.constant 0 : i32
    %dma_wait3A_200 = tpu.memref_slice %arg2[%dma_wait3A_198, %dma_wait3A_199] : memref<20480x64xf32, #tpu.memory_space<hbm>> -> memref<20480x64xf32, #tpu.memory_space<hbm>>
    tpu.wait_indirect_dma semaphore(%arg7 : memref<!tpu.dma_semaphore, #tpu.memory_space<semaphore_mem>>) src(%dma_wait3A_200 : memref<20480x64xf32, #tpu.memory_space<hbm>>) dst(%dma_wait3A_194 : memref<128x64xf32, #tpu.memory_space<vmem>>)
    "tpu.region"() ({
      %run_scoped3A = tpu.sem_alloc : memref<!tpu.dma_semaphore, #tpu.memory_space<semaphore_mem>>
      %dma_start3A_201 = arith.constant 0 : i32
      %dma_start3A_202 = tpu.memref_slice %arg4[%mul3A_2, %dma_start3A_201] : memref<40960x64xf32, #tpu.memory_space<hbm>> -> memref<1280x64xf32, #tpu.memory_space<hbm>>
      %dma_start3A_203 = arith.constant 0 : i32
      %dma_start3A_204 = tpu.memref_slice %arg4[%mul3A_2, %dma_start3A_203] : memref<40960x64xf32, #tpu.memory_space<hbm>> -> memref<1280x64xf32, #tpu.memory_space<hbm>>
      tpu.enqueue_dma source(%arg6 : memref<1280x64xf32, #tpu.memory_space<vmem>>) target(%dma_start3A_204 : memref<1280x64xf32, #tpu.memory_space<hbm>>) target_semaphore(%run_scoped3A : memref<!tpu.dma_semaphore, #tpu.memory_space<semaphore_mem>>)
      %dma_wait3A_205 = arith.constant 0 : i32
      %dma_wait3A_206 = tpu.memref_slice %arg4[%mul3A_2, %dma_wait3A_205] : memref<40960x64xf32, #tpu.memory_space<hbm>> -> memref<1280x64xf32, #tpu.memory_space<hbm>>
      %dma_wait3A_207 = arith.constant 0 : i32
      %dma_wait3A_208 = tpu.memref_slice %arg4[%mul3A_2, %dma_wait3A_207] : memref<40960x64xf32, #tpu.memory_space<hbm>> -> memref<1280x64xf32, #tpu.memory_space<hbm>>
      tpu.wait_dma2 semaphore(%run_scoped3A : memref<!tpu.dma_semaphore, #tpu.memory_space<semaphore_mem>>) src(%arg6 : memref<1280x64xf32, #tpu.memory_space<vmem>>) dst(%dma_wait3A_208 : memref<1280x64xf32, #tpu.memory_space<hbm>>)
      tpu.yield
    }) : () -> ()
    return
  }
}

#map = affine_map<(d0, d1) -> (0, 0)>
#map1 = affine_map<(d0, d1) -> (0, 0, 0, 0)>
#map2 = affine_map<(d0, d1) -> (0, 0, 0)>
module attributes {stable_mosaic.version = 14 : i64} {
  func.func @k(%arg0: i32, %arg1: i32, %arg2: memref<40960x64xf32, #tpu.memory_space<hbm>>, %arg3: memref<2x16x10x128xi32, #tpu.memory_space<hbm>>, %arg4: memref<10368x64xf32, #tpu.memory_space<hbm>>, %arg5: memref<2x10240x64xf32, #tpu.memory_space<hbm>>, %arg6: memref<10x128xi32, #tpu.memory_space<vmem>>, %arg7: memref<1280x64xf32, #tpu.memory_space<vmem>>, %arg8: memref<10368x64xf32, #tpu.memory_space<vmem_shared>>) attributes {dimension_semantics = [#tpu.dimension_semantics<core_parallel>, #tpu.dimension_semantics<subcore_parallel>], iteration_bounds = array<i64: 2, 16>, scalar_prefetch = 0 : i64, scratch_operands = 3 : i64, tpu.core_type = #tpu.core_type<sc_vector_subcore>, window_params = [{transform_indices = #map}, {transform_indices = #map1}, {transform_indices = #map}, {transform_indices = #map2}]} {
    %mul3A = arith.constant 648 : i32
    %mul3A_0 = arith.muli %arg1, %mul3A : i32
    %mul3A_1 = arith.constant 648 : i32
    %mul3A_2 = arith.muli %arg1, %mul3A_1 : i32
    "tpu.region"() ({
      %run_scoped3A_21 = tpu.sem_alloc : memref<!tpu.dma_semaphore, #tpu.memory_space<semaphore_mem>>
      %dma_start3A = arith.constant 0 : i32
      %dma_start3A_22 = tpu.memref_slice %arg8[%mul3A_2, %dma_start3A] : memref<10368x64xf32, #tpu.memory_space<vmem_shared>> -> memref<648x64xf32, #tpu.memory_space<vmem_shared>>
      %dma_start3A_23 = arith.constant 0 : i32
      %dma_start3A_24 = tpu.memref_slice %arg4[%mul3A_0, %dma_start3A_23] : memref<10368x64xf32, #tpu.memory_space<hbm>> -> memref<648x64xf32, #tpu.memory_space<hbm>>
      tpu.enqueue_dma source(%dma_start3A_24 : memref<648x64xf32, #tpu.memory_space<hbm>>) target(%dma_start3A_22 : memref<648x64xf32, #tpu.memory_space<vmem_shared>>) target_semaphore(%run_scoped3A_21 : memref<!tpu.dma_semaphore, #tpu.memory_space<semaphore_mem>>)
      %dma_wait3A = arith.constant 0 : i32
      %dma_wait3A_25 = tpu.memref_slice %arg8[%mul3A_2, %dma_wait3A] : memref<10368x64xf32, #tpu.memory_space<vmem_shared>> -> memref<648x64xf32, #tpu.memory_space<vmem_shared>>
      %dma_wait3A_26 = arith.constant 0 : i32
      %dma_wait3A_27 = tpu.memref_slice %arg4[%mul3A_0, %dma_wait3A_26] : memref<10368x64xf32, #tpu.memory_space<hbm>> -> memref<648x64xf32, #tpu.memory_space<hbm>>
      tpu.wait_dma2 semaphore(%run_scoped3A_21 : memref<!tpu.dma_semaphore, #tpu.memory_space<semaphore_mem>>) src(%dma_wait3A_27 : memref<648x64xf32, #tpu.memory_space<hbm>>) dst(%dma_wait3A_25 : memref<648x64xf32, #tpu.memory_space<vmem_shared>>)
      tpu.yield
    }) : () -> ()
    "tpu.region"() ({
      %run_scoped3A_21 = tpu.sem_alloc : memref<!tpu.dma_semaphore, #tpu.memory_space<semaphore_mem>>
      %dma_start3A = arith.constant 0 : i32
      %dma_start3A_22 = arith.constant 0 : i32
      %dma_start3A_23 = tpu.memref_slice %arg3[%arg0, %arg1, %dma_start3A, %dma_start3A_22] : memref<2x16x10x128xi32, #tpu.memory_space<hbm>> -> memref<1x1x10x128xi32, #tpu.memory_space<hbm>>
      %dma_start3A_24 = tpu.memref_squeeze %dma_start3A_23 : memref<1x1x10x128xi32, #tpu.memory_space<hbm>> -> memref<10x128xi32, #tpu.memory_space<hbm>>
      %dma_start3A_25 = arith.constant 0 : i32
      %dma_start3A_26 = arith.constant 0 : i32
      %dma_start3A_27 = tpu.memref_slice %arg3[%arg0, %arg1, %dma_start3A_25, %dma_start3A_26] : memref<2x16x10x128xi32, #tpu.memory_space<hbm>> -> memref<1x1x10x128xi32, #tpu.memory_space<hbm>>
      %dma_start3A_28 = tpu.memref_squeeze %dma_start3A_27 : memref<1x1x10x128xi32, #tpu.memory_space<hbm>> -> memref<10x128xi32, #tpu.memory_space<hbm>>
      tpu.enqueue_dma source(%dma_start3A_28 : memref<10x128xi32, #tpu.memory_space<hbm>>) target(%arg6 : memref<10x128xi32, #tpu.memory_space<vmem>>) target_semaphore(%run_scoped3A_21 : memref<!tpu.dma_semaphore, #tpu.memory_space<semaphore_mem>>)
      %dma_wait3A = arith.constant 0 : i32
      %dma_wait3A_29 = arith.constant 0 : i32
      %dma_wait3A_30 = tpu.memref_slice %arg3[%arg0, %arg1, %dma_wait3A, %dma_wait3A_29] : memref<2x16x10x128xi32, #tpu.memory_space<hbm>> -> memref<1x1x10x128xi32, #tpu.memory_space<hbm>>
      %dma_wait3A_31 = tpu.memref_squeeze %dma_wait3A_30 : memref<1x1x10x128xi32, #tpu.memory_space<hbm>> -> memref<10x128xi32, #tpu.memory_space<hbm>>
      %dma_wait3A_32 = arith.constant 0 : i32
      %dma_wait3A_33 = arith.constant 0 : i32
      %dma_wait3A_34 = tpu.memref_slice %arg3[%arg0, %arg1, %dma_wait3A_32, %dma_wait3A_33] : memref<2x16x10x128xi32, #tpu.memory_space<hbm>> -> memref<1x1x10x128xi32, #tpu.memory_space<hbm>>
      %dma_wait3A_35 = tpu.memref_squeeze %dma_wait3A_34 : memref<1x1x10x128xi32, #tpu.memory_space<hbm>> -> memref<10x128xi32, #tpu.memory_space<hbm>>
      tpu.wait_dma2 semaphore(%run_scoped3A_21 : memref<!tpu.dma_semaphore, #tpu.memory_space<semaphore_mem>>) src(%dma_wait3A_35 : memref<10x128xi32, #tpu.memory_space<hbm>>) dst(%arg6 : memref<10x128xi32, #tpu.memory_space<vmem>>)
      tpu.yield
    }) : () -> ()
    %mul3A_3 = arith.constant 20480 : i32
    %mul3A_4 = arith.muli %arg0, %mul3A_3 : i32
    %mul3A_5 = arith.constant 1280 : i32
    %mul3A_6 = arith.muli %arg1, %mul3A_5 : i32
    %add3A = arith.addi %mul3A_4, %mul3A_6 : i32
    "tpu.region"() ({
      %run_scoped3A_21 = tpu.sem_alloc : memref<!tpu.dma_semaphore, #tpu.memory_space<semaphore_mem>>
      %dma_start3A = arith.constant 0 : i32
      %dma_start3A_22 = tpu.memref_slice %arg2[%add3A, %dma_start3A] : memref<40960x64xf32, #tpu.memory_space<hbm>> -> memref<1280x64xf32, #tpu.memory_space<hbm>>
      %dma_start3A_23 = arith.constant 0 : i32
      %dma_start3A_24 = tpu.memref_slice %arg2[%add3A, %dma_start3A_23] : memref<40960x64xf32, #tpu.memory_space<hbm>> -> memref<1280x64xf32, #tpu.memory_space<hbm>>
      tpu.enqueue_dma source(%dma_start3A_24 : memref<1280x64xf32, #tpu.memory_space<hbm>>) target(%arg7 : memref<1280x64xf32, #tpu.memory_space<vmem>>) target_semaphore(%run_scoped3A_21 : memref<!tpu.dma_semaphore, #tpu.memory_space<semaphore_mem>>)
      %dma_wait3A = arith.constant 0 : i32
      %dma_wait3A_25 = tpu.memref_slice %arg2[%add3A, %dma_wait3A] : memref<40960x64xf32, #tpu.memory_space<hbm>> -> memref<1280x64xf32, #tpu.memory_space<hbm>>
      %dma_wait3A_26 = arith.constant 0 : i32
      %dma_wait3A_27 = tpu.memref_slice %arg2[%add3A, %dma_wait3A_26] : memref<40960x64xf32, #tpu.memory_space<hbm>> -> memref<1280x64xf32, #tpu.memory_space<hbm>>
      tpu.wait_dma2 semaphore(%run_scoped3A_21 : memref<!tpu.dma_semaphore, #tpu.memory_space<semaphore_mem>>) src(%dma_wait3A_27 : memref<1280x64xf32, #tpu.memory_space<hbm>>) dst(%arg7 : memref<1280x64xf32, #tpu.memory_space<vmem>>)
      tpu.yield
    }) : () -> ()
    %barrier3A = arith.constant 0 : index
    tpu.barrier barrier_id(%barrier3A)
    %run_scoped3A = arith.constant 0 : i32
    "tpu.region"() ({
      %run_scoped3A_21 = tpu.sem_alloc : memref<!tpu.dma_semaphore, #tpu.memory_space<semaphore_mem>>
      %dma_start3A = arith.constant 0 : i32
      %dma_start3A_22 = arith.constant 0 : i32
      %dma_start3A_23 = tpu.memref_slice %arg7[%dma_start3A, %dma_start3A_22] : memref<1280x64xf32, #tpu.memory_space<vmem>> -> memref<128x64xf32, #tpu.memory_space<vmem>>
      %dma_start3A_24 = arith.constant 0 : i32
      %dma_start3A_25 = tpu.memref_slice %arg6[%run_scoped3A, %dma_start3A_24] : memref<10x128xi32, #tpu.memory_space<vmem>> -> memref<1x128xi32, #tpu.memory_space<vmem>>
      %dma_start3A_26 = tpu.memref_squeeze %dma_start3A_25 : memref<1x128xi32, #tpu.memory_space<vmem>> -> memref<128xi32, #tpu.memory_space<vmem>>
      %dma_start3A_27 = arith.constant 0 : i32
      %dma_start3A_28 = arith.constant 0 : i32
      %dma_start3A_29 = tpu.memref_slice %arg8[%dma_start3A_27, %dma_start3A_28] : memref<10368x64xf32, #tpu.memory_space<vmem_shared>> -> memref<10368x64xf32, #tpu.memory_space<vmem_shared>>
      tpu.enqueue_indirect_dma source(%dma_start3A_23 : memref<128x64xf32, #tpu.memory_space<vmem>>) target(%dma_start3A_29 : memref<10368x64xf32, #tpu.memory_space<vmem_shared>>) offsets(%dma_start3A_26 : memref<128xi32, #tpu.memory_space<vmem>>) semaphore(%run_scoped3A_21 : memref<!tpu.dma_semaphore, #tpu.memory_space<semaphore_mem>>) {add = true}
      %dma_wait3A = arith.constant 0 : i32
      %dma_wait3A_30 = arith.constant 0 : i32
      %dma_wait3A_31 = tpu.memref_slice %arg7[%dma_wait3A, %dma_wait3A_30] : memref<1280x64xf32, #tpu.memory_space<vmem>> -> memref<128x64xf32, #tpu.memory_space<vmem>>
      %dma_wait3A_32 = arith.constant 0 : i32
      %dma_wait3A_33 = tpu.memref_slice %arg6[%run_scoped3A, %dma_wait3A_32] : memref<10x128xi32, #tpu.memory_space<vmem>> -> memref<1x128xi32, #tpu.memory_space<vmem>>
      %dma_wait3A_34 = tpu.memref_squeeze %dma_wait3A_33 : memref<1x128xi32, #tpu.memory_space<vmem>> -> memref<128xi32, #tpu.memory_space<vmem>>
      %dma_wait3A_35 = arith.constant 0 : i32
      %dma_wait3A_36 = arith.constant 0 : i32
      %dma_wait3A_37 = tpu.memref_slice %arg8[%dma_wait3A_35, %dma_wait3A_36] : memref<10368x64xf32, #tpu.memory_space<vmem_shared>> -> memref<10368x64xf32, #tpu.memory_space<vmem_shared>>
      tpu.wait_indirect_dma semaphore(%run_scoped3A_21 : memref<!tpu.dma_semaphore, #tpu.memory_space<semaphore_mem>>) src(%dma_wait3A_31 : memref<128x64xf32, #tpu.memory_space<vmem>>) dst(%dma_wait3A_37 : memref<10368x64xf32, #tpu.memory_space<vmem_shared>>)
      tpu.yield
    }) : () -> ()
    %run_scoped3A_7 = arith.constant 1 : i32
    "tpu.region"() ({
      %run_scoped3A_21 = tpu.sem_alloc : memref<!tpu.dma_semaphore, #tpu.memory_space<semaphore_mem>>
      %dma_start3A = arith.constant 128 : i32
      %dma_start3A_22 = arith.constant 0 : i32
      %dma_start3A_23 = tpu.memref_slice %arg7[%dma_start3A, %dma_start3A_22] : memref<1280x64xf32, #tpu.memory_space<vmem>> -> memref<128x64xf32, #tpu.memory_space<vmem>>
      %dma_start3A_24 = arith.constant 0 : i32
      %dma_start3A_25 = tpu.memref_slice %arg6[%run_scoped3A_7, %dma_start3A_24] : memref<10x128xi32, #tpu.memory_space<vmem>> -> memref<1x128xi32, #tpu.memory_space<vmem>>
      %dma_start3A_26 = tpu.memref_squeeze %dma_start3A_25 : memref<1x128xi32, #tpu.memory_space<vmem>> -> memref<128xi32, #tpu.memory_space<vmem>>
      %dma_start3A_27 = arith.constant 0 : i32
      %dma_start3A_28 = arith.constant 0 : i32
      %dma_start3A_29 = tpu.memref_slice %arg8[%dma_start3A_27, %dma_start3A_28] : memref<10368x64xf32, #tpu.memory_space<vmem_shared>> -> memref<10368x64xf32, #tpu.memory_space<vmem_shared>>
      tpu.enqueue_indirect_dma source(%dma_start3A_23 : memref<128x64xf32, #tpu.memory_space<vmem>>) target(%dma_start3A_29 : memref<10368x64xf32, #tpu.memory_space<vmem_shared>>) offsets(%dma_start3A_26 : memref<128xi32, #tpu.memory_space<vmem>>) semaphore(%run_scoped3A_21 : memref<!tpu.dma_semaphore, #tpu.memory_space<semaphore_mem>>) {add = true}
      %dma_wait3A = arith.constant 128 : i32
      %dma_wait3A_30 = arith.constant 0 : i32
      %dma_wait3A_31 = tpu.memref_slice %arg7[%dma_wait3A, %dma_wait3A_30] : memref<1280x64xf32, #tpu.memory_space<vmem>> -> memref<128x64xf32, #tpu.memory_space<vmem>>
      %dma_wait3A_32 = arith.constant 0 : i32
      %dma_wait3A_33 = tpu.memref_slice %arg6[%run_scoped3A_7, %dma_wait3A_32] : memref<10x128xi32, #tpu.memory_space<vmem>> -> memref<1x128xi32, #tpu.memory_space<vmem>>
      %dma_wait3A_34 = tpu.memref_squeeze %dma_wait3A_33 : memref<1x128xi32, #tpu.memory_space<vmem>> -> memref<128xi32, #tpu.memory_space<vmem>>
      %dma_wait3A_35 = arith.constant 0 : i32
      %dma_wait3A_36 = arith.constant 0 : i32
      %dma_wait3A_37 = tpu.memref_slice %arg8[%dma_wait3A_35, %dma_wait3A_36] : memref<10368x64xf32, #tpu.memory_space<vmem_shared>> -> memref<10368x64xf32, #tpu.memory_space<vmem_shared>>
      tpu.wait_indirect_dma semaphore(%run_scoped3A_21 : memref<!tpu.dma_semaphore, #tpu.memory_space<semaphore_mem>>) src(%dma_wait3A_31 : memref<128x64xf32, #tpu.memory_space<vmem>>) dst(%dma_wait3A_37 : memref<10368x64xf32, #tpu.memory_space<vmem_shared>>)
      tpu.yield
    }) : () -> ()
    %run_scoped3A_8 = arith.constant 2 : i32
    "tpu.region"() ({
      %run_scoped3A_21 = tpu.sem_alloc : memref<!tpu.dma_semaphore, #tpu.memory_space<semaphore_mem>>
      %dma_start3A = arith.constant 256 : i32
      %dma_start3A_22 = arith.constant 0 : i32
      %dma_start3A_23 = tpu.memref_slice %arg7[%dma_start3A, %dma_start3A_22] : memref<1280x64xf32, #tpu.memory_space<vmem>> -> memref<128x64xf32, #tpu.memory_space<vmem>>
      %dma_start3A_24 = arith.constant 0 : i32
      %dma_start3A_25 = tpu.memref_slice %arg6[%run_scoped3A_8, %dma_start3A_24] : memref<10x128xi32, #tpu.memory_space<vmem>> -> memref<1x128xi32, #tpu.memory_space<vmem>>
      %dma_start3A_26 = tpu.memref_squeeze %dma_start3A_25 : memref<1x128xi32, #tpu.memory_space<vmem>> -> memref<128xi32, #tpu.memory_space<vmem>>
      %dma_start3A_27 = arith.constant 0 : i32
      %dma_start3A_28 = arith.constant 0 : i32
      %dma_start3A_29 = tpu.memref_slice %arg8[%dma_start3A_27, %dma_start3A_28] : memref<10368x64xf32, #tpu.memory_space<vmem_shared>> -> memref<10368x64xf32, #tpu.memory_space<vmem_shared>>
      tpu.enqueue_indirect_dma source(%dma_start3A_23 : memref<128x64xf32, #tpu.memory_space<vmem>>) target(%dma_start3A_29 : memref<10368x64xf32, #tpu.memory_space<vmem_shared>>) offsets(%dma_start3A_26 : memref<128xi32, #tpu.memory_space<vmem>>) semaphore(%run_scoped3A_21 : memref<!tpu.dma_semaphore, #tpu.memory_space<semaphore_mem>>) {add = true}
      %dma_wait3A = arith.constant 256 : i32
      %dma_wait3A_30 = arith.constant 0 : i32
      %dma_wait3A_31 = tpu.memref_slice %arg7[%dma_wait3A, %dma_wait3A_30] : memref<1280x64xf32, #tpu.memory_space<vmem>> -> memref<128x64xf32, #tpu.memory_space<vmem>>
      %dma_wait3A_32 = arith.constant 0 : i32
      %dma_wait3A_33 = tpu.memref_slice %arg6[%run_scoped3A_8, %dma_wait3A_32] : memref<10x128xi32, #tpu.memory_space<vmem>> -> memref<1x128xi32, #tpu.memory_space<vmem>>
      %dma_wait3A_34 = tpu.memref_squeeze %dma_wait3A_33 : memref<1x128xi32, #tpu.memory_space<vmem>> -> memref<128xi32, #tpu.memory_space<vmem>>
      %dma_wait3A_35 = arith.constant 0 : i32
      %dma_wait3A_36 = arith.constant 0 : i32
      %dma_wait3A_37 = tpu.memref_slice %arg8[%dma_wait3A_35, %dma_wait3A_36] : memref<10368x64xf32, #tpu.memory_space<vmem_shared>> -> memref<10368x64xf32, #tpu.memory_space<vmem_shared>>
      tpu.wait_indirect_dma semaphore(%run_scoped3A_21 : memref<!tpu.dma_semaphore, #tpu.memory_space<semaphore_mem>>) src(%dma_wait3A_31 : memref<128x64xf32, #tpu.memory_space<vmem>>) dst(%dma_wait3A_37 : memref<10368x64xf32, #tpu.memory_space<vmem_shared>>)
      tpu.yield
    }) : () -> ()
    %run_scoped3A_9 = arith.constant 3 : i32
    "tpu.region"() ({
      %run_scoped3A_21 = tpu.sem_alloc : memref<!tpu.dma_semaphore, #tpu.memory_space<semaphore_mem>>
      %dma_start3A = arith.constant 384 : i32
      %dma_start3A_22 = arith.constant 0 : i32
      %dma_start3A_23 = tpu.memref_slice %arg7[%dma_start3A, %dma_start3A_22] : memref<1280x64xf32, #tpu.memory_space<vmem>> -> memref<128x64xf32, #tpu.memory_space<vmem>>
      %dma_start3A_24 = arith.constant 0 : i32
      %dma_start3A_25 = tpu.memref_slice %arg6[%run_scoped3A_9, %dma_start3A_24] : memref<10x128xi32, #tpu.memory_space<vmem>> -> memref<1x128xi32, #tpu.memory_space<vmem>>
      %dma_start3A_26 = tpu.memref_squeeze %dma_start3A_25 : memref<1x128xi32, #tpu.memory_space<vmem>> -> memref<128xi32, #tpu.memory_space<vmem>>
      %dma_start3A_27 = arith.constant 0 : i32
      %dma_start3A_28 = arith.constant 0 : i32
      %dma_start3A_29 = tpu.memref_slice %arg8[%dma_start3A_27, %dma_start3A_28] : memref<10368x64xf32, #tpu.memory_space<vmem_shared>> -> memref<10368x64xf32, #tpu.memory_space<vmem_shared>>
      tpu.enqueue_indirect_dma source(%dma_start3A_23 : memref<128x64xf32, #tpu.memory_space<vmem>>) target(%dma_start3A_29 : memref<10368x64xf32, #tpu.memory_space<vmem_shared>>) offsets(%dma_start3A_26 : memref<128xi32, #tpu.memory_space<vmem>>) semaphore(%run_scoped3A_21 : memref<!tpu.dma_semaphore, #tpu.memory_space<semaphore_mem>>) {add = true}
      %dma_wait3A = arith.constant 384 : i32
      %dma_wait3A_30 = arith.constant 0 : i32
      %dma_wait3A_31 = tpu.memref_slice %arg7[%dma_wait3A, %dma_wait3A_30] : memref<1280x64xf32, #tpu.memory_space<vmem>> -> memref<128x64xf32, #tpu.memory_space<vmem>>
      %dma_wait3A_32 = arith.constant 0 : i32
      %dma_wait3A_33 = tpu.memref_slice %arg6[%run_scoped3A_9, %dma_wait3A_32] : memref<10x128xi32, #tpu.memory_space<vmem>> -> memref<1x128xi32, #tpu.memory_space<vmem>>
      %dma_wait3A_34 = tpu.memref_squeeze %dma_wait3A_33 : memref<1x128xi32, #tpu.memory_space<vmem>> -> memref<128xi32, #tpu.memory_space<vmem>>
      %dma_wait3A_35 = arith.constant 0 : i32
      %dma_wait3A_36 = arith.constant 0 : i32
      %dma_wait3A_37 = tpu.memref_slice %arg8[%dma_wait3A_35, %dma_wait3A_36] : memref<10368x64xf32, #tpu.memory_space<vmem_shared>> -> memref<10368x64xf32, #tpu.memory_space<vmem_shared>>
      tpu.wait_indirect_dma semaphore(%run_scoped3A_21 : memref<!tpu.dma_semaphore, #tpu.memory_space<semaphore_mem>>) src(%dma_wait3A_31 : memref<128x64xf32, #tpu.memory_space<vmem>>) dst(%dma_wait3A_37 : memref<10368x64xf32, #tpu.memory_space<vmem_shared>>)
      tpu.yield
    }) : () -> ()
    %run_scoped3A_10 = arith.constant 4 : i32
    "tpu.region"() ({
      %run_scoped3A_21 = tpu.sem_alloc : memref<!tpu.dma_semaphore, #tpu.memory_space<semaphore_mem>>
      %dma_start3A = arith.constant 512 : i32
      %dma_start3A_22 = arith.constant 0 : i32
      %dma_start3A_23 = tpu.memref_slice %arg7[%dma_start3A, %dma_start3A_22] : memref<1280x64xf32, #tpu.memory_space<vmem>> -> memref<128x64xf32, #tpu.memory_space<vmem>>
      %dma_start3A_24 = arith.constant 0 : i32
      %dma_start3A_25 = tpu.memref_slice %arg6[%run_scoped3A_10, %dma_start3A_24] : memref<10x128xi32, #tpu.memory_space<vmem>> -> memref<1x128xi32, #tpu.memory_space<vmem>>
      %dma_start3A_26 = tpu.memref_squeeze %dma_start3A_25 : memref<1x128xi32, #tpu.memory_space<vmem>> -> memref<128xi32, #tpu.memory_space<vmem>>
      %dma_start3A_27 = arith.constant 0 : i32
      %dma_start3A_28 = arith.constant 0 : i32
      %dma_start3A_29 = tpu.memref_slice %arg8[%dma_start3A_27, %dma_start3A_28] : memref<10368x64xf32, #tpu.memory_space<vmem_shared>> -> memref<10368x64xf32, #tpu.memory_space<vmem_shared>>
      tpu.enqueue_indirect_dma source(%dma_start3A_23 : memref<128x64xf32, #tpu.memory_space<vmem>>) target(%dma_start3A_29 : memref<10368x64xf32, #tpu.memory_space<vmem_shared>>) offsets(%dma_start3A_26 : memref<128xi32, #tpu.memory_space<vmem>>) semaphore(%run_scoped3A_21 : memref<!tpu.dma_semaphore, #tpu.memory_space<semaphore_mem>>) {add = true}
      %dma_wait3A = arith.constant 512 : i32
      %dma_wait3A_30 = arith.constant 0 : i32
      %dma_wait3A_31 = tpu.memref_slice %arg7[%dma_wait3A, %dma_wait3A_30] : memref<1280x64xf32, #tpu.memory_space<vmem>> -> memref<128x64xf32, #tpu.memory_space<vmem>>
      %dma_wait3A_32 = arith.constant 0 : i32
      %dma_wait3A_33 = tpu.memref_slice %arg6[%run_scoped3A_10, %dma_wait3A_32] : memref<10x128xi32, #tpu.memory_space<vmem>> -> memref<1x128xi32, #tpu.memory_space<vmem>>
      %dma_wait3A_34 = tpu.memref_squeeze %dma_wait3A_33 : memref<1x128xi32, #tpu.memory_space<vmem>> -> memref<128xi32, #tpu.memory_space<vmem>>
      %dma_wait3A_35 = arith.constant 0 : i32
      %dma_wait3A_36 = arith.constant 0 : i32
      %dma_wait3A_37 = tpu.memref_slice %arg8[%dma_wait3A_35, %dma_wait3A_36] : memref<10368x64xf32, #tpu.memory_space<vmem_shared>> -> memref<10368x64xf32, #tpu.memory_space<vmem_shared>>
      tpu.wait_indirect_dma semaphore(%run_scoped3A_21 : memref<!tpu.dma_semaphore, #tpu.memory_space<semaphore_mem>>) src(%dma_wait3A_31 : memref<128x64xf32, #tpu.memory_space<vmem>>) dst(%dma_wait3A_37 : memref<10368x64xf32, #tpu.memory_space<vmem_shared>>)
      tpu.yield
    }) : () -> ()
    %run_scoped3A_11 = arith.constant 5 : i32
    "tpu.region"() ({
      %run_scoped3A_21 = tpu.sem_alloc : memref<!tpu.dma_semaphore, #tpu.memory_space<semaphore_mem>>
      %dma_start3A = arith.constant 640 : i32
      %dma_start3A_22 = arith.constant 0 : i32
      %dma_start3A_23 = tpu.memref_slice %arg7[%dma_start3A, %dma_start3A_22] : memref<1280x64xf32, #tpu.memory_space<vmem>> -> memref<128x64xf32, #tpu.memory_space<vmem>>
      %dma_start3A_24 = arith.constant 0 : i32
      %dma_start3A_25 = tpu.memref_slice %arg6[%run_scoped3A_11, %dma_start3A_24] : memref<10x128xi32, #tpu.memory_space<vmem>> -> memref<1x128xi32, #tpu.memory_space<vmem>>
      %dma_start3A_26 = tpu.memref_squeeze %dma_start3A_25 : memref<1x128xi32, #tpu.memory_space<vmem>> -> memref<128xi32, #tpu.memory_space<vmem>>
      %dma_start3A_27 = arith.constant 0 : i32
      %dma_start3A_28 = arith.constant 0 : i32
      %dma_start3A_29 = tpu.memref_slice %arg8[%dma_start3A_27, %dma_start3A_28] : memref<10368x64xf32, #tpu.memory_space<vmem_shared>> -> memref<10368x64xf32, #tpu.memory_space<vmem_shared>>
      tpu.enqueue_indirect_dma source(%dma_start3A_23 : memref<128x64xf32, #tpu.memory_space<vmem>>) target(%dma_start3A_29 : memref<10368x64xf32, #tpu.memory_space<vmem_shared>>) offsets(%dma_start3A_26 : memref<128xi32, #tpu.memory_space<vmem>>) semaphore(%run_scoped3A_21 : memref<!tpu.dma_semaphore, #tpu.memory_space<semaphore_mem>>) {add = true}
      %dma_wait3A = arith.constant 640 : i32
      %dma_wait3A_30 = arith.constant 0 : i32
      %dma_wait3A_31 = tpu.memref_slice %arg7[%dma_wait3A, %dma_wait3A_30] : memref<1280x64xf32, #tpu.memory_space<vmem>> -> memref<128x64xf32, #tpu.memory_space<vmem>>
      %dma_wait3A_32 = arith.constant 0 : i32
      %dma_wait3A_33 = tpu.memref_slice %arg6[%run_scoped3A_11, %dma_wait3A_32] : memref<10x128xi32, #tpu.memory_space<vmem>> -> memref<1x128xi32, #tpu.memory_space<vmem>>
      %dma_wait3A_34 = tpu.memref_squeeze %dma_wait3A_33 : memref<1x128xi32, #tpu.memory_space<vmem>> -> memref<128xi32, #tpu.memory_space<vmem>>
      %dma_wait3A_35 = arith.constant 0 : i32
      %dma_wait3A_36 = arith.constant 0 : i32
      %dma_wait3A_37 = tpu.memref_slice %arg8[%dma_wait3A_35, %dma_wait3A_36] : memref<10368x64xf32, #tpu.memory_space<vmem_shared>> -> memref<10368x64xf32, #tpu.memory_space<vmem_shared>>
      tpu.wait_indirect_dma semaphore(%run_scoped3A_21 : memref<!tpu.dma_semaphore, #tpu.memory_space<semaphore_mem>>) src(%dma_wait3A_31 : memref<128x64xf32, #tpu.memory_space<vmem>>) dst(%dma_wait3A_37 : memref<10368x64xf32, #tpu.memory_space<vmem_shared>>)
      tpu.yield
    }) : () -> ()
    %run_scoped3A_12 = arith.constant 6 : i32
    "tpu.region"() ({
      %run_scoped3A_21 = tpu.sem_alloc : memref<!tpu.dma_semaphore, #tpu.memory_space<semaphore_mem>>
      %dma_start3A = arith.constant 768 : i32
      %dma_start3A_22 = arith.constant 0 : i32
      %dma_start3A_23 = tpu.memref_slice %arg7[%dma_start3A, %dma_start3A_22] : memref<1280x64xf32, #tpu.memory_space<vmem>> -> memref<128x64xf32, #tpu.memory_space<vmem>>
      %dma_start3A_24 = arith.constant 0 : i32
      %dma_start3A_25 = tpu.memref_slice %arg6[%run_scoped3A_12, %dma_start3A_24] : memref<10x128xi32, #tpu.memory_space<vmem>> -> memref<1x128xi32, #tpu.memory_space<vmem>>
      %dma_start3A_26 = tpu.memref_squeeze %dma_start3A_25 : memref<1x128xi32, #tpu.memory_space<vmem>> -> memref<128xi32, #tpu.memory_space<vmem>>
      %dma_start3A_27 = arith.constant 0 : i32
      %dma_start3A_28 = arith.constant 0 : i32
      %dma_start3A_29 = tpu.memref_slice %arg8[%dma_start3A_27, %dma_start3A_28] : memref<10368x64xf32, #tpu.memory_space<vmem_shared>> -> memref<10368x64xf32, #tpu.memory_space<vmem_shared>>
      tpu.enqueue_indirect_dma source(%dma_start3A_23 : memref<128x64xf32, #tpu.memory_space<vmem>>) target(%dma_start3A_29 : memref<10368x64xf32, #tpu.memory_space<vmem_shared>>) offsets(%dma_start3A_26 : memref<128xi32, #tpu.memory_space<vmem>>) semaphore(%run_scoped3A_21 : memref<!tpu.dma_semaphore, #tpu.memory_space<semaphore_mem>>) {add = true}
      %dma_wait3A = arith.constant 768 : i32
      %dma_wait3A_30 = arith.constant 0 : i32
      %dma_wait3A_31 = tpu.memref_slice %arg7[%dma_wait3A, %dma_wait3A_30] : memref<1280x64xf32, #tpu.memory_space<vmem>> -> memref<128x64xf32, #tpu.memory_space<vmem>>
      %dma_wait3A_32 = arith.constant 0 : i32
      %dma_wait3A_33 = tpu.memref_slice %arg6[%run_scoped3A_12, %dma_wait3A_32] : memref<10x128xi32, #tpu.memory_space<vmem>> -> memref<1x128xi32, #tpu.memory_space<vmem>>
      %dma_wait3A_34 = tpu.memref_squeeze %dma_wait3A_33 : memref<1x128xi32, #tpu.memory_space<vmem>> -> memref<128xi32, #tpu.memory_space<vmem>>
      %dma_wait3A_35 = arith.constant 0 : i32
      %dma_wait3A_36 = arith.constant 0 : i32
      %dma_wait3A_37 = tpu.memref_slice %arg8[%dma_wait3A_35, %dma_wait3A_36] : memref<10368x64xf32, #tpu.memory_space<vmem_shared>> -> memref<10368x64xf32, #tpu.memory_space<vmem_shared>>
      tpu.wait_indirect_dma semaphore(%run_scoped3A_21 : memref<!tpu.dma_semaphore, #tpu.memory_space<semaphore_mem>>) src(%dma_wait3A_31 : memref<128x64xf32, #tpu.memory_space<vmem>>) dst(%dma_wait3A_37 : memref<10368x64xf32, #tpu.memory_space<vmem_shared>>)
      tpu.yield
    }) : () -> ()
    %run_scoped3A_13 = arith.constant 7 : i32
    "tpu.region"() ({
      %run_scoped3A_21 = tpu.sem_alloc : memref<!tpu.dma_semaphore, #tpu.memory_space<semaphore_mem>>
      %dma_start3A = arith.constant 896 : i32
      %dma_start3A_22 = arith.constant 0 : i32
      %dma_start3A_23 = tpu.memref_slice %arg7[%dma_start3A, %dma_start3A_22] : memref<1280x64xf32, #tpu.memory_space<vmem>> -> memref<128x64xf32, #tpu.memory_space<vmem>>
      %dma_start3A_24 = arith.constant 0 : i32
      %dma_start3A_25 = tpu.memref_slice %arg6[%run_scoped3A_13, %dma_start3A_24] : memref<10x128xi32, #tpu.memory_space<vmem>> -> memref<1x128xi32, #tpu.memory_space<vmem>>
      %dma_start3A_26 = tpu.memref_squeeze %dma_start3A_25 : memref<1x128xi32, #tpu.memory_space<vmem>> -> memref<128xi32, #tpu.memory_space<vmem>>
      %dma_start3A_27 = arith.constant 0 : i32
      %dma_start3A_28 = arith.constant 0 : i32
      %dma_start3A_29 = tpu.memref_slice %arg8[%dma_start3A_27, %dma_start3A_28] : memref<10368x64xf32, #tpu.memory_space<vmem_shared>> -> memref<10368x64xf32, #tpu.memory_space<vmem_shared>>
      tpu.enqueue_indirect_dma source(%dma_start3A_23 : memref<128x64xf32, #tpu.memory_space<vmem>>) target(%dma_start3A_29 : memref<10368x64xf32, #tpu.memory_space<vmem_shared>>) offsets(%dma_start3A_26 : memref<128xi32, #tpu.memory_space<vmem>>) semaphore(%run_scoped3A_21 : memref<!tpu.dma_semaphore, #tpu.memory_space<semaphore_mem>>) {add = true}
      %dma_wait3A = arith.constant 896 : i32
      %dma_wait3A_30 = arith.constant 0 : i32
      %dma_wait3A_31 = tpu.memref_slice %arg7[%dma_wait3A, %dma_wait3A_30] : memref<1280x64xf32, #tpu.memory_space<vmem>> -> memref<128x64xf32, #tpu.memory_space<vmem>>
      %dma_wait3A_32 = arith.constant 0 : i32
      %dma_wait3A_33 = tpu.memref_slice %arg6[%run_scoped3A_13, %dma_wait3A_32] : memref<10x128xi32, #tpu.memory_space<vmem>> -> memref<1x128xi32, #tpu.memory_space<vmem>>
      %dma_wait3A_34 = tpu.memref_squeeze %dma_wait3A_33 : memref<1x128xi32, #tpu.memory_space<vmem>> -> memref<128xi32, #tpu.memory_space<vmem>>
      %dma_wait3A_35 = arith.constant 0 : i32
      %dma_wait3A_36 = arith.constant 0 : i32
      %dma_wait3A_37 = tpu.memref_slice %arg8[%dma_wait3A_35, %dma_wait3A_36] : memref<10368x64xf32, #tpu.memory_space<vmem_shared>> -> memref<10368x64xf32, #tpu.memory_space<vmem_shared>>
      tpu.wait_indirect_dma semaphore(%run_scoped3A_21 : memref<!tpu.dma_semaphore, #tpu.memory_space<semaphore_mem>>) src(%dma_wait3A_31 : memref<128x64xf32, #tpu.memory_space<vmem>>) dst(%dma_wait3A_37 : memref<10368x64xf32, #tpu.memory_space<vmem_shared>>)
      tpu.yield
    }) : () -> ()
    %run_scoped3A_14 = arith.constant 8 : i32
    "tpu.region"() ({
      %run_scoped3A_21 = tpu.sem_alloc : memref<!tpu.dma_semaphore, #tpu.memory_space<semaphore_mem>>
      %dma_start3A = arith.constant 1024 : i32
      %dma_start3A_22 = arith.constant 0 : i32
      %dma_start3A_23 = tpu.memref_slice %arg7[%dma_start3A, %dma_start3A_22] : memref<1280x64xf32, #tpu.memory_space<vmem>> -> memref<128x64xf32, #tpu.memory_space<vmem>>
      %dma_start3A_24 = arith.constant 0 : i32
      %dma_start3A_25 = tpu.memref_slice %arg6[%run_scoped3A_14, %dma_start3A_24] : memref<10x128xi32, #tpu.memory_space<vmem>> -> memref<1x128xi32, #tpu.memory_space<vmem>>
      %dma_start3A_26 = tpu.memref_squeeze %dma_start3A_25 : memref<1x128xi32, #tpu.memory_space<vmem>> -> memref<128xi32, #tpu.memory_space<vmem>>
      %dma_start3A_27 = arith.constant 0 : i32
      %dma_start3A_28 = arith.constant 0 : i32
      %dma_start3A_29 = tpu.memref_slice %arg8[%dma_start3A_27, %dma_start3A_28] : memref<10368x64xf32, #tpu.memory_space<vmem_shared>> -> memref<10368x64xf32, #tpu.memory_space<vmem_shared>>
      tpu.enqueue_indirect_dma source(%dma_start3A_23 : memref<128x64xf32, #tpu.memory_space<vmem>>) target(%dma_start3A_29 : memref<10368x64xf32, #tpu.memory_space<vmem_shared>>) offsets(%dma_start3A_26 : memref<128xi32, #tpu.memory_space<vmem>>) semaphore(%run_scoped3A_21 : memref<!tpu.dma_semaphore, #tpu.memory_space<semaphore_mem>>) {add = true}
      %dma_wait3A = arith.constant 1024 : i32
      %dma_wait3A_30 = arith.constant 0 : i32
      %dma_wait3A_31 = tpu.memref_slice %arg7[%dma_wait3A, %dma_wait3A_30] : memref<1280x64xf32, #tpu.memory_space<vmem>> -> memref<128x64xf32, #tpu.memory_space<vmem>>
      %dma_wait3A_32 = arith.constant 0 : i32
      %dma_wait3A_33 = tpu.memref_slice %arg6[%run_scoped3A_14, %dma_wait3A_32] : memref<10x128xi32, #tpu.memory_space<vmem>> -> memref<1x128xi32, #tpu.memory_space<vmem>>
      %dma_wait3A_34 = tpu.memref_squeeze %dma_wait3A_33 : memref<1x128xi32, #tpu.memory_space<vmem>> -> memref<128xi32, #tpu.memory_space<vmem>>
      %dma_wait3A_35 = arith.constant 0 : i32
      %dma_wait3A_36 = arith.constant 0 : i32
      %dma_wait3A_37 = tpu.memref_slice %arg8[%dma_wait3A_35, %dma_wait3A_36] : memref<10368x64xf32, #tpu.memory_space<vmem_shared>> -> memref<10368x64xf32, #tpu.memory_space<vmem_shared>>
      tpu.wait_indirect_dma semaphore(%run_scoped3A_21 : memref<!tpu.dma_semaphore, #tpu.memory_space<semaphore_mem>>) src(%dma_wait3A_31 : memref<128x64xf32, #tpu.memory_space<vmem>>) dst(%dma_wait3A_37 : memref<10368x64xf32, #tpu.memory_space<vmem_shared>>)
      tpu.yield
    }) : () -> ()
    %run_scoped3A_15 = arith.constant 9 : i32
    "tpu.region"() ({
      %run_scoped3A_21 = tpu.sem_alloc : memref<!tpu.dma_semaphore, #tpu.memory_space<semaphore_mem>>
      %dma_start3A = arith.constant 1152 : i32
      %dma_start3A_22 = arith.constant 0 : i32
      %dma_start3A_23 = tpu.memref_slice %arg7[%dma_start3A, %dma_start3A_22] : memref<1280x64xf32, #tpu.memory_space<vmem>> -> memref<128x64xf32, #tpu.memory_space<vmem>>
      %dma_start3A_24 = arith.constant 0 : i32
      %dma_start3A_25 = tpu.memref_slice %arg6[%run_scoped3A_15, %dma_start3A_24] : memref<10x128xi32, #tpu.memory_space<vmem>> -> memref<1x128xi32, #tpu.memory_space<vmem>>
      %dma_start3A_26 = tpu.memref_squeeze %dma_start3A_25 : memref<1x128xi32, #tpu.memory_space<vmem>> -> memref<128xi32, #tpu.memory_space<vmem>>
      %dma_start3A_27 = arith.constant 0 : i32
      %dma_start3A_28 = arith.constant 0 : i32
      %dma_start3A_29 = tpu.memref_slice %arg8[%dma_start3A_27, %dma_start3A_28] : memref<10368x64xf32, #tpu.memory_space<vmem_shared>> -> memref<10368x64xf32, #tpu.memory_space<vmem_shared>>
      tpu.enqueue_indirect_dma source(%dma_start3A_23 : memref<128x64xf32, #tpu.memory_space<vmem>>) target(%dma_start3A_29 : memref<10368x64xf32, #tpu.memory_space<vmem_shared>>) offsets(%dma_start3A_26 : memref<128xi32, #tpu.memory_space<vmem>>) semaphore(%run_scoped3A_21 : memref<!tpu.dma_semaphore, #tpu.memory_space<semaphore_mem>>) {add = true}
      %dma_wait3A = arith.constant 1152 : i32
      %dma_wait3A_30 = arith.constant 0 : i32
      %dma_wait3A_31 = tpu.memref_slice %arg7[%dma_wait3A, %dma_wait3A_30] : memref<1280x64xf32, #tpu.memory_space<vmem>> -> memref<128x64xf32, #tpu.memory_space<vmem>>
      %dma_wait3A_32 = arith.constant 0 : i32
      %dma_wait3A_33 = tpu.memref_slice %arg6[%run_scoped3A_15, %dma_wait3A_32] : memref<10x128xi32, #tpu.memory_space<vmem>> -> memref<1x128xi32, #tpu.memory_space<vmem>>
      %dma_wait3A_34 = tpu.memref_squeeze %dma_wait3A_33 : memref<1x128xi32, #tpu.memory_space<vmem>> -> memref<128xi32, #tpu.memory_space<vmem>>
      %dma_wait3A_35 = arith.constant 0 : i32
      %dma_wait3A_36 = arith.constant 0 : i32
      %dma_wait3A_37 = tpu.memref_slice %arg8[%dma_wait3A_35, %dma_wait3A_36] : memref<10368x64xf32, #tpu.memory_space<vmem_shared>> -> memref<10368x64xf32, #tpu.memory_space<vmem_shared>>
      tpu.wait_indirect_dma semaphore(%run_scoped3A_21 : memref<!tpu.dma_semaphore, #tpu.memory_space<semaphore_mem>>) src(%dma_wait3A_31 : memref<128x64xf32, #tpu.memory_space<vmem>>) dst(%dma_wait3A_37 : memref<10368x64xf32, #tpu.memory_space<vmem_shared>>)
      tpu.yield
    }) : () -> ()
    %barrier3A_16 = arith.constant 0 : index
    tpu.barrier barrier_id(%barrier3A_16)
    %mul3A_17 = arith.constant 640 : i32
    %mul3A_18 = arith.muli %arg1, %mul3A_17 : i32
    %mul3A_19 = arith.constant 640 : i32
    %mul3A_20 = arith.muli %arg1, %mul3A_19 : i32
    "tpu.region"() ({
      %run_scoped3A_21 = tpu.sem_alloc : memref<!tpu.dma_semaphore, #tpu.memory_space<semaphore_mem>>
      %dma_start3A = arith.constant 0 : i32
      %dma_start3A_22 = tpu.memref_slice %arg5[%arg0, %mul3A_20, %dma_start3A] : memref<2x10240x64xf32, #tpu.memory_space<hbm>> -> memref<1x640x64xf32, #tpu.memory_space<hbm>>
      %dma_start3A_23 = tpu.memref_squeeze %dma_start3A_22 : memref<1x640x64xf32, #tpu.memory_space<hbm>> -> memref<640x64xf32, #tpu.memory_space<hbm>>
      %dma_start3A_24 = arith.constant 0 : i32
      %dma_start3A_25 = tpu.memref_slice %arg8[%mul3A_18, %dma_start3A_24] : memref<10368x64xf32, #tpu.memory_space<vmem_shared>> -> memref<640x64xf32, #tpu.memory_space<vmem_shared>>
      tpu.enqueue_dma source(%dma_start3A_25 : memref<640x64xf32, #tpu.memory_space<vmem_shared>>) target(%dma_start3A_23 : memref<640x64xf32, #tpu.memory_space<hbm>>) target_semaphore(%run_scoped3A_21 : memref<!tpu.dma_semaphore, #tpu.memory_space<semaphore_mem>>)
      %dma_wait3A = arith.constant 0 : i32
      %dma_wait3A_26 = tpu.memref_slice %arg5[%arg0, %mul3A_20, %dma_wait3A] : memref<2x10240x64xf32, #tpu.memory_space<hbm>> -> memref<1x640x64xf32, #tpu.memory_space<hbm>>
      %dma_wait3A_27 = tpu.memref_squeeze %dma_wait3A_26 : memref<1x640x64xf32, #tpu.memory_space<hbm>> -> memref<640x64xf32, #tpu.memory_space<hbm>>
      %dma_wait3A_28 = arith.constant 0 : i32
      %dma_wait3A_29 = tpu.memref_slice %arg8[%mul3A_18, %dma_wait3A_28] : memref<10368x64xf32, #tpu.memory_space<vmem_shared>> -> memref<640x64xf32, #tpu.memory_space<vmem_shared>>
      tpu.wait_dma2 semaphore(%run_scoped3A_21 : memref<!tpu.dma_semaphore, #tpu.memory_space<semaphore_mem>>) src(%dma_wait3A_29 : memref<640x64xf32, #tpu.memory_space<vmem_shared>>) dst(%dma_wait3A_27 : memref<640x64xf32, #tpu.memory_space<hbm>>)
      tpu.yield
    }) : () -> ()
    return
  }
}

#map = affine_map<(d0, d1) -> (0, 0)>
#map1 = affine_map<(d0, d1) -> (0, 0, 0)>
module attributes {stable_mosaic.version = 14 : i64} {
  func.func @k(%arg0: i32, %arg1: i32, %arg2: memref<20480x64xf32, #tpu.memory_space<hbm>>, %arg3: memref<32x10x128xi32, #tpu.memory_space<hbm>>, %arg4: memref<40960x64xf32, #tpu.memory_space<hbm>>, %arg5: memref<10x128xi32, #tpu.memory_space<vmem>>, %arg6: memref<1280x64xf32, #tpu.memory_space<vmem>>, %arg7: memref<!tpu.dma_semaphore, #tpu.memory_space<semaphore_mem>>) attributes {dimension_semantics = [#tpu.dimension_semantics<core_parallel>, #tpu.dimension_semantics<subcore_parallel>], iteration_bounds = array<i64: 2, 16>, scalar_prefetch = 0 : i64, scratch_operands = 3 : i64, tpu.core_type = #tpu.core_type<sc_vector_subcore>, window_params = [{transform_indices = #map}, {transform_indices = #map1}, {transform_indices = #map}]} {
    %mul3A = arith.constant 2 : i32
    %mul3A_0 = arith.muli %arg1, %mul3A : i32
    %add3A = arith.addi %mul3A_0, %arg0 : i32
    "tpu.region"() ({
      %run_scoped3A = tpu.sem_alloc : memref<!tpu.dma_semaphore, #tpu.memory_space<semaphore_mem>>
      %dma_start3A_201 = arith.constant 0 : i32
      %dma_start3A_202 = arith.constant 0 : i32
      %dma_start3A_203 = tpu.memref_slice %arg3[%add3A, %dma_start3A_201, %dma_start3A_202] : memref<32x10x128xi32, #tpu.memory_space<hbm>> -> memref<1x10x128xi32, #tpu.memory_space<hbm>>
      %dma_start3A_204 = tpu.memref_squeeze %dma_start3A_203 : memref<1x10x128xi32, #tpu.memory_space<hbm>> -> memref<10x128xi32, #tpu.memory_space<hbm>>
      %dma_start3A_205 = arith.constant 0 : i32
      %dma_start3A_206 = arith.constant 0 : i32
      %dma_start3A_207 = tpu.memref_slice %arg3[%add3A, %dma_start3A_205, %dma_start3A_206] : memref<32x10x128xi32, #tpu.memory_space<hbm>> -> memref<1x10x128xi32, #tpu.memory_space<hbm>>
      %dma_start3A_208 = tpu.memref_squeeze %dma_start3A_207 : memref<1x10x128xi32, #tpu.memory_space<hbm>> -> memref<10x128xi32, #tpu.memory_space<hbm>>
      tpu.enqueue_dma source(%dma_start3A_208 : memref<10x128xi32, #tpu.memory_space<hbm>>) target(%arg5 : memref<10x128xi32, #tpu.memory_space<vmem>>) target_semaphore(%run_scoped3A : memref<!tpu.dma_semaphore, #tpu.memory_space<semaphore_mem>>)
      %dma_wait3A_209 = arith.constant 0 : i32
      %dma_wait3A_210 = arith.constant 0 : i32
      %dma_wait3A_211 = tpu.memref_slice %arg3[%add3A, %dma_wait3A_209, %dma_wait3A_210] : memref<32x10x128xi32, #tpu.memory_space<hbm>> -> memref<1x10x128xi32, #tpu.memory_space<hbm>>
      %dma_wait3A_212 = tpu.memref_squeeze %dma_wait3A_211 : memref<1x10x128xi32, #tpu.memory_space<hbm>> -> memref<10x128xi32, #tpu.memory_space<hbm>>
      %dma_wait3A_213 = arith.constant 0 : i32
      %dma_wait3A_214 = arith.constant 0 : i32
      %dma_wait3A_215 = tpu.memref_slice %arg3[%add3A, %dma_wait3A_213, %dma_wait3A_214] : memref<32x10x128xi32, #tpu.memory_space<hbm>> -> memref<1x10x128xi32, #tpu.memory_space<hbm>>
      %dma_wait3A_216 = tpu.memref_squeeze %dma_wait3A_215 : memref<1x10x128xi32, #tpu.memory_space<hbm>> -> memref<10x128xi32, #tpu.memory_space<hbm>>
      tpu.wait_dma2 semaphore(%run_scoped3A : memref<!tpu.dma_semaphore, #tpu.memory_space<semaphore_mem>>) src(%dma_wait3A_216 : memref<10x128xi32, #tpu.memory_space<hbm>>) dst(%arg5 : memref<10x128xi32, #tpu.memory_space<vmem>>)
      tpu.yield
    }) : () -> ()
    %mul3A_1 = arith.constant 1280 : i32
    %mul3A_2 = arith.muli %add3A, %mul3A_1 : i32
    %dma_start3A = arith.constant 0 : i32
    %dma_start3A_3 = arith.constant 0 : i32
    %dma_start3A_4 = arith.constant 0 : i32
    %dma_start3A_5 = tpu.memref_slice %arg6[%dma_start3A_3, %dma_start3A_4] : memref<1280x64xf32, #tpu.memory_space<vmem>> -> memref<128x64xf32, #tpu.memory_space<vmem>>
    %dma_start3A_6 = arith.constant 0 : i32
    %dma_start3A_7 = tpu.memref_slice %arg5[%dma_start3A, %dma_start3A_6] : memref<10x128xi32, #tpu.memory_space<vmem>> -> memref<1x128xi32, #tpu.memory_space<vmem>>
    %dma_start3A_8 = tpu.memref_squeeze %dma_start3A_7 : memref<1x128xi32, #tpu.memory_space<vmem>> -> memref<128xi32, #tpu.memory_space<vmem>>
    %dma_start3A_9 = arith.constant 0 : i32
    %dma_start3A_10 = arith.constant 0 : i32
    %dma_start3A_11 = tpu.memref_slice %arg2[%dma_start3A_9, %dma_start3A_10] : memref<20480x64xf32, #tpu.memory_space<hbm>> -> memref<20480x64xf32, #tpu.memory_space<hbm>>
    tpu.enqueue_indirect_dma source(%dma_start3A_11 : memref<20480x64xf32, #tpu.memory_space<hbm>>) target(%dma_start3A_5 : memref<128x64xf32, #tpu.memory_space<vmem>>) offsets(%dma_start3A_8 : memref<128xi32, #tpu.memory_space<vmem>>) semaphore(%arg7 : memref<!tpu.dma_semaphore, #tpu.memory_space<semaphore_mem>>)
    %dma_start3A_12 = arith.constant 1 : i32
    %dma_start3A_13 = arith.constant 128 : i32
    %dma_start3A_14 = arith.constant 0 : i32
    %dma_start3A_15 = tpu.memref_slice %arg6[%dma_start3A_13, %dma_start3A_14] : memref<1280x64xf32, #tpu.memory_space<vmem>> -> memref<128x64xf32, #tpu.memory_space<vmem>>
    %dma_start3A_16 = arith.constant 0 : i32
    %dma_start3A_17 = tpu.memref_slice %arg5[%dma_start3A_12, %dma_start3A_16] : memref<10x128xi32, #tpu.memory_space<vmem>> -> memref<1x128xi32, #tpu.memory_space<vmem>>
    %dma_start3A_18 = tpu.memref_squeeze %dma_start3A_17 : memref<1x128xi32, #tpu.memory_space<vmem>> -> memref<128xi32, #tpu.memory_space<vmem>>
    %dma_start3A_19 = arith.constant 0 : i32
    %dma_start3A_20 = arith.constant 0 : i32
    %dma_start3A_21 = tpu.memref_slice %arg2[%dma_start3A_19, %dma_start3A_20] : memref<20480x64xf32, #tpu.memory_space<hbm>> -> memref<20480x64xf32, #tpu.memory_space<hbm>>
    tpu.enqueue_indirect_dma source(%dma_start3A_21 : memref<20480x64xf32, #tpu.memory_space<hbm>>) target(%dma_start3A_15 : memref<128x64xf32, #tpu.memory_space<vmem>>) offsets(%dma_start3A_18 : memref<128xi32, #tpu.memory_space<vmem>>) semaphore(%arg7 : memref<!tpu.dma_semaphore, #tpu.memory_space<semaphore_mem>>)
    %dma_start3A_22 = arith.constant 2 : i32
    %dma_start3A_23 = arith.constant 256 : i32
    %dma_start3A_24 = arith.constant 0 : i32
    %dma_start3A_25 = tpu.memref_slice %arg6[%dma_start3A_23, %dma_start3A_24] : memref<1280x64xf32, #tpu.memory_space<vmem>> -> memref<128x64xf32, #tpu.memory_space<vmem>>
    %dma_start3A_26 = arith.constant 0 : i32
    %dma_start3A_27 = tpu.memref_slice %arg5[%dma_start3A_22, %dma_start3A_26] : memref<10x128xi32, #tpu.memory_space<vmem>> -> memref<1x128xi32, #tpu.memory_space<vmem>>
    %dma_start3A_28 = tpu.memref_squeeze %dma_start3A_27 : memref<1x128xi32, #tpu.memory_space<vmem>> -> memref<128xi32, #tpu.memory_space<vmem>>
    %dma_start3A_29 = arith.constant 0 : i32
    %dma_start3A_30 = arith.constant 0 : i32
    %dma_start3A_31 = tpu.memref_slice %arg2[%dma_start3A_29, %dma_start3A_30] : memref<20480x64xf32, #tpu.memory_space<hbm>> -> memref<20480x64xf32, #tpu.memory_space<hbm>>
    tpu.enqueue_indirect_dma source(%dma_start3A_31 : memref<20480x64xf32, #tpu.memory_space<hbm>>) target(%dma_start3A_25 : memref<128x64xf32, #tpu.memory_space<vmem>>) offsets(%dma_start3A_28 : memref<128xi32, #tpu.memory_space<vmem>>) semaphore(%arg7 : memref<!tpu.dma_semaphore, #tpu.memory_space<semaphore_mem>>)
    %dma_start3A_32 = arith.constant 3 : i32
    %dma_start3A_33 = arith.constant 384 : i32
    %dma_start3A_34 = arith.constant 0 : i32
    %dma_start3A_35 = tpu.memref_slice %arg6[%dma_start3A_33, %dma_start3A_34] : memref<1280x64xf32, #tpu.memory_space<vmem>> -> memref<128x64xf32, #tpu.memory_space<vmem>>
    %dma_start3A_36 = arith.constant 0 : i32
    %dma_start3A_37 = tpu.memref_slice %arg5[%dma_start3A_32, %dma_start3A_36] : memref<10x128xi32, #tpu.memory_space<vmem>> -> memref<1x128xi32, #tpu.memory_space<vmem>>
    %dma_start3A_38 = tpu.memref_squeeze %dma_start3A_37 : memref<1x128xi32, #tpu.memory_space<vmem>> -> memref<128xi32, #tpu.memory_space<vmem>>
    %dma_start3A_39 = arith.constant 0 : i32
    %dma_start3A_40 = arith.constant 0 : i32
    %dma_start3A_41 = tpu.memref_slice %arg2[%dma_start3A_39, %dma_start3A_40] : memref<20480x64xf32, #tpu.memory_space<hbm>> -> memref<20480x64xf32, #tpu.memory_space<hbm>>
    tpu.enqueue_indirect_dma source(%dma_start3A_41 : memref<20480x64xf32, #tpu.memory_space<hbm>>) target(%dma_start3A_35 : memref<128x64xf32, #tpu.memory_space<vmem>>) offsets(%dma_start3A_38 : memref<128xi32, #tpu.memory_space<vmem>>) semaphore(%arg7 : memref<!tpu.dma_semaphore, #tpu.memory_space<semaphore_mem>>)
    %dma_start3A_42 = arith.constant 4 : i32
    %dma_start3A_43 = arith.constant 512 : i32
    %dma_start3A_44 = arith.constant 0 : i32
    %dma_start3A_45 = tpu.memref_slice %arg6[%dma_start3A_43, %dma_start3A_44] : memref<1280x64xf32, #tpu.memory_space<vmem>> -> memref<128x64xf32, #tpu.memory_space<vmem>>
    %dma_start3A_46 = arith.constant 0 : i32
    %dma_start3A_47 = tpu.memref_slice %arg5[%dma_start3A_42, %dma_start3A_46] : memref<10x128xi32, #tpu.memory_space<vmem>> -> memref<1x128xi32, #tpu.memory_space<vmem>>
    %dma_start3A_48 = tpu.memref_squeeze %dma_start3A_47 : memref<1x128xi32, #tpu.memory_space<vmem>> -> memref<128xi32, #tpu.memory_space<vmem>>
    %dma_start3A_49 = arith.constant 0 : i32
    %dma_start3A_50 = arith.constant 0 : i32
    %dma_start3A_51 = tpu.memref_slice %arg2[%dma_start3A_49, %dma_start3A_50] : memref<20480x64xf32, #tpu.memory_space<hbm>> -> memref<20480x64xf32, #tpu.memory_space<hbm>>
    tpu.enqueue_indirect_dma source(%dma_start3A_51 : memref<20480x64xf32, #tpu.memory_space<hbm>>) target(%dma_start3A_45 : memref<128x64xf32, #tpu.memory_space<vmem>>) offsets(%dma_start3A_48 : memref<128xi32, #tpu.memory_space<vmem>>) semaphore(%arg7 : memref<!tpu.dma_semaphore, #tpu.memory_space<semaphore_mem>>)
    %dma_start3A_52 = arith.constant 5 : i32
    %dma_start3A_53 = arith.constant 640 : i32
    %dma_start3A_54 = arith.constant 0 : i32
    %dma_start3A_55 = tpu.memref_slice %arg6[%dma_start3A_53, %dma_start3A_54] : memref<1280x64xf32, #tpu.memory_space<vmem>> -> memref<128x64xf32, #tpu.memory_space<vmem>>
    %dma_start3A_56 = arith.constant 0 : i32
    %dma_start3A_57 = tpu.memref_slice %arg5[%dma_start3A_52, %dma_start3A_56] : memref<10x128xi32, #tpu.memory_space<vmem>> -> memref<1x128xi32, #tpu.memory_space<vmem>>
    %dma_start3A_58 = tpu.memref_squeeze %dma_start3A_57 : memref<1x128xi32, #tpu.memory_space<vmem>> -> memref<128xi32, #tpu.memory_space<vmem>>
    %dma_start3A_59 = arith.constant 0 : i32
    %dma_start3A_60 = arith.constant 0 : i32
    %dma_start3A_61 = tpu.memref_slice %arg2[%dma_start3A_59, %dma_start3A_60] : memref<20480x64xf32, #tpu.memory_space<hbm>> -> memref<20480x64xf32, #tpu.memory_space<hbm>>
    tpu.enqueue_indirect_dma source(%dma_start3A_61 : memref<20480x64xf32, #tpu.memory_space<hbm>>) target(%dma_start3A_55 : memref<128x64xf32, #tpu.memory_space<vmem>>) offsets(%dma_start3A_58 : memref<128xi32, #tpu.memory_space<vmem>>) semaphore(%arg7 : memref<!tpu.dma_semaphore, #tpu.memory_space<semaphore_mem>>)
    %dma_start3A_62 = arith.constant 6 : i32
    %dma_start3A_63 = arith.constant 768 : i32
    %dma_start3A_64 = arith.constant 0 : i32
    %dma_start3A_65 = tpu.memref_slice %arg6[%dma_start3A_63, %dma_start3A_64] : memref<1280x64xf32, #tpu.memory_space<vmem>> -> memref<128x64xf32, #tpu.memory_space<vmem>>
    %dma_start3A_66 = arith.constant 0 : i32
    %dma_start3A_67 = tpu.memref_slice %arg5[%dma_start3A_62, %dma_start3A_66] : memref<10x128xi32, #tpu.memory_space<vmem>> -> memref<1x128xi32, #tpu.memory_space<vmem>>
    %dma_start3A_68 = tpu.memref_squeeze %dma_start3A_67 : memref<1x128xi32, #tpu.memory_space<vmem>> -> memref<128xi32, #tpu.memory_space<vmem>>
    %dma_start3A_69 = arith.constant 0 : i32
    %dma_start3A_70 = arith.constant 0 : i32
    %dma_start3A_71 = tpu.memref_slice %arg2[%dma_start3A_69, %dma_start3A_70] : memref<20480x64xf32, #tpu.memory_space<hbm>> -> memref<20480x64xf32, #tpu.memory_space<hbm>>
    tpu.enqueue_indirect_dma source(%dma_start3A_71 : memref<20480x64xf32, #tpu.memory_space<hbm>>) target(%dma_start3A_65 : memref<128x64xf32, #tpu.memory_space<vmem>>) offsets(%dma_start3A_68 : memref<128xi32, #tpu.memory_space<vmem>>) semaphore(%arg7 : memref<!tpu.dma_semaphore, #tpu.memory_space<semaphore_mem>>)
    %dma_start3A_72 = arith.constant 7 : i32
    %dma_start3A_73 = arith.constant 896 : i32
    %dma_start3A_74 = arith.constant 0 : i32
    %dma_start3A_75 = tpu.memref_slice %arg6[%dma_start3A_73, %dma_start3A_74] : memref<1280x64xf32, #tpu.memory_space<vmem>> -> memref<128x64xf32, #tpu.memory_space<vmem>>
    %dma_start3A_76 = arith.constant 0 : i32
    %dma_start3A_77 = tpu.memref_slice %arg5[%dma_start3A_72, %dma_start3A_76] : memref<10x128xi32, #tpu.memory_space<vmem>> -> memref<1x128xi32, #tpu.memory_space<vmem>>
    %dma_start3A_78 = tpu.memref_squeeze %dma_start3A_77 : memref<1x128xi32, #tpu.memory_space<vmem>> -> memref<128xi32, #tpu.memory_space<vmem>>
    %dma_start3A_79 = arith.constant 0 : i32
    %dma_start3A_80 = arith.constant 0 : i32
    %dma_start3A_81 = tpu.memref_slice %arg2[%dma_start3A_79, %dma_start3A_80] : memref<20480x64xf32, #tpu.memory_space<hbm>> -> memref<20480x64xf32, #tpu.memory_space<hbm>>
    tpu.enqueue_indirect_dma source(%dma_start3A_81 : memref<20480x64xf32, #tpu.memory_space<hbm>>) target(%dma_start3A_75 : memref<128x64xf32, #tpu.memory_space<vmem>>) offsets(%dma_start3A_78 : memref<128xi32, #tpu.memory_space<vmem>>) semaphore(%arg7 : memref<!tpu.dma_semaphore, #tpu.memory_space<semaphore_mem>>)
    %dma_start3A_82 = arith.constant 8 : i32
    %dma_start3A_83 = arith.constant 1024 : i32
    %dma_start3A_84 = arith.constant 0 : i32
    %dma_start3A_85 = tpu.memref_slice %arg6[%dma_start3A_83, %dma_start3A_84] : memref<1280x64xf32, #tpu.memory_space<vmem>> -> memref<128x64xf32, #tpu.memory_space<vmem>>
    %dma_start3A_86 = arith.constant 0 : i32
    %dma_start3A_87 = tpu.memref_slice %arg5[%dma_start3A_82, %dma_start3A_86] : memref<10x128xi32, #tpu.memory_space<vmem>> -> memref<1x128xi32, #tpu.memory_space<vmem>>
    %dma_start3A_88 = tpu.memref_squeeze %dma_start3A_87 : memref<1x128xi32, #tpu.memory_space<vmem>> -> memref<128xi32, #tpu.memory_space<vmem>>
    %dma_start3A_89 = arith.constant 0 : i32
    %dma_start3A_90 = arith.constant 0 : i32
    %dma_start3A_91 = tpu.memref_slice %arg2[%dma_start3A_89, %dma_start3A_90] : memref<20480x64xf32, #tpu.memory_space<hbm>> -> memref<20480x64xf32, #tpu.memory_space<hbm>>
    tpu.enqueue_indirect_dma source(%dma_start3A_91 : memref<20480x64xf32, #tpu.memory_space<hbm>>) target(%dma_start3A_85 : memref<128x64xf32, #tpu.memory_space<vmem>>) offsets(%dma_start3A_88 : memref<128xi32, #tpu.memory_space<vmem>>) semaphore(%arg7 : memref<!tpu.dma_semaphore, #tpu.memory_space<semaphore_mem>>)
    %dma_start3A_92 = arith.constant 9 : i32
    %dma_start3A_93 = arith.constant 1152 : i32
    %dma_start3A_94 = arith.constant 0 : i32
    %dma_start3A_95 = tpu.memref_slice %arg6[%dma_start3A_93, %dma_start3A_94] : memref<1280x64xf32, #tpu.memory_space<vmem>> -> memref<128x64xf32, #tpu.memory_space<vmem>>
    %dma_start3A_96 = arith.constant 0 : i32
    %dma_start3A_97 = tpu.memref_slice %arg5[%dma_start3A_92, %dma_start3A_96] : memref<10x128xi32, #tpu.memory_space<vmem>> -> memref<1x128xi32, #tpu.memory_space<vmem>>
    %dma_start3A_98 = tpu.memref_squeeze %dma_start3A_97 : memref<1x128xi32, #tpu.memory_space<vmem>> -> memref<128xi32, #tpu.memory_space<vmem>>
    %dma_start3A_99 = arith.constant 0 : i32
    %dma_start3A_100 = arith.constant 0 : i32
    %dma_start3A_101 = tpu.memref_slice %arg2[%dma_start3A_99, %dma_start3A_100] : memref<20480x64xf32, #tpu.memory_space<hbm>> -> memref<20480x64xf32, #tpu.memory_space<hbm>>
    tpu.enqueue_indirect_dma source(%dma_start3A_101 : memref<20480x64xf32, #tpu.memory_space<hbm>>) target(%dma_start3A_95 : memref<128x64xf32, #tpu.memory_space<vmem>>) offsets(%dma_start3A_98 : memref<128xi32, #tpu.memory_space<vmem>>) semaphore(%arg7 : memref<!tpu.dma_semaphore, #tpu.memory_space<semaphore_mem>>)
    %dma_wait3A = arith.constant 0 : i32
    %dma_wait3A_102 = arith.constant 0 : i32
    %dma_wait3A_103 = arith.constant 0 : i32
    %dma_wait3A_104 = tpu.memref_slice %arg6[%dma_wait3A_102, %dma_wait3A_103] : memref<1280x64xf32, #tpu.memory_space<vmem>> -> memref<128x64xf32, #tpu.memory_space<vmem>>
    %dma_wait3A_105 = arith.constant 0 : i32
    %dma_wait3A_106 = tpu.memref_slice %arg5[%dma_wait3A, %dma_wait3A_105] : memref<10x128xi32, #tpu.memory_space<vmem>> -> memref<1x128xi32, #tpu.memory_space<vmem>>
    %dma_wait3A_107 = tpu.memref_squeeze %dma_wait3A_106 : memref<1x128xi32, #tpu.memory_space<vmem>> -> memref<128xi32, #tpu.memory_space<vmem>>
    %dma_wait3A_108 = arith.constant 0 : i32
    %dma_wait3A_109 = arith.constant 0 : i32
    %dma_wait3A_110 = tpu.memref_slice %arg2[%dma_wait3A_108, %dma_wait3A_109] : memref<20480x64xf32, #tpu.memory_space<hbm>> -> memref<20480x64xf32, #tpu.memory_space<hbm>>
    tpu.wait_indirect_dma semaphore(%arg7 : memref<!tpu.dma_semaphore, #tpu.memory_space<semaphore_mem>>) src(%dma_wait3A_110 : memref<20480x64xf32, #tpu.memory_space<hbm>>) dst(%dma_wait3A_104 : memref<128x64xf32, #tpu.memory_space<vmem>>)
    %dma_wait3A_111 = arith.constant 1 : i32
    %dma_wait3A_112 = arith.constant 128 : i32
    %dma_wait3A_113 = arith.constant 0 : i32
    %dma_wait3A_114 = tpu.memref_slice %arg6[%dma_wait3A_112, %dma_wait3A_113] : memref<1280x64xf32, #tpu.memory_space<vmem>> -> memref<128x64xf32, #tpu.memory_space<vmem>>
    %dma_wait3A_115 = arith.constant 0 : i32
    %dma_wait3A_116 = tpu.memref_slice %arg5[%dma_wait3A_111, %dma_wait3A_115] : memref<10x128xi32, #tpu.memory_space<vmem>> -> memref<1x128xi32, #tpu.memory_space<vmem>>
    %dma_wait3A_117 = tpu.memref_squeeze %dma_wait3A_116 : memref<1x128xi32, #tpu.memory_space<vmem>> -> memref<128xi32, #tpu.memory_space<vmem>>
    %dma_wait3A_118 = arith.constant 0 : i32
    %dma_wait3A_119 = arith.constant 0 : i32
    %dma_wait3A_120 = tpu.memref_slice %arg2[%dma_wait3A_118, %dma_wait3A_119] : memref<20480x64xf32, #tpu.memory_space<hbm>> -> memref<20480x64xf32, #tpu.memory_space<hbm>>
    tpu.wait_indirect_dma semaphore(%arg7 : memref<!tpu.dma_semaphore, #tpu.memory_space<semaphore_mem>>) src(%dma_wait3A_120 : memref<20480x64xf32, #tpu.memory_space<hbm>>) dst(%dma_wait3A_114 : memref<128x64xf32, #tpu.memory_space<vmem>>)
    %dma_wait3A_121 = arith.constant 2 : i32
    %dma_wait3A_122 = arith.constant 256 : i32
    %dma_wait3A_123 = arith.constant 0 : i32
    %dma_wait3A_124 = tpu.memref_slice %arg6[%dma_wait3A_122, %dma_wait3A_123] : memref<1280x64xf32, #tpu.memory_space<vmem>> -> memref<128x64xf32, #tpu.memory_space<vmem>>
    %dma_wait3A_125 = arith.constant 0 : i32
    %dma_wait3A_126 = tpu.memref_slice %arg5[%dma_wait3A_121, %dma_wait3A_125] : memref<10x128xi32, #tpu.memory_space<vmem>> -> memref<1x128xi32, #tpu.memory_space<vmem>>
    %dma_wait3A_127 = tpu.memref_squeeze %dma_wait3A_126 : memref<1x128xi32, #tpu.memory_space<vmem>> -> memref<128xi32, #tpu.memory_space<vmem>>
    %dma_wait3A_128 = arith.constant 0 : i32
    %dma_wait3A_129 = arith.constant 0 : i32
    %dma_wait3A_130 = tpu.memref_slice %arg2[%dma_wait3A_128, %dma_wait3A_129] : memref<20480x64xf32, #tpu.memory_space<hbm>> -> memref<20480x64xf32, #tpu.memory_space<hbm>>
    tpu.wait_indirect_dma semaphore(%arg7 : memref<!tpu.dma_semaphore, #tpu.memory_space<semaphore_mem>>) src(%dma_wait3A_130 : memref<20480x64xf32, #tpu.memory_space<hbm>>) dst(%dma_wait3A_124 : memref<128x64xf32, #tpu.memory_space<vmem>>)
    %dma_wait3A_131 = arith.constant 3 : i32
    %dma_wait3A_132 = arith.constant 384 : i32
    %dma_wait3A_133 = arith.constant 0 : i32
    %dma_wait3A_134 = tpu.memref_slice %arg6[%dma_wait3A_132, %dma_wait3A_133] : memref<1280x64xf32, #tpu.memory_space<vmem>> -> memref<128x64xf32, #tpu.memory_space<vmem>>
    %dma_wait3A_135 = arith.constant 0 : i32
    %dma_wait3A_136 = tpu.memref_slice %arg5[%dma_wait3A_131, %dma_wait3A_135] : memref<10x128xi32, #tpu.memory_space<vmem>> -> memref<1x128xi32, #tpu.memory_space<vmem>>
    %dma_wait3A_137 = tpu.memref_squeeze %dma_wait3A_136 : memref<1x128xi32, #tpu.memory_space<vmem>> -> memref<128xi32, #tpu.memory_space<vmem>>
    %dma_wait3A_138 = arith.constant 0 : i32
    %dma_wait3A_139 = arith.constant 0 : i32
    %dma_wait3A_140 = tpu.memref_slice %arg2[%dma_wait3A_138, %dma_wait3A_139] : memref<20480x64xf32, #tpu.memory_space<hbm>> -> memref<20480x64xf32, #tpu.memory_space<hbm>>
    tpu.wait_indirect_dma semaphore(%arg7 : memref<!tpu.dma_semaphore, #tpu.memory_space<semaphore_mem>>) src(%dma_wait3A_140 : memref<20480x64xf32, #tpu.memory_space<hbm>>) dst(%dma_wait3A_134 : memref<128x64xf32, #tpu.memory_space<vmem>>)
    %dma_wait3A_141 = arith.constant 4 : i32
    %dma_wait3A_142 = arith.constant 512 : i32
    %dma_wait3A_143 = arith.constant 0 : i32
    %dma_wait3A_144 = tpu.memref_slice %arg6[%dma_wait3A_142, %dma_wait3A_143] : memref<1280x64xf32, #tpu.memory_space<vmem>> -> memref<128x64xf32, #tpu.memory_space<vmem>>
    %dma_wait3A_145 = arith.constant 0 : i32
    %dma_wait3A_146 = tpu.memref_slice %arg5[%dma_wait3A_141, %dma_wait3A_145] : memref<10x128xi32, #tpu.memory_space<vmem>> -> memref<1x128xi32, #tpu.memory_space<vmem>>
    %dma_wait3A_147 = tpu.memref_squeeze %dma_wait3A_146 : memref<1x128xi32, #tpu.memory_space<vmem>> -> memref<128xi32, #tpu.memory_space<vmem>>
    %dma_wait3A_148 = arith.constant 0 : i32
    %dma_wait3A_149 = arith.constant 0 : i32
    %dma_wait3A_150 = tpu.memref_slice %arg2[%dma_wait3A_148, %dma_wait3A_149] : memref<20480x64xf32, #tpu.memory_space<hbm>> -> memref<20480x64xf32, #tpu.memory_space<hbm>>
    tpu.wait_indirect_dma semaphore(%arg7 : memref<!tpu.dma_semaphore, #tpu.memory_space<semaphore_mem>>) src(%dma_wait3A_150 : memref<20480x64xf32, #tpu.memory_space<hbm>>) dst(%dma_wait3A_144 : memref<128x64xf32, #tpu.memory_space<vmem>>)
    %dma_wait3A_151 = arith.constant 5 : i32
    %dma_wait3A_152 = arith.constant 640 : i32
    %dma_wait3A_153 = arith.constant 0 : i32
    %dma_wait3A_154 = tpu.memref_slice %arg6[%dma_wait3A_152, %dma_wait3A_153] : memref<1280x64xf32, #tpu.memory_space<vmem>> -> memref<128x64xf32, #tpu.memory_space<vmem>>
    %dma_wait3A_155 = arith.constant 0 : i32
    %dma_wait3A_156 = tpu.memref_slice %arg5[%dma_wait3A_151, %dma_wait3A_155] : memref<10x128xi32, #tpu.memory_space<vmem>> -> memref<1x128xi32, #tpu.memory_space<vmem>>
    %dma_wait3A_157 = tpu.memref_squeeze %dma_wait3A_156 : memref<1x128xi32, #tpu.memory_space<vmem>> -> memref<128xi32, #tpu.memory_space<vmem>>
    %dma_wait3A_158 = arith.constant 0 : i32
    %dma_wait3A_159 = arith.constant 0 : i32
    %dma_wait3A_160 = tpu.memref_slice %arg2[%dma_wait3A_158, %dma_wait3A_159] : memref<20480x64xf32, #tpu.memory_space<hbm>> -> memref<20480x64xf32, #tpu.memory_space<hbm>>
    tpu.wait_indirect_dma semaphore(%arg7 : memref<!tpu.dma_semaphore, #tpu.memory_space<semaphore_mem>>) src(%dma_wait3A_160 : memref<20480x64xf32, #tpu.memory_space<hbm>>) dst(%dma_wait3A_154 : memref<128x64xf32, #tpu.memory_space<vmem>>)
    %dma_wait3A_161 = arith.constant 6 : i32
    %dma_wait3A_162 = arith.constant 768 : i32
    %dma_wait3A_163 = arith.constant 0 : i32
    %dma_wait3A_164 = tpu.memref_slice %arg6[%dma_wait3A_162, %dma_wait3A_163] : memref<1280x64xf32, #tpu.memory_space<vmem>> -> memref<128x64xf32, #tpu.memory_space<vmem>>
    %dma_wait3A_165 = arith.constant 0 : i32
    %dma_wait3A_166 = tpu.memref_slice %arg5[%dma_wait3A_161, %dma_wait3A_165] : memref<10x128xi32, #tpu.memory_space<vmem>> -> memref<1x128xi32, #tpu.memory_space<vmem>>
    %dma_wait3A_167 = tpu.memref_squeeze %dma_wait3A_166 : memref<1x128xi32, #tpu.memory_space<vmem>> -> memref<128xi32, #tpu.memory_space<vmem>>
    %dma_wait3A_168 = arith.constant 0 : i32
    %dma_wait3A_169 = arith.constant 0 : i32
    %dma_wait3A_170 = tpu.memref_slice %arg2[%dma_wait3A_168, %dma_wait3A_169] : memref<20480x64xf32, #tpu.memory_space<hbm>> -> memref<20480x64xf32, #tpu.memory_space<hbm>>
    tpu.wait_indirect_dma semaphore(%arg7 : memref<!tpu.dma_semaphore, #tpu.memory_space<semaphore_mem>>) src(%dma_wait3A_170 : memref<20480x64xf32, #tpu.memory_space<hbm>>) dst(%dma_wait3A_164 : memref<128x64xf32, #tpu.memory_space<vmem>>)
    %dma_wait3A_171 = arith.constant 7 : i32
    %dma_wait3A_172 = arith.constant 896 : i32
    %dma_wait3A_173 = arith.constant 0 : i32
    %dma_wait3A_174 = tpu.memref_slice %arg6[%dma_wait3A_172, %dma_wait3A_173] : memref<1280x64xf32, #tpu.memory_space<vmem>> -> memref<128x64xf32, #tpu.memory_space<vmem>>
    %dma_wait3A_175 = arith.constant 0 : i32
    %dma_wait3A_176 = tpu.memref_slice %arg5[%dma_wait3A_171, %dma_wait3A_175] : memref<10x128xi32, #tpu.memory_space<vmem>> -> memref<1x128xi32, #tpu.memory_space<vmem>>
    %dma_wait3A_177 = tpu.memref_squeeze %dma_wait3A_176 : memref<1x128xi32, #tpu.memory_space<vmem>> -> memref<128xi32, #tpu.memory_space<vmem>>
    %dma_wait3A_178 = arith.constant 0 : i32
    %dma_wait3A_179 = arith.constant 0 : i32
    %dma_wait3A_180 = tpu.memref_slice %arg2[%dma_wait3A_178, %dma_wait3A_179] : memref<20480x64xf32, #tpu.memory_space<hbm>> -> memref<20480x64xf32, #tpu.memory_space<hbm>>
    tpu.wait_indirect_dma semaphore(%arg7 : memref<!tpu.dma_semaphore, #tpu.memory_space<semaphore_mem>>) src(%dma_wait3A_180 : memref<20480x64xf32, #tpu.memory_space<hbm>>) dst(%dma_wait3A_174 : memref<128x64xf32, #tpu.memory_space<vmem>>)
    %dma_wait3A_181 = arith.constant 8 : i32
    %dma_wait3A_182 = arith.constant 1024 : i32
    %dma_wait3A_183 = arith.constant 0 : i32
    %dma_wait3A_184 = tpu.memref_slice %arg6[%dma_wait3A_182, %dma_wait3A_183] : memref<1280x64xf32, #tpu.memory_space<vmem>> -> memref<128x64xf32, #tpu.memory_space<vmem>>
    %dma_wait3A_185 = arith.constant 0 : i32
    %dma_wait3A_186 = tpu.memref_slice %arg5[%dma_wait3A_181, %dma_wait3A_185] : memref<10x128xi32, #tpu.memory_space<vmem>> -> memref<1x128xi32, #tpu.memory_space<vmem>>
    %dma_wait3A_187 = tpu.memref_squeeze %dma_wait3A_186 : memref<1x128xi32, #tpu.memory_space<vmem>> -> memref<128xi32, #tpu.memory_space<vmem>>
    %dma_wait3A_188 = arith.constant 0 : i32
    %dma_wait3A_189 = arith.constant 0 : i32
    %dma_wait3A_190 = tpu.memref_slice %arg2[%dma_wait3A_188, %dma_wait3A_189] : memref<20480x64xf32, #tpu.memory_space<hbm>> -> memref<20480x64xf32, #tpu.memory_space<hbm>>
    tpu.wait_indirect_dma semaphore(%arg7 : memref<!tpu.dma_semaphore, #tpu.memory_space<semaphore_mem>>) src(%dma_wait3A_190 : memref<20480x64xf32, #tpu.memory_space<hbm>>) dst(%dma_wait3A_184 : memref<128x64xf32, #tpu.memory_space<vmem>>)
    %dma_wait3A_191 = arith.constant 9 : i32
    %dma_wait3A_192 = arith.constant 1152 : i32
    %dma_wait3A_193 = arith.constant 0 : i32
    %dma_wait3A_194 = tpu.memref_slice %arg6[%dma_wait3A_192, %dma_wait3A_193] : memref<1280x64xf32, #tpu.memory_space<vmem>> -> memref<128x64xf32, #tpu.memory_space<vmem>>
    %dma_wait3A_195 = arith.constant 0 : i32
    %dma_wait3A_196 = tpu.memref_slice %arg5[%dma_wait3A_191, %dma_wait3A_195] : memref<10x128xi32, #tpu.memory_space<vmem>> -> memref<1x128xi32, #tpu.memory_space<vmem>>
    %dma_wait3A_197 = tpu.memref_squeeze %dma_wait3A_196 : memref<1x128xi32, #tpu.memory_space<vmem>> -> memref<128xi32, #tpu.memory_space<vmem>>
    %dma_wait3A_198 = arith.constant 0 : i32
    %dma_wait3A_199 = arith.constant 0 : i32
    %dma_wait3A_200 = tpu.memref_slice %arg2[%dma_wait3A_198, %dma_wait3A_199] : memref<20480x64xf32, #tpu.memory_space<hbm>> -> memref<20480x64xf32, #tpu.memory_space<hbm>>
    tpu.wait_indirect_dma semaphore(%arg7 : memref<!tpu.dma_semaphore, #tpu.memory_space<semaphore_mem>>) src(%dma_wait3A_200 : memref<20480x64xf32, #tpu.memory_space<hbm>>) dst(%dma_wait3A_194 : memref<128x64xf32, #tpu.memory_space<vmem>>)
    "tpu.region"() ({
      %run_scoped3A = tpu.sem_alloc : memref<!tpu.dma_semaphore, #tpu.memory_space<semaphore_mem>>
      %dma_start3A_201 = arith.constant 0 : i32
      %dma_start3A_202 = tpu.memref_slice %arg4[%mul3A_2, %dma_start3A_201] : memref<40960x64xf32, #tpu.memory_space<hbm>> -> memref<1280x64xf32, #tpu.memory_space<hbm>>
      %dma_start3A_203 = arith.constant 0 : i32
      %dma_start3A_204 = tpu.memref_slice %arg4[%mul3A_2, %dma_start3A_203] : memref<40960x64xf32, #tpu.memory_space<hbm>> -> memref<1280x64xf32, #tpu.memory_space<hbm>>
      tpu.enqueue_dma source(%arg6 : memref<1280x64xf32, #tpu.memory_space<vmem>>) target(%dma_start3A_204 : memref<1280x64xf32, #tpu.memory_space<hbm>>) target_semaphore(%run_scoped3A : memref<!tpu.dma_semaphore, #tpu.memory_space<semaphore_mem>>)
      %dma_wait3A_205 = arith.constant 0 : i32
      %dma_wait3A_206 = tpu.memref_slice %arg4[%mul3A_2, %dma_wait3A_205] : memref<40960x64xf32, #tpu.memory_space<hbm>> -> memref<1280x64xf32, #tpu.memory_space<hbm>>
      %dma_wait3A_207 = arith.constant 0 : i32
      %dma_wait3A_208 = tpu.memref_slice %arg4[%mul3A_2, %dma_wait3A_207] : memref<40960x64xf32, #tpu.memory_space<hbm>> -> memref<1280x64xf32, #tpu.memory_space<hbm>>
      tpu.wait_dma2 semaphore(%run_scoped3A : memref<!tpu.dma_semaphore, #tpu.memory_space<semaphore_mem>>) src(%arg6 : memref<1280x64xf32, #tpu.memory_space<vmem>>) dst(%dma_wait3A_208 : memref<1280x64xf32, #tpu.memory_space<hbm>>)
      tpu.yield
    }) : () -> ()
    return
  }
}

#map = affine_map<(d0, d1) -> (0, 0)>
#map1 = affine_map<(d0, d1) -> (0, 0, 0)>
module attributes {stable_mosaic.version = 14 : i64} {
  func.func @k(%arg0: i32, %arg1: i32, %arg2: memref<20480x64xf32, #tpu.memory_space<hbm>>, %arg3: memref<32x10x128xi32, #tpu.memory_space<hbm>>, %arg4: memref<40960x64xf32, #tpu.memory_space<hbm>>, %arg5: memref<10x128xi32, #tpu.memory_space<vmem>>, %arg6: memref<1280x64xf32, #tpu.memory_space<vmem>>, %arg7: memref<!tpu.dma_semaphore, #tpu.memory_space<semaphore_mem>>) attributes {dimension_semantics = [#tpu.dimension_semantics<core_parallel>, #tpu.dimension_semantics<subcore_parallel>], iteration_bounds = array<i64: 2, 16>, scalar_prefetch = 0 : i64, scratch_operands = 3 : i64, tpu.core_type = #tpu.core_type<sc_vector_subcore>, window_params = [{transform_indices = #map}, {transform_indices = #map1}, {transform_indices = #map}]} {
    %mul3A = arith.constant 2 : i32
    %mul3A_0 = arith.muli %arg1, %mul3A : i32
    %add3A = arith.addi %mul3A_0, %arg0 : i32
    "tpu.region"() ({
      %run_scoped3A = tpu.sem_alloc : memref<!tpu.dma_semaphore, #tpu.memory_space<semaphore_mem>>
      %dma_start3A_201 = arith.constant 0 : i32
      %dma_start3A_202 = arith.constant 0 : i32
      %dma_start3A_203 = tpu.memref_slice %arg3[%add3A, %dma_start3A_201, %dma_start3A_202] : memref<32x10x128xi32, #tpu.memory_space<hbm>> -> memref<1x10x128xi32, #tpu.memory_space<hbm>>
      %dma_start3A_204 = tpu.memref_squeeze %dma_start3A_203 : memref<1x10x128xi32, #tpu.memory_space<hbm>> -> memref<10x128xi32, #tpu.memory_space<hbm>>
      %dma_start3A_205 = arith.constant 0 : i32
      %dma_start3A_206 = arith.constant 0 : i32
      %dma_start3A_207 = tpu.memref_slice %arg3[%add3A, %dma_start3A_205, %dma_start3A_206] : memref<32x10x128xi32, #tpu.memory_space<hbm>> -> memref<1x10x128xi32, #tpu.memory_space<hbm>>
      %dma_start3A_208 = tpu.memref_squeeze %dma_start3A_207 : memref<1x10x128xi32, #tpu.memory_space<hbm>> -> memref<10x128xi32, #tpu.memory_space<hbm>>
      tpu.enqueue_dma source(%dma_start3A_208 : memref<10x128xi32, #tpu.memory_space<hbm>>) target(%arg5 : memref<10x128xi32, #tpu.memory_space<vmem>>) target_semaphore(%run_scoped3A : memref<!tpu.dma_semaphore, #tpu.memory_space<semaphore_mem>>)
      %dma_wait3A_209 = arith.constant 0 : i32
      %dma_wait3A_210 = arith.constant 0 : i32
      %dma_wait3A_211 = tpu.memref_slice %arg3[%add3A, %dma_wait3A_209, %dma_wait3A_210] : memref<32x10x128xi32, #tpu.memory_space<hbm>> -> memref<1x10x128xi32, #tpu.memory_space<hbm>>
      %dma_wait3A_212 = tpu.memref_squeeze %dma_wait3A_211 : memref<1x10x128xi32, #tpu.memory_space<hbm>> -> memref<10x128xi32, #tpu.memory_space<hbm>>
      %dma_wait3A_213 = arith.constant 0 : i32
      %dma_wait3A_214 = arith.constant 0 : i32
      %dma_wait3A_215 = tpu.memref_slice %arg3[%add3A, %dma_wait3A_213, %dma_wait3A_214] : memref<32x10x128xi32, #tpu.memory_space<hbm>> -> memref<1x10x128xi32, #tpu.memory_space<hbm>>
      %dma_wait3A_216 = tpu.memref_squeeze %dma_wait3A_215 : memref<1x10x128xi32, #tpu.memory_space<hbm>> -> memref<10x128xi32, #tpu.memory_space<hbm>>
      tpu.wait_dma2 semaphore(%run_scoped3A : memref<!tpu.dma_semaphore, #tpu.memory_space<semaphore_mem>>) src(%dma_wait3A_216 : memref<10x128xi32, #tpu.memory_space<hbm>>) dst(%arg5 : memref<10x128xi32, #tpu.memory_space<vmem>>)
      tpu.yield
    }) : () -> ()
    %mul3A_1 = arith.constant 1280 : i32
    %mul3A_2 = arith.muli %add3A, %mul3A_1 : i32
    %dma_start3A = arith.constant 0 : i32
    %dma_start3A_3 = arith.constant 0 : i32
    %dma_start3A_4 = arith.constant 0 : i32
    %dma_start3A_5 = tpu.memref_slice %arg6[%dma_start3A_3, %dma_start3A_4] : memref<1280x64xf32, #tpu.memory_space<vmem>> -> memref<128x64xf32, #tpu.memory_space<vmem>>
    %dma_start3A_6 = arith.constant 0 : i32
    %dma_start3A_7 = tpu.memref_slice %arg5[%dma_start3A, %dma_start3A_6] : memref<10x128xi32, #tpu.memory_space<vmem>> -> memref<1x128xi32, #tpu.memory_space<vmem>>
    %dma_start3A_8 = tpu.memref_squeeze %dma_start3A_7 : memref<1x128xi32, #tpu.memory_space<vmem>> -> memref<128xi32, #tpu.memory_space<vmem>>
    %dma_start3A_9 = arith.constant 0 : i32
    %dma_start3A_10 = arith.constant 0 : i32
    %dma_start3A_11 = tpu.memref_slice %arg2[%dma_start3A_9, %dma_start3A_10] : memref<20480x64xf32, #tpu.memory_space<hbm>> -> memref<20480x64xf32, #tpu.memory_space<hbm>>
    tpu.enqueue_indirect_dma source(%dma_start3A_11 : memref<20480x64xf32, #tpu.memory_space<hbm>>) target(%dma_start3A_5 : memref<128x64xf32, #tpu.memory_space<vmem>>) offsets(%dma_start3A_8 : memref<128xi32, #tpu.memory_space<vmem>>) semaphore(%arg7 : memref<!tpu.dma_semaphore, #tpu.memory_space<semaphore_mem>>)
    %dma_start3A_12 = arith.constant 1 : i32
    %dma_start3A_13 = arith.constant 128 : i32
    %dma_start3A_14 = arith.constant 0 : i32
    %dma_start3A_15 = tpu.memref_slice %arg6[%dma_start3A_13, %dma_start3A_14] : memref<1280x64xf32, #tpu.memory_space<vmem>> -> memref<128x64xf32, #tpu.memory_space<vmem>>
    %dma_start3A_16 = arith.constant 0 : i32
    %dma_start3A_17 = tpu.memref_slice %arg5[%dma_start3A_12, %dma_start3A_16] : memref<10x128xi32, #tpu.memory_space<vmem>> -> memref<1x128xi32, #tpu.memory_space<vmem>>
    %dma_start3A_18 = tpu.memref_squeeze %dma_start3A_17 : memref<1x128xi32, #tpu.memory_space<vmem>> -> memref<128xi32, #tpu.memory_space<vmem>>
    %dma_start3A_19 = arith.constant 0 : i32
    %dma_start3A_20 = arith.constant 0 : i32
    %dma_start3A_21 = tpu.memref_slice %arg2[%dma_start3A_19, %dma_start3A_20] : memref<20480x64xf32, #tpu.memory_space<hbm>> -> memref<20480x64xf32, #tpu.memory_space<hbm>>
    tpu.enqueue_indirect_dma source(%dma_start3A_21 : memref<20480x64xf32, #tpu.memory_space<hbm>>) target(%dma_start3A_15 : memref<128x64xf32, #tpu.memory_space<vmem>>) offsets(%dma_start3A_18 : memref<128xi32, #tpu.memory_space<vmem>>) semaphore(%arg7 : memref<!tpu.dma_semaphore, #tpu.memory_space<semaphore_mem>>)
    %dma_start3A_22 = arith.constant 2 : i32
    %dma_start3A_23 = arith.constant 256 : i32
    %dma_start3A_24 = arith.constant 0 : i32
    %dma_start3A_25 = tpu.memref_slice %arg6[%dma_start3A_23, %dma_start3A_24] : memref<1280x64xf32, #tpu.memory_space<vmem>> -> memref<128x64xf32, #tpu.memory_space<vmem>>
    %dma_start3A_26 = arith.constant 0 : i32
    %dma_start3A_27 = tpu.memref_slice %arg5[%dma_start3A_22, %dma_start3A_26] : memref<10x128xi32, #tpu.memory_space<vmem>> -> memref<1x128xi32, #tpu.memory_space<vmem>>
    %dma_start3A_28 = tpu.memref_squeeze %dma_start3A_27 : memref<1x128xi32, #tpu.memory_space<vmem>> -> memref<128xi32, #tpu.memory_space<vmem>>
    %dma_start3A_29 = arith.constant 0 : i32
    %dma_start3A_30 = arith.constant 0 : i32
    %dma_start3A_31 = tpu.memref_slice %arg2[%dma_start3A_29, %dma_start3A_30] : memref<20480x64xf32, #tpu.memory_space<hbm>> -> memref<20480x64xf32, #tpu.memory_space<hbm>>
    tpu.enqueue_indirect_dma source(%dma_start3A_31 : memref<20480x64xf32, #tpu.memory_space<hbm>>) target(%dma_start3A_25 : memref<128x64xf32, #tpu.memory_space<vmem>>) offsets(%dma_start3A_28 : memref<128xi32, #tpu.memory_space<vmem>>) semaphore(%arg7 : memref<!tpu.dma_semaphore, #tpu.memory_space<semaphore_mem>>)
    %dma_start3A_32 = arith.constant 3 : i32
    %dma_start3A_33 = arith.constant 384 : i32
    %dma_start3A_34 = arith.constant 0 : i32
    %dma_start3A_35 = tpu.memref_slice %arg6[%dma_start3A_33, %dma_start3A_34] : memref<1280x64xf32, #tpu.memory_space<vmem>> -> memref<128x64xf32, #tpu.memory_space<vmem>>
    %dma_start3A_36 = arith.constant 0 : i32
    %dma_start3A_37 = tpu.memref_slice %arg5[%dma_start3A_32, %dma_start3A_36] : memref<10x128xi32, #tpu.memory_space<vmem>> -> memref<1x128xi32, #tpu.memory_space<vmem>>
    %dma_start3A_38 = tpu.memref_squeeze %dma_start3A_37 : memref<1x128xi32, #tpu.memory_space<vmem>> -> memref<128xi32, #tpu.memory_space<vmem>>
    %dma_start3A_39 = arith.constant 0 : i32
    %dma_start3A_40 = arith.constant 0 : i32
    %dma_start3A_41 = tpu.memref_slice %arg2[%dma_start3A_39, %dma_start3A_40] : memref<20480x64xf32, #tpu.memory_space<hbm>> -> memref<20480x64xf32, #tpu.memory_space<hbm>>
    tpu.enqueue_indirect_dma source(%dma_start3A_41 : memref<20480x64xf32, #tpu.memory_space<hbm>>) target(%dma_start3A_35 : memref<128x64xf32, #tpu.memory_space<vmem>>) offsets(%dma_start3A_38 : memref<128xi32, #tpu.memory_space<vmem>>) semaphore(%arg7 : memref<!tpu.dma_semaphore, #tpu.memory_space<semaphore_mem>>)
    %dma_start3A_42 = arith.constant 4 : i32
    %dma_start3A_43 = arith.constant 512 : i32
    %dma_start3A_44 = arith.constant 0 : i32
    %dma_start3A_45 = tpu.memref_slice %arg6[%dma_start3A_43, %dma_start3A_44] : memref<1280x64xf32, #tpu.memory_space<vmem>> -> memref<128x64xf32, #tpu.memory_space<vmem>>
    %dma_start3A_46 = arith.constant 0 : i32
    %dma_start3A_47 = tpu.memref_slice %arg5[%dma_start3A_42, %dma_start3A_46] : memref<10x128xi32, #tpu.memory_space<vmem>> -> memref<1x128xi32, #tpu.memory_space<vmem>>
    %dma_start3A_48 = tpu.memref_squeeze %dma_start3A_47 : memref<1x128xi32, #tpu.memory_space<vmem>> -> memref<128xi32, #tpu.memory_space<vmem>>
    %dma_start3A_49 = arith.constant 0 : i32
    %dma_start3A_50 = arith.constant 0 : i32
    %dma_start3A_51 = tpu.memref_slice %arg2[%dma_start3A_49, %dma_start3A_50] : memref<20480x64xf32, #tpu.memory_space<hbm>> -> memref<20480x64xf32, #tpu.memory_space<hbm>>
    tpu.enqueue_indirect_dma source(%dma_start3A_51 : memref<20480x64xf32, #tpu.memory_space<hbm>>) target(%dma_start3A_45 : memref<128x64xf32, #tpu.memory_space<vmem>>) offsets(%dma_start3A_48 : memref<128xi32, #tpu.memory_space<vmem>>) semaphore(%arg7 : memref<!tpu.dma_semaphore, #tpu.memory_space<semaphore_mem>>)
    %dma_start3A_52 = arith.constant 5 : i32
    %dma_start3A_53 = arith.constant 640 : i32
    %dma_start3A_54 = arith.constant 0 : i32
    %dma_start3A_55 = tpu.memref_slice %arg6[%dma_start3A_53, %dma_start3A_54] : memref<1280x64xf32, #tpu.memory_space<vmem>> -> memref<128x64xf32, #tpu.memory_space<vmem>>
    %dma_start3A_56 = arith.constant 0 : i32
    %dma_start3A_57 = tpu.memref_slice %arg5[%dma_start3A_52, %dma_start3A_56] : memref<10x128xi32, #tpu.memory_space<vmem>> -> memref<1x128xi32, #tpu.memory_space<vmem>>
    %dma_start3A_58 = tpu.memref_squeeze %dma_start3A_57 : memref<1x128xi32, #tpu.memory_space<vmem>> -> memref<128xi32, #tpu.memory_space<vmem>>
    %dma_start3A_59 = arith.constant 0 : i32
    %dma_start3A_60 = arith.constant 0 : i32
    %dma_start3A_61 = tpu.memref_slice %arg2[%dma_start3A_59, %dma_start3A_60] : memref<20480x64xf32, #tpu.memory_space<hbm>> -> memref<20480x64xf32, #tpu.memory_space<hbm>>
    tpu.enqueue_indirect_dma source(%dma_start3A_61 : memref<20480x64xf32, #tpu.memory_space<hbm>>) target(%dma_start3A_55 : memref<128x64xf32, #tpu.memory_space<vmem>>) offsets(%dma_start3A_58 : memref<128xi32, #tpu.memory_space<vmem>>) semaphore(%arg7 : memref<!tpu.dma_semaphore, #tpu.memory_space<semaphore_mem>>)
    %dma_start3A_62 = arith.constant 6 : i32
    %dma_start3A_63 = arith.constant 768 : i32
    %dma_start3A_64 = arith.constant 0 : i32
    %dma_start3A_65 = tpu.memref_slice %arg6[%dma_start3A_63, %dma_start3A_64] : memref<1280x64xf32, #tpu.memory_space<vmem>> -> memref<128x64xf32, #tpu.memory_space<vmem>>
    %dma_start3A_66 = arith.constant 0 : i32
    %dma_start3A_67 = tpu.memref_slice %arg5[%dma_start3A_62, %dma_start3A_66] : memref<10x128xi32, #tpu.memory_space<vmem>> -> memref<1x128xi32, #tpu.memory_space<vmem>>
    %dma_start3A_68 = tpu.memref_squeeze %dma_start3A_67 : memref<1x128xi32, #tpu.memory_space<vmem>> -> memref<128xi32, #tpu.memory_space<vmem>>
    %dma_start3A_69 = arith.constant 0 : i32
    %dma_start3A_70 = arith.constant 0 : i32
    %dma_start3A_71 = tpu.memref_slice %arg2[%dma_start3A_69, %dma_start3A_70] : memref<20480x64xf32, #tpu.memory_space<hbm>> -> memref<20480x64xf32, #tpu.memory_space<hbm>>
    tpu.enqueue_indirect_dma source(%dma_start3A_71 : memref<20480x64xf32, #tpu.memory_space<hbm>>) target(%dma_start3A_65 : memref<128x64xf32, #tpu.memory_space<vmem>>) offsets(%dma_start3A_68 : memref<128xi32, #tpu.memory_space<vmem>>) semaphore(%arg7 : memref<!tpu.dma_semaphore, #tpu.memory_space<semaphore_mem>>)
    %dma_start3A_72 = arith.constant 7 : i32
    %dma_start3A_73 = arith.constant 896 : i32
    %dma_start3A_74 = arith.constant 0 : i32
    %dma_start3A_75 = tpu.memref_slice %arg6[%dma_start3A_73, %dma_start3A_74] : memref<1280x64xf32, #tpu.memory_space<vmem>> -> memref<128x64xf32, #tpu.memory_space<vmem>>
    %dma_start3A_76 = arith.constant 0 : i32
    %dma_start3A_77 = tpu.memref_slice %arg5[%dma_start3A_72, %dma_start3A_76] : memref<10x128xi32, #tpu.memory_space<vmem>> -> memref<1x128xi32, #tpu.memory_space<vmem>>
    %dma_start3A_78 = tpu.memref_squeeze %dma_start3A_77 : memref<1x128xi32, #tpu.memory_space<vmem>> -> memref<128xi32, #tpu.memory_space<vmem>>
    %dma_start3A_79 = arith.constant 0 : i32
    %dma_start3A_80 = arith.constant 0 : i32
    %dma_start3A_81 = tpu.memref_slice %arg2[%dma_start3A_79, %dma_start3A_80] : memref<20480x64xf32, #tpu.memory_space<hbm>> -> memref<20480x64xf32, #tpu.memory_space<hbm>>
    tpu.enqueue_indirect_dma source(%dma_start3A_81 : memref<20480x64xf32, #tpu.memory_space<hbm>>) target(%dma_start3A_75 : memref<128x64xf32, #tpu.memory_space<vmem>>) offsets(%dma_start3A_78 : memref<128xi32, #tpu.memory_space<vmem>>) semaphore(%arg7 : memref<!tpu.dma_semaphore, #tpu.memory_space<semaphore_mem>>)
    %dma_start3A_82 = arith.constant 8 : i32
    %dma_start3A_83 = arith.constant 1024 : i32
    %dma_start3A_84 = arith.constant 0 : i32
    %dma_start3A_85 = tpu.memref_slice %arg6[%dma_start3A_83, %dma_start3A_84] : memref<1280x64xf32, #tpu.memory_space<vmem>> -> memref<128x64xf32, #tpu.memory_space<vmem>>
    %dma_start3A_86 = arith.constant 0 : i32
    %dma_start3A_87 = tpu.memref_slice %arg5[%dma_start3A_82, %dma_start3A_86] : memref<10x128xi32, #tpu.memory_space<vmem>> -> memref<1x128xi32, #tpu.memory_space<vmem>>
    %dma_start3A_88 = tpu.memref_squeeze %dma_start3A_87 : memref<1x128xi32, #tpu.memory_space<vmem>> -> memref<128xi32, #tpu.memory_space<vmem>>
    %dma_start3A_89 = arith.constant 0 : i32
    %dma_start3A_90 = arith.constant 0 : i32
    %dma_start3A_91 = tpu.memref_slice %arg2[%dma_start3A_89, %dma_start3A_90] : memref<20480x64xf32, #tpu.memory_space<hbm>> -> memref<20480x64xf32, #tpu.memory_space<hbm>>
    tpu.enqueue_indirect_dma source(%dma_start3A_91 : memref<20480x64xf32, #tpu.memory_space<hbm>>) target(%dma_start3A_85 : memref<128x64xf32, #tpu.memory_space<vmem>>) offsets(%dma_start3A_88 : memref<128xi32, #tpu.memory_space<vmem>>) semaphore(%arg7 : memref<!tpu.dma_semaphore, #tpu.memory_space<semaphore_mem>>)
    %dma_start3A_92 = arith.constant 9 : i32
    %dma_start3A_93 = arith.constant 1152 : i32
    %dma_start3A_94 = arith.constant 0 : i32
    %dma_start3A_95 = tpu.memref_slice %arg6[%dma_start3A_93, %dma_start3A_94] : memref<1280x64xf32, #tpu.memory_space<vmem>> -> memref<128x64xf32, #tpu.memory_space<vmem>>
    %dma_start3A_96 = arith.constant 0 : i32
    %dma_start3A_97 = tpu.memref_slice %arg5[%dma_start3A_92, %dma_start3A_96] : memref<10x128xi32, #tpu.memory_space<vmem>> -> memref<1x128xi32, #tpu.memory_space<vmem>>
    %dma_start3A_98 = tpu.memref_squeeze %dma_start3A_97 : memref<1x128xi32, #tpu.memory_space<vmem>> -> memref<128xi32, #tpu.memory_space<vmem>>
    %dma_start3A_99 = arith.constant 0 : i32
    %dma_start3A_100 = arith.constant 0 : i32
    %dma_start3A_101 = tpu.memref_slice %arg2[%dma_start3A_99, %dma_start3A_100] : memref<20480x64xf32, #tpu.memory_space<hbm>> -> memref<20480x64xf32, #tpu.memory_space<hbm>>
    tpu.enqueue_indirect_dma source(%dma_start3A_101 : memref<20480x64xf32, #tpu.memory_space<hbm>>) target(%dma_start3A_95 : memref<128x64xf32, #tpu.memory_space<vmem>>) offsets(%dma_start3A_98 : memref<128xi32, #tpu.memory_space<vmem>>) semaphore(%arg7 : memref<!tpu.dma_semaphore, #tpu.memory_space<semaphore_mem>>)
    %dma_wait3A = arith.constant 0 : i32
    %dma_wait3A_102 = arith.constant 0 : i32
    %dma_wait3A_103 = arith.constant 0 : i32
    %dma_wait3A_104 = tpu.memref_slice %arg6[%dma_wait3A_102, %dma_wait3A_103] : memref<1280x64xf32, #tpu.memory_space<vmem>> -> memref<128x64xf32, #tpu.memory_space<vmem>>
    %dma_wait3A_105 = arith.constant 0 : i32
    %dma_wait3A_106 = tpu.memref_slice %arg5[%dma_wait3A, %dma_wait3A_105] : memref<10x128xi32, #tpu.memory_space<vmem>> -> memref<1x128xi32, #tpu.memory_space<vmem>>
    %dma_wait3A_107 = tpu.memref_squeeze %dma_wait3A_106 : memref<1x128xi32, #tpu.memory_space<vmem>> -> memref<128xi32, #tpu.memory_space<vmem>>
    %dma_wait3A_108 = arith.constant 0 : i32
    %dma_wait3A_109 = arith.constant 0 : i32
    %dma_wait3A_110 = tpu.memref_slice %arg2[%dma_wait3A_108, %dma_wait3A_109] : memref<20480x64xf32, #tpu.memory_space<hbm>> -> memref<20480x64xf32, #tpu.memory_space<hbm>>
    tpu.wait_indirect_dma semaphore(%arg7 : memref<!tpu.dma_semaphore, #tpu.memory_space<semaphore_mem>>) src(%dma_wait3A_110 : memref<20480x64xf32, #tpu.memory_space<hbm>>) dst(%dma_wait3A_104 : memref<128x64xf32, #tpu.memory_space<vmem>>)
    %dma_wait3A_111 = arith.constant 1 : i32
    %dma_wait3A_112 = arith.constant 128 : i32
    %dma_wait3A_113 = arith.constant 0 : i32
    %dma_wait3A_114 = tpu.memref_slice %arg6[%dma_wait3A_112, %dma_wait3A_113] : memref<1280x64xf32, #tpu.memory_space<vmem>> -> memref<128x64xf32, #tpu.memory_space<vmem>>
    %dma_wait3A_115 = arith.constant 0 : i32
    %dma_wait3A_116 = tpu.memref_slice %arg5[%dma_wait3A_111, %dma_wait3A_115] : memref<10x128xi32, #tpu.memory_space<vmem>> -> memref<1x128xi32, #tpu.memory_space<vmem>>
    %dma_wait3A_117 = tpu.memref_squeeze %dma_wait3A_116 : memref<1x128xi32, #tpu.memory_space<vmem>> -> memref<128xi32, #tpu.memory_space<vmem>>
    %dma_wait3A_118 = arith.constant 0 : i32
    %dma_wait3A_119 = arith.constant 0 : i32
    %dma_wait3A_120 = tpu.memref_slice %arg2[%dma_wait3A_118, %dma_wait3A_119] : memref<20480x64xf32, #tpu.memory_space<hbm>> -> memref<20480x64xf32, #tpu.memory_space<hbm>>
    tpu.wait_indirect_dma semaphore(%arg7 : memref<!tpu.dma_semaphore, #tpu.memory_space<semaphore_mem>>) src(%dma_wait3A_120 : memref<20480x64xf32, #tpu.memory_space<hbm>>) dst(%dma_wait3A_114 : memref<128x64xf32, #tpu.memory_space<vmem>>)
    %dma_wait3A_121 = arith.constant 2 : i32
    %dma_wait3A_122 = arith.constant 256 : i32
    %dma_wait3A_123 = arith.constant 0 : i32
    %dma_wait3A_124 = tpu.memref_slice %arg6[%dma_wait3A_122, %dma_wait3A_123] : memref<1280x64xf32, #tpu.memory_space<vmem>> -> memref<128x64xf32, #tpu.memory_space<vmem>>
    %dma_wait3A_125 = arith.constant 0 : i32
    %dma_wait3A_126 = tpu.memref_slice %arg5[%dma_wait3A_121, %dma_wait3A_125] : memref<10x128xi32, #tpu.memory_space<vmem>> -> memref<1x128xi32, #tpu.memory_space<vmem>>
    %dma_wait3A_127 = tpu.memref_squeeze %dma_wait3A_126 : memref<1x128xi32, #tpu.memory_space<vmem>> -> memref<128xi32, #tpu.memory_space<vmem>>
    %dma_wait3A_128 = arith.constant 0 : i32
    %dma_wait3A_129 = arith.constant 0 : i32
    %dma_wait3A_130 = tpu.memref_slice %arg2[%dma_wait3A_128, %dma_wait3A_129] : memref<20480x64xf32, #tpu.memory_space<hbm>> -> memref<20480x64xf32, #tpu.memory_space<hbm>>
    tpu.wait_indirect_dma semaphore(%arg7 : memref<!tpu.dma_semaphore, #tpu.memory_space<semaphore_mem>>) src(%dma_wait3A_130 : memref<20480x64xf32, #tpu.memory_space<hbm>>) dst(%dma_wait3A_124 : memref<128x64xf32, #tpu.memory_space<vmem>>)
    %dma_wait3A_131 = arith.constant 3 : i32
    %dma_wait3A_132 = arith.constant 384 : i32
    %dma_wait3A_133 = arith.constant 0 : i32
    %dma_wait3A_134 = tpu.memref_slice %arg6[%dma_wait3A_132, %dma_wait3A_133] : memref<1280x64xf32, #tpu.memory_space<vmem>> -> memref<128x64xf32, #tpu.memory_space<vmem>>
    %dma_wait3A_135 = arith.constant 0 : i32
    %dma_wait3A_136 = tpu.memref_slice %arg5[%dma_wait3A_131, %dma_wait3A_135] : memref<10x128xi32, #tpu.memory_space<vmem>> -> memref<1x128xi32, #tpu.memory_space<vmem>>
    %dma_wait3A_137 = tpu.memref_squeeze %dma_wait3A_136 : memref<1x128xi32, #tpu.memory_space<vmem>> -> memref<128xi32, #tpu.memory_space<vmem>>
    %dma_wait3A_138 = arith.constant 0 : i32
    %dma_wait3A_139 = arith.constant 0 : i32
    %dma_wait3A_140 = tpu.memref_slice %arg2[%dma_wait3A_138, %dma_wait3A_139] : memref<20480x64xf32, #tpu.memory_space<hbm>> -> memref<20480x64xf32, #tpu.memory_space<hbm>>
    tpu.wait_indirect_dma semaphore(%arg7 : memref<!tpu.dma_semaphore, #tpu.memory_space<semaphore_mem>>) src(%dma_wait3A_140 : memref<20480x64xf32, #tpu.memory_space<hbm>>) dst(%dma_wait3A_134 : memref<128x64xf32, #tpu.memory_space<vmem>>)
    %dma_wait3A_141 = arith.constant 4 : i32
    %dma_wait3A_142 = arith.constant 512 : i32
    %dma_wait3A_143 = arith.constant 0 : i32
    %dma_wait3A_144 = tpu.memref_slice %arg6[%dma_wait3A_142, %dma_wait3A_143] : memref<1280x64xf32, #tpu.memory_space<vmem>> -> memref<128x64xf32, #tpu.memory_space<vmem>>
    %dma_wait3A_145 = arith.constant 0 : i32
    %dma_wait3A_146 = tpu.memref_slice %arg5[%dma_wait3A_141, %dma_wait3A_145] : memref<10x128xi32, #tpu.memory_space<vmem>> -> memref<1x128xi32, #tpu.memory_space<vmem>>
    %dma_wait3A_147 = tpu.memref_squeeze %dma_wait3A_146 : memref<1x128xi32, #tpu.memory_space<vmem>> -> memref<128xi32, #tpu.memory_space<vmem>>
    %dma_wait3A_148 = arith.constant 0 : i32
    %dma_wait3A_149 = arith.constant 0 : i32
    %dma_wait3A_150 = tpu.memref_slice %arg2[%dma_wait3A_148, %dma_wait3A_149] : memref<20480x64xf32, #tpu.memory_space<hbm>> -> memref<20480x64xf32, #tpu.memory_space<hbm>>
    tpu.wait_indirect_dma semaphore(%arg7 : memref<!tpu.dma_semaphore, #tpu.memory_space<semaphore_mem>>) src(%dma_wait3A_150 : memref<20480x64xf32, #tpu.memory_space<hbm>>) dst(%dma_wait3A_144 : memref<128x64xf32, #tpu.memory_space<vmem>>)
    %dma_wait3A_151 = arith.constant 5 : i32
    %dma_wait3A_152 = arith.constant 640 : i32
    %dma_wait3A_153 = arith.constant 0 : i32
    %dma_wait3A_154 = tpu.memref_slice %arg6[%dma_wait3A_152, %dma_wait3A_153] : memref<1280x64xf32, #tpu.memory_space<vmem>> -> memref<128x64xf32, #tpu.memory_space<vmem>>
    %dma_wait3A_155 = arith.constant 0 : i32
    %dma_wait3A_156 = tpu.memref_slice %arg5[%dma_wait3A_151, %dma_wait3A_155] : memref<10x128xi32, #tpu.memory_space<vmem>> -> memref<1x128xi32, #tpu.memory_space<vmem>>
    %dma_wait3A_157 = tpu.memref_squeeze %dma_wait3A_156 : memref<1x128xi32, #tpu.memory_space<vmem>> -> memref<128xi32, #tpu.memory_space<vmem>>
    %dma_wait3A_158 = arith.constant 0 : i32
    %dma_wait3A_159 = arith.constant 0 : i32
    %dma_wait3A_160 = tpu.memref_slice %arg2[%dma_wait3A_158, %dma_wait3A_159] : memref<20480x64xf32, #tpu.memory_space<hbm>> -> memref<20480x64xf32, #tpu.memory_space<hbm>>
    tpu.wait_indirect_dma semaphore(%arg7 : memref<!tpu.dma_semaphore, #tpu.memory_space<semaphore_mem>>) src(%dma_wait3A_160 : memref<20480x64xf32, #tpu.memory_space<hbm>>) dst(%dma_wait3A_154 : memref<128x64xf32, #tpu.memory_space<vmem>>)
    %dma_wait3A_161 = arith.constant 6 : i32
    %dma_wait3A_162 = arith.constant 768 : i32
    %dma_wait3A_163 = arith.constant 0 : i32
    %dma_wait3A_164 = tpu.memref_slice %arg6[%dma_wait3A_162, %dma_wait3A_163] : memref<1280x64xf32, #tpu.memory_space<vmem>> -> memref<128x64xf32, #tpu.memory_space<vmem>>
    %dma_wait3A_165 = arith.constant 0 : i32
    %dma_wait3A_166 = tpu.memref_slice %arg5[%dma_wait3A_161, %dma_wait3A_165] : memref<10x128xi32, #tpu.memory_space<vmem>> -> memref<1x128xi32, #tpu.memory_space<vmem>>
    %dma_wait3A_167 = tpu.memref_squeeze %dma_wait3A_166 : memref<1x128xi32, #tpu.memory_space<vmem>> -> memref<128xi32, #tpu.memory_space<vmem>>
    %dma_wait3A_168 = arith.constant 0 : i32
    %dma_wait3A_169 = arith.constant 0 : i32
    %dma_wait3A_170 = tpu.memref_slice %arg2[%dma_wait3A_168, %dma_wait3A_169] : memref<20480x64xf32, #tpu.memory_space<hbm>> -> memref<20480x64xf32, #tpu.memory_space<hbm>>
    tpu.wait_indirect_dma semaphore(%arg7 : memref<!tpu.dma_semaphore, #tpu.memory_space<semaphore_mem>>) src(%dma_wait3A_170 : memref<20480x64xf32, #tpu.memory_space<hbm>>) dst(%dma_wait3A_164 : memref<128x64xf32, #tpu.memory_space<vmem>>)
    %dma_wait3A_171 = arith.constant 7 : i32
    %dma_wait3A_172 = arith.constant 896 : i32
    %dma_wait3A_173 = arith.constant 0 : i32
    %dma_wait3A_174 = tpu.memref_slice %arg6[%dma_wait3A_172, %dma_wait3A_173] : memref<1280x64xf32, #tpu.memory_space<vmem>> -> memref<128x64xf32, #tpu.memory_space<vmem>>
    %dma_wait3A_175 = arith.constant 0 : i32
    %dma_wait3A_176 = tpu.memref_slice %arg5[%dma_wait3A_171, %dma_wait3A_175] : memref<10x128xi32, #tpu.memory_space<vmem>> -> memref<1x128xi32, #tpu.memory_space<vmem>>
    %dma_wait3A_177 = tpu.memref_squeeze %dma_wait3A_176 : memref<1x128xi32, #tpu.memory_space<vmem>> -> memref<128xi32, #tpu.memory_space<vmem>>
    %dma_wait3A_178 = arith.constant 0 : i32
    %dma_wait3A_179 = arith.constant 0 : i32
    %dma_wait3A_180 = tpu.memref_slice %arg2[%dma_wait3A_178, %dma_wait3A_179] : memref<20480x64xf32, #tpu.memory_space<hbm>> -> memref<20480x64xf32, #tpu.memory_space<hbm>>
    tpu.wait_indirect_dma semaphore(%arg7 : memref<!tpu.dma_semaphore, #tpu.memory_space<semaphore_mem>>) src(%dma_wait3A_180 : memref<20480x64xf32, #tpu.memory_space<hbm>>) dst(%dma_wait3A_174 : memref<128x64xf32, #tpu.memory_space<vmem>>)
    %dma_wait3A_181 = arith.constant 8 : i32
    %dma_wait3A_182 = arith.constant 1024 : i32
    %dma_wait3A_183 = arith.constant 0 : i32
    %dma_wait3A_184 = tpu.memref_slice %arg6[%dma_wait3A_182, %dma_wait3A_183] : memref<1280x64xf32, #tpu.memory_space<vmem>> -> memref<128x64xf32, #tpu.memory_space<vmem>>
    %dma_wait3A_185 = arith.constant 0 : i32
    %dma_wait3A_186 = tpu.memref_slice %arg5[%dma_wait3A_181, %dma_wait3A_185] : memref<10x128xi32, #tpu.memory_space<vmem>> -> memref<1x128xi32, #tpu.memory_space<vmem>>
    %dma_wait3A_187 = tpu.memref_squeeze %dma_wait3A_186 : memref<1x128xi32, #tpu.memory_space<vmem>> -> memref<128xi32, #tpu.memory_space<vmem>>
    %dma_wait3A_188 = arith.constant 0 : i32
    %dma_wait3A_189 = arith.constant 0 : i32
    %dma_wait3A_190 = tpu.memref_slice %arg2[%dma_wait3A_188, %dma_wait3A_189] : memref<20480x64xf32, #tpu.memory_space<hbm>> -> memref<20480x64xf32, #tpu.memory_space<hbm>>
    tpu.wait_indirect_dma semaphore(%arg7 : memref<!tpu.dma_semaphore, #tpu.memory_space<semaphore_mem>>) src(%dma_wait3A_190 : memref<20480x64xf32, #tpu.memory_space<hbm>>) dst(%dma_wait3A_184 : memref<128x64xf32, #tpu.memory_space<vmem>>)
    %dma_wait3A_191 = arith.constant 9 : i32
    %dma_wait3A_192 = arith.constant 1152 : i32
    %dma_wait3A_193 = arith.constant 0 : i32
    %dma_wait3A_194 = tpu.memref_slice %arg6[%dma_wait3A_192, %dma_wait3A_193] : memref<1280x64xf32, #tpu.memory_space<vmem>> -> memref<128x64xf32, #tpu.memory_space<vmem>>
    %dma_wait3A_195 = arith.constant 0 : i32
    %dma_wait3A_196 = tpu.memref_slice %arg5[%dma_wait3A_191, %dma_wait3A_195] : memref<10x128xi32, #tpu.memory_space<vmem>> -> memref<1x128xi32, #tpu.memory_space<vmem>>
    %dma_wait3A_197 = tpu.memref_squeeze %dma_wait3A_196 : memref<1x128xi32, #tpu.memory_space<vmem>> -> memref<128xi32, #tpu.memory_space<vmem>>
    %dma_wait3A_198 = arith.constant 0 : i32
    %dma_wait3A_199 = arith.constant 0 : i32
    %dma_wait3A_200 = tpu.memref_slice %arg2[%dma_wait3A_198, %dma_wait3A_199] : memref<20480x64xf32, #tpu.memory_space<hbm>> -> memref<20480x64xf32, #tpu.memory_space<hbm>>
    tpu.wait_indirect_dma semaphore(%arg7 : memref<!tpu.dma_semaphore, #tpu.memory_space<semaphore_mem>>) src(%dma_wait3A_200 : memref<20480x64xf32, #tpu.memory_space<hbm>>) dst(%dma_wait3A_194 : memref<128x64xf32, #tpu.memory_space<vmem>>)
    "tpu.region"() ({
      %run_scoped3A = tpu.sem_alloc : memref<!tpu.dma_semaphore, #tpu.memory_space<semaphore_mem>>
      %dma_start3A_201 = arith.constant 0 : i32
      %dma_start3A_202 = tpu.memref_slice %arg4[%mul3A_2, %dma_start3A_201] : memref<40960x64xf32, #tpu.memory_space<hbm>> -> memref<1280x64xf32, #tpu.memory_space<hbm>>
      %dma_start3A_203 = arith.constant 0 : i32
      %dma_start3A_204 = tpu.memref_slice %arg4[%mul3A_2, %dma_start3A_203] : memref<40960x64xf32, #tpu.memory_space<hbm>> -> memref<1280x64xf32, #tpu.memory_space<hbm>>
      tpu.enqueue_dma source(%arg6 : memref<1280x64xf32, #tpu.memory_space<vmem>>) target(%dma_start3A_204 : memref<1280x64xf32, #tpu.memory_space<hbm>>) target_semaphore(%run_scoped3A : memref<!tpu.dma_semaphore, #tpu.memory_space<semaphore_mem>>)
      %dma_wait3A_205 = arith.constant 0 : i32
      %dma_wait3A_206 = tpu.memref_slice %arg4[%mul3A_2, %dma_wait3A_205] : memref<40960x64xf32, #tpu.memory_space<hbm>> -> memref<1280x64xf32, #tpu.memory_space<hbm>>
      %dma_wait3A_207 = arith.constant 0 : i32
      %dma_wait3A_208 = tpu.memref_slice %arg4[%mul3A_2, %dma_wait3A_207] : memref<40960x64xf32, #tpu.memory_space<hbm>> -> memref<1280x64xf32, #tpu.memory_space<hbm>>
      tpu.wait_dma2 semaphore(%run_scoped3A : memref<!tpu.dma_semaphore, #tpu.memory_space<semaphore_mem>>) src(%arg6 : memref<1280x64xf32, #tpu.memory_space<vmem>>) dst(%dma_wait3A_208 : memref<1280x64xf32, #tpu.memory_space<hbm>>)
      tpu.yield
    }) : () -> ()
    return
  }
}

#map = affine_map<(d0, d1) -> (0, 0)>
#map1 = affine_map<(d0, d1) -> (0, 0, 0, 0)>
#map2 = affine_map<(d0, d1) -> (0, 0, 0)>
module attributes {stable_mosaic.version = 14 : i64} {
  func.func @k(%arg0: i32, %arg1: i32, %arg2: memref<40960x64xf32, #tpu.memory_space<hbm>>, %arg3: memref<2x16x10x128xi32, #tpu.memory_space<hbm>>, %arg4: memref<10368x64xf32, #tpu.memory_space<hbm>>, %arg5: memref<2x10240x64xf32, #tpu.memory_space<hbm>>, %arg6: memref<10x128xi32, #tpu.memory_space<vmem>>, %arg7: memref<1280x64xf32, #tpu.memory_space<vmem>>, %arg8: memref<10368x64xf32, #tpu.memory_space<vmem_shared>>) attributes {dimension_semantics = [#tpu.dimension_semantics<core_parallel>, #tpu.dimension_semantics<subcore_parallel>], iteration_bounds = array<i64: 2, 16>, scalar_prefetch = 0 : i64, scratch_operands = 3 : i64, tpu.core_type = #tpu.core_type<sc_vector_subcore>, window_params = [{transform_indices = #map}, {transform_indices = #map1}, {transform_indices = #map}, {transform_indices = #map2}]} {
    %mul3A = arith.constant 648 : i32
    %mul3A_0 = arith.muli %arg1, %mul3A : i32
    %mul3A_1 = arith.constant 648 : i32
    %mul3A_2 = arith.muli %arg1, %mul3A_1 : i32
    "tpu.region"() ({
      %run_scoped3A_21 = tpu.sem_alloc : memref<!tpu.dma_semaphore, #tpu.memory_space<semaphore_mem>>
      %dma_start3A = arith.constant 0 : i32
      %dma_start3A_22 = tpu.memref_slice %arg8[%mul3A_2, %dma_start3A] : memref<10368x64xf32, #tpu.memory_space<vmem_shared>> -> memref<648x64xf32, #tpu.memory_space<vmem_shared>>
      %dma_start3A_23 = arith.constant 0 : i32
      %dma_start3A_24 = tpu.memref_slice %arg4[%mul3A_0, %dma_start3A_23] : memref<10368x64xf32, #tpu.memory_space<hbm>> -> memref<648x64xf32, #tpu.memory_space<hbm>>
      tpu.enqueue_dma source(%dma_start3A_24 : memref<648x64xf32, #tpu.memory_space<hbm>>) target(%dma_start3A_22 : memref<648x64xf32, #tpu.memory_space<vmem_shared>>) target_semaphore(%run_scoped3A_21 : memref<!tpu.dma_semaphore, #tpu.memory_space<semaphore_mem>>)
      %dma_wait3A = arith.constant 0 : i32
      %dma_wait3A_25 = tpu.memref_slice %arg8[%mul3A_2, %dma_wait3A] : memref<10368x64xf32, #tpu.memory_space<vmem_shared>> -> memref<648x64xf32, #tpu.memory_space<vmem_shared>>
      %dma_wait3A_26 = arith.constant 0 : i32
      %dma_wait3A_27 = tpu.memref_slice %arg4[%mul3A_0, %dma_wait3A_26] : memref<10368x64xf32, #tpu.memory_space<hbm>> -> memref<648x64xf32, #tpu.memory_space<hbm>>
      tpu.wait_dma2 semaphore(%run_scoped3A_21 : memref<!tpu.dma_semaphore, #tpu.memory_space<semaphore_mem>>) src(%dma_wait3A_27 : memref<648x64xf32, #tpu.memory_space<hbm>>) dst(%dma_wait3A_25 : memref<648x64xf32, #tpu.memory_space<vmem_shared>>)
      tpu.yield
    }) : () -> ()
    "tpu.region"() ({
      %run_scoped3A_21 = tpu.sem_alloc : memref<!tpu.dma_semaphore, #tpu.memory_space<semaphore_mem>>
      %dma_start3A = arith.constant 0 : i32
      %dma_start3A_22 = arith.constant 0 : i32
      %dma_start3A_23 = tpu.memref_slice %arg3[%arg0, %arg1, %dma_start3A, %dma_start3A_22] : memref<2x16x10x128xi32, #tpu.memory_space<hbm>> -> memref<1x1x10x128xi32, #tpu.memory_space<hbm>>
      %dma_start3A_24 = tpu.memref_squeeze %dma_start3A_23 : memref<1x1x10x128xi32, #tpu.memory_space<hbm>> -> memref<10x128xi32, #tpu.memory_space<hbm>>
      %dma_start3A_25 = arith.constant 0 : i32
      %dma_start3A_26 = arith.constant 0 : i32
      %dma_start3A_27 = tpu.memref_slice %arg3[%arg0, %arg1, %dma_start3A_25, %dma_start3A_26] : memref<2x16x10x128xi32, #tpu.memory_space<hbm>> -> memref<1x1x10x128xi32, #tpu.memory_space<hbm>>
      %dma_start3A_28 = tpu.memref_squeeze %dma_start3A_27 : memref<1x1x10x128xi32, #tpu.memory_space<hbm>> -> memref<10x128xi32, #tpu.memory_space<hbm>>
      tpu.enqueue_dma source(%dma_start3A_28 : memref<10x128xi32, #tpu.memory_space<hbm>>) target(%arg6 : memref<10x128xi32, #tpu.memory_space<vmem>>) target_semaphore(%run_scoped3A_21 : memref<!tpu.dma_semaphore, #tpu.memory_space<semaphore_mem>>)
      %dma_wait3A = arith.constant 0 : i32
      %dma_wait3A_29 = arith.constant 0 : i32
      %dma_wait3A_30 = tpu.memref_slice %arg3[%arg0, %arg1, %dma_wait3A, %dma_wait3A_29] : memref<2x16x10x128xi32, #tpu.memory_space<hbm>> -> memref<1x1x10x128xi32, #tpu.memory_space<hbm>>
      %dma_wait3A_31 = tpu.memref_squeeze %dma_wait3A_30 : memref<1x1x10x128xi32, #tpu.memory_space<hbm>> -> memref<10x128xi32, #tpu.memory_space<hbm>>
      %dma_wait3A_32 = arith.constant 0 : i32
      %dma_wait3A_33 = arith.constant 0 : i32
      %dma_wait3A_34 = tpu.memref_slice %arg3[%arg0, %arg1, %dma_wait3A_32, %dma_wait3A_33] : memref<2x16x10x128xi32, #tpu.memory_space<hbm>> -> memref<1x1x10x128xi32, #tpu.memory_space<hbm>>
      %dma_wait3A_35 = tpu.memref_squeeze %dma_wait3A_34 : memref<1x1x10x128xi32, #tpu.memory_space<hbm>> -> memref<10x128xi32, #tpu.memory_space<hbm>>
      tpu.wait_dma2 semaphore(%run_scoped3A_21 : memref<!tpu.dma_semaphore, #tpu.memory_space<semaphore_mem>>) src(%dma_wait3A_35 : memref<10x128xi32, #tpu.memory_space<hbm>>) dst(%arg6 : memref<10x128xi32, #tpu.memory_space<vmem>>)
      tpu.yield
    }) : () -> ()
    %mul3A_3 = arith.constant 20480 : i32
    %mul3A_4 = arith.muli %arg0, %mul3A_3 : i32
    %mul3A_5 = arith.constant 1280 : i32
    %mul3A_6 = arith.muli %arg1, %mul3A_5 : i32
    %add3A = arith.addi %mul3A_4, %mul3A_6 : i32
    "tpu.region"() ({
      %run_scoped3A_21 = tpu.sem_alloc : memref<!tpu.dma_semaphore, #tpu.memory_space<semaphore_mem>>
      %dma_start3A = arith.constant 0 : i32
      %dma_start3A_22 = tpu.memref_slice %arg2[%add3A, %dma_start3A] : memref<40960x64xf32, #tpu.memory_space<hbm>> -> memref<1280x64xf32, #tpu.memory_space<hbm>>
      %dma_start3A_23 = arith.constant 0 : i32
      %dma_start3A_24 = tpu.memref_slice %arg2[%add3A, %dma_start3A_23] : memref<40960x64xf32, #tpu.memory_space<hbm>> -> memref<1280x64xf32, #tpu.memory_space<hbm>>
      tpu.enqueue_dma source(%dma_start3A_24 : memref<1280x64xf32, #tpu.memory_space<hbm>>) target(%arg7 : memref<1280x64xf32, #tpu.memory_space<vmem>>) target_semaphore(%run_scoped3A_21 : memref<!tpu.dma_semaphore, #tpu.memory_space<semaphore_mem>>)
      %dma_wait3A = arith.constant 0 : i32
      %dma_wait3A_25 = tpu.memref_slice %arg2[%add3A, %dma_wait3A] : memref<40960x64xf32, #tpu.memory_space<hbm>> -> memref<1280x64xf32, #tpu.memory_space<hbm>>
      %dma_wait3A_26 = arith.constant 0 : i32
      %dma_wait3A_27 = tpu.memref_slice %arg2[%add3A, %dma_wait3A_26] : memref<40960x64xf32, #tpu.memory_space<hbm>> -> memref<1280x64xf32, #tpu.memory_space<hbm>>
      tpu.wait_dma2 semaphore(%run_scoped3A_21 : memref<!tpu.dma_semaphore, #tpu.memory_space<semaphore_mem>>) src(%dma_wait3A_27 : memref<1280x64xf32, #tpu.memory_space<hbm>>) dst(%arg7 : memref<1280x64xf32, #tpu.memory_space<vmem>>)
      tpu.yield
    }) : () -> ()
    %barrier3A = arith.constant 0 : index
    tpu.barrier barrier_id(%barrier3A)
    %run_scoped3A = arith.constant 0 : i32
    "tpu.region"() ({
      %run_scoped3A_21 = tpu.sem_alloc : memref<!tpu.dma_semaphore, #tpu.memory_space<semaphore_mem>>
      %dma_start3A = arith.constant 0 : i32
      %dma_start3A_22 = arith.constant 0 : i32
      %dma_start3A_23 = tpu.memref_slice %arg7[%dma_start3A, %dma_start3A_22] : memref<1280x64xf32, #tpu.memory_space<vmem>> -> memref<128x64xf32, #tpu.memory_space<vmem>>
      %dma_start3A_24 = arith.constant 0 : i32
      %dma_start3A_25 = tpu.memref_slice %arg6[%run_scoped3A, %dma_start3A_24] : memref<10x128xi32, #tpu.memory_space<vmem>> -> memref<1x128xi32, #tpu.memory_space<vmem>>
      %dma_start3A_26 = tpu.memref_squeeze %dma_start3A_25 : memref<1x128xi32, #tpu.memory_space<vmem>> -> memref<128xi32, #tpu.memory_space<vmem>>
      %dma_start3A_27 = arith.constant 0 : i32
      %dma_start3A_28 = arith.constant 0 : i32
      %dma_start3A_29 = tpu.memref_slice %arg8[%dma_start3A_27, %dma_start3A_28] : memref<10368x64xf32, #tpu.memory_space<vmem_shared>> -> memref<10368x64xf32, #tpu.memory_space<vmem_shared>>
      tpu.enqueue_indirect_dma source(%dma_start3A_23 : memref<128x64xf32, #tpu.memory_space<vmem>>) target(%dma_start3A_29 : memref<10368x64xf32, #tpu.memory_space<vmem_shared>>) offsets(%dma_start3A_26 : memref<128xi32, #tpu.memory_space<vmem>>) semaphore(%run_scoped3A_21 : memref<!tpu.dma_semaphore, #tpu.memory_space<semaphore_mem>>) {add = true}
      %dma_wait3A = arith.constant 0 : i32
      %dma_wait3A_30 = arith.constant 0 : i32
      %dma_wait3A_31 = tpu.memref_slice %arg7[%dma_wait3A, %dma_wait3A_30] : memref<1280x64xf32, #tpu.memory_space<vmem>> -> memref<128x64xf32, #tpu.memory_space<vmem>>
      %dma_wait3A_32 = arith.constant 0 : i32
      %dma_wait3A_33 = tpu.memref_slice %arg6[%run_scoped3A, %dma_wait3A_32] : memref<10x128xi32, #tpu.memory_space<vmem>> -> memref<1x128xi32, #tpu.memory_space<vmem>>
      %dma_wait3A_34 = tpu.memref_squeeze %dma_wait3A_33 : memref<1x128xi32, #tpu.memory_space<vmem>> -> memref<128xi32, #tpu.memory_space<vmem>>
      %dma_wait3A_35 = arith.constant 0 : i32
      %dma_wait3A_36 = arith.constant 0 : i32
      %dma_wait3A_37 = tpu.memref_slice %arg8[%dma_wait3A_35, %dma_wait3A_36] : memref<10368x64xf32, #tpu.memory_space<vmem_shared>> -> memref<10368x64xf32, #tpu.memory_space<vmem_shared>>
      tpu.wait_indirect_dma semaphore(%run_scoped3A_21 : memref<!tpu.dma_semaphore, #tpu.memory_space<semaphore_mem>>) src(%dma_wait3A_31 : memref<128x64xf32, #tpu.memory_space<vmem>>) dst(%dma_wait3A_37 : memref<10368x64xf32, #tpu.memory_space<vmem_shared>>)
      tpu.yield
    }) : () -> ()
    %run_scoped3A_7 = arith.constant 1 : i32
    "tpu.region"() ({
      %run_scoped3A_21 = tpu.sem_alloc : memref<!tpu.dma_semaphore, #tpu.memory_space<semaphore_mem>>
      %dma_start3A = arith.constant 128 : i32
      %dma_start3A_22 = arith.constant 0 : i32
      %dma_start3A_23 = tpu.memref_slice %arg7[%dma_start3A, %dma_start3A_22] : memref<1280x64xf32, #tpu.memory_space<vmem>> -> memref<128x64xf32, #tpu.memory_space<vmem>>
      %dma_start3A_24 = arith.constant 0 : i32
      %dma_start3A_25 = tpu.memref_slice %arg6[%run_scoped3A_7, %dma_start3A_24] : memref<10x128xi32, #tpu.memory_space<vmem>> -> memref<1x128xi32, #tpu.memory_space<vmem>>
      %dma_start3A_26 = tpu.memref_squeeze %dma_start3A_25 : memref<1x128xi32, #tpu.memory_space<vmem>> -> memref<128xi32, #tpu.memory_space<vmem>>
      %dma_start3A_27 = arith.constant 0 : i32
      %dma_start3A_28 = arith.constant 0 : i32
      %dma_start3A_29 = tpu.memref_slice %arg8[%dma_start3A_27, %dma_start3A_28] : memref<10368x64xf32, #tpu.memory_space<vmem_shared>> -> memref<10368x64xf32, #tpu.memory_space<vmem_shared>>
      tpu.enqueue_indirect_dma source(%dma_start3A_23 : memref<128x64xf32, #tpu.memory_space<vmem>>) target(%dma_start3A_29 : memref<10368x64xf32, #tpu.memory_space<vmem_shared>>) offsets(%dma_start3A_26 : memref<128xi32, #tpu.memory_space<vmem>>) semaphore(%run_scoped3A_21 : memref<!tpu.dma_semaphore, #tpu.memory_space<semaphore_mem>>) {add = true}
      %dma_wait3A = arith.constant 128 : i32
      %dma_wait3A_30 = arith.constant 0 : i32
      %dma_wait3A_31 = tpu.memref_slice %arg7[%dma_wait3A, %dma_wait3A_30] : memref<1280x64xf32, #tpu.memory_space<vmem>> -> memref<128x64xf32, #tpu.memory_space<vmem>>
      %dma_wait3A_32 = arith.constant 0 : i32
      %dma_wait3A_33 = tpu.memref_slice %arg6[%run_scoped3A_7, %dma_wait3A_32] : memref<10x128xi32, #tpu.memory_space<vmem>> -> memref<1x128xi32, #tpu.memory_space<vmem>>
      %dma_wait3A_34 = tpu.memref_squeeze %dma_wait3A_33 : memref<1x128xi32, #tpu.memory_space<vmem>> -> memref<128xi32, #tpu.memory_space<vmem>>
      %dma_wait3A_35 = arith.constant 0 : i32
      %dma_wait3A_36 = arith.constant 0 : i32
      %dma_wait3A_37 = tpu.memref_slice %arg8[%dma_wait3A_35, %dma_wait3A_36] : memref<10368x64xf32, #tpu.memory_space<vmem_shared>> -> memref<10368x64xf32, #tpu.memory_space<vmem_shared>>
      tpu.wait_indirect_dma semaphore(%run_scoped3A_21 : memref<!tpu.dma_semaphore, #tpu.memory_space<semaphore_mem>>) src(%dma_wait3A_31 : memref<128x64xf32, #tpu.memory_space<vmem>>) dst(%dma_wait3A_37 : memref<10368x64xf32, #tpu.memory_space<vmem_shared>>)
      tpu.yield
    }) : () -> ()
    %run_scoped3A_8 = arith.constant 2 : i32
    "tpu.region"() ({
      %run_scoped3A_21 = tpu.sem_alloc : memref<!tpu.dma_semaphore, #tpu.memory_space<semaphore_mem>>
      %dma_start3A = arith.constant 256 : i32
      %dma_start3A_22 = arith.constant 0 : i32
      %dma_start3A_23 = tpu.memref_slice %arg7[%dma_start3A, %dma_start3A_22] : memref<1280x64xf32, #tpu.memory_space<vmem>> -> memref<128x64xf32, #tpu.memory_space<vmem>>
      %dma_start3A_24 = arith.constant 0 : i32
      %dma_start3A_25 = tpu.memref_slice %arg6[%run_scoped3A_8, %dma_start3A_24] : memref<10x128xi32, #tpu.memory_space<vmem>> -> memref<1x128xi32, #tpu.memory_space<vmem>>
      %dma_start3A_26 = tpu.memref_squeeze %dma_start3A_25 : memref<1x128xi32, #tpu.memory_space<vmem>> -> memref<128xi32, #tpu.memory_space<vmem>>
      %dma_start3A_27 = arith.constant 0 : i32
      %dma_start3A_28 = arith.constant 0 : i32
      %dma_start3A_29 = tpu.memref_slice %arg8[%dma_start3A_27, %dma_start3A_28] : memref<10368x64xf32, #tpu.memory_space<vmem_shared>> -> memref<10368x64xf32, #tpu.memory_space<vmem_shared>>
      tpu.enqueue_indirect_dma source(%dma_start3A_23 : memref<128x64xf32, #tpu.memory_space<vmem>>) target(%dma_start3A_29 : memref<10368x64xf32, #tpu.memory_space<vmem_shared>>) offsets(%dma_start3A_26 : memref<128xi32, #tpu.memory_space<vmem>>) semaphore(%run_scoped3A_21 : memref<!tpu.dma_semaphore, #tpu.memory_space<semaphore_mem>>) {add = true}
      %dma_wait3A = arith.constant 256 : i32
      %dma_wait3A_30 = arith.constant 0 : i32
      %dma_wait3A_31 = tpu.memref_slice %arg7[%dma_wait3A, %dma_wait3A_30] : memref<1280x64xf32, #tpu.memory_space<vmem>> -> memref<128x64xf32, #tpu.memory_space<vmem>>
      %dma_wait3A_32 = arith.constant 0 : i32
      %dma_wait3A_33 = tpu.memref_slice %arg6[%run_scoped3A_8, %dma_wait3A_32] : memref<10x128xi32, #tpu.memory_space<vmem>> -> memref<1x128xi32, #tpu.memory_space<vmem>>
      %dma_wait3A_34 = tpu.memref_squeeze %dma_wait3A_33 : memref<1x128xi32, #tpu.memory_space<vmem>> -> memref<128xi32, #tpu.memory_space<vmem>>
      %dma_wait3A_35 = arith.constant 0 : i32
      %dma_wait3A_36 = arith.constant 0 : i32
      %dma_wait3A_37 = tpu.memref_slice %arg8[%dma_wait3A_35, %dma_wait3A_36] : memref<10368x64xf32, #tpu.memory_space<vmem_shared>> -> memref<10368x64xf32, #tpu.memory_space<vmem_shared>>
      tpu.wait_indirect_dma semaphore(%run_scoped3A_21 : memref<!tpu.dma_semaphore, #tpu.memory_space<semaphore_mem>>) src(%dma_wait3A_31 : memref<128x64xf32, #tpu.memory_space<vmem>>) dst(%dma_wait3A_37 : memref<10368x64xf32, #tpu.memory_space<vmem_shared>>)
      tpu.yield
    }) : () -> ()
    %run_scoped3A_9 = arith.constant 3 : i32
    "tpu.region"() ({
      %run_scoped3A_21 = tpu.sem_alloc : memref<!tpu.dma_semaphore, #tpu.memory_space<semaphore_mem>>
      %dma_start3A = arith.constant 384 : i32
      %dma_start3A_22 = arith.constant 0 : i32
      %dma_start3A_23 = tpu.memref_slice %arg7[%dma_start3A, %dma_start3A_22] : memref<1280x64xf32, #tpu.memory_space<vmem>> -> memref<128x64xf32, #tpu.memory_space<vmem>>
      %dma_start3A_24 = arith.constant 0 : i32
      %dma_start3A_25 = tpu.memref_slice %arg6[%run_scoped3A_9, %dma_start3A_24] : memref<10x128xi32, #tpu.memory_space<vmem>> -> memref<1x128xi32, #tpu.memory_space<vmem>>
      %dma_start3A_26 = tpu.memref_squeeze %dma_start3A_25 : memref<1x128xi32, #tpu.memory_space<vmem>> -> memref<128xi32, #tpu.memory_space<vmem>>
      %dma_start3A_27 = arith.constant 0 : i32
      %dma_start3A_28 = arith.constant 0 : i32
      %dma_start3A_29 = tpu.memref_slice %arg8[%dma_start3A_27, %dma_start3A_28] : memref<10368x64xf32, #tpu.memory_space<vmem_shared>> -> memref<10368x64xf32, #tpu.memory_space<vmem_shared>>
      tpu.enqueue_indirect_dma source(%dma_start3A_23 : memref<128x64xf32, #tpu.memory_space<vmem>>) target(%dma_start3A_29 : memref<10368x64xf32, #tpu.memory_space<vmem_shared>>) offsets(%dma_start3A_26 : memref<128xi32, #tpu.memory_space<vmem>>) semaphore(%run_scoped3A_21 : memref<!tpu.dma_semaphore, #tpu.memory_space<semaphore_mem>>) {add = true}
      %dma_wait3A = arith.constant 384 : i32
      %dma_wait3A_30 = arith.constant 0 : i32
      %dma_wait3A_31 = tpu.memref_slice %arg7[%dma_wait3A, %dma_wait3A_30] : memref<1280x64xf32, #tpu.memory_space<vmem>> -> memref<128x64xf32, #tpu.memory_space<vmem>>
      %dma_wait3A_32 = arith.constant 0 : i32
      %dma_wait3A_33 = tpu.memref_slice %arg6[%run_scoped3A_9, %dma_wait3A_32] : memref<10x128xi32, #tpu.memory_space<vmem>> -> memref<1x128xi32, #tpu.memory_space<vmem>>
      %dma_wait3A_34 = tpu.memref_squeeze %dma_wait3A_33 : memref<1x128xi32, #tpu.memory_space<vmem>> -> memref<128xi32, #tpu.memory_space<vmem>>
      %dma_wait3A_35 = arith.constant 0 : i32
      %dma_wait3A_36 = arith.constant 0 : i32
      %dma_wait3A_37 = tpu.memref_slice %arg8[%dma_wait3A_35, %dma_wait3A_36] : memref<10368x64xf32, #tpu.memory_space<vmem_shared>> -> memref<10368x64xf32, #tpu.memory_space<vmem_shared>>
      tpu.wait_indirect_dma semaphore(%run_scoped3A_21 : memref<!tpu.dma_semaphore, #tpu.memory_space<semaphore_mem>>) src(%dma_wait3A_31 : memref<128x64xf32, #tpu.memory_space<vmem>>) dst(%dma_wait3A_37 : memref<10368x64xf32, #tpu.memory_space<vmem_shared>>)
      tpu.yield
    }) : () -> ()
    %run_scoped3A_10 = arith.constant 4 : i32
    "tpu.region"() ({
      %run_scoped3A_21 = tpu.sem_alloc : memref<!tpu.dma_semaphore, #tpu.memory_space<semaphore_mem>>
      %dma_start3A = arith.constant 512 : i32
      %dma_start3A_22 = arith.constant 0 : i32
      %dma_start3A_23 = tpu.memref_slice %arg7[%dma_start3A, %dma_start3A_22] : memref<1280x64xf32, #tpu.memory_space<vmem>> -> memref<128x64xf32, #tpu.memory_space<vmem>>
      %dma_start3A_24 = arith.constant 0 : i32
      %dma_start3A_25 = tpu.memref_slice %arg6[%run_scoped3A_10, %dma_start3A_24] : memref<10x128xi32, #tpu.memory_space<vmem>> -> memref<1x128xi32, #tpu.memory_space<vmem>>
      %dma_start3A_26 = tpu.memref_squeeze %dma_start3A_25 : memref<1x128xi32, #tpu.memory_space<vmem>> -> memref<128xi32, #tpu.memory_space<vmem>>
      %dma_start3A_27 = arith.constant 0 : i32
      %dma_start3A_28 = arith.constant 0 : i32
      %dma_start3A_29 = tpu.memref_slice %arg8[%dma_start3A_27, %dma_start3A_28] : memref<10368x64xf32, #tpu.memory_space<vmem_shared>> -> memref<10368x64xf32, #tpu.memory_space<vmem_shared>>
      tpu.enqueue_indirect_dma source(%dma_start3A_23 : memref<128x64xf32, #tpu.memory_space<vmem>>) target(%dma_start3A_29 : memref<10368x64xf32, #tpu.memory_space<vmem_shared>>) offsets(%dma_start3A_26 : memref<128xi32, #tpu.memory_space<vmem>>) semaphore(%run_scoped3A_21 : memref<!tpu.dma_semaphore, #tpu.memory_space<semaphore_mem>>) {add = true}
      %dma_wait3A = arith.constant 512 : i32
      %dma_wait3A_30 = arith.constant 0 : i32
      %dma_wait3A_31 = tpu.memref_slice %arg7[%dma_wait3A, %dma_wait3A_30] : memref<1280x64xf32, #tpu.memory_space<vmem>> -> memref<128x64xf32, #tpu.memory_space<vmem>>
      %dma_wait3A_32 = arith.constant 0 : i32
      %dma_wait3A_33 = tpu.memref_slice %arg6[%run_scoped3A_10, %dma_wait3A_32] : memref<10x128xi32, #tpu.memory_space<vmem>> -> memref<1x128xi32, #tpu.memory_space<vmem>>
      %dma_wait3A_34 = tpu.memref_squeeze %dma_wait3A_33 : memref<1x128xi32, #tpu.memory_space<vmem>> -> memref<128xi32, #tpu.memory_space<vmem>>
      %dma_wait3A_35 = arith.constant 0 : i32
      %dma_wait3A_36 = arith.constant 0 : i32
      %dma_wait3A_37 = tpu.memref_slice %arg8[%dma_wait3A_35, %dma_wait3A_36] : memref<10368x64xf32, #tpu.memory_space<vmem_shared>> -> memref<10368x64xf32, #tpu.memory_space<vmem_shared>>
      tpu.wait_indirect_dma semaphore(%run_scoped3A_21 : memref<!tpu.dma_semaphore, #tpu.memory_space<semaphore_mem>>) src(%dma_wait3A_31 : memref<128x64xf32, #tpu.memory_space<vmem>>) dst(%dma_wait3A_37 : memref<10368x64xf32, #tpu.memory_space<vmem_shared>>)
      tpu.yield
    }) : () -> ()
    %run_scoped3A_11 = arith.constant 5 : i32
    "tpu.region"() ({
      %run_scoped3A_21 = tpu.sem_alloc : memref<!tpu.dma_semaphore, #tpu.memory_space<semaphore_mem>>
      %dma_start3A = arith.constant 640 : i32
      %dma_start3A_22 = arith.constant 0 : i32
      %dma_start3A_23 = tpu.memref_slice %arg7[%dma_start3A, %dma_start3A_22] : memref<1280x64xf32, #tpu.memory_space<vmem>> -> memref<128x64xf32, #tpu.memory_space<vmem>>
      %dma_start3A_24 = arith.constant 0 : i32
      %dma_start3A_25 = tpu.memref_slice %arg6[%run_scoped3A_11, %dma_start3A_24] : memref<10x128xi32, #tpu.memory_space<vmem>> -> memref<1x128xi32, #tpu.memory_space<vmem>>
      %dma_start3A_26 = tpu.memref_squeeze %dma_start3A_25 : memref<1x128xi32, #tpu.memory_space<vmem>> -> memref<128xi32, #tpu.memory_space<vmem>>
      %dma_start3A_27 = arith.constant 0 : i32
      %dma_start3A_28 = arith.constant 0 : i32
      %dma_start3A_29 = tpu.memref_slice %arg8[%dma_start3A_27, %dma_start3A_28] : memref<10368x64xf32, #tpu.memory_space<vmem_shared>> -> memref<10368x64xf32, #tpu.memory_space<vmem_shared>>
      tpu.enqueue_indirect_dma source(%dma_start3A_23 : memref<128x64xf32, #tpu.memory_space<vmem>>) target(%dma_start3A_29 : memref<10368x64xf32, #tpu.memory_space<vmem_shared>>) offsets(%dma_start3A_26 : memref<128xi32, #tpu.memory_space<vmem>>) semaphore(%run_scoped3A_21 : memref<!tpu.dma_semaphore, #tpu.memory_space<semaphore_mem>>) {add = true}
      %dma_wait3A = arith.constant 640 : i32
      %dma_wait3A_30 = arith.constant 0 : i32
      %dma_wait3A_31 = tpu.memref_slice %arg7[%dma_wait3A, %dma_wait3A_30] : memref<1280x64xf32, #tpu.memory_space<vmem>> -> memref<128x64xf32, #tpu.memory_space<vmem>>
      %dma_wait3A_32 = arith.constant 0 : i32
      %dma_wait3A_33 = tpu.memref_slice %arg6[%run_scoped3A_11, %dma_wait3A_32] : memref<10x128xi32, #tpu.memory_space<vmem>> -> memref<1x128xi32, #tpu.memory_space<vmem>>
      %dma_wait3A_34 = tpu.memref_squeeze %dma_wait3A_33 : memref<1x128xi32, #tpu.memory_space<vmem>> -> memref<128xi32, #tpu.memory_space<vmem>>
      %dma_wait3A_35 = arith.constant 0 : i32
      %dma_wait3A_36 = arith.constant 0 : i32
      %dma_wait3A_37 = tpu.memref_slice %arg8[%dma_wait3A_35, %dma_wait3A_36] : memref<10368x64xf32, #tpu.memory_space<vmem_shared>> -> memref<10368x64xf32, #tpu.memory_space<vmem_shared>>
      tpu.wait_indirect_dma semaphore(%run_scoped3A_21 : memref<!tpu.dma_semaphore, #tpu.memory_space<semaphore_mem>>) src(%dma_wait3A_31 : memref<128x64xf32, #tpu.memory_space<vmem>>) dst(%dma_wait3A_37 : memref<10368x64xf32, #tpu.memory_space<vmem_shared>>)
      tpu.yield
    }) : () -> ()
    %run_scoped3A_12 = arith.constant 6 : i32
    "tpu.region"() ({
      %run_scoped3A_21 = tpu.sem_alloc : memref<!tpu.dma_semaphore, #tpu.memory_space<semaphore_mem>>
      %dma_start3A = arith.constant 768 : i32
      %dma_start3A_22 = arith.constant 0 : i32
      %dma_start3A_23 = tpu.memref_slice %arg7[%dma_start3A, %dma_start3A_22] : memref<1280x64xf32, #tpu.memory_space<vmem>> -> memref<128x64xf32, #tpu.memory_space<vmem>>
      %dma_start3A_24 = arith.constant 0 : i32
      %dma_start3A_25 = tpu.memref_slice %arg6[%run_scoped3A_12, %dma_start3A_24] : memref<10x128xi32, #tpu.memory_space<vmem>> -> memref<1x128xi32, #tpu.memory_space<vmem>>
      %dma_start3A_26 = tpu.memref_squeeze %dma_start3A_25 : memref<1x128xi32, #tpu.memory_space<vmem>> -> memref<128xi32, #tpu.memory_space<vmem>>
      %dma_start3A_27 = arith.constant 0 : i32
      %dma_start3A_28 = arith.constant 0 : i32
      %dma_start3A_29 = tpu.memref_slice %arg8[%dma_start3A_27, %dma_start3A_28] : memref<10368x64xf32, #tpu.memory_space<vmem_shared>> -> memref<10368x64xf32, #tpu.memory_space<vmem_shared>>
      tpu.enqueue_indirect_dma source(%dma_start3A_23 : memref<128x64xf32, #tpu.memory_space<vmem>>) target(%dma_start3A_29 : memref<10368x64xf32, #tpu.memory_space<vmem_shared>>) offsets(%dma_start3A_26 : memref<128xi32, #tpu.memory_space<vmem>>) semaphore(%run_scoped3A_21 : memref<!tpu.dma_semaphore, #tpu.memory_space<semaphore_mem>>) {add = true}
      %dma_wait3A = arith.constant 768 : i32
      %dma_wait3A_30 = arith.constant 0 : i32
      %dma_wait3A_31 = tpu.memref_slice %arg7[%dma_wait3A, %dma_wait3A_30] : memref<1280x64xf32, #tpu.memory_space<vmem>> -> memref<128x64xf32, #tpu.memory_space<vmem>>
      %dma_wait3A_32 = arith.constant 0 : i32
      %dma_wait3A_33 = tpu.memref_slice %arg6[%run_scoped3A_12, %dma_wait3A_32] : memref<10x128xi32, #tpu.memory_space<vmem>> -> memref<1x128xi32, #tpu.memory_space<vmem>>
      %dma_wait3A_34 = tpu.memref_squeeze %dma_wait3A_33 : memref<1x128xi32, #tpu.memory_space<vmem>> -> memref<128xi32, #tpu.memory_space<vmem>>
      %dma_wait3A_35 = arith.constant 0 : i32
      %dma_wait3A_36 = arith.constant 0 : i32
      %dma_wait3A_37 = tpu.memref_slice %arg8[%dma_wait3A_35, %dma_wait3A_36] : memref<10368x64xf32, #tpu.memory_space<vmem_shared>> -> memref<10368x64xf32, #tpu.memory_space<vmem_shared>>
      tpu.wait_indirect_dma semaphore(%run_scoped3A_21 : memref<!tpu.dma_semaphore, #tpu.memory_space<semaphore_mem>>) src(%dma_wait3A_31 : memref<128x64xf32, #tpu.memory_space<vmem>>) dst(%dma_wait3A_37 : memref<10368x64xf32, #tpu.memory_space<vmem_shared>>)
      tpu.yield
    }) : () -> ()
    %run_scoped3A_13 = arith.constant 7 : i32
    "tpu.region"() ({
      %run_scoped3A_21 = tpu.sem_alloc : memref<!tpu.dma_semaphore, #tpu.memory_space<semaphore_mem>>
      %dma_start3A = arith.constant 896 : i32
      %dma_start3A_22 = arith.constant 0 : i32
      %dma_start3A_23 = tpu.memref_slice %arg7[%dma_start3A, %dma_start3A_22] : memref<1280x64xf32, #tpu.memory_space<vmem>> -> memref<128x64xf32, #tpu.memory_space<vmem>>
      %dma_start3A_24 = arith.constant 0 : i32
      %dma_start3A_25 = tpu.memref_slice %arg6[%run_scoped3A_13, %dma_start3A_24] : memref<10x128xi32, #tpu.memory_space<vmem>> -> memref<1x128xi32, #tpu.memory_space<vmem>>
      %dma_start3A_26 = tpu.memref_squeeze %dma_start3A_25 : memref<1x128xi32, #tpu.memory_space<vmem>> -> memref<128xi32, #tpu.memory_space<vmem>>
      %dma_start3A_27 = arith.constant 0 : i32
      %dma_start3A_28 = arith.constant 0 : i32
      %dma_start3A_29 = tpu.memref_slice %arg8[%dma_start3A_27, %dma_start3A_28] : memref<10368x64xf32, #tpu.memory_space<vmem_shared>> -> memref<10368x64xf32, #tpu.memory_space<vmem_shared>>
      tpu.enqueue_indirect_dma source(%dma_start3A_23 : memref<128x64xf32, #tpu.memory_space<vmem>>) target(%dma_start3A_29 : memref<10368x64xf32, #tpu.memory_space<vmem_shared>>) offsets(%dma_start3A_26 : memref<128xi32, #tpu.memory_space<vmem>>) semaphore(%run_scoped3A_21 : memref<!tpu.dma_semaphore, #tpu.memory_space<semaphore_mem>>) {add = true}
      %dma_wait3A = arith.constant 896 : i32
      %dma_wait3A_30 = arith.constant 0 : i32
      %dma_wait3A_31 = tpu.memref_slice %arg7[%dma_wait3A, %dma_wait3A_30] : memref<1280x64xf32, #tpu.memory_space<vmem>> -> memref<128x64xf32, #tpu.memory_space<vmem>>
      %dma_wait3A_32 = arith.constant 0 : i32
      %dma_wait3A_33 = tpu.memref_slice %arg6[%run_scoped3A_13, %dma_wait3A_32] : memref<10x128xi32, #tpu.memory_space<vmem>> -> memref<1x128xi32, #tpu.memory_space<vmem>>
      %dma_wait3A_34 = tpu.memref_squeeze %dma_wait3A_33 : memref<1x128xi32, #tpu.memory_space<vmem>> -> memref<128xi32, #tpu.memory_space<vmem>>
      %dma_wait3A_35 = arith.constant 0 : i32
      %dma_wait3A_36 = arith.constant 0 : i32
      %dma_wait3A_37 = tpu.memref_slice %arg8[%dma_wait3A_35, %dma_wait3A_36] : memref<10368x64xf32, #tpu.memory_space<vmem_shared>> -> memref<10368x64xf32, #tpu.memory_space<vmem_shared>>
      tpu.wait_indirect_dma semaphore(%run_scoped3A_21 : memref<!tpu.dma_semaphore, #tpu.memory_space<semaphore_mem>>) src(%dma_wait3A_31 : memref<128x64xf32, #tpu.memory_space<vmem>>) dst(%dma_wait3A_37 : memref<10368x64xf32, #tpu.memory_space<vmem_shared>>)
      tpu.yield
    }) : () -> ()
    %run_scoped3A_14 = arith.constant 8 : i32
    "tpu.region"() ({
      %run_scoped3A_21 = tpu.sem_alloc : memref<!tpu.dma_semaphore, #tpu.memory_space<semaphore_mem>>
      %dma_start3A = arith.constant 1024 : i32
      %dma_start3A_22 = arith.constant 0 : i32
      %dma_start3A_23 = tpu.memref_slice %arg7[%dma_start3A, %dma_start3A_22] : memref<1280x64xf32, #tpu.memory_space<vmem>> -> memref<128x64xf32, #tpu.memory_space<vmem>>
      %dma_start3A_24 = arith.constant 0 : i32
      %dma_start3A_25 = tpu.memref_slice %arg6[%run_scoped3A_14, %dma_start3A_24] : memref<10x128xi32, #tpu.memory_space<vmem>> -> memref<1x128xi32, #tpu.memory_space<vmem>>
      %dma_start3A_26 = tpu.memref_squeeze %dma_start3A_25 : memref<1x128xi32, #tpu.memory_space<vmem>> -> memref<128xi32, #tpu.memory_space<vmem>>
      %dma_start3A_27 = arith.constant 0 : i32
      %dma_start3A_28 = arith.constant 0 : i32
      %dma_start3A_29 = tpu.memref_slice %arg8[%dma_start3A_27, %dma_start3A_28] : memref<10368x64xf32, #tpu.memory_space<vmem_shared>> -> memref<10368x64xf32, #tpu.memory_space<vmem_shared>>
      tpu.enqueue_indirect_dma source(%dma_start3A_23 : memref<128x64xf32, #tpu.memory_space<vmem>>) target(%dma_start3A_29 : memref<10368x64xf32, #tpu.memory_space<vmem_shared>>) offsets(%dma_start3A_26 : memref<128xi32, #tpu.memory_space<vmem>>) semaphore(%run_scoped3A_21 : memref<!tpu.dma_semaphore, #tpu.memory_space<semaphore_mem>>) {add = true}
      %dma_wait3A = arith.constant 1024 : i32
      %dma_wait3A_30 = arith.constant 0 : i32
      %dma_wait3A_31 = tpu.memref_slice %arg7[%dma_wait3A, %dma_wait3A_30] : memref<1280x64xf32, #tpu.memory_space<vmem>> -> memref<128x64xf32, #tpu.memory_space<vmem>>
      %dma_wait3A_32 = arith.constant 0 : i32
      %dma_wait3A_33 = tpu.memref_slice %arg6[%run_scoped3A_14, %dma_wait3A_32] : memref<10x128xi32, #tpu.memory_space<vmem>> -> memref<1x128xi32, #tpu.memory_space<vmem>>
      %dma_wait3A_34 = tpu.memref_squeeze %dma_wait3A_33 : memref<1x128xi32, #tpu.memory_space<vmem>> -> memref<128xi32, #tpu.memory_space<vmem>>
      %dma_wait3A_35 = arith.constant 0 : i32
      %dma_wait3A_36 = arith.constant 0 : i32
      %dma_wait3A_37 = tpu.memref_slice %arg8[%dma_wait3A_35, %dma_wait3A_36] : memref<10368x64xf32, #tpu.memory_space<vmem_shared>> -> memref<10368x64xf32, #tpu.memory_space<vmem_shared>>
      tpu.wait_indirect_dma semaphore(%run_scoped3A_21 : memref<!tpu.dma_semaphore, #tpu.memory_space<semaphore_mem>>) src(%dma_wait3A_31 : memref<128x64xf32, #tpu.memory_space<vmem>>) dst(%dma_wait3A_37 : memref<10368x64xf32, #tpu.memory_space<vmem_shared>>)
      tpu.yield
    }) : () -> ()
    %run_scoped3A_15 = arith.constant 9 : i32
    "tpu.region"() ({
      %run_scoped3A_21 = tpu.sem_alloc : memref<!tpu.dma_semaphore, #tpu.memory_space<semaphore_mem>>
      %dma_start3A = arith.constant 1152 : i32
      %dma_start3A_22 = arith.constant 0 : i32
      %dma_start3A_23 = tpu.memref_slice %arg7[%dma_start3A, %dma_start3A_22] : memref<1280x64xf32, #tpu.memory_space<vmem>> -> memref<128x64xf32, #tpu.memory_space<vmem>>
      %dma_start3A_24 = arith.constant 0 : i32
      %dma_start3A_25 = tpu.memref_slice %arg6[%run_scoped3A_15, %dma_start3A_24] : memref<10x128xi32, #tpu.memory_space<vmem>> -> memref<1x128xi32, #tpu.memory_space<vmem>>
      %dma_start3A_26 = tpu.memref_squeeze %dma_start3A_25 : memref<1x128xi32, #tpu.memory_space<vmem>> -> memref<128xi32, #tpu.memory_space<vmem>>
      %dma_start3A_27 = arith.constant 0 : i32
      %dma_start3A_28 = arith.constant 0 : i32
      %dma_start3A_29 = tpu.memref_slice %arg8[%dma_start3A_27, %dma_start3A_28] : memref<10368x64xf32, #tpu.memory_space<vmem_shared>> -> memref<10368x64xf32, #tpu.memory_space<vmem_shared>>
      tpu.enqueue_indirect_dma source(%dma_start3A_23 : memref<128x64xf32, #tpu.memory_space<vmem>>) target(%dma_start3A_29 : memref<10368x64xf32, #tpu.memory_space<vmem_shared>>) offsets(%dma_start3A_26 : memref<128xi32, #tpu.memory_space<vmem>>) semaphore(%run_scoped3A_21 : memref<!tpu.dma_semaphore, #tpu.memory_space<semaphore_mem>>) {add = true}
      %dma_wait3A = arith.constant 1152 : i32
      %dma_wait3A_30 = arith.constant 0 : i32
      %dma_wait3A_31 = tpu.memref_slice %arg7[%dma_wait3A, %dma_wait3A_30] : memref<1280x64xf32, #tpu.memory_space<vmem>> -> memref<128x64xf32, #tpu.memory_space<vmem>>
      %dma_wait3A_32 = arith.constant 0 : i32
      %dma_wait3A_33 = tpu.memref_slice %arg6[%run_scoped3A_15, %dma_wait3A_32] : memref<10x128xi32, #tpu.memory_space<vmem>> -> memref<1x128xi32, #tpu.memory_space<vmem>>
      %dma_wait3A_34 = tpu.memref_squeeze %dma_wait3A_33 : memref<1x128xi32, #tpu.memory_space<vmem>> -> memref<128xi32, #tpu.memory_space<vmem>>
      %dma_wait3A_35 = arith.constant 0 : i32
      %dma_wait3A_36 = arith.constant 0 : i32
      %dma_wait3A_37 = tpu.memref_slice %arg8[%dma_wait3A_35, %dma_wait3A_36] : memref<10368x64xf32, #tpu.memory_space<vmem_shared>> -> memref<10368x64xf32, #tpu.memory_space<vmem_shared>>
      tpu.wait_indirect_dma semaphore(%run_scoped3A_21 : memref<!tpu.dma_semaphore, #tpu.memory_space<semaphore_mem>>) src(%dma_wait3A_31 : memref<128x64xf32, #tpu.memory_space<vmem>>) dst(%dma_wait3A_37 : memref<10368x64xf32, #tpu.memory_space<vmem_shared>>)
      tpu.yield
    }) : () -> ()
    %barrier3A_16 = arith.constant 0 : index
    tpu.barrier barrier_id(%barrier3A_16)
    %mul3A_17 = arith.constant 640 : i32
    %mul3A_18 = arith.muli %arg1, %mul3A_17 : i32
    %mul3A_19 = arith.constant 640 : i32
    %mul3A_20 = arith.muli %arg1, %mul3A_19 : i32
    "tpu.region"() ({
      %run_scoped3A_21 = tpu.sem_alloc : memref<!tpu.dma_semaphore, #tpu.memory_space<semaphore_mem>>
      %dma_start3A = arith.constant 0 : i32
      %dma_start3A_22 = tpu.memref_slice %arg5[%arg0, %mul3A_20, %dma_start3A] : memref<2x10240x64xf32, #tpu.memory_space<hbm>> -> memref<1x640x64xf32, #tpu.memory_space<hbm>>
      %dma_start3A_23 = tpu.memref_squeeze %dma_start3A_22 : memref<1x640x64xf32, #tpu.memory_space<hbm>> -> memref<640x64xf32, #tpu.memory_space<hbm>>
      %dma_start3A_24 = arith.constant 0 : i32
      %dma_start3A_25 = tpu.memref_slice %arg8[%mul3A_18, %dma_start3A_24] : memref<10368x64xf32, #tpu.memory_space<vmem_shared>> -> memref<640x64xf32, #tpu.memory_space<vmem_shared>>
      tpu.enqueue_dma source(%dma_start3A_25 : memref<640x64xf32, #tpu.memory_space<vmem_shared>>) target(%dma_start3A_23 : memref<640x64xf32, #tpu.memory_space<hbm>>) target_semaphore(%run_scoped3A_21 : memref<!tpu.dma_semaphore, #tpu.memory_space<semaphore_mem>>)
      %dma_wait3A = arith.constant 0 : i32
      %dma_wait3A_26 = tpu.memref_slice %arg5[%arg0, %mul3A_20, %dma_wait3A] : memref<2x10240x64xf32, #tpu.memory_space<hbm>> -> memref<1x640x64xf32, #tpu.memory_space<hbm>>
      %dma_wait3A_27 = tpu.memref_squeeze %dma_wait3A_26 : memref<1x640x64xf32, #tpu.memory_space<hbm>> -> memref<640x64xf32, #tpu.memory_space<hbm>>
      %dma_wait3A_28 = arith.constant 0 : i32
      %dma_wait3A_29 = tpu.memref_slice %arg8[%mul3A_18, %dma_wait3A_28] : memref<10368x64xf32, #tpu.memory_space<vmem_shared>> -> memref<640x64xf32, #tpu.memory_space<vmem_shared>>
      tpu.wait_dma2 semaphore(%run_scoped3A_21 : memref<!tpu.dma_semaphore, #tpu.memory_space<semaphore_mem>>) src(%dma_wait3A_29 : memref<640x64xf32, #tpu.memory_space<vmem_shared>>) dst(%dma_wait3A_27 : memref<640x64xf32, #tpu.memory_space<hbm>>)
      tpu.yield
    }) : () -> ()
    return
  }
}

#map = affine_map<(d0, d1) -> (0, 0)>
#map1 = affine_map<(d0, d1) -> (0, 0, 0)>
module attributes {stable_mosaic.version = 14 : i64} {
  func.func @k(%arg0: i32, %arg1: i32, %arg2: memref<20480x64xf32, #tpu.memory_space<hbm>>, %arg3: memref<32x3x128xi32, #tpu.memory_space<hbm>>, %arg4: memref<12288x64xf32, #tpu.memory_space<hbm>>, %arg5: memref<3x128xi32, #tpu.memory_space<vmem>>, %arg6: memref<384x64xf32, #tpu.memory_space<vmem>>, %arg7: memref<!tpu.dma_semaphore, #tpu.memory_space<semaphore_mem>>) attributes {dimension_semantics = [#tpu.dimension_semantics<core_parallel>, #tpu.dimension_semantics<subcore_parallel>], iteration_bounds = array<i64: 2, 16>, scalar_prefetch = 0 : i64, scratch_operands = 3 : i64, tpu.core_type = #tpu.core_type<sc_vector_subcore>, window_params = [{transform_indices = #map}, {transform_indices = #map1}, {transform_indices = #map}]} {
    %mul3A = arith.constant 2 : i32
    %mul3A_0 = arith.muli %arg1, %mul3A : i32
    %add3A = arith.addi %mul3A_0, %arg0 : i32
    "tpu.region"() ({
      %run_scoped3A = tpu.sem_alloc : memref<!tpu.dma_semaphore, #tpu.memory_space<semaphore_mem>>
      %dma_start3A_61 = arith.constant 0 : i32
      %dma_start3A_62 = arith.constant 0 : i32
      %dma_start3A_63 = tpu.memref_slice %arg3[%add3A, %dma_start3A_61, %dma_start3A_62] : memref<32x3x128xi32, #tpu.memory_space<hbm>> -> memref<1x3x128xi32, #tpu.memory_space<hbm>>
      %dma_start3A_64 = tpu.memref_squeeze %dma_start3A_63 : memref<1x3x128xi32, #tpu.memory_space<hbm>> -> memref<3x128xi32, #tpu.memory_space<hbm>>
      %dma_start3A_65 = arith.constant 0 : i32
      %dma_start3A_66 = arith.constant 0 : i32
      %dma_start3A_67 = tpu.memref_slice %arg3[%add3A, %dma_start3A_65, %dma_start3A_66] : memref<32x3x128xi32, #tpu.memory_space<hbm>> -> memref<1x3x128xi32, #tpu.memory_space<hbm>>
      %dma_start3A_68 = tpu.memref_squeeze %dma_start3A_67 : memref<1x3x128xi32, #tpu.memory_space<hbm>> -> memref<3x128xi32, #tpu.memory_space<hbm>>
      tpu.enqueue_dma source(%dma_start3A_68 : memref<3x128xi32, #tpu.memory_space<hbm>>) target(%arg5 : memref<3x128xi32, #tpu.memory_space<vmem>>) target_semaphore(%run_scoped3A : memref<!tpu.dma_semaphore, #tpu.memory_space<semaphore_mem>>)
      %dma_wait3A_69 = arith.constant 0 : i32
      %dma_wait3A_70 = arith.constant 0 : i32
      %dma_wait3A_71 = tpu.memref_slice %arg3[%add3A, %dma_wait3A_69, %dma_wait3A_70] : memref<32x3x128xi32, #tpu.memory_space<hbm>> -> memref<1x3x128xi32, #tpu.memory_space<hbm>>
      %dma_wait3A_72 = tpu.memref_squeeze %dma_wait3A_71 : memref<1x3x128xi32, #tpu.memory_space<hbm>> -> memref<3x128xi32, #tpu.memory_space<hbm>>
      %dma_wait3A_73 = arith.constant 0 : i32
      %dma_wait3A_74 = arith.constant 0 : i32
      %dma_wait3A_75 = tpu.memref_slice %arg3[%add3A, %dma_wait3A_73, %dma_wait3A_74] : memref<32x3x128xi32, #tpu.memory_space<hbm>> -> memref<1x3x128xi32, #tpu.memory_space<hbm>>
      %dma_wait3A_76 = tpu.memref_squeeze %dma_wait3A_75 : memref<1x3x128xi32, #tpu.memory_space<hbm>> -> memref<3x128xi32, #tpu.memory_space<hbm>>
      tpu.wait_dma2 semaphore(%run_scoped3A : memref<!tpu.dma_semaphore, #tpu.memory_space<semaphore_mem>>) src(%dma_wait3A_76 : memref<3x128xi32, #tpu.memory_space<hbm>>) dst(%arg5 : memref<3x128xi32, #tpu.memory_space<vmem>>)
      tpu.yield
    }) : () -> ()
    %mul3A_1 = arith.constant 384 : i32
    %mul3A_2 = arith.muli %add3A, %mul3A_1 : i32
    %dma_start3A = arith.constant 0 : i32
    %dma_start3A_3 = arith.constant 0 : i32
    %dma_start3A_4 = arith.constant 0 : i32
    %dma_start3A_5 = tpu.memref_slice %arg6[%dma_start3A_3, %dma_start3A_4] : memref<384x64xf32, #tpu.memory_space<vmem>> -> memref<128x64xf32, #tpu.memory_space<vmem>>
    %dma_start3A_6 = arith.constant 0 : i32
    %dma_start3A_7 = tpu.memref_slice %arg5[%dma_start3A, %dma_start3A_6] : memref<3x128xi32, #tpu.memory_space<vmem>> -> memref<1x128xi32, #tpu.memory_space<vmem>>
    %dma_start3A_8 = tpu.memref_squeeze %dma_start3A_7 : memref<1x128xi32, #tpu.memory_space<vmem>> -> memref<128xi32, #tpu.memory_space<vmem>>
    %dma_start3A_9 = arith.constant 0 : i32
    %dma_start3A_10 = arith.constant 0 : i32
    %dma_start3A_11 = tpu.memref_slice %arg2[%dma_start3A_9, %dma_start3A_10] : memref<20480x64xf32, #tpu.memory_space<hbm>> -> memref<20480x64xf32, #tpu.memory_space<hbm>>
    tpu.enqueue_indirect_dma source(%dma_start3A_11 : memref<20480x64xf32, #tpu.memory_space<hbm>>) target(%dma_start3A_5 : memref<128x64xf32, #tpu.memory_space<vmem>>) offsets(%dma_start3A_8 : memref<128xi32, #tpu.memory_space<vmem>>) semaphore(%arg7 : memref<!tpu.dma_semaphore, #tpu.memory_space<semaphore_mem>>)
    %dma_start3A_12 = arith.constant 1 : i32
    %dma_start3A_13 = arith.constant 128 : i32
    %dma_start3A_14 = arith.constant 0 : i32
    %dma_start3A_15 = tpu.memref_slice %arg6[%dma_start3A_13, %dma_start3A_14] : memref<384x64xf32, #tpu.memory_space<vmem>> -> memref<128x64xf32, #tpu.memory_space<vmem>>
    %dma_start3A_16 = arith.constant 0 : i32
    %dma_start3A_17 = tpu.memref_slice %arg5[%dma_start3A_12, %dma_start3A_16] : memref<3x128xi32, #tpu.memory_space<vmem>> -> memref<1x128xi32, #tpu.memory_space<vmem>>
    %dma_start3A_18 = tpu.memref_squeeze %dma_start3A_17 : memref<1x128xi32, #tpu.memory_space<vmem>> -> memref<128xi32, #tpu.memory_space<vmem>>
    %dma_start3A_19 = arith.constant 0 : i32
    %dma_start3A_20 = arith.constant 0 : i32
    %dma_start3A_21 = tpu.memref_slice %arg2[%dma_start3A_19, %dma_start3A_20] : memref<20480x64xf32, #tpu.memory_space<hbm>> -> memref<20480x64xf32, #tpu.memory_space<hbm>>
    tpu.enqueue_indirect_dma source(%dma_start3A_21 : memref<20480x64xf32, #tpu.memory_space<hbm>>) target(%dma_start3A_15 : memref<128x64xf32, #tpu.memory_space<vmem>>) offsets(%dma_start3A_18 : memref<128xi32, #tpu.memory_space<vmem>>) semaphore(%arg7 : memref<!tpu.dma_semaphore, #tpu.memory_space<semaphore_mem>>)
    %dma_start3A_22 = arith.constant 2 : i32
    %dma_start3A_23 = arith.constant 256 : i32
    %dma_start3A_24 = arith.constant 0 : i32
    %dma_start3A_25 = tpu.memref_slice %arg6[%dma_start3A_23, %dma_start3A_24] : memref<384x64xf32, #tpu.memory_space<vmem>> -> memref<128x64xf32, #tpu.memory_space<vmem>>
    %dma_start3A_26 = arith.constant 0 : i32
    %dma_start3A_27 = tpu.memref_slice %arg5[%dma_start3A_22, %dma_start3A_26] : memref<3x128xi32, #tpu.memory_space<vmem>> -> memref<1x128xi32, #tpu.memory_space<vmem>>
    %dma_start3A_28 = tpu.memref_squeeze %dma_start3A_27 : memref<1x128xi32, #tpu.memory_space<vmem>> -> memref<128xi32, #tpu.memory_space<vmem>>
    %dma_start3A_29 = arith.constant 0 : i32
    %dma_start3A_30 = arith.constant 0 : i32
    %dma_start3A_31 = tpu.memref_slice %arg2[%dma_start3A_29, %dma_start3A_30] : memref<20480x64xf32, #tpu.memory_space<hbm>> -> memref<20480x64xf32, #tpu.memory_space<hbm>>
    tpu.enqueue_indirect_dma source(%dma_start3A_31 : memref<20480x64xf32, #tpu.memory_space<hbm>>) target(%dma_start3A_25 : memref<128x64xf32, #tpu.memory_space<vmem>>) offsets(%dma_start3A_28 : memref<128xi32, #tpu.memory_space<vmem>>) semaphore(%arg7 : memref<!tpu.dma_semaphore, #tpu.memory_space<semaphore_mem>>)
    %dma_wait3A = arith.constant 0 : i32
    %dma_wait3A_32 = arith.constant 0 : i32
    %dma_wait3A_33 = arith.constant 0 : i32
    %dma_wait3A_34 = tpu.memref_slice %arg6[%dma_wait3A_32, %dma_wait3A_33] : memref<384x64xf32, #tpu.memory_space<vmem>> -> memref<128x64xf32, #tpu.memory_space<vmem>>
    %dma_wait3A_35 = arith.constant 0 : i32
    %dma_wait3A_36 = tpu.memref_slice %arg5[%dma_wait3A, %dma_wait3A_35] : memref<3x128xi32, #tpu.memory_space<vmem>> -> memref<1x128xi32, #tpu.memory_space<vmem>>
    %dma_wait3A_37 = tpu.memref_squeeze %dma_wait3A_36 : memref<1x128xi32, #tpu.memory_space<vmem>> -> memref<128xi32, #tpu.memory_space<vmem>>
    %dma_wait3A_38 = arith.constant 0 : i32
    %dma_wait3A_39 = arith.constant 0 : i32
    %dma_wait3A_40 = tpu.memref_slice %arg2[%dma_wait3A_38, %dma_wait3A_39] : memref<20480x64xf32, #tpu.memory_space<hbm>> -> memref<20480x64xf32, #tpu.memory_space<hbm>>
    tpu.wait_indirect_dma semaphore(%arg7 : memref<!tpu.dma_semaphore, #tpu.memory_space<semaphore_mem>>) src(%dma_wait3A_40 : memref<20480x64xf32, #tpu.memory_space<hbm>>) dst(%dma_wait3A_34 : memref<128x64xf32, #tpu.memory_space<vmem>>)
    %dma_wait3A_41 = arith.constant 1 : i32
    %dma_wait3A_42 = arith.constant 128 : i32
    %dma_wait3A_43 = arith.constant 0 : i32
    %dma_wait3A_44 = tpu.memref_slice %arg6[%dma_wait3A_42, %dma_wait3A_43] : memref<384x64xf32, #tpu.memory_space<vmem>> -> memref<128x64xf32, #tpu.memory_space<vmem>>
    %dma_wait3A_45 = arith.constant 0 : i32
    %dma_wait3A_46 = tpu.memref_slice %arg5[%dma_wait3A_41, %dma_wait3A_45] : memref<3x128xi32, #tpu.memory_space<vmem>> -> memref<1x128xi32, #tpu.memory_space<vmem>>
    %dma_wait3A_47 = tpu.memref_squeeze %dma_wait3A_46 : memref<1x128xi32, #tpu.memory_space<vmem>> -> memref<128xi32, #tpu.memory_space<vmem>>
    %dma_wait3A_48 = arith.constant 0 : i32
    %dma_wait3A_49 = arith.constant 0 : i32
    %dma_wait3A_50 = tpu.memref_slice %arg2[%dma_wait3A_48, %dma_wait3A_49] : memref<20480x64xf32, #tpu.memory_space<hbm>> -> memref<20480x64xf32, #tpu.memory_space<hbm>>
    tpu.wait_indirect_dma semaphore(%arg7 : memref<!tpu.dma_semaphore, #tpu.memory_space<semaphore_mem>>) src(%dma_wait3A_50 : memref<20480x64xf32, #tpu.memory_space<hbm>>) dst(%dma_wait3A_44 : memref<128x64xf32, #tpu.memory_space<vmem>>)
    %dma_wait3A_51 = arith.constant 2 : i32
    %dma_wait3A_52 = arith.constant 256 : i32
    %dma_wait3A_53 = arith.constant 0 : i32
    %dma_wait3A_54 = tpu.memref_slice %arg6[%dma_wait3A_52, %dma_wait3A_53] : memref<384x64xf32, #tpu.memory_space<vmem>> -> memref<128x64xf32, #tpu.memory_space<vmem>>
    %dma_wait3A_55 = arith.constant 0 : i32
    %dma_wait3A_56 = tpu.memref_slice %arg5[%dma_wait3A_51, %dma_wait3A_55] : memref<3x128xi32, #tpu.memory_space<vmem>> -> memref<1x128xi32, #tpu.memory_space<vmem>>
    %dma_wait3A_57 = tpu.memref_squeeze %dma_wait3A_56 : memref<1x128xi32, #tpu.memory_space<vmem>> -> memref<128xi32, #tpu.memory_space<vmem>>
    %dma_wait3A_58 = arith.constant 0 : i32
    %dma_wait3A_59 = arith.constant 0 : i32
    %dma_wait3A_60 = tpu.memref_slice %arg2[%dma_wait3A_58, %dma_wait3A_59] : memref<20480x64xf32, #tpu.memory_space<hbm>> -> memref<20480x64xf32, #tpu.memory_space<hbm>>
    tpu.wait_indirect_dma semaphore(%arg7 : memref<!tpu.dma_semaphore, #tpu.memory_space<semaphore_mem>>) src(%dma_wait3A_60 : memref<20480x64xf32, #tpu.memory_space<hbm>>) dst(%dma_wait3A_54 : memref<128x64xf32, #tpu.memory_space<vmem>>)
    "tpu.region"() ({
      %run_scoped3A = tpu.sem_alloc : memref<!tpu.dma_semaphore, #tpu.memory_space<semaphore_mem>>
      %dma_start3A_61 = arith.constant 0 : i32
      %dma_start3A_62 = tpu.memref_slice %arg4[%mul3A_2, %dma_start3A_61] : memref<12288x64xf32, #tpu.memory_space<hbm>> -> memref<384x64xf32, #tpu.memory_space<hbm>>
      %dma_start3A_63 = arith.constant 0 : i32
      %dma_start3A_64 = tpu.memref_slice %arg4[%mul3A_2, %dma_start3A_63] : memref<12288x64xf32, #tpu.memory_space<hbm>> -> memref<384x64xf32, #tpu.memory_space<hbm>>
      tpu.enqueue_dma source(%arg6 : memref<384x64xf32, #tpu.memory_space<vmem>>) target(%dma_start3A_64 : memref<384x64xf32, #tpu.memory_space<hbm>>) target_semaphore(%run_scoped3A : memref<!tpu.dma_semaphore, #tpu.memory_space<semaphore_mem>>)
      %dma_wait3A_65 = arith.constant 0 : i32
      %dma_wait3A_66 = tpu.memref_slice %arg4[%mul3A_2, %dma_wait3A_65] : memref<12288x64xf32, #tpu.memory_space<hbm>> -> memref<384x64xf32, #tpu.memory_space<hbm>>
      %dma_wait3A_67 = arith.constant 0 : i32
      %dma_wait3A_68 = tpu.memref_slice %arg4[%mul3A_2, %dma_wait3A_67] : memref<12288x64xf32, #tpu.memory_space<hbm>> -> memref<384x64xf32, #tpu.memory_space<hbm>>
      tpu.wait_dma2 semaphore(%run_scoped3A : memref<!tpu.dma_semaphore, #tpu.memory_space<semaphore_mem>>) src(%arg6 : memref<384x64xf32, #tpu.memory_space<vmem>>) dst(%dma_wait3A_68 : memref<384x64xf32, #tpu.memory_space<hbm>>)
      tpu.yield
    }) : () -> ()
    return
  }
}

module attributes {stable_mosaic.version = 14 : i64} {
  func.func @_proj_body(%arg0: i32, %arg1: memref<2048x128xf32, #tpu.memory_space<vmem>>, %arg2: memref<128x64xf32, #tpu.memory_space<vmem>>, %arg3: memref<1x64xf32, #tpu.memory_space<vmem>>, %arg4: memref<2048x64xf32, #tpu.memory_space<vmem>>) attributes {dimension_semantics = [#tpu.dimension_semantics<arbitrary>], iteration_bounds = array<i64: 10>, scalar_prefetch = 0 : i64, scratch_operands = 0 : i64, tpu.core_type = #tpu.core_type<tc>, window_params = [{transform_indices = @transform_0, window_bounds = array<i64: 2048, 128>}, {pipeline_mode = #tpu.pipeline_mode<synchronous>, transform_indices = @transform_1, window_bounds = array<i64: 128, 64>}, {pipeline_mode = #tpu.pipeline_mode<synchronous>, transform_indices = @transform_2, window_bounds = array<i64: 1, 64>}, {transform_indices = @transform_3, window_bounds = array<i64: 2048, 64>}]} {
    %get3A = arith.constant 0 : index
    %get3A_0 = arith.constant 0 : index
    %get3A_1 = vector.load %arg1[%get3A, %get3A_0] : memref<2048x128xf32, #tpu.memory_space<vmem>>, vector<2048x128xf32>
    %get3A_2 = arith.constant 0 : index
    %get3A_3 = arith.constant 0 : index
    %get3A_4 = vector.load %arg2[%get3A_2, %get3A_3] : memref<128x64xf32, #tpu.memory_space<vmem>>, vector<128x64xf32>
    %convert_element_type3A = arith.truncf %get3A_1 : vector<2048x128xf32> to vector<2048x128xbf16>
    %convert_element_type3A_5 = arith.truncf %get3A_4 : vector<128x64xf32> to vector<128x64xbf16>
    %dot_general3A = arith.constant dense<0.000000e+00> : vector<2048x64xf32>
    %dot_general3A_6 = tpu.matmul %convert_element_type3A, %convert_element_type3A_5, %dot_general3A {dimension_numbers = #tpu.dot_dimension_numbers<[1], [0], [0], [1], [0, 0, 1, 1], [], []>, transpose_lhs_hint = false} : vector<2048x128xbf16>, vector<128x64xbf16>, vector<2048x64xf32> -> vector<2048x64xf32>
    %get3A_7 = arith.constant 0 : index
    %get3A_8 = arith.constant 0 : index
    %get3A_9 = vector.load %arg3[%get3A_7, %get3A_8] : memref<1x64xf32, #tpu.memory_space<vmem>>, vector<1x64xf32>
    %add3A = vector.broadcast %get3A_9 : vector<1x64xf32> to vector<2048x64xf32>
    %add3A_10 = arith.addf %dot_general3A_6, %add3A : vector<2048x64xf32>
    %max3A = arith.constant 0.000000e+00 : f32
    %max3A_11 = vector.broadcast %max3A : f32 to vector<2048x64xf32>
    %max3A_12 = arith.maximumf %add3A_10, %max3A_11 : vector<2048x64xf32>
    %swap3A = arith.constant 0 : index
    %swap3A_13 = arith.constant 0 : index
    %swap3A_14 = vector.load %arg4[%swap3A, %swap3A_13] : memref<2048x64xf32, #tpu.memory_space<vmem>>, vector<2048x64xf32>
    tpu.vector_store %arg4[%swap3A, %swap3A_13], %max3A_12 {strides = array<i32>} : memref<2048x64xf32, #tpu.memory_space<vmem>>, vector<2048x64xf32>,
    return
  }
  func.func @transform_0(%arg0: i32) -> (i32, i32) {
    %c0_i32 = arith.constant 0 : i32
    %c0_i32_0 = arith.constant 0 : i32
    return %arg0, %c0_i32 : i32, i32
  }
  func.func @transform_1(%arg0: i32) -> (i32, i32) {
    %c0_i32 = arith.constant 0 : i32
    %c0_i32_0 = arith.constant 0 : i32
    %c0_i32_1 = arith.constant 0 : i32
    return %c0_i32, %c0_i32_0 : i32, i32
  }
  func.func @transform_2(%arg0: i32) -> (i32, i32) {
    %c0_i32 = arith.constant 0 : i32
    %c0_i32_0 = arith.constant 0 : i32
    %c0_i32_1 = arith.constant 0 : i32
    return %c0_i32, %c0_i32_0 : i32, i32
  }
  func.func @transform_3(%arg0: i32) -> (i32, i32) {
    %c0_i32 = arith.constant 0 : i32
    %c0_i32_0 = arith.constant 0 : i32
    return %arg0, %c0_i32 : i32, i32
  }
}

module attributes {stable_mosaic.version = 14 : i64} {
  func.func @_proj_body(%arg0: i32, %arg1: memref<2048x16xf32, #tpu.memory_space<vmem>>, %arg2: memref<16x32xf32, #tpu.memory_space<vmem>>, %arg3: memref<1x32xf32, #tpu.memory_space<vmem>>, %arg4: memref<2048x32xf32, #tpu.memory_space<vmem>>) attributes {dimension_semantics = [#tpu.dimension_semantics<arbitrary>], iteration_bounds = array<i64: 20>, scalar_prefetch = 0 : i64, scratch_operands = 0 : i64, tpu.core_type = #tpu.core_type<tc>, window_params = [{transform_indices = @transform_0, window_bounds = array<i64: 2048, 16>}, {pipeline_mode = #tpu.pipeline_mode<synchronous>, transform_indices = @transform_1, window_bounds = array<i64: 16, 32>}, {pipeline_mode = #tpu.pipeline_mode<synchronous>, transform_indices = @transform_2, window_bounds = array<i64: 1, 32>}, {transform_indices = @transform_3, window_bounds = array<i64: 2048, 32>}]} {
    %get3A = arith.constant 0 : index
    %get3A_0 = arith.constant 0 : index
    %get3A_1 = vector.load %arg1[%get3A, %get3A_0] : memref<2048x16xf32, #tpu.memory_space<vmem>>, vector<2048x16xf32>
    %get3A_2 = arith.constant 0 : index
    %get3A_3 = arith.constant 0 : index
    %get3A_4 = vector.load %arg2[%get3A_2, %get3A_3] : memref<16x32xf32, #tpu.memory_space<vmem>>, vector<16x32xf32>
    %convert_element_type3A = arith.truncf %get3A_1 : vector<2048x16xf32> to vector<2048x16xbf16>
    %convert_element_type3A_5 = arith.truncf %get3A_4 : vector<16x32xf32> to vector<16x32xbf16>
    %dot_general3A = arith.constant dense<0.000000e+00> : vector<2048x32xf32>
    %dot_general3A_6 = tpu.matmul %convert_element_type3A, %convert_element_type3A_5, %dot_general3A {dimension_numbers = #tpu.dot_dimension_numbers<[1], [0], [0], [1], [0, 0, 1, 1], [], []>, transpose_lhs_hint = false} : vector<2048x16xbf16>, vector<16x32xbf16>, vector<2048x32xf32> -> vector<2048x32xf32>
    %get3A_7 = arith.constant 0 : index
    %get3A_8 = arith.constant 0 : index
    %get3A_9 = vector.load %arg3[%get3A_7, %get3A_8] : memref<1x32xf32, #tpu.memory_space<vmem>>, vector<1x32xf32>
    %add3A = vector.broadcast %get3A_9 : vector<1x32xf32> to vector<2048x32xf32>
    %add3A_10 = arith.addf %dot_general3A_6, %add3A : vector<2048x32xf32>
    %max3A = arith.constant 0.000000e+00 : f32
    %max3A_11 = vector.broadcast %max3A : f32 to vector<2048x32xf32>
    %max3A_12 = arith.maximumf %add3A_10, %max3A_11 : vector<2048x32xf32>
    %swap3A = arith.constant 0 : index
    %swap3A_13 = arith.constant 0 : index
    %swap3A_14 = vector.load %arg4[%swap3A, %swap3A_13] : memref<2048x32xf32, #tpu.memory_space<vmem>>, vector<2048x32xf32>
    tpu.vector_store %arg4[%swap3A, %swap3A_13], %max3A_12 {strides = array<i32>} : memref<2048x32xf32, #tpu.memory_space<vmem>>, vector<2048x32xf32>,
    return
  }
  func.func @transform_0(%arg0: i32) -> (i32, i32) {
    %c0_i32 = arith.constant 0 : i32
    %c0_i32_0 = arith.constant 0 : i32
    return %arg0, %c0_i32 : i32, i32
  }
  func.func @transform_1(%arg0: i32) -> (i32, i32) {
    %c0_i32 = arith.constant 0 : i32
    %c0_i32_0 = arith.constant 0 : i32
    %c0_i32_1 = arith.constant 0 : i32
    return %c0_i32, %c0_i32_0 : i32, i32
  }
  func.func @transform_2(%arg0: i32) -> (i32, i32) {
    %c0_i32 = arith.constant 0 : i32
    %c0_i32_0 = arith.constant 0 : i32
    %c0_i32_1 = arith.constant 0 : i32
    return %c0_i32, %c0_i32_0 : i32, i32
  }
  func.func @transform_3(%arg0: i32) -> (i32, i32) {
    %c0_i32 = arith.constant 0 : i32
    %c0_i32_0 = arith.constant 0 : i32
    return %arg0, %c0_i32 : i32, i32
  }
}

module attributes {stable_mosaic.version = 14 : i64} {
  func.func @_msg_body(%arg0: i32, %arg1: memref<512x64xf32, #tpu.memory_space<vmem>>, %arg2: memref<512x32xf32, #tpu.memory_space<vmem>>, %arg3: memref<2048x64xbf16, #tpu.memory_space<vmem>>, %arg4: memref<64x64xf32, #tpu.memory_space<vmem>>, %arg5: memref<512x64xf32, #tpu.memory_space<vmem>>, %arg6: memref<512x2048xbf16, #tpu.memory_space<vmem>>, %arg7: memref<512x2048xbf16, #tpu.memory_space<vmem>>) attributes {dimension_semantics = [#tpu.dimension_semantics<arbitrary>], iteration_bounds = array<i64: 80>, scalar_prefetch = 0 : i64, scratch_operands = 2 : i64, tpu.core_type = #tpu.core_type<tc>, window_params = [{transform_indices = @transform_0, window_bounds = array<i64: 512, 64>}, {transform_indices = @transform_1, window_bounds = array<i64: 512, 32>}, {pipeline_mode = #tpu.pipeline_mode<synchronous>, transform_indices = @transform_2, window_bounds = array<i64: 2048, 64>}, {pipeline_mode = #tpu.pipeline_mode<synchronous>, transform_indices = @transform_3, window_bounds = array<i64: 64, 64>}, {transform_indices = @transform_4, window_bounds = array<i64: 512, 64>}]} {
    %get3A = arith.constant 0 : index
    %get3A_0 = arith.constant 0 : index
    %get3A_1 = vector.load %arg1[%get3A, %get3A_0] : memref<512x64xf32, #tpu.memory_space<vmem>>, vector<512x64xf32>
    %get3A_2 = arith.constant 0 : index
    %get3A_3 = arith.constant 0 : index
    %get3A_4 = vector.load %arg2[%get3A_2, %get3A_3] : memref<512x32xf32, #tpu.memory_space<vmem>>, vector<512x32xf32>
    %convert_element_type3A = arith.truncf %get3A_4 : vector<512x32xf32> to vector<512x32xbf16>
    %convert_element_type3A_5 = arith.extf %convert_element_type3A : vector<512x32xbf16> to vector<512x32xf32>
    %slice3A = vector.extract_strided_slice %convert_element_type3A_5 {offsets = [0, 0], sizes = [512, 1], strides = [1, 1]} : vector<512x32xf32> to vector<512x1xf32>
    %mul3A = vector.broadcast %slice3A : vector<512x1xf32> to vector<512x64xf32>
    %mul3A_6 = arith.mulf %mul3A, %get3A_1 : vector<512x64xf32>
    %slice3A_7 = vector.extract_strided_slice %convert_element_type3A_5 {offsets = [0, 1], sizes = [512, 1], strides = [1, 1]} : vector<512x32xf32> to vector<512x1xf32>
    %mul3A_8 = vector.broadcast %slice3A_7 : vector<512x1xf32> to vector<512x64xf32>
    %mul3A_9 = arith.mulf %mul3A_8, %get3A_1 : vector<512x64xf32>
    %concatenate3A = tpu.concatenate %mul3A_6, %mul3A_9 in 1 : vector<512x64xf32>, vector<512x64xf32> -> vector<512x128xf32>
    %convert_element_type3A_10 = arith.truncf %concatenate3A : vector<512x128xf32> to vector<512x128xbf16>
    %swap3A = arith.constant 0 : index
    %swap3A_11 = arith.constant 0 : index
    %swap3A_12 = vector.load %arg6[%swap3A, %swap3A_11] : memref<512x2048xbf16, #tpu.memory_space<vmem>>, vector<512x128xbf16>
    tpu.vector_store %arg6[%swap3A, %swap3A_11], %convert_element_type3A_10 {strides = array<i32>} : memref<512x2048xbf16, #tpu.memory_space<vmem>>, vector<512x128xbf16>,
    %convert_element_type3A_13 = arith.extf %convert_element_type3A_10 : vector<512x128xbf16> to vector<512x128xf32>
    %sub3A = arith.subf %concatenate3A, %convert_element_type3A_13 : vector<512x128xf32>
    %convert_element_type3A_14 = arith.truncf %sub3A : vector<512x128xf32> to vector<512x128xbf16>
    %swap3A_15 = arith.constant 0 : index
    %swap3A_16 = arith.constant 0 : index
    %swap3A_17 = vector.load %arg7[%swap3A_15, %swap3A_16] : memref<512x2048xbf16, #tpu.memory_space<vmem>>, vector<512x128xbf16>
    tpu.vector_store %arg7[%swap3A_15, %swap3A_16], %convert_element_type3A_14 {strides = array<i32>} : memref<512x2048xbf16, #tpu.memory_space<vmem>>, vector<512x128xbf16>,
    %slice3A_18 = vector.extract_strided_slice %convert_element_type3A_5 {offsets = [0, 2], sizes = [512, 1], strides = [1, 1]} : vector<512x32xf32> to vector<512x1xf32>
    %mul3A_19 = vector.broadcast %slice3A_18 : vector<512x1xf32> to vector<512x64xf32>
    %mul3A_20 = arith.mulf %mul3A_19, %get3A_1 : vector<512x64xf32>
    %slice3A_21 = vector.extract_strided_slice %convert_element_type3A_5 {offsets = [0, 3], sizes = [512, 1], strides = [1, 1]} : vector<512x32xf32> to vector<512x1xf32>
    %mul3A_22 = vector.broadcast %slice3A_21 : vector<512x1xf32> to vector<512x64xf32>
    %mul3A_23 = arith.mulf %mul3A_22, %get3A_1 : vector<512x64xf32>
    %concatenate3A_24 = tpu.concatenate %mul3A_20, %mul3A_23 in 1 : vector<512x64xf32>, vector<512x64xf32> -> vector<512x128xf32>
    %convert_element_type3A_25 = arith.truncf %concatenate3A_24 : vector<512x128xf32> to vector<512x128xbf16>
    %swap3A_26 = arith.constant 0 : index
    %swap3A_27 = arith.constant 128 : index
    %swap3A_28 = vector.load %arg6[%swap3A_26, %swap3A_27] : memref<512x2048xbf16, #tpu.memory_space<vmem>>, vector<512x128xbf16>
    tpu.vector_store %arg6[%swap3A_26, %swap3A_27], %convert_element_type3A_25 {strides = array<i32>} : memref<512x2048xbf16, #tpu.memory_space<vmem>>, vector<512x128xbf16>,
    %convert_element_type3A_29 = arith.extf %convert_element_type3A_25 : vector<512x128xbf16> to vector<512x128xf32>
    %sub3A_30 = arith.subf %concatenate3A_24, %convert_element_type3A_29 : vector<512x128xf32>
    %convert_element_type3A_31 = arith.truncf %sub3A_30 : vector<512x128xf32> to vector<512x128xbf16>
    %swap3A_32 = arith.constant 0 : index
    %swap3A_33 = arith.constant 128 : index
    %swap3A_34 = vector.load %arg7[%swap3A_32, %swap3A_33] : memref<512x2048xbf16, #tpu.memory_space<vmem>>, vector<512x128xbf16>
    tpu.vector_store %arg7[%swap3A_32, %swap3A_33], %convert_element_type3A_31 {strides = array<i32>} : memref<512x2048xbf16, #tpu.memory_space<vmem>>, vector<512x128xbf16>,
    %slice3A_35 = vector.extract_strided_slice %convert_element_type3A_5 {offsets = [0, 4], sizes = [512, 1], strides = [1, 1]} : vector<512x32xf32> to vector<512x1xf32>
    %mul3A_36 = vector.broadcast %slice3A_35 : vector<512x1xf32> to vector<512x64xf32>
    %mul3A_37 = arith.mulf %mul3A_36, %get3A_1 : vector<512x64xf32>
    %slice3A_38 = vector.extract_strided_slice %convert_element_type3A_5 {offsets = [0, 5], sizes = [512, 1], strides = [1, 1]} : vector<512x32xf32> to vector<512x1xf32>
    %mul3A_39 = vector.broadcast %slice3A_38 : vector<512x1xf32> to vector<512x64xf32>
    %mul3A_40 = arith.mulf %mul3A_39, %get3A_1 : vector<512x64xf32>
    %concatenate3A_41 = tpu.concatenate %mul3A_37, %mul3A_40 in 1 : vector<512x64xf32>, vector<512x64xf32> -> vector<512x128xf32>
    %convert_element_type3A_42 = arith.truncf %concatenate3A_41 : vector<512x128xf32> to vector<512x128xbf16>
    %swap3A_43 = arith.constant 0 : index
    %swap3A_44 = arith.constant 256 : index
    %swap3A_45 = vector.load %arg6[%swap3A_43, %swap3A_44] : memref<512x2048xbf16, #tpu.memory_space<vmem>>, vector<512x128xbf16>
    tpu.vector_store %arg6[%swap3A_43, %swap3A_44], %convert_element_type3A_42 {strides = array<i32>} : memref<512x2048xbf16, #tpu.memory_space<vmem>>, vector<512x128xbf16>,
    %convert_element_type3A_46 = arith.extf %convert_element_type3A_42 : vector<512x128xbf16> to vector<512x128xf32>
    %sub3A_47 = arith.subf %concatenate3A_41, %convert_element_type3A_46 : vector<512x128xf32>
    %convert_element_type3A_48 = arith.truncf %sub3A_47 : vector<512x128xf32> to vector<512x128xbf16>
    %swap3A_49 = arith.constant 0 : index
    %swap3A_50 = arith.constant 256 : index
    %swap3A_51 = vector.load %arg7[%swap3A_49, %swap3A_50] : memref<512x2048xbf16, #tpu.memory_space<vmem>>, vector<512x128xbf16>
    tpu.vector_store %arg7[%swap3A_49, %swap3A_50], %convert_element_type3A_48 {strides = array<i32>} : memref<512x2048xbf16, #tpu.memory_space<vmem>>, vector<512x128xbf16>,
    %slice3A_52 = vector.extract_strided_slice %convert_element_type3A_5 {offsets = [0, 6], sizes = [512, 1], strides = [1, 1]} : vector<512x32xf32> to vector<512x1xf32>
    %mul3A_53 = vector.broadcast %slice3A_52 : vector<512x1xf32> to vector<512x64xf32>
    %mul3A_54 = arith.mulf %mul3A_53, %get3A_1 : vector<512x64xf32>
    %slice3A_55 = vector.extract_strided_slice %convert_element_type3A_5 {offsets = [0, 7], sizes = [512, 1], strides = [1, 1]} : vector<512x32xf32> to vector<512x1xf32>
    %mul3A_56 = vector.broadcast %slice3A_55 : vector<512x1xf32> to vector<512x64xf32>
    %mul3A_57 = arith.mulf %mul3A_56, %get3A_1 : vector<512x64xf32>
    %concatenate3A_58 = tpu.concatenate %mul3A_54, %mul3A_57 in 1 : vector<512x64xf32>, vector<512x64xf32> -> vector<512x128xf32>
    %convert_element_type3A_59 = arith.truncf %concatenate3A_58 : vector<512x128xf32> to vector<512x128xbf16>
    %swap3A_60 = arith.constant 0 : index
    %swap3A_61 = arith.constant 384 : index
    %swap3A_62 = vector.load %arg6[%swap3A_60, %swap3A_61] : memref<512x2048xbf16, #tpu.memory_space<vmem>>, vector<512x128xbf16>
    tpu.vector_store %arg6[%swap3A_60, %swap3A_61], %convert_element_type3A_59 {strides = array<i32>} : memref<512x2048xbf16, #tpu.memory_space<vmem>>, vector<512x128xbf16>,
    %convert_element_type3A_63 = arith.extf %convert_element_type3A_59 : vector<512x128xbf16> to vector<512x128xf32>
    %sub3A_64 = arith.subf %concatenate3A_58, %convert_element_type3A_63 : vector<512x128xf32>
    %convert_element_type3A_65 = arith.truncf %sub3A_64 : vector<512x128xf32> to vector<512x128xbf16>
    %swap3A_66 = arith.constant 0 : index
    %swap3A_67 = arith.constant 384 : index
    %swap3A_68 = vector.load %arg7[%swap3A_66, %swap3A_67] : memref<512x2048xbf16, #tpu.memory_space<vmem>>, vector<512x128xbf16>
    tpu.vector_store %arg7[%swap3A_66, %swap3A_67], %convert_element_type3A_65 {strides = array<i32>} : memref<512x2048xbf16, #tpu.memory_space<vmem>>, vector<512x128xbf16>,
    %slice3A_69 = vector.extract_strided_slice %convert_element_type3A_5 {offsets = [0, 8], sizes = [512, 1], strides = [1, 1]} : vector<512x32xf32> to vector<512x1xf32>
    %mul3A_70 = vector.broadcast %slice3A_69 : vector<512x1xf32> to vector<512x64xf32>
    %mul3A_71 = arith.mulf %mul3A_70, %get3A_1 : vector<512x64xf32>
    %slice3A_72 = vector.extract_strided_slice %convert_element_type3A_5 {offsets = [0, 9], sizes = [512, 1], strides = [1, 1]} : vector<512x32xf32> to vector<512x1xf32>
    %mul3A_73 = vector.broadcast %slice3A_72 : vector<512x1xf32> to vector<512x64xf32>
    %mul3A_74 = arith.mulf %mul3A_73, %get3A_1 : vector<512x64xf32>
    %concatenate3A_75 = tpu.concatenate %mul3A_71, %mul3A_74 in 1 : vector<512x64xf32>, vector<512x64xf32> -> vector<512x128xf32>
    %convert_element_type3A_76 = arith.truncf %concatenate3A_75 : vector<512x128xf32> to vector<512x128xbf16>
    %swap3A_77 = arith.constant 0 : index
    %swap3A_78 = arith.constant 512 : index
    %swap3A_79 = vector.load %arg6[%swap3A_77, %swap3A_78] : memref<512x2048xbf16, #tpu.memory_space<vmem>>, vector<512x128xbf16>
    tpu.vector_store %arg6[%swap3A_77, %swap3A_78], %convert_element_type3A_76 {strides = array<i32>} : memref<512x2048xbf16, #tpu.memory_space<vmem>>, vector<512x128xbf16>,
    %convert_element_type3A_80 = arith.extf %convert_element_type3A_76 : vector<512x128xbf16> to vector<512x128xf32>
    %sub3A_81 = arith.subf %concatenate3A_75, %convert_element_type3A_80 : vector<512x128xf32>
    %convert_element_type3A_82 = arith.truncf %sub3A_81 : vector<512x128xf32> to vector<512x128xbf16>
    %swap3A_83 = arith.constant 0 : index
    %swap3A_84 = arith.constant 512 : index
    %swap3A_85 = vector.load %arg7[%swap3A_83, %swap3A_84] : memref<512x2048xbf16, #tpu.memory_space<vmem>>, vector<512x128xbf16>
    tpu.vector_store %arg7[%swap3A_83, %swap3A_84], %convert_element_type3A_82 {strides = array<i32>} : memref<512x2048xbf16, #tpu.memory_space<vmem>>, vector<512x128xbf16>,
    %slice3A_86 = vector.extract_strided_slice %convert_element_type3A_5 {offsets = [0, 10], sizes = [512, 1], strides = [1, 1]} : vector<512x32xf32> to vector<512x1xf32>
    %mul3A_87 = vector.broadcast %slice3A_86 : vector<512x1xf32> to vector<512x64xf32>
    %mul3A_88 = arith.mulf %mul3A_87, %get3A_1 : vector<512x64xf32>
    %slice3A_89 = vector.extract_strided_slice %convert_element_type3A_5 {offsets = [0, 11], sizes = [512, 1], strides = [1, 1]} : vector<512x32xf32> to vector<512x1xf32>
    %mul3A_90 = vector.broadcast %slice3A_89 : vector<512x1xf32> to vector<512x64xf32>
    %mul3A_91 = arith.mulf %mul3A_90, %get3A_1 : vector<512x64xf32>
    %concatenate3A_92 = tpu.concatenate %mul3A_88, %mul3A_91 in 1 : vector<512x64xf32>, vector<512x64xf32> -> vector<512x128xf32>
    %convert_element_type3A_93 = arith.truncf %concatenate3A_92 : vector<512x128xf32> to vector<512x128xbf16>
    %swap3A_94 = arith.constant 0 : index
    %swap3A_95 = arith.constant 640 : index
    %swap3A_96 = vector.load %arg6[%swap3A_94, %swap3A_95] : memref<512x2048xbf16, #tpu.memory_space<vmem>>, vector<512x128xbf16>
    tpu.vector_store %arg6[%swap3A_94, %swap3A_95], %convert_element_type3A_93 {strides = array<i32>} : memref<512x2048xbf16, #tpu.memory_space<vmem>>, vector<512x128xbf16>,
    %convert_element_type3A_97 = arith.extf %convert_element_type3A_93 : vector<512x128xbf16> to vector<512x128xf32>
    %sub3A_98 = arith.subf %concatenate3A_92, %convert_element_type3A_97 : vector<512x128xf32>
    %convert_element_type3A_99 = arith.truncf %sub3A_98 : vector<512x128xf32> to vector<512x128xbf16>
    %swap3A_100 = arith.constant 0 : index
    %swap3A_101 = arith.constant 640 : index
    %swap3A_102 = vector.load %arg7[%swap3A_100, %swap3A_101] : memref<512x2048xbf16, #tpu.memory_space<vmem>>, vector<512x128xbf16>
    tpu.vector_store %arg7[%swap3A_100, %swap3A_101], %convert_element_type3A_99 {strides = array<i32>} : memref<512x2048xbf16, #tpu.memory_space<vmem>>, vector<512x128xbf16>,
    %slice3A_103 = vector.extract_strided_slice %convert_element_type3A_5 {offsets = [0, 12], sizes = [512, 1], strides = [1, 1]} : vector<512x32xf32> to vector<512x1xf32>
    %mul3A_104 = vector.broadcast %slice3A_103 : vector<512x1xf32> to vector<512x64xf32>
    %mul3A_105 = arith.mulf %mul3A_104, %get3A_1 : vector<512x64xf32>
    %slice3A_106 = vector.extract_strided_slice %convert_element_type3A_5 {offsets = [0, 13], sizes = [512, 1], strides = [1, 1]} : vector<512x32xf32> to vector<512x1xf32>
    %mul3A_107 = vector.broadcast %slice3A_106 : vector<512x1xf32> to vector<512x64xf32>
    %mul3A_108 = arith.mulf %mul3A_107, %get3A_1 : vector<512x64xf32>
    %concatenate3A_109 = tpu.concatenate %mul3A_105, %mul3A_108 in 1 : vector<512x64xf32>, vector<512x64xf32> -> vector<512x128xf32>
    %convert_element_type3A_110 = arith.truncf %concatenate3A_109 : vector<512x128xf32> to vector<512x128xbf16>
    %swap3A_111 = arith.constant 0 : index
    %swap3A_112 = arith.constant 768 : index
    %swap3A_113 = vector.load %arg6[%swap3A_111, %swap3A_112] : memref<512x2048xbf16, #tpu.memory_space<vmem>>, vector<512x128xbf16>
    tpu.vector_store %arg6[%swap3A_111, %swap3A_112], %convert_element_type3A_110 {strides = array<i32>} : memref<512x2048xbf16, #tpu.memory_space<vmem>>, vector<512x128xbf16>,
    %convert_element_type3A_114 = arith.extf %convert_element_type3A_110 : vector<512x128xbf16> to vector<512x128xf32>
    %sub3A_115 = arith.subf %concatenate3A_109, %convert_element_type3A_114 : vector<512x128xf32>
    %convert_element_type3A_116 = arith.truncf %sub3A_115 : vector<512x128xf32> to vector<512x128xbf16>
    %swap3A_117 = arith.constant 0 : index
    %swap3A_118 = arith.constant 768 : index
    %swap3A_119 = vector.load %arg7[%swap3A_117, %swap3A_118] : memref<512x2048xbf16, #tpu.memory_space<vmem>>, vector<512x128xbf16>
    tpu.vector_store %arg7[%swap3A_117, %swap3A_118], %convert_element_type3A_116 {strides = array<i32>} : memref<512x2048xbf16, #tpu.memory_space<vmem>>, vector<512x128xbf16>,
    %slice3A_120 = vector.extract_strided_slice %convert_element_type3A_5 {offsets = [0, 14], sizes = [512, 1], strides = [1, 1]} : vector<512x32xf32> to vector<512x1xf32>
    %mul3A_121 = vector.broadcast %slice3A_120 : vector<512x1xf32> to vector<512x64xf32>
    %mul3A_122 = arith.mulf %mul3A_121, %get3A_1 : vector<512x64xf32>
    %slice3A_123 = vector.extract_strided_slice %convert_element_type3A_5 {offsets = [0, 15], sizes = [512, 1], strides = [1, 1]} : vector<512x32xf32> to vector<512x1xf32>
    %mul3A_124 = vector.broadcast %slice3A_123 : vector<512x1xf32> to vector<512x64xf32>
    %mul3A_125 = arith.mulf %mul3A_124, %get3A_1 : vector<512x64xf32>
    %concatenate3A_126 = tpu.concatenate %mul3A_122, %mul3A_125 in 1 : vector<512x64xf32>, vector<512x64xf32> -> vector<512x128xf32>
    %convert_element_type3A_127 = arith.truncf %concatenate3A_126 : vector<512x128xf32> to vector<512x128xbf16>
    %swap3A_128 = arith.constant 0 : index
    %swap3A_129 = arith.constant 896 : index
    %swap3A_130 = vector.load %arg6[%swap3A_128, %swap3A_129] : memref<512x2048xbf16, #tpu.memory_space<vmem>>, vector<512x128xbf16>
    tpu.vector_store %arg6[%swap3A_128, %swap3A_129], %convert_element_type3A_127 {strides = array<i32>} : memref<512x2048xbf16, #tpu.memory_space<vmem>>, vector<512x128xbf16>,
    %convert_element_type3A_131 = arith.extf %convert_element_type3A_127 : vector<512x128xbf16> to vector<512x128xf32>
    %sub3A_132 = arith.subf %concatenate3A_126, %convert_element_type3A_131 : vector<512x128xf32>
    %convert_element_type3A_133 = arith.truncf %sub3A_132 : vector<512x128xf32> to vector<512x128xbf16>
    %swap3A_134 = arith.constant 0 : index
    %swap3A_135 = arith.constant 896 : index
    %swap3A_136 = vector.load %arg7[%swap3A_134, %swap3A_135] : memref<512x2048xbf16, #tpu.memory_space<vmem>>, vector<512x128xbf16>
    tpu.vector_store %arg7[%swap3A_134, %swap3A_135], %convert_element_type3A_133 {strides = array<i32>} : memref<512x2048xbf16, #tpu.memory_space<vmem>>, vector<512x128xbf16>,
    %slice3A_137 = vector.extract_strided_slice %convert_element_type3A_5 {offsets = [0, 16], sizes = [512, 1], strides = [1, 1]} : vector<512x32xf32> to vector<512x1xf32>
    %mul3A_138 = vector.broadcast %slice3A_137 : vector<512x1xf32> to vector<512x64xf32>
    %mul3A_139 = arith.mulf %mul3A_138, %get3A_1 : vector<512x64xf32>
    %slice3A_140 = vector.extract_strided_slice %convert_element_type3A_5 {offsets = [0, 17], sizes = [512, 1], strides = [1, 1]} : vector<512x32xf32> to vector<512x1xf32>
    %mul3A_141 = vector.broadcast %slice3A_140 : vector<512x1xf32> to vector<512x64xf32>
    %mul3A_142 = arith.mulf %mul3A_141, %get3A_1 : vector<512x64xf32>
    %concatenate3A_143 = tpu.concatenate %mul3A_139, %mul3A_142 in 1 : vector<512x64xf32>, vector<512x64xf32> -> vector<512x128xf32>
    %convert_element_type3A_144 = arith.truncf %concatenate3A_143 : vector<512x128xf32> to vector<512x128xbf16>
    %swap3A_145 = arith.constant 0 : index
    %swap3A_146 = arith.constant 1024 : index
    %swap3A_147 = vector.load %arg6[%swap3A_145, %swap3A_146] : memref<512x2048xbf16, #tpu.memory_space<vmem>>, vector<512x128xbf16>
    tpu.vector_store %arg6[%swap3A_145, %swap3A_146], %convert_element_type3A_144 {strides = array<i32>} : memref<512x2048xbf16, #tpu.memory_space<vmem>>, vector<512x128xbf16>,
    %convert_element_type3A_148 = arith.extf %convert_element_type3A_144 : vector<512x128xbf16> to vector<512x128xf32>
    %sub3A_149 = arith.subf %concatenate3A_143, %convert_element_type3A_148 : vector<512x128xf32>
    %convert_element_type3A_150 = arith.truncf %sub3A_149 : vector<512x128xf32> to vector<512x128xbf16>
    %swap3A_151 = arith.constant 0 : index
    %swap3A_152 = arith.constant 1024 : index
    %swap3A_153 = vector.load %arg7[%swap3A_151, %swap3A_152] : memref<512x2048xbf16, #tpu.memory_space<vmem>>, vector<512x128xbf16>
    tpu.vector_store %arg7[%swap3A_151, %swap3A_152], %convert_element_type3A_150 {strides = array<i32>} : memref<512x2048xbf16, #tpu.memory_space<vmem>>, vector<512x128xbf16>,
    %slice3A_154 = vector.extract_strided_slice %convert_element_type3A_5 {offsets = [0, 18], sizes = [512, 1], strides = [1, 1]} : vector<512x32xf32> to vector<512x1xf32>
    %mul3A_155 = vector.broadcast %slice3A_154 : vector<512x1xf32> to vector<512x64xf32>
    %mul3A_156 = arith.mulf %mul3A_155, %get3A_1 : vector<512x64xf32>
    %slice3A_157 = vector.extract_strided_slice %convert_element_type3A_5 {offsets = [0, 19], sizes = [512, 1], strides = [1, 1]} : vector<512x32xf32> to vector<512x1xf32>
    %mul3A_158 = vector.broadcast %slice3A_157 : vector<512x1xf32> to vector<512x64xf32>
    %mul3A_159 = arith.mulf %mul3A_158, %get3A_1 : vector<512x64xf32>
    %concatenate3A_160 = tpu.concatenate %mul3A_156, %mul3A_159 in 1 : vector<512x64xf32>, vector<512x64xf32> -> vector<512x128xf32>
    %convert_element_type3A_161 = arith.truncf %concatenate3A_160 : vector<512x128xf32> to vector<512x128xbf16>
    %swap3A_162 = arith.constant 0 : index
    %swap3A_163 = arith.constant 1152 : index
    %swap3A_164 = vector.load %arg6[%swap3A_162, %swap3A_163] : memref<512x2048xbf16, #tpu.memory_space<vmem>>, vector<512x128xbf16>
    tpu.vector_store %arg6[%swap3A_162, %swap3A_163], %convert_element_type3A_161 {strides = array<i32>} : memref<512x2048xbf16, #tpu.memory_space<vmem>>, vector<512x128xbf16>,
    %convert_element_type3A_165 = arith.extf %convert_element_type3A_161 : vector<512x128xbf16> to vector<512x128xf32>
    %sub3A_166 = arith.subf %concatenate3A_160, %convert_element_type3A_165 : vector<512x128xf32>
    %convert_element_type3A_167 = arith.truncf %sub3A_166 : vector<512x128xf32> to vector<512x128xbf16>
    %swap3A_168 = arith.constant 0 : index
    %swap3A_169 = arith.constant 1152 : index
    %swap3A_170 = vector.load %arg7[%swap3A_168, %swap3A_169] : memref<512x2048xbf16, #tpu.memory_space<vmem>>, vector<512x128xbf16>
    tpu.vector_store %arg7[%swap3A_168, %swap3A_169], %convert_element_type3A_167 {strides = array<i32>} : memref<512x2048xbf16, #tpu.memory_space<vmem>>, vector<512x128xbf16>,
    %slice3A_171 = vector.extract_strided_slice %convert_element_type3A_5 {offsets = [0, 20], sizes = [512, 1], strides = [1, 1]} : vector<512x32xf32> to vector<512x1xf32>
    %mul3A_172 = vector.broadcast %slice3A_171 : vector<512x1xf32> to vector<512x64xf32>
    %mul3A_173 = arith.mulf %mul3A_172, %get3A_1 : vector<512x64xf32>
    %slice3A_174 = vector.extract_strided_slice %convert_element_type3A_5 {offsets = [0, 21], sizes = [512, 1], strides = [1, 1]} : vector<512x32xf32> to vector<512x1xf32>
    %mul3A_175 = vector.broadcast %slice3A_174 : vector<512x1xf32> to vector<512x64xf32>
    %mul3A_176 = arith.mulf %mul3A_175, %get3A_1 : vector<512x64xf32>
    %concatenate3A_177 = tpu.concatenate %mul3A_173, %mul3A_176 in 1 : vector<512x64xf32>, vector<512x64xf32> -> vector<512x128xf32>
    %convert_element_type3A_178 = arith.truncf %concatenate3A_177 : vector<512x128xf32> to vector<512x128xbf16>
    %swap3A_179 = arith.constant 0 : index
    %swap3A_180 = arith.constant 1280 : index
    %swap3A_181 = vector.load %arg6[%swap3A_179, %swap3A_180] : memref<512x2048xbf16, #tpu.memory_space<vmem>>, vector<512x128xbf16>
    tpu.vector_store %arg6[%swap3A_179, %swap3A_180], %convert_element_type3A_178 {strides = array<i32>} : memref<512x2048xbf16, #tpu.memory_space<vmem>>, vector<512x128xbf16>,
    %convert_element_type3A_182 = arith.extf %convert_element_type3A_178 : vector<512x128xbf16> to vector<512x128xf32>
    %sub3A_183 = arith.subf %concatenate3A_177, %convert_element_type3A_182 : vector<512x128xf32>
    %convert_element_type3A_184 = arith.truncf %sub3A_183 : vector<512x128xf32> to vector<512x128xbf16>
    %swap3A_185 = arith.constant 0 : index
    %swap3A_186 = arith.constant 1280 : index
    %swap3A_187 = vector.load %arg7[%swap3A_185, %swap3A_186] : memref<512x2048xbf16, #tpu.memory_space<vmem>>, vector<512x128xbf16>
    tpu.vector_store %arg7[%swap3A_185, %swap3A_186], %convert_element_type3A_184 {strides = array<i32>} : memref<512x2048xbf16, #tpu.memory_space<vmem>>, vector<512x128xbf16>,
    %slice3A_188 = vector.extract_strided_slice %convert_element_type3A_5 {offsets = [0, 22], sizes = [512, 1], strides = [1, 1]} : vector<512x32xf32> to vector<512x1xf32>
    %mul3A_189 = vector.broadcast %slice3A_188 : vector<512x1xf32> to vector<512x64xf32>
    %mul3A_190 = arith.mulf %mul3A_189, %get3A_1 : vector<512x64xf32>
    %slice3A_191 = vector.extract_strided_slice %convert_element_type3A_5 {offsets = [0, 23], sizes = [512, 1], strides = [1, 1]} : vector<512x32xf32> to vector<512x1xf32>
    %mul3A_192 = vector.broadcast %slice3A_191 : vector<512x1xf32> to vector<512x64xf32>
    %mul3A_193 = arith.mulf %mul3A_192, %get3A_1 : vector<512x64xf32>
    %concatenate3A_194 = tpu.concatenate %mul3A_190, %mul3A_193 in 1 : vector<512x64xf32>, vector<512x64xf32> -> vector<512x128xf32>
    %convert_element_type3A_195 = arith.truncf %concatenate3A_194 : vector<512x128xf32> to vector<512x128xbf16>
    %swap3A_196 = arith.constant 0 : index
    %swap3A_197 = arith.constant 1408 : index
    %swap3A_198 = vector.load %arg6[%swap3A_196, %swap3A_197] : memref<512x2048xbf16, #tpu.memory_space<vmem>>, vector<512x128xbf16>
    tpu.vector_store %arg6[%swap3A_196, %swap3A_197], %convert_element_type3A_195 {strides = array<i32>} : memref<512x2048xbf16, #tpu.memory_space<vmem>>, vector<512x128xbf16>,
    %convert_element_type3A_199 = arith.extf %convert_element_type3A_195 : vector<512x128xbf16> to vector<512x128xf32>
    %sub3A_200 = arith.subf %concatenate3A_194, %convert_element_type3A_199 : vector<512x128xf32>
    %convert_element_type3A_201 = arith.truncf %sub3A_200 : vector<512x128xf32> to vector<512x128xbf16>
    %swap3A_202 = arith.constant 0 : index
    %swap3A_203 = arith.constant 1408 : index
    %swap3A_204 = vector.load %arg7[%swap3A_202, %swap3A_203] : memref<512x2048xbf16, #tpu.memory_space<vmem>>, vector<512x128xbf16>
    tpu.vector_store %arg7[%swap3A_202, %swap3A_203], %convert_element_type3A_201 {strides = array<i32>} : memref<512x2048xbf16, #tpu.memory_space<vmem>>, vector<512x128xbf16>,
    %slice3A_205 = vector.extract_strided_slice %convert_element_type3A_5 {offsets = [0, 24], sizes = [512, 1], strides = [1, 1]} : vector<512x32xf32> to vector<512x1xf32>
    %mul3A_206 = vector.broadcast %slice3A_205 : vector<512x1xf32> to vector<512x64xf32>
    %mul3A_207 = arith.mulf %mul3A_206, %get3A_1 : vector<512x64xf32>
    %slice3A_208 = vector.extract_strided_slice %convert_element_type3A_5 {offsets = [0, 25], sizes = [512, 1], strides = [1, 1]} : vector<512x32xf32> to vector<512x1xf32>
    %mul3A_209 = vector.broadcast %slice3A_208 : vector<512x1xf32> to vector<512x64xf32>
    %mul3A_210 = arith.mulf %mul3A_209, %get3A_1 : vector<512x64xf32>
    %concatenate3A_211 = tpu.concatenate %mul3A_207, %mul3A_210 in 1 : vector<512x64xf32>, vector<512x64xf32> -> vector<512x128xf32>
    %convert_element_type3A_212 = arith.truncf %concatenate3A_211 : vector<512x128xf32> to vector<512x128xbf16>
    %swap3A_213 = arith.constant 0 : index
    %swap3A_214 = arith.constant 1536 : index
    %swap3A_215 = vector.load %arg6[%swap3A_213, %swap3A_214] : memref<512x2048xbf16, #tpu.memory_space<vmem>>, vector<512x128xbf16>
    tpu.vector_store %arg6[%swap3A_213, %swap3A_214], %convert_element_type3A_212 {strides = array<i32>} : memref<512x2048xbf16, #tpu.memory_space<vmem>>, vector<512x128xbf16>,
    %convert_element_type3A_216 = arith.extf %convert_element_type3A_212 : vector<512x128xbf16> to vector<512x128xf32>
    %sub3A_217 = arith.subf %concatenate3A_211, %convert_element_type3A_216 : vector<512x128xf32>
    %convert_element_type3A_218 = arith.truncf %sub3A_217 : vector<512x128xf32> to vector<512x128xbf16>
    %swap3A_219 = arith.constant 0 : index
    %swap3A_220 = arith.constant 1536 : index
    %swap3A_221 = vector.load %arg7[%swap3A_219, %swap3A_220] : memref<512x2048xbf16, #tpu.memory_space<vmem>>, vector<512x128xbf16>
    tpu.vector_store %arg7[%swap3A_219, %swap3A_220], %convert_element_type3A_218 {strides = array<i32>} : memref<512x2048xbf16, #tpu.memory_space<vmem>>, vector<512x128xbf16>,
    %slice3A_222 = vector.extract_strided_slice %convert_element_type3A_5 {offsets = [0, 26], sizes = [512, 1], strides = [1, 1]} : vector<512x32xf32> to vector<512x1xf32>
    %mul3A_223 = vector.broadcast %slice3A_222 : vector<512x1xf32> to vector<512x64xf32>
    %mul3A_224 = arith.mulf %mul3A_223, %get3A_1 : vector<512x64xf32>
    %slice3A_225 = vector.extract_strided_slice %convert_element_type3A_5 {offsets = [0, 27], sizes = [512, 1], strides = [1, 1]} : vector<512x32xf32> to vector<512x1xf32>
    %mul3A_226 = vector.broadcast %slice3A_225 : vector<512x1xf32> to vector<512x64xf32>
    %mul3A_227 = arith.mulf %mul3A_226, %get3A_1 : vector<512x64xf32>
    %concatenate3A_228 = tpu.concatenate %mul3A_224, %mul3A_227 in 1 : vector<512x64xf32>, vector<512x64xf32> -> vector<512x128xf32>
    %convert_element_type3A_229 = arith.truncf %concatenate3A_228 : vector<512x128xf32> to vector<512x128xbf16>
    %swap3A_230 = arith.constant 0 : index
    %swap3A_231 = arith.constant 1664 : index
    %swap3A_232 = vector.load %arg6[%swap3A_230, %swap3A_231] : memref<512x2048xbf16, #tpu.memory_space<vmem>>, vector<512x128xbf16>
    tpu.vector_store %arg6[%swap3A_230, %swap3A_231], %convert_element_type3A_229 {strides = array<i32>} : memref<512x2048xbf16, #tpu.memory_space<vmem>>, vector<512x128xbf16>,
    %convert_element_type3A_233 = arith.extf %convert_element_type3A_229 : vector<512x128xbf16> to vector<512x128xf32>
    %sub3A_234 = arith.subf %concatenate3A_228, %convert_element_type3A_233 : vector<512x128xf32>
    %convert_element_type3A_235 = arith.truncf %sub3A_234 : vector<512x128xf32> to vector<512x128xbf16>
    %swap3A_236 = arith.constant 0 : index
    %swap3A_237 = arith.constant 1664 : index
    %swap3A_238 = vector.load %arg7[%swap3A_236, %swap3A_237] : memref<512x2048xbf16, #tpu.memory_space<vmem>>, vector<512x128xbf16>
    tpu.vector_store %arg7[%swap3A_236, %swap3A_237], %convert_element_type3A_235 {strides = array<i32>} : memref<512x2048xbf16, #tpu.memory_space<vmem>>, vector<512x128xbf16>,
    %slice3A_239 = vector.extract_strided_slice %convert_element_type3A_5 {offsets = [0, 28], sizes = [512, 1], strides = [1, 1]} : vector<512x32xf32> to vector<512x1xf32>
    %mul3A_240 = vector.broadcast %slice3A_239 : vector<512x1xf32> to vector<512x64xf32>
    %mul3A_241 = arith.mulf %mul3A_240, %get3A_1 : vector<512x64xf32>
    %slice3A_242 = vector.extract_strided_slice %convert_element_type3A_5 {offsets = [0, 29], sizes = [512, 1], strides = [1, 1]} : vector<512x32xf32> to vector<512x1xf32>
    %mul3A_243 = vector.broadcast %slice3A_242 : vector<512x1xf32> to vector<512x64xf32>
    %mul3A_244 = arith.mulf %mul3A_243, %get3A_1 : vector<512x64xf32>
    %concatenate3A_245 = tpu.concatenate %mul3A_241, %mul3A_244 in 1 : vector<512x64xf32>, vector<512x64xf32> -> vector<512x128xf32>
    %convert_element_type3A_246 = arith.truncf %concatenate3A_245 : vector<512x128xf32> to vector<512x128xbf16>
    %swap3A_247 = arith.constant 0 : index
    %swap3A_248 = arith.constant 1792 : index
    %swap3A_249 = vector.load %arg6[%swap3A_247, %swap3A_248] : memref<512x2048xbf16, #tpu.memory_space<vmem>>, vector<512x128xbf16>
    tpu.vector_store %arg6[%swap3A_247, %swap3A_248], %convert_element_type3A_246 {strides = array<i32>} : memref<512x2048xbf16, #tpu.memory_space<vmem>>, vector<512x128xbf16>,
    %convert_element_type3A_250 = arith.extf %convert_element_type3A_246 : vector<512x128xbf16> to vector<512x128xf32>
    %sub3A_251 = arith.subf %concatenate3A_245, %convert_element_type3A_250 : vector<512x128xf32>
    %convert_element_type3A_252 = arith.truncf %sub3A_251 : vector<512x128xf32> to vector<512x128xbf16>
    %swap3A_253 = arith.constant 0 : index
    %swap3A_254 = arith.constant 1792 : index
    %swap3A_255 = vector.load %arg7[%swap3A_253, %swap3A_254] : memref<512x2048xbf16, #tpu.memory_space<vmem>>, vector<512x128xbf16>
    tpu.vector_store %arg7[%swap3A_253, %swap3A_254], %convert_element_type3A_252 {strides = array<i32>} : memref<512x2048xbf16, #tpu.memory_space<vmem>>, vector<512x128xbf16>,
    %slice3A_256 = vector.extract_strided_slice %convert_element_type3A_5 {offsets = [0, 30], sizes = [512, 1], strides = [1, 1]} : vector<512x32xf32> to vector<512x1xf32>
    %mul3A_257 = vector.broadcast %slice3A_256 : vector<512x1xf32> to vector<512x64xf32>
    %mul3A_258 = arith.mulf %mul3A_257, %get3A_1 : vector<512x64xf32>
    %slice3A_259 = vector.extract_strided_slice %convert_element_type3A_5 {offsets = [0, 31], sizes = [512, 1], strides = [1, 1]} : vector<512x32xf32> to vector<512x1xf32>
    %mul3A_260 = vector.broadcast %slice3A_259 : vector<512x1xf32> to vector<512x64xf32>
    %mul3A_261 = arith.mulf %mul3A_260, %get3A_1 : vector<512x64xf32>
    %concatenate3A_262 = tpu.concatenate %mul3A_258, %mul3A_261 in 1 : vector<512x64xf32>, vector<512x64xf32> -> vector<512x128xf32>
    %convert_element_type3A_263 = arith.truncf %concatenate3A_262 : vector<512x128xf32> to vector<512x128xbf16>
    %swap3A_264 = arith.constant 0 : index
    %swap3A_265 = arith.constant 1920 : index
    %swap3A_266 = vector.load %arg6[%swap3A_264, %swap3A_265] : memref<512x2048xbf16, #tpu.memory_space<vmem>>, vector<512x128xbf16>
    tpu.vector_store %arg6[%swap3A_264, %swap3A_265], %convert_element_type3A_263 {strides = array<i32>} : memref<512x2048xbf16, #tpu.memory_space<vmem>>, vector<512x128xbf16>,
    %convert_element_type3A_267 = arith.extf %convert_element_type3A_263 : vector<512x128xbf16> to vector<512x128xf32>
    %sub3A_268 = arith.subf %concatenate3A_262, %convert_element_type3A_267 : vector<512x128xf32>
    %convert_element_type3A_269 = arith.truncf %sub3A_268 : vector<512x128xf32> to vector<512x128xbf16>
    %swap3A_270 = arith.constant 0 : index
    %swap3A_271 = arith.constant 1920 : index
    %swap3A_272 = vector.load %arg7[%swap3A_270, %swap3A_271] : memref<512x2048xbf16, #tpu.memory_space<vmem>>, vector<512x128xbf16>
    tpu.vector_store %arg7[%swap3A_270, %swap3A_271], %convert_element_type3A_269 {strides = array<i32>} : memref<512x2048xbf16, #tpu.memory_space<vmem>>, vector<512x128xbf16>,
    %get3A_273 = arith.constant 0 : index
    %get3A_274 = arith.constant 0 : index
    %get3A_275 = vector.load %arg3[%get3A_273, %get3A_274] : memref<2048x64xbf16, #tpu.memory_space<vmem>>, vector<2048x64xbf16>
    %get3A_276 = arith.constant 0 : index
    %get3A_277 = arith.constant 0 : index
    %get3A_278 = vector.load %arg6[%get3A_276, %get3A_277] : memref<512x2048xbf16, #tpu.memory_space<vmem>>, vector<512x2048xbf16>
    %dot_general3A = arith.constant dense<0.000000e+00> : vector<512x64xf32>
    %dot_general3A_279 = tpu.matmul %get3A_278, %get3A_275, %dot_general3A {dimension_numbers = #tpu.dot_dimension_numbers<[1], [0], [0], [1], [0, 0, 1, 1], [], []>, transpose_lhs_hint = false} : vector<512x2048xbf16>, vector<2048x64xbf16>, vector<512x64xf32> -> vector<512x64xf32>
    %get3A_280 = arith.constant 0 : index
    %get3A_281 = arith.constant 0 : index
    %get3A_282 = vector.load %arg7[%get3A_280, %get3A_281] : memref<512x2048xbf16, #tpu.memory_space<vmem>>, vector<512x2048xbf16>
    %dot_general3A_283 = arith.constant dense<0.000000e+00> : vector<512x64xf32>
    %dot_general3A_284 = tpu.matmul %get3A_282, %get3A_275, %dot_general3A_283 {dimension_numbers = #tpu.dot_dimension_numbers<[1], [0], [0], [1], [0, 0, 1, 1], [], []>, transpose_lhs_hint = false} : vector<512x2048xbf16>, vector<2048x64xbf16>, vector<512x64xf32> -> vector<512x64xf32>
    %add3A = arith.addf %dot_general3A_279, %dot_general3A_284 : vector<512x64xf32>
    %convert_element_type3A_285 = arith.truncf %get3A_1 : vector<512x64xf32> to vector<512x64xbf16>
    %convert_element_type3A_286 = arith.extf %convert_element_type3A_285 : vector<512x64xbf16> to vector<512x64xf32>
    %sub3A_287 = arith.subf %get3A_1, %convert_element_type3A_286 : vector<512x64xf32>
    %convert_element_type3A_288 = arith.truncf %sub3A_287 : vector<512x64xf32> to vector<512x64xbf16>
    %get3A_289 = arith.constant 0 : index
    %get3A_290 = arith.constant 0 : index
    %get3A_291 = vector.load %arg4[%get3A_289, %get3A_290] : memref<64x64xf32, #tpu.memory_space<vmem>>, vector<64x64xf32>
    %convert_element_type3A_292 = arith.truncf %get3A_291 : vector<64x64xf32> to vector<64x64xbf16>
    %convert_element_type3A_293 = arith.extf %convert_element_type3A_292 : vector<64x64xbf16> to vector<64x64xf32>
    %sub3A_294 = arith.subf %get3A_291, %convert_element_type3A_293 : vector<64x64xf32>
    %convert_element_type3A_295 = arith.truncf %sub3A_294 : vector<64x64xf32> to vector<64x64xbf16>
    %dot_general3A_296 = arith.constant dense<0.000000e+00> : vector<512x64xf32>
    %dot_general3A_297 = tpu.matmul %convert_element_type3A_285, %convert_element_type3A_292, %dot_general3A_296 {dimension_numbers = #tpu.dot_dimension_numbers<[1], [0], [0], [1], [0, 0, 1, 1], [], []>, transpose_lhs_hint = false} : vector<512x64xbf16>, vector<64x64xbf16>, vector<512x64xf32> -> vector<512x64xf32>
    %add3A_298 = arith.addf %add3A, %dot_general3A_297 : vector<512x64xf32>
    %dot_general3A_299 = arith.constant dense<0.000000e+00> : vector<512x64xf32>
    %dot_general3A_300 = tpu.matmul %convert_element_type3A_288, %convert_element_type3A_292, %dot_general3A_299 {dimension_numbers = #tpu.dot_dimension_numbers<[1], [0], [0], [1], [0, 0, 1, 1], [], []>, transpose_lhs_hint = false} : vector<512x64xbf16>, vector<64x64xbf16>, vector<512x64xf32> -> vector<512x64xf32>
    %add3A_301 = arith.addf %add3A_298, %dot_general3A_300 : vector<512x64xf32>
    %dot_general3A_302 = arith.constant dense<0.000000e+00> : vector<512x64xf32>
    %dot_general3A_303 = tpu.matmul %convert_element_type3A_285, %convert_element_type3A_295, %dot_general3A_302 {dimension_numbers = #tpu.dot_dimension_numbers<[1], [0], [0], [1], [0, 0, 1, 1], [], []>, transpose_lhs_hint = false} : vector<512x64xbf16>, vector<64x64xbf16>, vector<512x64xf32> -> vector<512x64xf32>
    %add3A_304 = arith.addf %add3A_301, %dot_general3A_303 : vector<512x64xf32>
    %swap3A_305 = arith.constant 0 : index
    %swap3A_306 = arith.constant 0 : index
    %swap3A_307 = vector.load %arg5[%swap3A_305, %swap3A_306] : memref<512x64xf32, #tpu.memory_space<vmem>>, vector<512x64xf32>
    tpu.vector_store %arg5[%swap3A_305, %swap3A_306], %add3A_304 {strides = array<i32>} : memref<512x64xf32, #tpu.memory_space<vmem>>, vector<512x64xf32>,
    return
  }
  func.func @transform_0(%arg0: i32) -> (i32, i32) {
    %c0_i32 = arith.constant 0 : i32
    %c0_i32_0 = arith.constant 0 : i32
    return %arg0, %c0_i32 : i32, i32
  }
  func.func @transform_1(%arg0: i32) -> (i32, i32) {
    %c0_i32 = arith.constant 0 : i32
    %c0_i32_0 = arith.constant 0 : i32
    return %arg0, %c0_i32 : i32, i32
  }
  func.func @transform_2(%arg0: i32) -> (i32, i32) {
    %c0_i32 = arith.constant 0 : i32
    %c0_i32_0 = arith.constant 0 : i32
    %c0_i32_1 = arith.constant 0 : i32
    return %c0_i32, %c0_i32_0 : i32, i32
  }
  func.func @transform_3(%arg0: i32) -> (i32, i32) {
    %c0_i32 = arith.constant 0 : i32
    %c0_i32_0 = arith.constant 0 : i32
    %c0_i32_1 = arith.constant 0 : i32
    return %c0_i32, %c0_i32_0 : i32, i32
  }
  func.func @transform_4(%arg0: i32) -> (i32, i32) {
    %c0_i32 = arith.constant 0 : i32
    %c0_i32_0 = arith.constant 0 : i32
    return %arg0, %c0_i32 : i32, i32
  }
}

module attributes {stable_mosaic.version = 14 : i64} {
  func.func @_gru_body(%arg0: i32, %arg1: memref<2048x64xf32, #tpu.memory_space<vmem>>, %arg2: memref<2048x64xf32, #tpu.memory_space<vmem>>, %arg3: memref<1x64xf32, #tpu.memory_space<vmem>>, %arg4: memref<64x192xf32, #tpu.memory_space<vmem>>, %arg5: memref<1x192xf32, #tpu.memory_space<vmem>>, %arg6: memref<64x192xf32, #tpu.memory_space<vmem>>, %arg7: memref<1x192xf32, #tpu.memory_space<vmem>>, %arg8: memref<2048x64xf32, #tpu.memory_space<vmem>>) attributes {dimension_semantics = [#tpu.dimension_semantics<arbitrary>], iteration_bounds = array<i64: 10>, scalar_prefetch = 0 : i64, scratch_operands = 0 : i64, tpu.core_type = #tpu.core_type<tc>, window_params = [{transform_indices = @transform_0, window_bounds = array<i64: 2048, 64>}, {transform_indices = @transform_1, window_bounds = array<i64: 2048, 64>}, {pipeline_mode = #tpu.pipeline_mode<synchronous>, transform_indices = @transform_2, window_bounds = array<i64: 1, 64>}, {pipeline_mode = #tpu.pipeline_mode<synchronous>, transform_indices = @transform_3, window_bounds = array<i64: 64, 192>}, {pipeline_mode = #tpu.pipeline_mode<synchronous>, transform_indices = @transform_4, window_bounds = array<i64: 1, 192>}, {pipeline_mode = #tpu.pipeline_mode<synchronous>, transform_indices = @transform_5, window_bounds = array<i64: 64, 192>}, {pipeline_mode = #tpu.pipeline_mode<synchronous>, transform_indices = @transform_6, window_bounds = array<i64: 1, 192>}, {transform_indices = @transform_7, window_bounds = array<i64: 2048, 64>}]} {
    %get3A = arith.constant 0 : index
    %get3A_0 = arith.constant 0 : index
    %get3A_1 = vector.load %arg1[%get3A, %get3A_0] : memref<2048x64xf32, #tpu.memory_space<vmem>>, vector<2048x64xf32>
    %get3A_2 = arith.constant 0 : index
    %get3A_3 = arith.constant 0 : index
    %get3A_4 = vector.load %arg3[%get3A_2, %get3A_3] : memref<1x64xf32, #tpu.memory_space<vmem>>, vector<1x64xf32>
    %add3A = vector.broadcast %get3A_4 : vector<1x64xf32> to vector<2048x64xf32>
    %add3A_5 = arith.addf %get3A_1, %add3A : vector<2048x64xf32>
    %max3A = arith.constant 0.000000e+00 : f32
    %max3A_6 = vector.broadcast %max3A : f32 to vector<2048x64xf32>
    %max3A_7 = arith.maximumf %add3A_5, %max3A_6 : vector<2048x64xf32>
    %get3A_8 = arith.constant 0 : index
    %get3A_9 = arith.constant 0 : index
    %get3A_10 = vector.load %arg2[%get3A_8, %get3A_9] : memref<2048x64xf32, #tpu.memory_space<vmem>>, vector<2048x64xf32>
    %get3A_11 = arith.constant 0 : index
    %get3A_12 = arith.constant 0 : index
    %get3A_13 = vector.load %arg4[%get3A_11, %get3A_12] : memref<64x192xf32, #tpu.memory_space<vmem>>, vector<64x192xf32>
    %convert_element_type3A = arith.truncf %max3A_7 : vector<2048x64xf32> to vector<2048x64xbf16>
    %convert_element_type3A_14 = arith.truncf %get3A_13 : vector<64x192xf32> to vector<64x192xbf16>
    %dot_general3A = arith.constant dense<0.000000e+00> : vector<2048x192xf32>
    %dot_general3A_15 = tpu.matmul %convert_element_type3A, %convert_element_type3A_14, %dot_general3A {dimension_numbers = #tpu.dot_dimension_numbers<[1], [0], [0], [1], [0, 0, 1, 1], [], []>, transpose_lhs_hint = false} : vector<2048x64xbf16>, vector<64x192xbf16>, vector<2048x192xf32> -> vector<2048x192xf32>
    %get3A_16 = arith.constant 0 : index
    %get3A_17 = arith.constant 0 : index
    %get3A_18 = vector.load %arg5[%get3A_16, %get3A_17] : memref<1x192xf32, #tpu.memory_space<vmem>>, vector<1x192xf32>
    %add3A_19 = vector.broadcast %get3A_18 : vector<1x192xf32> to vector<2048x192xf32>
    %add3A_20 = arith.addf %dot_general3A_15, %add3A_19 : vector<2048x192xf32>
    %get3A_21 = arith.constant 0 : index
    %get3A_22 = arith.constant 0 : index
    %get3A_23 = vector.load %arg6[%get3A_21, %get3A_22] : memref<64x192xf32, #tpu.memory_space<vmem>>, vector<64x192xf32>
    %convert_element_type3A_24 = arith.truncf %get3A_10 : vector<2048x64xf32> to vector<2048x64xbf16>
    %convert_element_type3A_25 = arith.truncf %get3A_23 : vector<64x192xf32> to vector<64x192xbf16>
    %dot_general3A_26 = arith.constant dense<0.000000e+00> : vector<2048x192xf32>
    %dot_general3A_27 = tpu.matmul %convert_element_type3A_24, %convert_element_type3A_25, %dot_general3A_26 {dimension_numbers = #tpu.dot_dimension_numbers<[1], [0], [0], [1], [0, 0, 1, 1], [], []>, transpose_lhs_hint = false} : vector<2048x64xbf16>, vector<64x192xbf16>, vector<2048x192xf32> -> vector<2048x192xf32>
    %get3A_28 = arith.constant 0 : index
    %get3A_29 = arith.constant 0 : index
    %get3A_30 = vector.load %arg7[%get3A_28, %get3A_29] : memref<1x192xf32, #tpu.memory_space<vmem>>, vector<1x192xf32>
    %add3A_31 = vector.broadcast %get3A_30 : vector<1x192xf32> to vector<2048x192xf32>
    %add3A_32 = arith.addf %dot_general3A_27, %add3A_31 : vector<2048x192xf32>
    %slice3A = vector.extract_strided_slice %add3A_20 {offsets = [0, 0], sizes = [2048, 64], strides = [1, 1]} : vector<2048x192xf32> to vector<2048x64xf32>
    %slice3A_33 = vector.extract_strided_slice %add3A_32 {offsets = [0, 0], sizes = [2048, 64], strides = [1, 1]} : vector<2048x192xf32> to vector<2048x64xf32>
    %add3A_34 = arith.addf %slice3A, %slice3A_33 : vector<2048x64xf32>
    %logistic3A = arith.negf %add3A_34 : vector<2048x64xf32>
    %logistic3A_35 = math.exp %logistic3A : vector<2048x64xf32>
    %logistic3A_36 = arith.constant 1.000000e+00 : f32
    %logistic3A_37 = vector.broadcast %logistic3A_36 : f32 to vector<2048x64xf32>
    %logistic3A_38 = arith.addf %logistic3A_37, %logistic3A_35 : vector<2048x64xf32>
    %logistic3A_39 = arith.divf %logistic3A_37, %logistic3A_38 : vector<2048x64xf32>
    %slice3A_40 = vector.extract_strided_slice %add3A_20 {offsets = [0, 64], sizes = [2048, 64], strides = [1, 1]} : vector<2048x192xf32> to vector<2048x64xf32>
    %slice3A_41 = vector.extract_strided_slice %add3A_32 {offsets = [0, 64], sizes = [2048, 64], strides = [1, 1]} : vector<2048x192xf32> to vector<2048x64xf32>
    %add3A_42 = arith.addf %slice3A_40, %slice3A_41 : vector<2048x64xf32>
    %logistic3A_43 = arith.negf %add3A_42 : vector<2048x64xf32>
    %logistic3A_44 = math.exp %logistic3A_43 : vector<2048x64xf32>
    %logistic3A_45 = arith.constant 1.000000e+00 : f32
    %logistic3A_46 = vector.broadcast %logistic3A_45 : f32 to vector<2048x64xf32>
    %logistic3A_47 = arith.addf %logistic3A_46, %logistic3A_44 : vector<2048x64xf32>
    %logistic3A_48 = arith.divf %logistic3A_46, %logistic3A_47 : vector<2048x64xf32>
    %slice3A_49 = vector.extract_strided_slice %add3A_20 {offsets = [0, 128], sizes = [2048, 64], strides = [1, 1]} : vector<2048x192xf32> to vector<2048x64xf32>
    %slice3A_50 = vector.extract_strided_slice %add3A_32 {offsets = [0, 128], sizes = [2048, 64], strides = [1, 1]} : vector<2048x192xf32> to vector<2048x64xf32>
    %mul3A = arith.mulf %logistic3A_39, %slice3A_50 : vector<2048x64xf32>
    %add3A_51 = arith.addf %slice3A_49, %mul3A : vector<2048x64xf32>
    %tanh3A = math.tanh %add3A_51 : vector<2048x64xf32>
    %sub3A = arith.constant 1.000000e+00 : f32
    %sub3A_52 = vector.broadcast %sub3A : f32 to vector<2048x64xf32>
    %sub3A_53 = arith.subf %sub3A_52, %logistic3A_48 : vector<2048x64xf32>
    %mul3A_54 = arith.mulf %sub3A_53, %tanh3A : vector<2048x64xf32>
    %mul3A_55 = arith.mulf %logistic3A_48, %get3A_10 : vector<2048x64xf32>
    %add3A_56 = arith.addf %mul3A_54, %mul3A_55 : vector<2048x64xf32>
    %swap3A = arith.constant 0 : index
    %swap3A_57 = arith.constant 0 : index
    %swap3A_58 = vector.load %arg8[%swap3A, %swap3A_57] : memref<2048x64xf32, #tpu.memory_space<vmem>>, vector<2048x64xf32>
    tpu.vector_store %arg8[%swap3A, %swap3A_57], %add3A_56 {strides = array<i32>} : memref<2048x64xf32, #tpu.memory_space<vmem>>, vector<2048x64xf32>,
    return
  }
  func.func @transform_0(%arg0: i32) -> (i32, i32) {
    %c0_i32 = arith.constant 0 : i32
    %c0_i32_0 = arith.constant 0 : i32
    return %arg0, %c0_i32 : i32, i32
  }
  func.func @transform_1(%arg0: i32) -> (i32, i32) {
    %c0_i32 = arith.constant 0 : i32
    %c0_i32_0 = arith.constant 0 : i32
    return %arg0, %c0_i32 : i32, i32
  }
  func.func @transform_2(%arg0: i32) -> (i32, i32) {
    %c0_i32 = arith.constant 0 : i32
    %c0_i32_0 = arith.constant 0 : i32
    %c0_i32_1 = arith.constant 0 : i32
    return %c0_i32, %c0_i32_0 : i32, i32
  }
  func.func @transform_3(%arg0: i32) -> (i32, i32) {
    %c0_i32 = arith.constant 0 : i32
    %c0_i32_0 = arith.constant 0 : i32
    %c0_i32_1 = arith.constant 0 : i32
    return %c0_i32, %c0_i32_0 : i32, i32
  }
  func.func @transform_4(%arg0: i32) -> (i32, i32) {
    %c0_i32 = arith.constant 0 : i32
    %c0_i32_0 = arith.constant 0 : i32
    %c0_i32_1 = arith.constant 0 : i32
    return %c0_i32, %c0_i32_0 : i32, i32
  }
  func.func @transform_5(%arg0: i32) -> (i32, i32) {
    %c0_i32 = arith.constant 0 : i32
    %c0_i32_0 = arith.constant 0 : i32
    %c0_i32_1 = arith.constant 0 : i32
    return %c0_i32, %c0_i32_0 : i32, i32
  }
  func.func @transform_6(%arg0: i32) -> (i32, i32) {
    %c0_i32 = arith.constant 0 : i32
    %c0_i32_0 = arith.constant 0 : i32
    %c0_i32_1 = arith.constant 0 : i32
    return %c0_i32, %c0_i32_0 : i32, i32
  }
  func.func @transform_7(%arg0: i32) -> (i32, i32) {
    %c0_i32 = arith.constant 0 : i32
    %c0_i32_0 = arith.constant 0 : i32
    return %arg0, %c0_i32 : i32, i32
  }
}

module attributes {stable_mosaic.version = 14 : i64} {
  func.func @_fin_body(%arg0: i32, %arg1: memref<1024x64xf32, #tpu.memory_space<vmem>>, %arg2: memref<1024x64xf32, #tpu.memory_space<vmem>>, %arg3: memref<1024x1xf32, #tpu.memory_space<vmem>>, %arg4: memref<64x128xf32, #tpu.memory_space<vmem>>, %arg5: memref<1x128xf32, #tpu.memory_space<vmem>>, %arg6: memref<128x64xf32, #tpu.memory_space<vmem>>, %arg7: memref<1x64xf32, #tpu.memory_space<vmem>>, %arg8: memref<64x64xf32, #tpu.memory_space<vmem>>, %arg9: memref<1x64xf32, #tpu.memory_space<vmem>>, %arg10: memref<1x64xf32, #tpu.memory_space<vmem>>, %arg11: memref<1x1xf32, #tpu.memory_space<vmem>>, %arg12: memref<64x1xf32, #tpu.memory_space<vmem>>, %arg13: memref<64x64xf32, #tpu.memory_space<vmem>>) attributes {dimension_semantics = [#tpu.dimension_semantics<arbitrary>], iteration_bounds = array<i64: 10>, scalar_prefetch = 0 : i64, scratch_operands = 1 : i64, tpu.core_type = #tpu.core_type<tc>, window_params = [{transform_indices = @transform_0, window_bounds = array<i64: 1024, 64>}, {transform_indices = @transform_1, window_bounds = array<i64: 1024, 64>}, {transform_indices = @transform_2, window_bounds = array<i64: 1024, 1>}, {pipeline_mode = #tpu.pipeline_mode<synchronous>, transform_indices = @transform_3, window_bounds = array<i64: 64, 128>}, {pipeline_mode = #tpu.pipeline_mode<synchronous>, transform_indices = @transform_4, window_bounds = array<i64: 1, 128>}, {pipeline_mode = #tpu.pipeline_mode<synchronous>, transform_indices = @transform_5, window_bounds = array<i64: 128, 64>}, {pipeline_mode = #tpu.pipeline_mode<synchronous>, transform_indices = @transform_6, window_bounds = array<i64: 1, 64>}, {pipeline_mode = #tpu.pipeline_mode<synchronous>, transform_indices = @transform_7, window_bounds = array<i64: 64, 64>}, {pipeline_mode = #tpu.pipeline_mode<synchronous>, transform_indices = @transform_8, window_bounds = array<i64: 1, 64>}, {pipeline_mode = #tpu.pipeline_mode<synchronous>, transform_indices = @transform_9, window_bounds = array<i64: 1, 64>}, {pipeline_mode = #tpu.pipeline_mode<synchronous>, transform_indices = @transform_10, window_bounds = array<i64: 1, 1>}, {pipeline_mode = #tpu.pipeline_mode<synchronous>, transform_indices = @transform_11, window_bounds = array<i64: 64, 1>}]} {
    %eq3A = arith.constant 0 : i32
    %eq3A_0 = arith.cmpi eq, %arg0, %eq3A : i32
    %convert_element_type3A = arith.extui %eq3A_0 : i1 to i32
    %cond3A = arith.constant 0 : i32
    %cond3A_1 = arith.cmpi ne, %convert_element_type3A, %cond3A : i32
    scf.if %cond3A_1 {
      %broadcast_in_dim3A_52 = arith.constant 0.000000e+00 : f32
      %broadcast_in_dim3A_53 = vector.broadcast %broadcast_in_dim3A_52 : f32 to vector<64x64xf32>
      %swap3A_54 = arith.constant 0 : index
      %swap3A_55 = arith.constant 0 : index
      %swap3A_56 = vector.load %arg13[%swap3A_54, %swap3A_55] : memref<64x64xf32, #tpu.memory_space<vmem>>, vector<64x64xf32>
      tpu.vector_store %arg13[%swap3A_54, %swap3A_55], %broadcast_in_dim3A_53 {strides = array<i32>} : memref<64x64xf32, #tpu.memory_space<vmem>>, vector<64x64xf32>,
    } else {
    }
    %get3A = arith.constant 0 : index
    %get3A_2 = arith.constant 0 : index
    %get3A_3 = vector.load %arg1[%get3A, %get3A_2] : memref<1024x64xf32, #tpu.memory_space<vmem>>, vector<1024x64xf32>
    %get3A_4 = arith.constant 0 : index
    %get3A_5 = arith.constant 0 : index
    %get3A_6 = vector.load %arg2[%get3A_4, %get3A_5] : memref<1024x64xf32, #tpu.memory_space<vmem>>, vector<1024x64xf32>
    %sub3A = arith.subf %get3A_3, %get3A_6 : vector<1024x64xf32>
    %get3A_7 = arith.constant 0 : index
    %get3A_8 = arith.constant 0 : index
    %get3A_9 = vector.load %arg4[%get3A_7, %get3A_8] : memref<64x128xf32, #tpu.memory_space<vmem>>, vector<64x128xf32>
    %convert_element_type3A_10 = arith.truncf %sub3A : vector<1024x64xf32> to vector<1024x64xbf16>
    %convert_element_type3A_11 = arith.truncf %get3A_9 : vector<64x128xf32> to vector<64x128xbf16>
    %dot_general3A = arith.constant dense<0.000000e+00> : vector<1024x128xf32>
    %dot_general3A_12 = tpu.matmul %convert_element_type3A_10, %convert_element_type3A_11, %dot_general3A {dimension_numbers = #tpu.dot_dimension_numbers<[1], [0], [0], [1], [0, 0, 1, 1], [], []>, transpose_lhs_hint = false} : vector<1024x64xbf16>, vector<64x128xbf16>, vector<1024x128xf32> -> vector<1024x128xf32>
    %get3A_13 = arith.constant 0 : index
    %get3A_14 = arith.constant 0 : index
    %get3A_15 = vector.load %arg5[%get3A_13, %get3A_14] : memref<1x128xf32, #tpu.memory_space<vmem>>, vector<1x128xf32>
    %add3A = vector.broadcast %get3A_15 : vector<1x128xf32> to vector<1024x128xf32>
    %add3A_16 = arith.addf %dot_general3A_12, %add3A : vector<1024x128xf32>
    %max3A = arith.constant 0.000000e+00 : f32
    %max3A_17 = vector.broadcast %max3A : f32 to vector<1024x128xf32>
    %max3A_18 = arith.maximumf %add3A_16, %max3A_17 : vector<1024x128xf32>
    %get3A_19 = arith.constant 0 : index
    %get3A_20 = arith.constant 0 : index
    %get3A_21 = vector.load %arg6[%get3A_19, %get3A_20] : memref<128x64xf32, #tpu.memory_space<vmem>>, vector<128x64xf32>
    %convert_element_type3A_22 = arith.truncf %max3A_18 : vector<1024x128xf32> to vector<1024x128xbf16>
    %convert_element_type3A_23 = arith.truncf %get3A_21 : vector<128x64xf32> to vector<128x64xbf16>
    %dot_general3A_24 = arith.constant dense<0.000000e+00> : vector<1024x64xf32>
    %dot_general3A_25 = tpu.matmul %convert_element_type3A_22, %convert_element_type3A_23, %dot_general3A_24 {dimension_numbers = #tpu.dot_dimension_numbers<[1], [0], [0], [1], [0, 0, 1, 1], [], []>, transpose_lhs_hint = false} : vector<1024x128xbf16>, vector<128x64xbf16>, vector<1024x64xf32> -> vector<1024x64xf32>
    %get3A_26 = arith.constant 0 : index
    %get3A_27 = arith.constant 0 : index
    %get3A_28 = vector.load %arg7[%get3A_26, %get3A_27] : memref<1x64xf32, #tpu.memory_space<vmem>>, vector<1x64xf32>
    %add3A_29 = vector.broadcast %get3A_28 : vector<1x64xf32> to vector<1024x64xf32>
    %add3A_30 = arith.addf %dot_general3A_25, %add3A_29 : vector<1024x64xf32>
    %get3A_31 = arith.constant 0 : index
    %get3A_32 = arith.constant 0 : index
    %get3A_33 = vector.load %arg3[%get3A_31, %get3A_32] : memref<1024x1xf32, #tpu.memory_space<vmem>>, vector<1024x1xf32>
    %iota3A = tpu.iota {dimensions = array<i32: 1>} : vector<1024x64xi32>
    %convert_element_type3A_34 = arith.sitofp %iota3A : vector<1024x64xi32> to vector<1024x64xf32>
    %eq3A_35 = vector.broadcast %get3A_33 : vector<1024x1xf32> to vector<1024x64xf32>
    %eq3A_36 = arith.cmpf oeq, %eq3A_35, %convert_element_type3A_34 : vector<1024x64xf32>
    %jit3A = arith.constant 1.000000e+00 : f32
    %jit3A_37 = arith.constant 0.000000e+00 : f32
    %broadcast_in_dim3A = vector.broadcast %jit3A : f32 to vector<1024x64xf32>
    %broadcast_in_dim3A_38 = vector.broadcast %jit3A_37 : f32 to vector<1024x64xf32>
    %select_n3A = arith.select %eq3A_36, %broadcast_in_dim3A, %broadcast_in_dim3A_38 : vector<1024x64xi1>, vector<1024x64xf32>
    %get3A_39 = arith.constant 0 : index
    %get3A_40 = arith.constant 0 : index
    %get3A_41 = vector.load %arg13[%get3A_39, %get3A_40] : memref<64x64xf32, #tpu.memory_space<vmem>>, vector<64x64xf32>
    %dot_general3A_42 = arith.constant dense<0.000000e+00> : vector<64x64xf32>
    %dot_general3A_43 = tpu.matmul %select_n3A, %add3A_30, %dot_general3A_42 {dimension_numbers = #tpu.dot_dimension_numbers<[0], [0], [1], [1], [0, 1, 1, 1], [], []>, precision = #tpu.contract_precision<fp32>, transpose_lhs_hint = false} : vector<1024x64xf32>, vector<1024x64xf32>, vector<64x64xf32> -> vector<64x64xf32>
    %add3A_44 = arith.addf %get3A_41, %dot_general3A_43 : vector<64x64xf32>
    %swap3A = arith.constant 0 : index
    %swap3A_45 = arith.constant 0 : index
    %swap3A_46 = vector.load %arg13[%swap3A, %swap3A_45] : memref<64x64xf32, #tpu.memory_space<vmem>>, vector<64x64xf32>
    tpu.vector_store %arg13[%swap3A, %swap3A_45], %add3A_44 {strides = array<i32>} : memref<64x64xf32, #tpu.memory_space<vmem>>, vector<64x64xf32>,
    %eq3A_47 = arith.constant 9 : i32
    %eq3A_48 = arith.cmpi eq, %arg0, %eq3A_47 : i32
    %convert_element_type3A_49 = arith.extui %eq3A_48 : i1 to i32
    %cond3A_50 = arith.constant 0 : i32
    %cond3A_51 = arith.cmpi ne, %convert_element_type3A_49, %cond3A_50 : i32
    scf.if %cond3A_51 {
      %get3A_52 = arith.constant 0 : index
      %get3A_53 = arith.constant 0 : index
      %get3A_54 = vector.load %arg13[%get3A_52, %get3A_53] : memref<64x64xf32, #tpu.memory_space<vmem>>, vector<64x64xf32>
      %get3A_55 = arith.constant 0 : index
      %get3A_56 = arith.constant 0 : index
      %get3A_57 = vector.load %arg8[%get3A_55, %get3A_56] : memref<64x64xf32, #tpu.memory_space<vmem>>, vector<64x64xf32>
      %convert_element_type3A_58 = arith.truncf %get3A_54 : vector<64x64xf32> to vector<64x64xbf16>
      %convert_element_type3A_59 = arith.truncf %get3A_57 : vector<64x64xf32> to vector<64x64xbf16>
      %dot_general3A_60 = arith.constant dense<0.000000e+00> : vector<64x64xf32>
      %dot_general3A_61 = tpu.matmul %convert_element_type3A_58, %convert_element_type3A_59, %dot_general3A_60 {dimension_numbers = #tpu.dot_dimension_numbers<[1], [0], [0], [1], [0, 0, 1, 1], [], []>, transpose_lhs_hint = false} : vector<64x64xbf16>, vector<64x64xbf16>, vector<64x64xf32> -> vector<64x64xf32>
      %get3A_62 = arith.constant 0 : index
      %get3A_63 = arith.constant 0 : index
      %get3A_64 = vector.load %arg9[%get3A_62, %get3A_63] : memref<1x64xf32, #tpu.memory_space<vmem>>, vector<1x64xf32>
      %add3A_65 = vector.broadcast %get3A_64 : vector<1x64xf32> to vector<64x64xf32>
      %add3A_66 = arith.addf %dot_general3A_61, %add3A_65 : vector<64x64xf32>
      %max3A_67 = arith.constant 0.000000e+00 : f32
      %max3A_68 = vector.broadcast %max3A_67 : f32 to vector<64x64xf32>
      %max3A_69 = arith.maximumf %add3A_66, %max3A_68 : vector<64x64xf32>
      %convert_element_type3A_70 = arith.truncf %max3A_69 : vector<64x64xf32> to vector<64x64xbf16>
      %convert_element_type3A_71 = arith.extf %convert_element_type3A_70 : vector<64x64xbf16> to vector<64x64xf32>
      %get3A_72 = arith.constant 0 : index
      %get3A_73 = arith.constant 0 : index
      %get3A_74 = vector.load %arg10[%get3A_72, %get3A_73] : memref<1x64xf32, #tpu.memory_space<vmem>>, vector<1x64xf32>
      %convert_element_type3A_75 = arith.truncf %get3A_74 : vector<1x64xf32> to vector<1x64xbf16>
      %convert_element_type3A_76 = arith.extf %convert_element_type3A_75 : vector<1x64xbf16> to vector<1x64xf32>
      %mul3A = vector.broadcast %convert_element_type3A_76 : vector<1x64xf32> to vector<64x64xf32>
      %mul3A_77 = arith.mulf %convert_element_type3A_71, %mul3A : vector<64x64xf32>
      %reduce_sum3A = arith.constant dense<0.000000e+00> : vector<64xf32>
      %reduce_sum3A_78 = vector.multi_reduction <add>, %mul3A_77, %reduce_sum3A [1] : vector<64x64xf32> to vector<64xf32>
      %broadcast_in_dim3A_79 = vector.shape_cast %reduce_sum3A_78 : vector<64xf32> to vector<64x1xf32>
      %get3A_80 = arith.constant 0 : index
      %get3A_81 = arith.constant 0 : index
      %get3A_82 = vector.load %arg11[%get3A_80, %get3A_81] : memref<1x1xf32, #tpu.memory_space<vmem>>, vector<1x1xf32>
      %add3A_83 = vector.broadcast %get3A_82 : vector<1x1xf32> to vector<64x1xf32>
      %add3A_84 = arith.addf %broadcast_in_dim3A_79, %add3A_83 : vector<64x1xf32>
      %swap3A_85 = arith.constant 0 : index
      %swap3A_86 = arith.constant 0 : index
      %swap3A_87 = vector.load %arg12[%swap3A_85, %swap3A_86] : memref<64x1xf32, #tpu.memory_space<vmem>>, vector<64x1xf32>
      tpu.vector_store %arg12[%swap3A_85, %swap3A_86], %add3A_84 {strides = array<i32>} : memref<64x1xf32, #tpu.memory_space<vmem>>, vector<64x1xf32>,
    } else {
    }
    return
  }
  func.func @transform_0(%arg0: i32) -> (i32, i32) {
    %c0_i32 = arith.constant 0 : i32
    %c0_i32_0 = arith.constant 0 : i32
    return %arg0, %c0_i32 : i32, i32
  }
  func.func @transform_1(%arg0: i32) -> (i32, i32) {
    %c0_i32 = arith.constant 0 : i32
    %c0_i32_0 = arith.constant 0 : i32
    return %arg0, %c0_i32 : i32, i32
  }
  func.func @transform_2(%arg0: i32) -> (i32, i32) {
    %c0_i32 = arith.constant 0 : i32
    %c0_i32_0 = arith.constant 0 : i32
    return %arg0, %c0_i32 : i32, i32
  }
  func.func @transform_3(%arg0: i32) -> (i32, i32) {
    %c0_i32 = arith.constant 0 : i32
    %c0_i32_0 = arith.constant 0 : i32
    %c0_i32_1 = arith.constant 0 : i32
    return %c0_i32, %c0_i32_0 : i32, i32
  }
  func.func @transform_4(%arg0: i32) -> (i32, i32) {
    %c0_i32 = arith.constant 0 : i32
    %c0_i32_0 = arith.constant 0 : i32
    %c0_i32_1 = arith.constant 0 : i32
    return %c0_i32, %c0_i32_0 : i32, i32
  }
  func.func @transform_5(%arg0: i32) -> (i32, i32) {
    %c0_i32 = arith.constant 0 : i32
    %c0_i32_0 = arith.constant 0 : i32
    %c0_i32_1 = arith.constant 0 : i32
    return %c0_i32, %c0_i32_0 : i32, i32
  }
  func.func @transform_6(%arg0: i32) -> (i32, i32) {
    %c0_i32 = arith.constant 0 : i32
    %c0_i32_0 = arith.constant 0 : i32
    %c0_i32_1 = arith.constant 0 : i32
    return %c0_i32, %c0_i32_0 : i32, i32
  }
  func.func @transform_7(%arg0: i32) -> (i32, i32) {
    %c0_i32 = arith.constant 0 : i32
    %c0_i32_0 = arith.constant 0 : i32
    %c0_i32_1 = arith.constant 0 : i32
    return %c0_i32, %c0_i32_0 : i32, i32
  }
  func.func @transform_8(%arg0: i32) -> (i32, i32) {
    %c0_i32 = arith.constant 0 : i32
    %c0_i32_0 = arith.constant 0 : i32
    %c0_i32_1 = arith.constant 0 : i32
    return %c0_i32, %c0_i32_0 : i32, i32
  }
  func.func @transform_9(%arg0: i32) -> (i32, i32) {
    %c0_i32 = arith.constant 0 : i32
    %c0_i32_0 = arith.constant 0 : i32
    %c0_i32_1 = arith.constant 0 : i32
    return %c0_i32, %c0_i32_0 : i32, i32
  }
  func.func @transform_10(%arg0: i32) -> (i32, i32) {
    %c0_i32 = arith.constant 0 : i32
    %c0_i32_0 = arith.constant 0 : i32
    %c0_i32_1 = arith.constant 0 : i32
    return %c0_i32, %c0_i32_0 : i32, i32
  }
  func.func @transform_11(%arg0: i32) -> (i32, i32) {
    %c0_i32 = arith.constant 0 : i32
    %c0_i32_0 = arith.constant 0 : i32
    %c0_i32_1 = arith.constant 0 : i32
    return %c0_i32, %c0_i32_0 : i32, i32
  }
}

</mosaic_0001>

<sc_bundles>
// kernel: kernel.18.cloned.1.call-start
scs
__scs_entry_jumppad:
0x0: {  	(pc) =	sbr.rel $0x88, $3  }
0x1: {  	(tag) =	ssettag $0x0;
	lr =	simm.s32 $0x1  }
0x2: {  	[smem:$0x3F86] =	sst lr;
	_ =	strace $0xD0000000  }
0x3: {  	_ = 	snop  }
0x4: {  	_ = 	snop  }
0x5: {  	_ = 	snop  }
0x6: {  	_ = 	snop  }
0x7: {  	_ = 	snop  }
__scs_overlays_trampoline_lowered:
0x8: {  	[smem:$0x3F95] =	sst s0  }
0x9: {  	[smem:$0x3F96] =	sst s1  }
0xa: {  	[smem:$0x3F97] =	sst s2  }
0xb: {  	[smem:$0x3F98] =	sst s3  }
0xc: {  	[smem:$0x3F99] =	sst s4  }
0xd: {  	[smem:$0x3F9A] =	sst s5  }
0xe: {  	[smem:$0x3F9B] =	sst s6  }
0xf: {  	[smem:$0x3F9C] =	sst s7  }
0x10: {  	[smem:$0x3F9D] =	sst s8  }
0x11: {  	[smem:$0x3F9E] =	sst s9;
	s0 =	simm.s32 @!p0 $0x0  }
0x12: {  	s1 =	sld [smem:$0x3F84];
	s0 =	simm.s32 @p0 $0x1  }
0x13: {  	[smem:$0x3F9F] =	sst s0;
	s0 =	simm.s32 @!p1 $0x0  }
0x14: {  	s2 =	sld [smem:$0x3F83];
	s0 =	simm.s32 @p1 $0x1  }
0x15: {  	[smem:$0x3FA0] =	sst s0;
	s0 =	simm.s32 @!p2 $0x0  }
0x16: {  	s3 =	sld [smem:$0x3FDB];
	s0 =	simm.s32 @p2 $0x1  }
0x17: {  	s4 =	simm.s32 $0x1BF5;
	[smem:$0x3FA2] =	sst s0  }
0x18: {  	s0 =	sld [smem:$0x3F85];
	_ =	swait.ge [sflag:s4], $0x0  }
0x19: {  	s7 =	sld [smem:$0x3F86]  }
0x1a: {  	s8 =	sadd.s32 $0xFFFFE003, lr  }
0x1b: {  	s9 =	sadd.s32 $0xFFFFFEF7, lr;
	s5 =	simm.s32 $0xFFFFFFFF;
	p2 =	slt.u32 s8, $0xFFFFF086  }
0x1c: {  	p1 =	slt.u32 s9, $0xF7A;
	s5 =	simm.s32 @!p2 $0x0  }
0x1d: {  	s5 =	simm.s32 @p1 $0x1;
	p0 =	seq.s32 s7, s2  }
0x1e: {  	s7 =	smul.u32 @!p0 $0xF7A, s2;
	p2 =	seq.s32 @!p0 s5, $0x0  }
0x1f: {  	s9 =	smul.u32 $0xF7A, s1;
	s8 =	simm.s32 @!p0 $0x1BF5;
	p2 =	por !p2, p0  }
0x20: {  	[sflag:s8] =	ssyncset.s32 @!p0 $0xFFFFF086;
	s6 =	sadd.s32 @!p0 s3, s7;
	s7 =	simm.s32 @!p0 $0x108  }
0x21: {  	s3 =	sadd.s32 s3, s9;
	s6 =	sadd.s32 @!p0 $0x88, s6;
	s7 =	simm.s32 @p2 $0x1082  }
0x22: {  	[simem:s7], [sflag:s8] =	dma.local @!p0 [hbm:s6], $0xF7A  }
0x23: {  	s9 =	sor.u32 $0xD0000000, s2;
	s6 =	simm.s32 $0x108;
	_ =	swait.ge @!p0 [sflag:s8], $0x0  }
0x24: {  	s3 =	sadd.s32 $0x88, s3;
	s6 =	simm.s32 @!p1 $0x1082;
	[sflag:s4] =	ssyncset.s32 $0xFFFFF086  }
0x25: {  	[simem:s6], [sflag:s4] =	dma.local [hbm:s3], $0xF7A  }
0x26: {  	[smem:$0x3F86] =	sst s1;
	(tag) =	ssettag s2;
	_ =	strace s9  }
0x27: {  	s1 =	sld [smem:$0x3F96]  }
0x28: {  	s2 =	sld [smem:$0x3F97]  }
0x29: {  	s4 =	sld [smem:$0x3F99]  }
0x2a: {  	p0 =	seq.s32 s5, $0x0;
	s5 =	sld [smem:$0x3F9A]  }
0x2b: {  	s6 =	sld [smem:$0x3F9B]  }
0x2c: {  	s7 =	sld [smem:$0x3F9C]  }
0x2d: {  	s3 =	simm.s32 $0x108;
	s8 =	sld [smem:$0x3F9D]  }
0x2e: {  	s3 =	simm.s32 @!p0 $0x1082;
	s9 =	sld [smem:$0x3F9E]  }
0x2f: {  	lr =	sadd.s32 s0, s3;
	s0 =	sld [smem:$0x3F95]  }
0x30: {  	s3 =	sld [smem:$0x3F98]  }
0x31: {  	[smem:$0x3FA1] =	sst s10  }
0x32: {  	s10 =	sld [smem:$0x3F9F];
	_ =	sdelay $0x3  }
0x33: {  	p0 =	seq.s32 s10, $0x1;
	s10 =	sld [smem:$0x3FA1];
	_ =	sdelay $0x3  }
0x34: {  	[smem:$0x3FA1] =	sst s10  }
0x35: {  	s10 =	sld [smem:$0x3FA0];
	_ =	sdelay $0x3  }
0x36: {  	p1 =	seq.s32 s10, $0x1;
	s10 =	sld [smem:$0x3FA1];
	_ =	sdelay $0x3  }
0x37: {  	[smem:$0x3FA1] =	sst s10  }
0x38: {  	s10 =	sld [smem:$0x3FA2]  }
0x39: {  	_ = 	snop;
	(pc) =	sbr.ind lr, $3  }
0x3a: {  	_ = 	snop  }
0x3b: {  	_ = 	snop  }
0x3c: {  	p2 =	seq.s32 s10, $0x1;
	s10 =	sld [smem:$0x3FA1]  }
0x3d: {  	_ =	shalt  }
0x3e: {  	_ =	shalt  }
0x3f: {  	_ =	shalt  }
0x40: {  	_ =	shalt  }
0x41: {  	_ =	shalt  }
0x42: {  	_ =	shalt  }
0x43: {  	_ =	shalt  }
0x44: {  	_ =	shalt  }
0x45: {  	_ =	shalt  }
0x46: {  	_ =	shalt  }
0x47: {  	_ =	shalt  }
0x48: {  	_ =	shalt  }
0x49: {  	_ =	shalt  }
0x4a: {  	_ =	shalt  }
0x4b: {  	_ =	shalt  }
0x4c: {  	_ =	shalt  }
0x4d: {  	_ =	shalt  }
0x4e: {  	_ =	shalt  }
0x4f: {  	_ =	shalt  }
0x50: {  	_ =	shalt  }
0x51: {  	_ =	shalt  }
0x52: {  	_ =	shalt  }
0x53: {  	_ =	shalt  }
0x54: {  	_ =	shalt  }
0x55: {  	_ =	shalt  }
0x56: {  	_ =	shalt  }
0x57: {  	_ =	shalt  }
0x58: {  	_ =	shalt  }
0x59: {  	_ =	shalt  }
0x5a: {  	_ =	shalt  }
0x5b: {  	_ =	shalt  }
0x5c: {  	_ =	shalt  }
0x5d: {  	_ =	shalt  }
0x5e: {  	_ =	shalt  }
0x5f: {  	_ =	shalt  }
0x60: {  	_ =	shalt  }
0x61: {  	_ =	shalt  }
0x62: {  	_ =	shalt  }
0x63: {  	_ =	shalt  }
0x64: {  	_ =	shalt  }
0x65: {  	_ =	shalt  }
0x66: {  	_ =	shalt  }
0x67: {  	_ =	shalt  }
0x68: {  	_ =	shalt  }
0x69: {  	_ =	shalt  }
0x6a: {  	_ =	shalt  }
0x6b: {  	_ =	shalt  }
0x6c: {  	_ =	shalt  }
0x6d: {  	_ =	shalt  }
0x6e: {  	_ =	shalt  }
0x6f: {  	_ =	shalt  }
0x70: {  	_ =	shalt  }
0x71: {  	_ =	shalt  }
0x72: {  	_ =	shalt  }
0x73: {  	_ =	shalt  }
0x74: {  	_ =	shalt  }
0x75: {  	_ =	shalt  }
0x76: {  	_ =	shalt  }
0x77: {  	_ =	shalt  }
0x78: {  	_ =	shalt  }
0x79: {  	_ =	shalt  }
0x7a: {  	_ =	shalt  }
0x7b: {  	_ =	shalt  }
0x7c: {  	_ =	shalt  }
0x7d: {  	_ =	shalt  }
0x7e: {  	_ =	shalt  }
0x7f: {  	_ =	shalt  }
0x80: {  	_ =	shalt  }
0x81: {  	_ =	shalt  }
0x82: {  	_ =	shalt  }
0x83: {  	_ =	shalt  }
0x84: {  	_ =	shalt  }
0x85: {  	_ =	shalt  }
0x86: {  	_ =	shalt  }
0x87: {  	_ =	shalt  }
.Lfunc_end0:
.L_simem_size_0:
called_computation_lowered:
.L_overlay_start_0:
0x88: {  	s2 =	sld [smem:$0x3FD9]  }
0x89: {  	s3 =	sld [smem:$0x3FFE];
	_ =	sdelay $0x1  }
0x8a: {  	s1 =	srdreg.scid  }
0x8b: {  	s0 =	sand.u32 $0x1, s1  }
0x8c: {  	s16 =	sshll.u32 s0, $0xA;
	s2 =	sadd.s32 s3, s2  }
0x8d: {  	s2 =	sadd.s32 s2, s16  }
0x8e: {  	[smem:$0x3FAD] =	sst s2  }
0x8f: {  	_ = 	snop  }
0x90: {  	(tm) =	ssettm $0x1  }
0x91: {  	s17 =	sld [smem:$0x3FFB];
	_ =	sdelay $0x3  }
0x92: {  	_ =	strace s17  }
0x93: {  	s2 =	sld [smem:$0x3FFC];
	_ =	sdelay $0x3  }
0x94: {  	_ =	strace s2  }
0x95: {  	s2 =	sld [smem:$0x3FFD];
	_ =	sdelay $0x3  }
0x96: {  	_ =	strace s2  }
0x97: {  	_ =	strace $0x8FFFFFFF  }
0x98: {  	s18 =	sld [smem:$0x3FDB];
	_ =	sdelay $0x1  }
0x99: {  	s19 =	simm.s32 $_scs_section_size  }
0x9a: {  	s4 =	simm.s32 $_size__tile_overlayer_lowered;
	s5 =	simm.s32 $_tile_overlayer_lowered  }
0x9b: {  	s22 =	simm.s32 $0x1BFF;
	s21 =	sshll.u32 s5, $0x1;
	s2 =	sadd.s32 s19, s18  }
0x9c: {  	s6 =	simm.s32 $0x0;
	s20 =	sshll.u32 s4, $0x1;
	s4 =	sadd.s32 s21, s2  }
0x9d: {  	[timem:s6], [sflag:s22] =	dma.local [hbm:s4], s20  }
0x9e: {  	_ =	swait.ge [sflag:s22], s20  }
0x9f: {  	s3 =	ssub.s32 $0x0, s20;
	[sflag:s22] =	ssyncset.done $0x0  }
0xa0: {  	[sflag:s22] =	ssyncadd.s32 s3;
	_ =	sdelay $0x1  }
0xa1: {  	s23 =	simm.s32 $0x1B8B  }
0xa2: {  	_ =	swait.ge [sflag:s23], $0x1  }
0xa3: {  	[sflag:s23] =	ssyncset.done $0x0  }
0xa4: {  	s25 =	simm.s32 $0x1B8E;
	s24 =	sld [smem:$0x3FFE];
	[sflag:s23] =	ssyncadd.s32 $0xFFFFFFFF  }
0xa5: {  	s26 =	simm.s32 $execute0_lowered;
	[smem:$0x3FD2] =	sst s25  }
0xa6: {  	s4 =	sshll.u32 s26, $0x1;
	_ =	strace $0x80000046;
	[dreg:$0x1] =	wrdreg $0xFFFFFFFF  }
0xa7: {  	s28 =	simm.s32 $_size_execute0_lowered;
	s2 =	sadd.s32 s2, s4;
	[dreg:$0x0] =	wrdreg $0x0  }
0xa8: {  	s4 =	sshll.u32 s28, $0x1;
	[dreg:$0x2] =	wrdreg s2  }
0xa9: {  	[dreg:$0x3] =	wrdreg s4  }
0xaa: {  	[dreg:$0x4] =	wrdreg $0xC0  }
0xab: {  	_ =	task [dreg:s6], $0x5FFFF  }
0xac: {  	[dreg:$0x1] =	wrdreg $0xFFFFFFFF  }
0xad: {  	[dreg:$0x0] =	wrdreg $0x60  }
0xae: {  	[dreg:$0x2] =	wrdreg s24  }
0xaf: {  	[dreg:$0x3] =	wrdreg $0x9  }
0xb0: {  	_ =	task.clear_ibuf [dreg:s6], $0x4FFFF;
	_ =	strace $0x90000046  }
0xb1: {  	s29 =	simm.s32 $0x9;
	_ =	strace $0x80000048  }
0xb2: {  	_ =	swait.ge [sflag:s29], $0x1  }
0xb3: {  	[sflag:s29] =	ssyncadd.s32 $0xFFFFFFFF  }
0xb4: {  	_ =	strace $0x90000048  }
0xb5: {  	_ =	sfence  }
0xb6: {  	s30 =	sld [smem:$0x0];
	_ =	sdelay $0x2  }
0xb7: {  	s31 =	sshll.u32 s1, $0xD;
	s1 =	sshrl.u32 s1, $0x2  }
0xb8: {  	s3 =	sand.u32 $0x4000, s31;
	s1 =	sadd.s32 s1, s30  }
0xb9: {  	s0 =	sor.u32 s3, s0;
	s1 =	sshll.u32 s1, $0x11  }
0xba: {  	s0 =	sor.u32 s1, s0  }
0xbb: {  	s0 =	sadd.s32 $0x8F2B, s0  }
0xbc: {  	[sflag:s0] =	ssyncadd.remote.s32 $0x1  }
0xbd: {  	_ =	sfence.sel $0xFFFF  }
0xbe: {  	[dreg:$0x0] =	wrdreg $0xFFFFFFFF;
	(pc) =	sbr.abs _section_cstart, $3  }
0xbf: {  	[dreg:$0x1] =	wrdreg $0xFFFFFFFF  }
0xc0: {  	_ =	task.clear_ibuf [dreg:s6], $0x2FFFF;
	_ =	strace $0x9FFFFFFF  }
0xc1: {  	(tm) =	ssettm $0x7FFFFFFF  }
tec
execute0_lowered:
.L_overlay_start_1:
0x0: {  	(tag) =	ssettag $0x1  }
0x1: {  	s1 =	srdreg.scid;
	s0 =	stileid.u32  }
0x2: {  	s28 =	sand.u32 $0x1, s1;
	s31 =	sshll.u32 s0, $0x1  }
0x3: {  	s29 =	sor.u32 s28, s31  }
0x4: {  	s26 =	rddreg [dreg:$0x0];
	s3 =	smul.u32 $0xA0, s29  }
0x5: {  	s2 =	simm.s32 $0x0;
	s1 =	rddreg [dreg:$0x1]  }
0x6: {  	[smem:$0x7FF] =	sst s2;
	s3 =	sadd.s32 s3, s26  }
0x7: {  	_ =	strace $0x80000047;
	s4 =	sadd.s32 $0x3600, s3;
	s3 =	simm.s32 $0x2  }
0x8: {  	[tilespmem:s2], [sflag:$0x2] =	stream.linear.gather [hbm4b:s4+s2], $0x500, $0x38;
	[tilespmem:$0x14500] =	vst v63  }
0x9: {  	_ =	swait.ge [sflag:s3], $0x500  }
0xa: {  	s6 =	simm.s32 $0x80;
	[sflag:s3] =	ssyncset.done $0x0  }
0xb: {  	s7 =	simm.s32 $0x500;
	s5 =	sadd.s32 $0x54A00, s26;
	[sflag:s3] =	ssyncadd.s32 $0xFFFFFB00  }
0xc: {  	[tilespmem:s7], [sflag:$0x1] =	stream.indirect.gather [hbm4b:s5+s6], $0x40, s2, s6, $0xb8;
	[tilespmem:$0x14500] =	vst v63  }
0xd: {  	s8 =	simm.s32 $0x2500  }
0xe: {  	[tilespmem:s8], [sflag:$0x1] =	stream.indirect.gather [hbm4b:s5+s6], $0x40, s6, s6, $0xb8;
	[tilespmem:$0x14500] =	vst v63  }
0xf: {  	s9 =	simm.s32 $0x100;
	s10 =	simm.s32 $0x4500  }
0x10: {  	[tilespmem:s10], [sflag:$0x1] =	stream.indirect.gather [hbm4b:s5+s6], $0x40, s9, s6, $0xb8;
	[tilespmem:$0x14500] =	vst v63  }
0x11: {  	s11 =	simm.s32 $0x180;
	s12 =	simm.s32 $0x6500  }
0x12: {  	[tilespmem:s12], [sflag:$0x1] =	stream.indirect.gather [hbm4b:s5+s6], $0x40, s11, s6, $0xb8;
	[tilespmem:$0x14500] =	vst v63  }
0x13: {  	s13 =	simm.s32 $0x200;
	s14 =	simm.s32 $0x8500  }
0x14: {  	[tilespmem:s14], [sflag:$0x1] =	stream.indirect.gather [hbm4b:s5+s6], $0x40, s13, s6, $0xb8;
	[tilespmem:$0x14500] =	vst v63  }
0x15: {  	s15 =	simm.s32 $0x280;
	s16 =	simm.s32 $0xA500  }
0x16: {  	[tilespmem:s16], [sflag:$0x1] =	stream.indirect.gather [hbm4b:s5+s6], $0x40, s15, s6, $0xb8;
	[tilespmem:$0x14500] =	vst v63  }
0x17: {  	s17 =	simm.s32 $0x300;
	s18 =	simm.s32 $0xC500  }
0x18: {  	[tilespmem:s18], [sflag:$0x1] =	stream.indirect.gather [hbm4b:s5+s6], $0x40, s17, s6, $0xb8;
	[tilespmem:$0x14500] =	vst v63  }
0x19: {  	s19 =	simm.s32 $0x380;
	s20 =	simm.s32 $0xE500  }
0x1a: {  	[tilespmem:s20], [sflag:$0x1] =	stream.indirect.gather [hbm4b:s5+s6], $0x40, s19, s6, $0xb8;
	[tilespmem:$0x14500] =	vst v63  }
0x1b: {  	s21 =	simm.s32 $0x400;
	s22 =	simm.s32 $0x10500  }
0x1c: {  	[tilespmem:s22], [sflag:$0x1] =	stream.indirect.gather [hbm4b:s5+s6], $0x40, s21, s6, $0xb8;
	[tilespmem:$0x14500] =	vst v63  }
0x1d: {  	s23 =	simm.s32 $0x480;
	s24 =	simm.s32 $0x12500;
	s25 =	simm.s32 $0x1  }
0x1e: {  	[tilespmem:s24], [sflag:$0x1] =	stream.indirect.gather [hbm4b:s5+s6], $0x40, s23, s6, $0xb8;
	[tilespmem:$0x14500] =	vst v63  }
0x1f: {  	_ =	swait.ge [sflag:s25], $0x2000  }
0x20: {  	[sflag:s25] =	ssyncset.done $0x0  }
0x21: {  	[sflag:s25] =	ssyncadd.s32 $0xFFFFE000  }
0x22: {  	_ =	swait.ge [sflag:s25], $0x2000  }
0x23: {  	[sflag:s25] =	ssyncset.done $0x0  }
0x24: {  	[sflag:s25] =	ssyncadd.s32 $0xFFFFE000  }
0x25: {  	_ =	swait.ge [sflag:s25], $0x2000  }
0x26: {  	[sflag:s25] =	ssyncset.done $0x0  }
0x27: {  	[sflag:s25] =	ssyncadd.s32 $0xFFFFE000  }
0x28: {  	_ =	swait.ge [sflag:s25], $0x2000  }
0x29: {  	[sflag:s25] =	ssyncset.done $0x0  }
0x2a: {  	[sflag:s25] =	ssyncadd.s32 $0xFFFFE000  }
0x2b: {  	_ =	swait.ge [sflag:s25], $0x2000  }
0x2c: {  	[sflag:s25] =	ssyncset.done $0x0  }
0x2d: {  	[sflag:s25] =	ssyncadd.s32 $0xFFFFE000  }
0x2e: {  	_ =	swait.ge [sflag:s25], $0x2000  }
0x2f: {  	[sflag:s25] =	ssyncset.done $0x0  }
0x30: {  	[sflag:s25] =	ssyncadd.s32 $0xFFFFE000  }
0x31: {  	_ =	swait.ge [sflag:s25], $0x2000  }
0x32: {  	[sflag:s25] =	ssyncset.done $0x0  }
0x33: {  	[sflag:s25] =	ssyncadd.s32 $0xFFFFE000  }
0x34: {  	_ =	swait.ge [sflag:s25], $0x2000  }
0x35: {  	[sflag:s25] =	ssyncset.done $0x0  }
0x36: {  	s28 =	ssub.s32 $0x2, s28;
	[sflag:s25] =	ssyncadd.s32 $0xFFFFE000  }
0x37: {  	s30 =	sshrl.u32 s28, $0x1;
	_ =	swait.ge [sflag:s25], $0x2000  }
0x38: {  	s28 =	ssub.s32 s28, s30;
	[sflag:s25] =	ssyncset.done $0x0  }
0x39: {  	s29 =	smul.u32 $0x2800, s29;
	s28 =	smax.u32 s28, $0x1;
	[sflag:s25] =	ssyncadd.s32 $0xFFFFE000  }
0x3a: {  	p0 =	sne.s32 s28, $0x1;
	_ =	swait.ge [sflag:s25], $0x2000  }
.Ltmp0:
0x3b: {  	s26 =	sadd.s32 s29, s26;
	[sflag:s25] =	ssyncset.done $0x0;
	(pc) =	sbr.rel @!p0 .LBB2_2-.Ltmp0, $4  }
0x3c: {  	s26 =	sadd.s32 $0x7CA00, s26;
	[sflag:s25] =	ssyncadd.s32 $0xFFFFE000  }
0x3d: {  	[hbm4b:s26+s2] =	stream.linear.scatter [tilespmem:s7], [sflag:$0x2], $0x14000, $0x38;
	[tilespmem:$0x14500] =	vst v63  }
0x3e: {  	_ =	swait.ge [sflag:s3], $0x14000  }
0x3f: {  	s28 =	sadd.s32 $0xFFFFFFFF, s28;
	[sflag:s3] =	ssyncset.done $0x0  }
.LBB2_1:
0x40: {  	p0 =	sne.s32 s28, $0x1;
	s28 =	sadd.s32 $0xFFFFFFFF, s28;
	[sflag:s3] =	ssyncadd.s32 $0xFFFEC000  }
0x41: {  	[tilespmem:s2], [sflag:$0x2] =	stream.linear.gather [hbm4b:s4+s2], $0x500, $0x38;
	[tilespmem:$0x14500] =	vst v63  }
0x42: {  	_ =	swait.ge [sflag:s3], $0x500  }
0x43: {  	[sflag:s3] =	ssyncset.done $0x0  }
0x44: {  	[sflag:s3] =	ssyncadd.s32 $0xFFFFFB00  }
0x45: {  	[tilespmem:s7], [sflag:$0x1] =	stream.indirect.gather [hbm4b:s5+s6], $0x40, s2, s6, $0xb8;
	[tilespmem:$0x14500] =	vst v63  }
0x46: {  	_ = 	snop  }
0x47: {  	[tilespmem:s8], [sflag:$0x1] =	stream.indirect.gather [hbm4b:s5+s6], $0x40, s6, s6, $0xb8;
	[tilespmem:$0x14500] =	vst v63  }
0x48: {  	_ = 	snop  }
0x49: {  	[tilespmem:s10], [sflag:$0x1] =	stream.indirect.gather [hbm4b:s5+s6], $0x40, s9, s6, $0xb8;
	[tilespmem:$0x14500] =	vst v63  }
0x4a: {  	_ = 	snop  }
0x4b: {  	[tilespmem:s12], [sflag:$0x1] =	stream.indirect.gather [hbm4b:s5+s6], $0x40, s11, s6, $0xb8;
	[tilespmem:$0x14500] =	vst v63  }
0x4c: {  	_ = 	snop  }
0x4d: {  	[tilespmem:s14], [sflag:$0x1] =	stream.indirect.gather [hbm4b:s5+s6], $0x40, s13, s6, $0xb8;
	[tilespmem:$0x14500] =	vst v63  }
0x4e: {  	_ = 	snop  }
0x4f: {  	[tilespmem:s16], [sflag:$0x1] =	stream.indirect.gather [hbm4b:s5+s6], $0x40, s15, s6, $0xb8;
	[tilespmem:$0x14500] =	vst v63  }
0x50: {  	_ = 	snop  }
0x51: {  	[tilespmem:s18], [sflag:$0x1] =	stream.indirect.gather [hbm4b:s5+s6], $0x40, s17, s6, $0xb8;
	[tilespmem:$0x14500] =	vst v63  }
0x52: {  	_ = 	snop  }
0x53: {  	[tilespmem:s20], [sflag:$0x1] =	stream.indirect.gather [hbm4b:s5+s6], $0x40, s19, s6, $0xb8;
	[tilespmem:$0x14500] =	vst v63  }
0x54: {  	_ = 	snop  }
0x55: {  	[tilespmem:s22], [sflag:$0x1] =	stream.indirect.gather [hbm4b:s5+s6], $0x40, s21, s6, $0xb8;
	[tilespmem:$0x14500] =	vst v63  }
0x56: {  	_ = 	snop  }
0x57: {  	[tilespmem:s24], [sflag:$0x1] =	stream.indirect.gather [hbm4b:s5+s6], $0x40, s23, s6, $0xb8;
	[tilespmem:$0x14500] =	vst v63  }
0x58: {  	_ =	swait.ge [sflag:s25], $0x2000  }
0x59: {  	[sflag:s25] =	ssyncset.done $0x0  }
0x5a: {  	[sflag:s25] =	ssyncadd.s32 $0xFFFFE000  }
0x5b: {  	_ =	swait.ge [sflag:s25], $0x2000  }
0x5c: {  	[sflag:s25] =	ssyncset.done $0x0  }
0x5d: {  	[sflag:s25] =	ssyncadd.s32 $0xFFFFE000  }
0x5e: {  	_ =	swait.ge [sflag:s25], $0x2000  }
0x5f: {  	[sflag:s25] =	ssyncset.done $0x0  }
0x60: {  	[sflag:s25] =	ssyncadd.s32 $0xFFFFE000  }
0x61: {  	_ =	swait.ge [sflag:s25], $0x2000  }
0x62: {  	[sflag:s25] =	ssyncset.done $0x0  }
0x63: {  	[sflag:s25] =	ssyncadd.s32 $0xFFFFE000  }
0x64: {  	_ =	swait.ge [sflag:s25], $0x2000  }
0x65: {  	[sflag:s25] =	ssyncset.done $0x0  }
0x66: {  	[sflag:s25] =	ssyncadd.s32 $0xFFFFE000  }
0x67: {  	_ =	swait.ge [sflag:s25], $0x2000  }
0x68: {  	[sflag:s25] =	ssyncset.done $0x0  }
0x69: {  	[sflag:s25] =	ssyncadd.s32 $0xFFFFE000  }
0x6a: {  	_ =	swait.ge [sflag:s25], $0x2000  }
0x6b: {  	[sflag:s25] =	ssyncset.done $0x0  }
0x6c: {  	[sflag:s25] =	ssyncadd.s32 $0xFFFFE000  }
0x6d: {  	_ =	swait.ge [sflag:s25], $0x2000  }
0x6e: {  	[sflag:s25] =	ssyncset.done $0x0  }
0x6f: {  	[sflag:s25] =	ssyncadd.s32 $0xFFFFE000  }
0x70: {  	_ =	swait.ge [sflag:s25], $0x2000  }
0x71: {  	[sflag:s25] =	ssyncset.done $0x0  }
0x72: {  	[sflag:s25] =	ssyncadd.s32 $0xFFFFE000  }
0x73: {  	_ =	swait.ge [sflag:s25], $0x2000  }
.Ltmp1:
0x74: {  	[sflag:s25] =	ssyncset.done $0x0;
	(pc) =	sbr.rel @p0 .LBB2_1-.Ltmp1, $4  }
0x75: {  	[sflag:s25] =	ssyncadd.s32 $0xFFFFE000  }
0x76: {  	[hbm4b:s26+s2] =	stream.linear.scatter [tilespmem:s7], [sflag:$0x2], $0x14000, $0x38;
	[tilespmem:$0x14500] =	vst v63  }
0x77: {  	_ =	swait.ge [sflag:s3], $0x14000  }
0x78: {  	[sflag:s3] =	ssyncset.done $0x0  }
.LBB2_2:
0x79: {  	[sflag:s3] =	ssyncadd.s32 $0xFFFEC000  }
0x7a: {  	_ =	sfence.sel $0x180000  }
0x7b: {  	[bflag:$0x0] =	sbarrier.arrive $0xFFFF  }
0x7c: {  	p0 =	sne.s32 s0, $0x0;
	_ =	strace $0x90000047  }
0x7d: {  	s0 =	sadd.s32 @!p0 $0x100000, s1;
	[bflag:$0x2] =	sbarrier.arrive $0xFFFF  }
0x7e: {  	[sflag:s0] =	ssyncadd.tile.s32 @!p0 $0x1;
	_ =	shalt  }
.Lfunc_end2:
_tile_overlayer_lowered:
.L_overlay_start_2:
0x7f: {  	(tag) =	ssettag $0x2  }
0x80: {  	s0 =	rddreg [dreg:$0x0];
	s2 =	stileid.u32  }
0x81: {  	s1 =	rddreg [dreg:$0x1];
	p0 =	sne.s32 s2, $0x0  }
0x82: {  	s3 =	rddreg [dreg:$0x2];
	[bflag:$0x3] =	sbarrier.arrive $0xFFFF;
	s2 =	simm.s32 @!p0 $0x1C02  }
0x83: {  	[timem:s3], [sflag:s2] =	dma.local @!p0 [hbm:s0], s1  }
0x84: {  	s0 =	simm.s32 @!p0 $0x2  }
0x85: {  	_ =	swait.ge @!p0 [sflag:s0], s1  }
0x86: {  	s1 =	ssub.s32 @!p0 $0x0, s1;
	[sflag:s0] =	ssyncset.done @!p0 $0x0  }
0x87: {  	[sflag:s0] =	ssyncadd.s32 @!p0 s1  }
0x88: {  	[bflag:$0x3] =	sbarrier.arrive $0xFFFF  }
0x89: {  	_ =	shalt  }

// kernel: kernel.21.cloned.1.call-start
scs
__scs_entry_jumppad:
0x0: {  	(pc) =	sbr.rel $0x88, $3  }
0x1: {  	(tag) =	ssettag $0x0;
	lr =	simm.s32 $0x1  }
0x2: {  	[smem:$0x3F86] =	sst lr;
	_ =	strace $0xD0000000  }
0x3: {  	_ = 	snop  }
0x4: {  	_ = 	snop  }
0x5: {  	_ = 	snop  }
0x6: {  	_ = 	snop  }
0x7: {  	_ = 	snop  }
__scs_overlays_trampoline_lowered:
0x8: {  	[smem:$0x3F95] =	sst s0  }
0x9: {  	[smem:$0x3F96] =	sst s1  }
0xa: {  	[smem:$0x3F97] =	sst s2  }
0xb: {  	[smem:$0x3F98] =	sst s3  }
0xc: {  	[smem:$0x3F99] =	sst s4  }
0xd: {  	[smem:$0x3F9A] =	sst s5  }
0xe: {  	[smem:$0x3F9B] =	sst s6  }
0xf: {  	[smem:$0x3F9C] =	sst s7  }
0x10: {  	[smem:$0x3F9D] =	sst s8  }
0x11: {  	[smem:$0x3F9E] =	sst s9;
	s0 =	simm.s32 @!p0 $0x0  }
0x12: {  	s1 =	sld [smem:$0x3F84];
	s0 =	simm.s32 @p0 $0x1  }
0x13: {  	[smem:$0x3F9F] =	sst s0;
	s0 =	simm.s32 @!p1 $0x0  }
0x14: {  	s2 =	sld [smem:$0x3F83];
	s0 =	simm.s32 @p1 $0x1  }
0x15: {  	[smem:$0x3FA0] =	sst s0;
	s0 =	simm.s32 @!p2 $0x0  }
0x16: {  	s3 =	sld [smem:$0x3FDB];
	s0 =	simm.s32 @p2 $0x1  }
0x17: {  	s4 =	simm.s32 $0x1BF5;
	[smem:$0x3FA2] =	sst s0  }
0x18: {  	s0 =	sld [smem:$0x3F85];
	_ =	swait.ge [sflag:s4], $0x0  }
0x19: {  	s7 =	sld [smem:$0x3F86]  }
0x1a: {  	s8 =	sadd.s32 $0xFFFFE003, lr  }
0x1b: {  	s9 =	sadd.s32 $0xFFFFFEF7, lr;
	s5 =	simm.s32 $0xFFFFFFFF;
	p2 =	slt.u32 s8, $0xFFFFF086  }
0x1c: {  	p1 =	slt.u32 s9, $0xF7A;
	s5 =	simm.s32 @!p2 $0x0  }
0x1d: {  	s5 =	simm.s32 @p1 $0x1;
	p0 =	seq.s32 s7, s2  }
0x1e: {  	s7 =	smul.u32 @!p0 $0xF7A, s2;
	p2 =	seq.s32 @!p0 s5, $0x0  }
0x1f: {  	s9 =	smul.u32 $0xF7A, s1;
	s8 =	simm.s32 @!p0 $0x1BF5;
	p2 =	por !p2, p0  }
0x20: {  	[sflag:s8] =	ssyncset.s32 @!p0 $0xFFFFF086;
	s6 =	sadd.s32 @!p0 s3, s7;
	s7 =	simm.s32 @!p0 $0x108  }
0x21: {  	s3 =	sadd.s32 s3, s9;
	s6 =	sadd.s32 @!p0 $0x88, s6;
	s7 =	simm.s32 @p2 $0x1082  }
0x22: {  	[simem:s7], [sflag:s8] =	dma.local @!p0 [hbm:s6], $0xF7A  }
0x23: {  	s9 =	sor.u32 $0xD0000000, s2;
	s6 =	simm.s32 $0x108;
	_ =	swait.ge @!p0 [sflag:s8], $0x0  }
0x24: {  	s3 =	sadd.s32 $0x88, s3;
	s6 =	simm.s32 @!p1 $0x1082;
	[sflag:s4] =	ssyncset.s32 $0xFFFFF086  }
0x25: {  	[simem:s6], [sflag:s4] =	dma.local [hbm:s3], $0xF7A  }
0x26: {  	[smem:$0x3F86] =	sst s1;
	(tag) =	ssettag s2;
	_ =	strace s9  }
0x27: {  	s1 =	sld [smem:$0x3F96]  }
0x28: {  	s2 =	sld [smem:$0x3F97]  }
0x29: {  	s4 =	sld [smem:$0x3F99]  }
0x2a: {  	p0 =	seq.s32 s5, $0x0;
	s5 =	sld [smem:$0x3F9A]  }
0x2b: {  	s6 =	sld [smem:$0x3F9B]  }
0x2c: {  	s7 =	sld [smem:$0x3F9C]  }
0x2d: {  	s3 =	simm.s32 $0x108;
	s8 =	sld [smem:$0x3F9D]  }
0x2e: {  	s3 =	simm.s32 @!p0 $0x1082;
	s9 =	sld [smem:$0x3F9E]  }
0x2f: {  	lr =	sadd.s32 s0, s3;
	s0 =	sld [smem:$0x3F95]  }
0x30: {  	s3 =	sld [smem:$0x3F98]  }
0x31: {  	[smem:$0x3FA1] =	sst s10  }
0x32: {  	s10 =	sld [smem:$0x3F9F];
	_ =	sdelay $0x3  }
0x33: {  	p0 =	seq.s32 s10, $0x1;
	s10 =	sld [smem:$0x3FA1];
	_ =	sdelay $0x3  }
0x34: {  	[smem:$0x3FA1] =	sst s10  }
0x35: {  	s10 =	sld [smem:$0x3FA0];
	_ =	sdelay $0x3  }
0x36: {  	p1 =	seq.s32 s10, $0x1;
	s10 =	sld [smem:$0x3FA1];
	_ =	sdelay $0x3  }
0x37: {  	[smem:$0x3FA1] =	sst s10  }
0x38: {  	s10 =	sld [smem:$0x3FA2]  }
0x39: {  	_ = 	snop;
	(pc) =	sbr.ind lr, $3  }
0x3a: {  	_ = 	snop  }
0x3b: {  	_ = 	snop  }
0x3c: {  	p2 =	seq.s32 s10, $0x1;
	s10 =	sld [smem:$0x3FA1]  }
0x3d: {  	_ =	shalt  }
0x3e: {  	_ =	shalt  }
0x3f: {  	_ =	shalt  }
0x40: {  	_ =	shalt  }
0x41: {  	_ =	shalt  }
0x42: {  	_ =	shalt  }
0x43: {  	_ =	shalt  }
0x44: {  	_ =	shalt  }
0x45: {  	_ =	shalt  }
0x46: {  	_ =	shalt  }
0x47: {  	_ =	shalt  }
0x48: {  	_ =	shalt  }
0x49: {  	_ =	shalt  }
0x4a: {  	_ =	shalt  }
0x4b: {  	_ =	shalt  }
0x4c: {  	_ =	shalt  }
0x4d: {  	_ =	shalt  }
0x4e: {  	_ =	shalt  }
0x4f: {  	_ =	shalt  }
0x50: {  	_ =	shalt  }
0x51: {  	_ =	shalt  }
0x52: {  	_ =	shalt  }
0x53: {  	_ =	shalt  }
0x54: {  	_ =	shalt  }
0x55: {  	_ =	shalt  }
0x56: {  	_ =	shalt  }
0x57: {  	_ =	shalt  }
0x58: {  	_ =	shalt  }
0x59: {  	_ =	shalt  }
0x5a: {  	_ =	shalt  }
0x5b: {  	_ =	shalt  }
0x5c: {  	_ =	shalt  }
0x5d: {  	_ =	shalt  }
0x5e: {  	_ =	shalt  }
0x5f: {  	_ =	shalt  }
0x60: {  	_ =	shalt  }
0x61: {  	_ =	shalt  }
0x62: {  	_ =	shalt  }
0x63: {  	_ =	shalt  }
0x64: {  	_ =	shalt  }
0x65: {  	_ =	shalt  }
0x66: {  	_ =	shalt  }
0x67: {  	_ =	shalt  }
0x68: {  	_ =	shalt  }
0x69: {  	_ =	shalt  }
0x6a: {  	_ =	shalt  }
0x6b: {  	_ =	shalt  }
0x6c: {  	_ =	shalt  }
0x6d: {  	_ =	shalt  }
0x6e: {  	_ =	shalt  }
0x6f: {  	_ =	shalt  }
0x70: {  	_ =	shalt  }
0x71: {  	_ =	shalt  }
0x72: {  	_ =	shalt  }
0x73: {  	_ =	shalt  }
0x74: {  	_ =	shalt  }
0x75: {  	_ =	shalt  }
0x76: {  	_ =	shalt  }
0x77: {  	_ =	shalt  }
0x78: {  	_ =	shalt  }
0x79: {  	_ =	shalt  }
0x7a: {  	_ =	shalt  }
0x7b: {  	_ =	shalt  }
0x7c: {  	_ =	shalt  }
0x7d: {  	_ =	shalt  }
0x7e: {  	_ =	shalt  }
0x7f: {  	_ =	shalt  }
0x80: {  	_ =	shalt  }
0x81: {  	_ =	shalt  }
0x82: {  	_ =	shalt  }
0x83: {  	_ =	shalt  }
0x84: {  	_ =	shalt  }
0x85: {  	_ =	shalt  }
0x86: {  	_ =	shalt  }
0x87: {  	_ =	shalt  }
.Lfunc_end0:
.L_simem_size_0:
called_computation.1_lowered:
.L_overlay_start_0:
0x88: {  	s2 =	sld [smem:$0x3FD9]  }
0x89: {  	s3 =	sld [smem:$0x3FFE];
	_ =	sdelay $0x1  }
0x8a: {  	s1 =	srdreg.scid  }
0x8b: {  	s0 =	sand.u32 $0x1, s1  }
0x8c: {  	s16 =	sshll.u32 s0, $0xA;
	s2 =	sadd.s32 s3, s2  }
0x8d: {  	s2 =	sadd.s32 s2, s16  }
0x8e: {  	[smem:$0x3FAD] =	sst s2  }
0x8f: {  	_ = 	snop  }
0x90: {  	(tm) =	ssettm $0x1  }
0x91: {  	s17 =	sld [smem:$0x3FFB];
	_ =	sdelay $0x3  }
0x92: {  	_ =	strace s17  }
0x93: {  	s2 =	sld [smem:$0x3FFC];
	_ =	sdelay $0x3  }
0x94: {  	_ =	strace s2  }
0x95: {  	s2 =	sld [smem:$0x3FFD];
	_ =	sdelay $0x3  }
0x96: {  	_ =	strace s2  }
0x97: {  	_ =	strace $0x8FFFFFFF  }
0x98: {  	s18 =	sld [smem:$0x3FDB];
	_ =	sdelay $0x1  }
0x99: {  	s19 =	simm.s32 $_scs_section_size  }
0x9a: {  	s4 =	simm.s32 $_size__tile_overlayer_lowered;
	s5 =	simm.s32 $_tile_overlayer_lowered  }
0x9b: {  	s22 =	simm.s32 $0x1BFF;
	s21 =	sshll.u32 s5, $0x1;
	s2 =	sadd.s32 s19, s18  }
0x9c: {  	s6 =	simm.s32 $0x0;
	s20 =	sshll.u32 s4, $0x1;
	s4 =	sadd.s32 s21, s2  }
0x9d: {  	[timem:s6], [sflag:s22] =	dma.local [hbm:s4], s20  }
0x9e: {  	_ =	swait.ge [sflag:s22], s20  }
0x9f: {  	s3 =	ssub.s32 $0x0, s20;
	[sflag:s22] =	ssyncset.done $0x0  }
0xa0: {  	[sflag:s22] =	ssyncadd.s32 s3;
	_ =	sdelay $0x1  }
0xa1: {  	s23 =	simm.s32 $0x1B8B  }
0xa2: {  	_ =	swait.ge [sflag:s23], $0x1  }
0xa3: {  	[sflag:s23] =	ssyncset.done $0x0  }
0xa4: {  	s25 =	simm.s32 $0x1B8E;
	s24 =	sld [smem:$0x3FFE];
	[sflag:s23] =	ssyncadd.s32 $0xFFFFFFFF  }
0xa5: {  	s26 =	simm.s32 $execute0_lowered;
	[smem:$0x3FD2] =	sst s25  }
0xa6: {  	s4 =	sshll.u32 s26, $0x1;
	_ =	strace $0x80000049;
	[dreg:$0x1] =	wrdreg $0xFFFFFFFF  }
0xa7: {  	s28 =	simm.s32 $_size_execute0_lowered;
	s2 =	sadd.s32 s2, s4;
	[dreg:$0x0] =	wrdreg $0x0  }
0xa8: {  	s4 =	sshll.u32 s28, $0x1;
	[dreg:$0x2] =	wrdreg s2  }
0xa9: {  	[dreg:$0x3] =	wrdreg s4  }
0xaa: {  	[dreg:$0x4] =	wrdreg $0xC0  }
0xab: {  	_ =	task [dreg:s6], $0x5FFFF  }
0xac: {  	[dreg:$0x1] =	wrdreg $0xFFFFFFFF  }
0xad: {  	[dreg:$0x0] =	wrdreg $0x60  }
0xae: {  	[dreg:$0x2] =	wrdreg s24  }
0xaf: {  	[dreg:$0x3] =	wrdreg $0x145000  }
0xb0: {  	[dreg:$0x4] =	wrdreg $0x9  }
0xb1: {  	_ =	task.clear_ibuf [dreg:s6], $0x5FFFF;
	_ =	strace $0x90000049  }
0xb2: {  	s29 =	simm.s32 $0x9;
	_ =	strace $0x8000004B  }
0xb3: {  	_ =	swait.ge [sflag:s29], $0x1  }
0xb4: {  	[sflag:s29] =	ssyncadd.s32 $0xFFFFFFFF  }
0xb5: {  	_ =	strace $0x9000004B  }
0xb6: {  	_ =	sfence  }
0xb7: {  	s30 =	sld [smem:$0x0];
	_ =	sdelay $0x2  }
0xb8: {  	s31 =	sshll.u32 s1, $0xD;
	s1 =	sshrl.u32 s1, $0x2  }
0xb9: {  	s3 =	sand.u32 $0x4000, s31;
	s1 =	sadd.s32 s1, s30  }
0xba: {  	s0 =	sor.u32 s3, s0;
	s1 =	sshll.u32 s1, $0x11  }
0xbb: {  	s0 =	sor.u32 s1, s0  }
0xbc: {  	s0 =	sadd.s32 $0x8F2B, s0  }
0xbd: {  	[sflag:s0] =	ssyncadd.remote.s32 $0x1  }
0xbe: {  	_ =	sfence.sel $0xFFFF  }
0xbf: {  	[dreg:$0x0] =	wrdreg $0xFFFFFFFF;
	(pc) =	sbr.abs _section_cstart, $3  }
0xc0: {  	[dreg:$0x1] =	wrdreg $0xFFFFFFFF  }
0xc1: {  	_ =	task.clear_ibuf [dreg:s6], $0x2FFFF;
	_ =	strace $0x9FFFFFFF  }
0xc2: {  	(tm) =	ssettm $0x7FFFFFFF  }
0xc3: {  	_ =	shalt  }
tec
execute0_lowered:
.L_overlay_start_1:
0x0: {  	(tag) =	ssettag $0x1  }
0x1: {  	s29 =	rddreg [dreg:$0x0];
	s0 =	stileid.u32  }
0x2: {  	s2 =	rddreg [dreg:$0x1];
	s3 =	simm.s32 $0x0;
	s4 =	smul.u32 $0xA200, s0  }
0x3: {  	s5 =	srdreg.scid;
	[smem:$0x7FF] =	sst s3  }
0x4: {  	s26 =	sand.u32 $0x1, s5;
	s7 =	smul.u32 $0x500, s0;
	s6 =	sshrl.u32 s4, $0x3  }
0x5: {  	s24 =	sshll.u32 s0, $0x6;
	s23 =	smul.u32 $0x5000, s26;
	s22 =	sadd.s32 s6, s29  }
0x6: {  	_ =	strace $0x8000004A;
	s4 =	sadd.s32 s4, s2;
	s5 =	sadd.s32 $0xA4A00, s22  }
0x7: {  	s9 =	sadd.s32 s7, s23;
	s6 =	sshrl.u32 s4, $0x3;
	[dreg:$0x3] =	wrdreg s5  }
0x8: {  	s4 =	simm.s32 $0x1;
	s5 =	sor.u32 $0x1C01, s24;
	s8 =	rddreg [dreg:$0x3]  }
0x9: {  	[spmem:s6], [sflag:s5] =	dma.local [hbm:s8], $0x1440  }
0xa: {  	s7 =	sshrl.u32 s9, $0x3;
	_ =	swait.ge [sflag:s4], $0x1440  }
0xb: {  	s7 =	sadd.s32 s7, s29;
	[sflag:s4] =	ssyncset.done $0x0  }
0xc: {  	s7 =	sadd.s32 $0x16CA00, s7;
	[sflag:s4] =	ssyncadd.s32 $0xFFFFEBC0  }
0xd: {  	[tilespmem:s3], [sflag:$0x1] =	stream.linear.gather [hbm4b:s7+s3], $0x500, $0x38;
	[tilespmem:$0x1E700] =	vst v63  }
0xe: {  	s25 =	sshll.u32 s9, $0x3;
	_ =	swait.ge [sflag:s4], $0x500  }
0xf: {  	s8 =	sadd.s32 s25, s29;
	[sflag:s4] =	ssyncset.done $0x0  }
0x10: {  	s9 =	simm.s32 $0x500;
	s8 =	sadd.s32 $0x54A00, s8;
	[sflag:s4] =	ssyncadd.s32 $0xFFFFFB00  }
0x11: {  	[tilespmem:s9], [sflag:$0x1] =	stream.linear.gather [hbm4b:s8+s3], $0x14000, $0x38;
	[tilespmem:$0x1E700] =	vst v63  }
0x12: {  	_ =	swait.ge [sflag:s4], $0x14000  }
0x13: {  	[sflag:s4] =	ssyncset.done $0x0  }
0x14: {  	[sflag:s4] =	ssyncadd.s32 $0xFFFEC000  }
0x15: {  	s10 =	simm.s32 $0x80;
	[bflag:$0x0] =	sbarrier.arrive $0xFFFF  }
0x16: {  	[spmem:s2] =	stream.indirect.scatter.add.f32 [tilespmem:s9], [sflag:$0x1], $0x40, s3, s10, $0xb8;
	[tilespmem:$0x1E700] =	vst v63  }
0x17: {  	_ =	swait.ge [sflag:s4], $0x2000  }
0x18: {  	[sflag:s4] =	ssyncset.done $0x0  }
0x19: {  	s11 =	simm.s32 $0x2500;
	[sflag:s4] =	ssyncadd.s32 $0xFFFFE000  }
0x1a: {  	[spmem:s2] =	stream.indirect.scatter.add.f32 [tilespmem:s11], [sflag:$0x1], $0x40, s10, s10, $0xb8;
	[tilespmem:$0x1E700] =	vst v63  }
0x1b: {  	_ =	swait.ge [sflag:s4], $0x2000  }
0x1c: {  	[sflag:s4] =	ssyncset.done $0x0  }
0x1d: {  	s12 =	simm.s32 $0x100;
	s13 =	simm.s32 $0x4500;
	[sflag:s4] =	ssyncadd.s32 $0xFFFFE000  }
0x1e: {  	[spmem:s2] =	stream.indirect.scatter.add.f32 [tilespmem:s13], [sflag:$0x1], $0x40, s12, s10, $0xb8;
	[tilespmem:$0x1E700] =	vst v63  }
0x1f: {  	_ =	swait.ge [sflag:s4], $0x2000  }
0x20: {  	[sflag:s4] =	ssyncset.done $0x0  }
0x21: {  	s14 =	simm.s32 $0x180;
	s15 =	simm.s32 $0x6500;
	[sflag:s4] =	ssyncadd.s32 $0xFFFFE000  }
0x22: {  	[spmem:s2] =	stream.indirect.scatter.add.f32 [tilespmem:s15], [sflag:$0x1], $0x40, s14, s10, $0xb8;
	[tilespmem:$0x1E700] =	vst v63  }
0x23: {  	_ =	swait.ge [sflag:s4], $0x2000  }
0x24: {  	[sflag:s4] =	ssyncset.done $0x0  }
0x25: {  	s16 =	simm.s32 $0x200;
	s17 =	simm.s32 $0x8500;
	[sflag:s4] =	ssyncadd.s32 $0xFFFFE000  }
0x26: {  	[spmem:s2] =	stream.indirect.scatter.add.f32 [tilespmem:s17], [sflag:$0x1], $0x40, s16, s10, $0xb8;
	[tilespmem:$0x1E700] =	vst v63  }
0x27: {  	_ =	swait.ge [sflag:s4], $0x2000  }
0x28: {  	[sflag:s4] =	ssyncset.done $0x0  }
0x29: {  	s18 =	simm.s32 $0x280;
	s19 =	simm.s32 $0xA500;
	[sflag:s4] =	ssyncadd.s32 $0xFFFFE000  }
0x2a: {  	[spmem:s2] =	stream.indirect.scatter.add.f32 [tilespmem:s19], [sflag:$0x1], $0x40, s18, s10, $0xb8;
	[tilespmem:$0x1E700] =	vst v63  }
0x2b: {  	_ =	swait.ge [sflag:s4], $0x2000  }
0x2c: {  	[sflag:s4] =	ssyncset.done $0x0  }
0x2d: {  	s20 =	simm.s32 $0x300;
	s21 =	simm.s32 $0xC500;
	[sflag:s4] =	ssyncadd.s32 $0xFFFFE000  }
0x2e: {  	[spmem:s2] =	stream.indirect.scatter.add.f32 [tilespmem:s21], [sflag:$0x1], $0x40, s20, s10, $0xb8;
	[tilespmem:$0x1E700] =	vst v63  }
0x2f: {  	_ =	swait.ge [sflag:s4], $0x2000  }
0x30: {  	[sflag:s4] =	ssyncset.done $0x0  }
0x31: {  	s23 =	simm.s32 $0xE500;
	s22 =	simm.s32 $0x380;
	[sflag:s4] =	ssyncadd.s32 $0xFFFFE000  }
0x32: {  	[spmem:s2] =	stream.indirect.scatter.add.f32 [tilespmem:s23], [sflag:$0x1], $0x40, s22, s10, $0xb8;
	[tilespmem:$0x1E700] =	vst v63  }
0x33: {  	s30 =	smul.u32 $0xA000, s0;
	_ =	swait.ge [sflag:s4], $0x2000  }
0x34: {  	s28 =	smul.u32 $0xA0000, s26;
	s1 =	ssub.s32 $0x2, s26;
	[sflag:s4] =	ssyncset.done $0x0  }
0x35: {  	s24 =	simm.s32 $0x400;
	s25 =	simm.s32 $0x10500;
	[sflag:s4] =	ssyncadd.s32 $0xFFFFE000  }
0x36: {  	[spmem:s2] =	stream.indirect.scatter.add.f32 [tilespmem:s25], [sflag:$0x1], $0x40, s24, s10, $0xb8;
	[tilespmem:$0x1E700] =	vst v63  }
0x37: {  	s26 =	simm.s32 $0x480;
	s0 =	sshrl.u32 s1, $0x1;
	_ =	swait.ge [sflag:s4], $0x2000  }
0x38: {  	s31 =	sadd.s32 s30, s28;
	s0 =	ssub.s32 s1, s0;
	[sflag:s4] =	ssyncset.done $0x0  }
0x39: {  	s28 =	simm.s32 $0x12500;
	s0 =	smax.u32 s0, $0x1;
	[sflag:s4] =	ssyncadd.s32 $0xFFFFE000  }
0x3a: {  	[spmem:s2] =	stream.indirect.scatter.add.f32 [tilespmem:s28], [sflag:$0x1], $0x40, s26, s10, $0xb8;
	[tilespmem:$0x1E700] =	vst v63  }
0x3b: {  	p0 =	sne.s32 s0, $0x1;
	_ =	swait.ge [sflag:s4], $0x2000  }
.Ltmp0:
0x3c: {  	s31 =	sshrl.u32 s31, $0x3;
	[sflag:s4] =	ssyncset.done $0x0;
	(pc) =	sbr.rel @!p0 .LBB2_2-.Ltmp0, $4  }
0x3d: {  	s1 =	sadd.s32 s30, s2;
	s29 =	sadd.s32 s31, s29;
	[sflag:s4] =	ssyncadd.s32 $0xFFFFE000  }
0x3e: {  	s30 =	sshrl.u32 s1, $0x3;
	s29 =	sadd.s32 $0x16DE00, s29;
	[bflag:$0x0] =	sbarrier.arrive $0xFFFF  }
0x3f: {  	[hbm:s29], [sflag:s5] =	dma.local [spmem:s30], $0x1400  }
0x40: {  	s31 =	sadd.s32 $0xFFFFFFFF, s0;
	_ =	swait.ge [sflag:s4], $0x1400  }
.LBB2_1:
0x41: {  	[sflag:s4] =	ssyncset.done $0x0  }
0x42: {  	s0 =	rddreg [dreg:$0x3];
	[sflag:s4] =	ssyncadd.s32 $0xFFFFEC00  }
0x43: {  	[spmem:s6], [sflag:s5] =	dma.local [hbm:s0], $0x1440  }
0x44: {  	_ =	swait.ge [sflag:s4], $0x1440  }
0x45: {  	[sflag:s4] =	ssyncset.done $0x0  }
0x46: {  	[sflag:s4] =	ssyncadd.s32 $0xFFFFEBC0  }
0x47: {  	[tilespmem:s3], [sflag:$0x1] =	stream.linear.gather [hbm4b:s7+s3], $0x500, $0x38;
	[tilespmem:$0x1E700] =	vst v63  }
0x48: {  	_ =	swait.ge [sflag:s4], $0x500  }
0x49: {  	[sflag:s4] =	ssyncset.done $0x0  }
0x4a: {  	[sflag:s4] =	ssyncadd.s32 $0xFFFFFB00  }
0x4b: {  	[tilespmem:s9], [sflag:$0x1] =	stream.linear.gather [hbm4b:s8+s3], $0x14000, $0x38;
	[tilespmem:$0x1E700] =	vst v63  }
0x4c: {  	_ =	swait.ge [sflag:s4], $0x14000  }
0x4d: {  	[sflag:s4] =	ssyncset.done $0x0  }
0x4e: {  	[sflag:s4] =	ssyncadd.s32 $0xFFFEC000  }
0x4f: {  	[bflag:$0x0] =	sbarrier.arrive $0xFFFF  }
0x50: {  	[spmem:s2] =	stream.indirect.scatter.add.f32 [tilespmem:s9], [sflag:$0x1], $0x40, s3, s10, $0xb8;
	[tilespmem:$0x1E700] =	vst v63  }
0x51: {  	_ =	swait.ge [sflag:s4], $0x2000  }
0x52: {  	[sflag:s4] =	ssyncset.done $0x0  }
0x53: {  	[sflag:s4] =	ssyncadd.s32 $0xFFFFE000  }
0x54: {  	[spmem:s2] =	stream.indirect.scatter.add.f32 [tilespmem:s11], [sflag:$0x1], $0x40, s10, s10, $0xb8;
	[tilespmem:$0x1E700] =	vst v63  }
0x55: {  	_ =	swait.ge [sflag:s4], $0x2000  }
0x56: {  	[sflag:s4] =	ssyncset.done $0x0  }
0x57: {  	[sflag:s4] =	ssyncadd.s32 $0xFFFFE000  }
0x58: {  	[spmem:s2] =	stream.indirect.scatter.add.f32 [tilespmem:s13], [sflag:$0x1], $0x40, s12, s10, $0xb8;
	[tilespmem:$0x1E700] =	vst v63  }
0x59: {  	_ =	swait.ge [sflag:s4], $0x2000  }
0x5a: {  	[sflag:s4] =	ssyncset.done $0x0  }
0x5b: {  	[sflag:s4] =	ssyncadd.s32 $0xFFFFE000  }
0x5c: {  	[spmem:s2] =	stream.indirect.scatter.add.f32 [tilespmem:s15], [sflag:$0x1], $0x40, s14, s10, $0xb8;
	[tilespmem:$0x1E700] =	vst v63  }
0x5d: {  	_ =	swait.ge [sflag:s4], $0x2000  }
0x5e: {  	[sflag:s4] =	ssyncset.done $0x0  }
0x5f: {  	[sflag:s4] =	ssyncadd.s32 $0xFFFFE000  }
0x60: {  	[spmem:s2] =	stream.indirect.scatter.add.f32 [tilespmem:s17], [sflag:$0x1], $0x40, s16, s10, $0xb8;
	[tilespmem:$0x1E700] =	vst v63  }
0x61: {  	_ =	swait.ge [sflag:s4], $0x2000  }
0x62: {  	[sflag:s4] =	ssyncset.done $0x0  }
0x63: {  	[sflag:s4] =	ssyncadd.s32 $0xFFFFE000  }
0x64: {  	[spmem:s2] =	stream.indirect.scatter.add.f32 [tilespmem:s19], [sflag:$0x1], $0x40, s18, s10, $0xb8;
	[tilespmem:$0x1E700] =	vst v63  }
0x65: {  	_ =	swait.ge [sflag:s4], $0x2000  }
0x66: {  	[sflag:s4] =	ssyncset.done $0x0  }
0x67: {  	[sflag:s4] =	ssyncadd.s32 $0xFFFFE000  }
0x68: {  	[spmem:s2] =	stream.indirect.scatter.add.f32 [tilespmem:s21], [sflag:$0x1], $0x40, s20, s10, $0xb8;
	[tilespmem:$0x1E700] =	vst v63  }
0x69: {  	_ =	swait.ge [sflag:s4], $0x2000  }
0x6a: {  	[sflag:s4] =	ssyncset.done $0x0  }
0x6b: {  	[sflag:s4] =	ssyncadd.s32 $0xFFFFE000  }
0x6c: {  	[spmem:s2] =	stream.indirect.scatter.add.f32 [tilespmem:s23], [sflag:$0x1], $0x40, s22, s10, $0xb8;
	[tilespmem:$0x1E700] =	vst v63  }
0x6d: {  	_ =	swait.ge [sflag:s4], $0x2000  }
0x6e: {  	[sflag:s4] =	ssyncset.done $0x0  }
0x6f: {  	[sflag:s4] =	ssyncadd.s32 $0xFFFFE000  }
0x70: {  	[spmem:s2] =	stream.indirect.scatter.add.f32 [tilespmem:s25], [sflag:$0x1], $0x40, s24, s10, $0xb8;
	[tilespmem:$0x1E700] =	vst v63  }
0x71: {  	_ =	swait.ge [sflag:s4], $0x2000  }
0x72: {  	[sflag:s4] =	ssyncset.done $0x0  }
0x73: {  	[sflag:s4] =	ssyncadd.s32 $0xFFFFE000  }
0x74: {  	[spmem:s2] =	stream.indirect.scatter.add.f32 [tilespmem:s28], [sflag:$0x1], $0x40, s26, s10, $0xb8;
	[tilespmem:$0x1E700] =	vst v63  }
0x75: {  	p0 =	sne.s32 s31, $0x1;
	_ =	swait.ge [sflag:s4], $0x2000  }
.Ltmp1:
0x76: {  	[sflag:s4] =	ssyncset.done $0x0;
	(pc) =	sbr.rel @p0 .LBB2_1-.Ltmp1, $4  }
0x77: {  	[sflag:s4] =	ssyncadd.s32 $0xFFFFE000  }
0x78: {  	[bflag:$0x0] =	sbarrier.arrive $0xFFFF  }
0x79: {  	[hbm:s29], [sflag:s5] =	dma.local [spmem:s30], $0x1400  }
0x7a: {  	s31 =	sadd.s32 $0xFFFFFFFF, s31;
	_ =	swait.ge [sflag:s4], $0x1400  }
.LBB2_2:
0x7b: {  	[sflag:s4] =	ssyncset.done $0x0  }
0x7c: {  	[sflag:s4] =	ssyncadd.s32 $0xFFFFEC00  }
0x7d: {  	_ =	sfence.sel $0x180000  }
0x7e: {  	[bflag:$0x0] =	sbarrier.arrive $0xFFFF  }
0x7f: {  	_ =	strace $0x9000004A  }
0x80: {  	s0 =	stileid.u32;
	[bflag:$0x2] =	sbarrier.arrive $0xFFFF  }
0x81: {  	p0 =	sne.s32 s0, $0x0;
	s0 =	rddreg [dreg:$0x2]  }
0x82: {  	s0 =	sadd.s32 @!p0 $0x100000, s0  }
0x83: {  	[sflag:s0] =	ssyncadd.tile.s32 @!p0 $0x1;
	_ =	shalt  }
.Lfunc_end2:
_tile_overlayer_lowered:
.L_overlay_start_2:
0x84: {  	(tag) =	ssettag $0x2  }
0x85: {  	s0 =	rddreg [dreg:$0x0];
	s2 =	stileid.u32  }
0x86: {  	s1 =	rddreg [dreg:$0x1];
	p0 =	sne.s32 s2, $0x0  }
0x87: {  	s3 =	rddreg [dreg:$0x2];
	[bflag:$0x3] =	sbarrier.arrive $0xFFFF;
	s2 =	simm.s32 @!p0 $0x1C01  }
0x88: {  	[timem:s3], [sflag:s2] =	dma.local @!p0 [hbm:s0], s1  }
0x89: {  	s0 =	simm.s32 @!p0 $0x1  }
0x8a: {  	_ =	swait.ge @!p0 [sflag:s0], s1  }
0x8b: {  	s1 =	ssub.s32 @!p0 $0x0, s1;
	[sflag:s0] =	ssyncset.done @!p0 $0x0  }
0x8c: {  	[sflag:s0] =	ssyncadd.s32 @!p0 s1  }
0x8d: {  	[bflag:$0x3] =	sbarrier.arrive $0xFFFF  }
0x8e: {  	_ =	shalt  }

// kernel: kernel.24.cloned.1.call-start
scs
__scs_entry_jumppad:
0x0: {  	(pc) =	sbr.rel $0x88, $3  }
0x1: {  	(tag) =	ssettag $0x0;
	lr =	simm.s32 $0x1  }
0x2: {  	[smem:$0x3F86] =	sst lr;
	_ =	strace $0xD0000000  }
0x3: {  	_ = 	snop  }
0x4: {  	_ = 	snop  }
0x5: {  	_ = 	snop  }
0x6: {  	_ = 	snop  }
0x7: {  	_ = 	snop  }
__scs_overlays_trampoline_lowered:
0x8: {  	[smem:$0x3F95] =	sst s0  }
0x9: {  	[smem:$0x3F96] =	sst s1  }
0xa: {  	[smem:$0x3F97] =	sst s2  }
0xb: {  	[smem:$0x3F98] =	sst s3  }
0xc: {  	[smem:$0x3F99] =	sst s4  }
0xd: {  	[smem:$0x3F9A] =	sst s5  }
0xe: {  	[smem:$0x3F9B] =	sst s6  }
0xf: {  	[smem:$0x3F9C] =	sst s7  }
0x10: {  	[smem:$0x3F9D] =	sst s8  }
0x11: {  	[smem:$0x3F9E] =	sst s9;
	s0 =	simm.s32 @!p0 $0x0  }
0x12: {  	s1 =	sld [smem:$0x3F84];
	s0 =	simm.s32 @p0 $0x1  }
0x13: {  	[smem:$0x3F9F] =	sst s0;
	s0 =	simm.s32 @!p1 $0x0  }
0x14: {  	s2 =	sld [smem:$0x3F83];
	s0 =	simm.s32 @p1 $0x1  }
0x15: {  	[smem:$0x3FA0] =	sst s0;
	s0 =	simm.s32 @!p2 $0x0  }
0x16: {  	s3 =	sld [smem:$0x3FDB];
	s0 =	simm.s32 @p2 $0x1  }
0x17: {  	s4 =	simm.s32 $0x1BF5;
	[smem:$0x3FA2] =	sst s0  }
0x18: {  	s0 =	sld [smem:$0x3F85];
	_ =	swait.ge [sflag:s4], $0x0  }
0x19: {  	s7 =	sld [smem:$0x3F86]  }
0x1a: {  	s8 =	sadd.s32 $0xFFFFE003, lr  }
0x1b: {  	s9 =	sadd.s32 $0xFFFFFEF7, lr;
	s5 =	simm.s32 $0xFFFFFFFF;
	p2 =	slt.u32 s8, $0xFFFFF086  }
0x1c: {  	p1 =	slt.u32 s9, $0xF7A;
	s5 =	simm.s32 @!p2 $0x0  }
0x1d: {  	s5 =	simm.s32 @p1 $0x1;
	p0 =	seq.s32 s7, s2  }
0x1e: {  	s7 =	smul.u32 @!p0 $0xF7A, s2;
	p2 =	seq.s32 @!p0 s5, $0x0  }
0x1f: {  	s9 =	smul.u32 $0xF7A, s1;
	s8 =	simm.s32 @!p0 $0x1BF5;
	p2 =	por !p2, p0  }
0x20: {  	[sflag:s8] =	ssyncset.s32 @!p0 $0xFFFFF086;
	s6 =	sadd.s32 @!p0 s3, s7;
	s7 =	simm.s32 @!p0 $0x108  }
0x21: {  	s3 =	sadd.s32 s3, s9;
	s6 =	sadd.s32 @!p0 $0x88, s6;
	s7 =	simm.s32 @p2 $0x1082  }
0x22: {  	[simem:s7], [sflag:s8] =	dma.local @!p0 [hbm:s6], $0xF7A  }
0x23: {  	s9 =	sor.u32 $0xD0000000, s2;
	s6 =	simm.s32 $0x108;
	_ =	swait.ge @!p0 [sflag:s8], $0x0  }
0x24: {  	s3 =	sadd.s32 $0x88, s3;
	s6 =	simm.s32 @!p1 $0x1082;
	[sflag:s4] =	ssyncset.s32 $0xFFFFF086  }
0x25: {  	[simem:s6], [sflag:s4] =	dma.local [hbm:s3], $0xF7A  }
0x26: {  	[smem:$0x3F86] =	sst s1;
	(tag) =	ssettag s2;
	_ =	strace s9  }
0x27: {  	s1 =	sld [smem:$0x3F96]  }
0x28: {  	s2 =	sld [smem:$0x3F97]  }
0x29: {  	s4 =	sld [smem:$0x3F99]  }
0x2a: {  	p0 =	seq.s32 s5, $0x0;
	s5 =	sld [smem:$0x3F9A]  }
0x2b: {  	s6 =	sld [smem:$0x3F9B]  }
0x2c: {  	s7 =	sld [smem:$0x3F9C]  }
0x2d: {  	s3 =	simm.s32 $0x108;
	s8 =	sld [smem:$0x3F9D]  }
0x2e: {  	s3 =	simm.s32 @!p0 $0x1082;
	s9 =	sld [smem:$0x3F9E]  }
0x2f: {  	lr =	sadd.s32 s0, s3;
	s0 =	sld [smem:$0x3F95]  }
0x30: {  	s3 =	sld [smem:$0x3F98]  }
0x31: {  	[smem:$0x3FA1] =	sst s10  }
0x32: {  	s10 =	sld [smem:$0x3F9F];
	_ =	sdelay $0x3  }
0x33: {  	p0 =	seq.s32 s10, $0x1;
	s10 =	sld [smem:$0x3FA1];
	_ =	sdelay $0x3  }
0x34: {  	[smem:$0x3FA1] =	sst s10  }
0x35: {  	s10 =	sld [smem:$0x3FA0];
	_ =	sdelay $0x3  }
0x36: {  	p1 =	seq.s32 s10, $0x1;
	s10 =	sld [smem:$0x3FA1];
	_ =	sdelay $0x3  }
0x37: {  	[smem:$0x3FA1] =	sst s10  }
0x38: {  	s10 =	sld [smem:$0x3FA2]  }
0x39: {  	_ = 	snop;
	(pc) =	sbr.ind lr, $3  }
0x3a: {  	_ = 	snop  }
0x3b: {  	_ = 	snop  }
0x3c: {  	p2 =	seq.s32 s10, $0x1;
	s10 =	sld [smem:$0x3FA1]  }
0x3d: {  	_ =	shalt  }
0x3e: {  	_ =	shalt  }
0x3f: {  	_ =	shalt  }
0x40: {  	_ =	shalt  }
0x41: {  	_ =	shalt  }
0x42: {  	_ =	shalt  }
0x43: {  	_ =	shalt  }
0x44: {  	_ =	shalt  }
0x45: {  	_ =	shalt  }
0x46: {  	_ =	shalt  }
0x47: {  	_ =	shalt  }
0x48: {  	_ =	shalt  }
0x49: {  	_ =	shalt  }
0x4a: {  	_ =	shalt  }
0x4b: {  	_ =	shalt  }
0x4c: {  	_ =	shalt  }
0x4d: {  	_ =	shalt  }
0x4e: {  	_ =	shalt  }
0x4f: {  	_ =	shalt  }
0x50: {  	_ =	shalt  }
0x51: {  	_ =	shalt  }
0x52: {  	_ =	shalt  }
0x53: {  	_ =	shalt  }
0x54: {  	_ =	shalt  }
0x55: {  	_ =	shalt  }
0x56: {  	_ =	shalt  }
0x57: {  	_ =	shalt  }
0x58: {  	_ =	shalt  }
0x59: {  	_ =	shalt  }
0x5a: {  	_ =	shalt  }
0x5b: {  	_ =	shalt  }
0x5c: {  	_ =	shalt  }
0x5d: {  	_ =	shalt  }
0x5e: {  	_ =	shalt  }
0x5f: {  	_ =	shalt  }
0x60: {  	_ =	shalt  }
0x61: {  	_ =	shalt  }
0x62: {  	_ =	shalt  }
0x63: {  	_ =	shalt  }
0x64: {  	_ =	shalt  }
0x65: {  	_ =	shalt  }
0x66: {  	_ =	shalt  }
0x67: {  	_ =	shalt  }
0x68: {  	_ =	shalt  }
0x69: {  	_ =	shalt  }
0x6a: {  	_ =	shalt  }
0x6b: {  	_ =	shalt  }
0x6c: {  	_ =	shalt  }
0x6d: {  	_ =	shalt  }
0x6e: {  	_ =	shalt  }
0x6f: {  	_ =	shalt  }
0x70: {  	_ =	shalt  }
0x71: {  	_ =	shalt  }
0x72: {  	_ =	shalt  }
0x73: {  	_ =	shalt  }
0x74: {  	_ =	shalt  }
0x75: {  	_ =	shalt  }
0x76: {  	_ =	shalt  }
0x77: {  	_ =	shalt  }
0x78: {  	_ =	shalt  }
0x79: {  	_ =	shalt  }
0x7a: {  	_ =	shalt  }
0x7b: {  	_ =	shalt  }
0x7c: {  	_ =	shalt  }
0x7d: {  	_ =	shalt  }
0x7e: {  	_ =	shalt  }
0x7f: {  	_ =	shalt  }
0x80: {  	_ =	shalt  }
0x81: {  	_ =	shalt  }
0x82: {  	_ =	shalt  }
0x83: {  	_ =	shalt  }
0x84: {  	_ =	shalt  }
0x85: {  	_ =	shalt  }
0x86: {  	_ =	shalt  }
0x87: {  	_ =	shalt  }
.Lfunc_end0:
.L_simem_size_0:
called_computation.2_lowered:
.L_overlay_start_0:
0x88: {  	s2 =	sld [smem:$0x3FD9]  }
0x89: {  	s3 =	sld [smem:$0x3FFE];
	_ =	sdelay $0x1  }
0x8a: {  	s1 =	srdreg.scid  }
0x8b: {  	s0 =	sand.u32 $0x1, s1  }
0x8c: {  	s16 =	sshll.u32 s0, $0xA;
	s2 =	sadd.s32 s3, s2  }
0x8d: {  	s2 =	sadd.s32 s2, s16  }
0x8e: {  	[smem:$0x3FAD] =	sst s2  }
0x8f: {  	_ = 	snop  }
0x90: {  	(tm) =	ssettm $0x1  }
0x91: {  	s17 =	sld [smem:$0x3FFB];
	_ =	sdelay $0x3  }
0x92: {  	_ =	strace s17  }
0x93: {  	s2 =	sld [smem:$0x3FFC];
	_ =	sdelay $0x3  }
0x94: {  	_ =	strace s2  }
0x95: {  	s2 =	sld [smem:$0x3FFD];
	_ =	sdelay $0x3  }
0x96: {  	_ =	strace s2  }
0x97: {  	_ =	strace $0x8FFFFFFF  }
0x98: {  	s18 =	sld [smem:$0x3FDB];
	_ =	sdelay $0x1  }
0x99: {  	s19 =	simm.s32 $_scs_section_size  }
0x9a: {  	s4 =	simm.s32 $_size__tile_overlayer_lowered;
	s5 =	simm.s32 $_tile_overlayer_lowered  }
0x9b: {  	s22 =	simm.s32 $0x1BFF;
	s21 =	sshll.u32 s5, $0x1;
	s2 =	sadd.s32 s19, s18  }
0x9c: {  	s6 =	simm.s32 $0x0;
	s20 =	sshll.u32 s4, $0x1;
	s4 =	sadd.s32 s21, s2  }
0x9d: {  	[timem:s6], [sflag:s22] =	dma.local [hbm:s4], s20  }
0x9e: {  	_ =	swait.ge [sflag:s22], s20  }
0x9f: {  	s3 =	ssub.s32 $0x0, s20;
	[sflag:s22] =	ssyncset.done $0x0  }
0xa0: {  	[sflag:s22] =	ssyncadd.s32 s3;
	_ =	sdelay $0x1  }
0xa1: {  	s23 =	simm.s32 $0x1B8B  }
0xa2: {  	_ =	swait.ge [sflag:s23], $0x1  }
0xa3: {  	[sflag:s23] =	ssyncset.done $0x0  }
0xa4: {  	s25 =	simm.s32 $0x1B8E;
	s24 =	sld [smem:$0x3FFE];
	[sflag:s23] =	ssyncadd.s32 $0xFFFFFFFF  }
0xa5: {  	s26 =	simm.s32 $execute0_lowered;
	[smem:$0x3FD2] =	sst s25  }
0xa6: {  	s4 =	sshll.u32 s26, $0x1;
	_ =	strace $0x8000004C;
	[dreg:$0x1] =	wrdreg $0xFFFFFFFF  }
0xa7: {  	s28 =	simm.s32 $_size_execute0_lowered;
	s2 =	sadd.s32 s2, s4;
	[dreg:$0x0] =	wrdreg $0x0  }
0xa8: {  	s4 =	sshll.u32 s28, $0x1;
	[dreg:$0x2] =	wrdreg s2  }
0xa9: {  	[dreg:$0x3] =	wrdreg s4  }
0xaa: {  	[dreg:$0x4] =	wrdreg $0xC0  }
0xab: {  	_ =	task [dreg:s6], $0x5FFFF  }
0xac: {  	[dreg:$0x1] =	wrdreg $0xFFFFFFFF  }
0xad: {  	[dreg:$0x0] =	wrdreg $0x60  }
0xae: {  	[dreg:$0x2] =	wrdreg s24  }
0xaf: {  	[dreg:$0x3] =	wrdreg $0x9  }
0xb0: {  	_ =	task.clear_ibuf [dreg:s6], $0x4FFFF;
	_ =	strace $0x9000004C  }
0xb1: {  	s29 =	simm.s32 $0x9;
	_ =	strace $0x8000004E  }
0xb2: {  	_ =	swait.ge [sflag:s29], $0x1  }
0xb3: {  	[sflag:s29] =	ssyncadd.s32 $0xFFFFFFFF  }
0xb4: {  	_ =	strace $0x9000004E  }
0xb5: {  	_ =	sfence  }
0xb6: {  	s30 =	sld [smem:$0x0];
	_ =	sdelay $0x2  }
0xb7: {  	s31 =	sshll.u32 s1, $0xD;
	s1 =	sshrl.u32 s1, $0x2  }
0xb8: {  	s3 =	sand.u32 $0x4000, s31;
	s1 =	sadd.s32 s1, s30  }
0xb9: {  	s0 =	sor.u32 s3, s0;
	s1 =	sshll.u32 s1, $0x11  }
0xba: {  	s0 =	sor.u32 s1, s0  }
0xbb: {  	s0 =	sadd.s32 $0x8F2B, s0  }
0xbc: {  	[sflag:s0] =	ssyncadd.remote.s32 $0x1  }
0xbd: {  	_ =	sfence.sel $0xFFFF  }
0xbe: {  	[dreg:$0x0] =	wrdreg $0xFFFFFFFF;
	(pc) =	sbr.abs _section_cstart, $3  }
0xbf: {  	[dreg:$0x1] =	wrdreg $0xFFFFFFFF  }
0xc0: {  	_ =	task.clear_ibuf [dreg:s6], $0x2FFFF;
	_ =	strace $0x9FFFFFFF  }
0xc1: {  	(tm) =	ssettm $0x7FFFFFFF  }
tec
execute0_lowered:
.L_overlay_start_1:
0x0: {  	(tag) =	ssettag $0x1  }
0x1: {  	s1 =	srdreg.scid;
	s0 =	stileid.u32  }
0x2: {  	s28 =	sand.u32 $0x1, s1;
	s31 =	sshll.u32 s0, $0x1  }
0x3: {  	s29 =	sor.u32 s28, s31  }
0x4: {  	s26 =	rddreg [dreg:$0x0];
	s3 =	smul.u32 $0xA0, s29  }
0x5: {  	s2 =	simm.s32 $0x0;
	s1 =	rddreg [dreg:$0x1]  }
0x6: {  	[smem:$0x7FF] =	sst s2;
	s3 =	sadd.s32 s3, s26  }
0x7: {  	_ =	strace $0x8000004D;
	s4 =	sadd.s32 $0x3600, s3;
	s3 =	simm.s32 $0x2  }
0x8: {  	[tilespmem:s2], [sflag:$0x2] =	stream.linear.gather [hbm4b:s4+s2], $0x500, $0x38;
	[tilespmem:$0x14500] =	vst v63  }
0x9: {  	_ =	swait.ge [sflag:s3], $0x500  }
0xa: {  	s6 =	simm.s32 $0x80;
	[sflag:s3] =	ssyncset.done $0x0  }
0xb: {  	s7 =	simm.s32 $0x500;
	s5 =	sadd.s32 $0x54A00, s26;
	[sflag:s3] =	ssyncadd.s32 $0xFFFFFB00  }
0xc: {  	[tilespmem:s7], [sflag:$0x1] =	stream.indirect.gather [hbm4b:s5+s6], $0x40, s2, s6, $0xb8;
	[tilespmem:$0x14500] =	vst v63  }
0xd: {  	s8 =	simm.s32 $0x2500  }
0xe: {  	[tilespmem:s8], [sflag:$0x1] =	stream.indirect.gather [hbm4b:s5+s6], $0x40, s6, s6, $0xb8;
	[tilespmem:$0x14500] =	vst v63  }
0xf: {  	s9 =	simm.s32 $0x100;
	s10 =	simm.s32 $0x4500  }
0x10: {  	[tilespmem:s10], [sflag:$0x1] =	stream.indirect.gather [hbm4b:s5+s6], $0x40, s9, s6, $0xb8;
	[tilespmem:$0x14500] =	vst v63  }
0x11: {  	s11 =	simm.s32 $0x180;
	s12 =	simm.s32 $0x6500  }
0x12: {  	[tilespmem:s12], [sflag:$0x1] =	stream.indirect.gather [hbm4b:s5+s6], $0x40, s11, s6, $0xb8;
	[tilespmem:$0x14500] =	vst v63  }
0x13: {  	s13 =	simm.s32 $0x200;
	s14 =	simm.s32 $0x8500  }
0x14: {  	[tilespmem:s14], [sflag:$0x1] =	stream.indirect.gather [hbm4b:s5+s6], $0x40, s13, s6, $0xb8;
	[tilespmem:$0x14500] =	vst v63  }
0x15: {  	s15 =	simm.s32 $0x280;
	s16 =	simm.s32 $0xA500  }
0x16: {  	[tilespmem:s16], [sflag:$0x1] =	stream.indirect.gather [hbm4b:s5+s6], $0x40, s15, s6, $0xb8;
	[tilespmem:$0x14500] =	vst v63  }
0x17: {  	s17 =	simm.s32 $0x300;
	s18 =	simm.s32 $0xC500  }
0x18: {  	[tilespmem:s18], [sflag:$0x1] =	stream.indirect.gather [hbm4b:s5+s6], $0x40, s17, s6, $0xb8;
	[tilespmem:$0x14500] =	vst v63  }
0x19: {  	s19 =	simm.s32 $0x380;
	s20 =	simm.s32 $0xE500  }
0x1a: {  	[tilespmem:s20], [sflag:$0x1] =	stream.indirect.gather [hbm4b:s5+s6], $0x40, s19, s6, $0xb8;
	[tilespmem:$0x14500] =	vst v63  }
0x1b: {  	s21 =	simm.s32 $0x400;
	s22 =	simm.s32 $0x10500  }
0x1c: {  	[tilespmem:s22], [sflag:$0x1] =	stream.indirect.gather [hbm4b:s5+s6], $0x40, s21, s6, $0xb8;
	[tilespmem:$0x14500] =	vst v63  }
0x1d: {  	s23 =	simm.s32 $0x480;
	s24 =	simm.s32 $0x12500;
	s25 =	simm.s32 $0x1  }
0x1e: {  	[tilespmem:s24], [sflag:$0x1] =	stream.indirect.gather [hbm4b:s5+s6], $0x40, s23, s6, $0xb8;
	[tilespmem:$0x14500] =	vst v63  }
0x1f: {  	_ =	swait.ge [sflag:s25], $0x2000  }
0x20: {  	[sflag:s25] =	ssyncset.done $0x0  }
0x21: {  	[sflag:s25] =	ssyncadd.s32 $0xFFFFE000  }
0x22: {  	_ =	swait.ge [sflag:s25], $0x2000  }
0x23: {  	[sflag:s25] =	ssyncset.done $0x0  }
0x24: {  	[sflag:s25] =	ssyncadd.s32 $0xFFFFE000  }
0x25: {  	_ =	swait.ge [sflag:s25], $0x2000  }
0x26: {  	[sflag:s25] =	ssyncset.done $0x0  }
0x27: {  	[sflag:s25] =	ssyncadd.s32 $0xFFFFE000  }
0x28: {  	_ =	swait.ge [sflag:s25], $0x2000  }
0x29: {  	[sflag:s25] =	ssyncset.done $0x0  }
0x2a: {  	[sflag:s25] =	ssyncadd.s32 $0xFFFFE000  }
0x2b: {  	_ =	swait.ge [sflag:s25], $0x2000  }
0x2c: {  	[sflag:s25] =	ssyncset.done $0x0  }
0x2d: {  	[sflag:s25] =	ssyncadd.s32 $0xFFFFE000  }
0x2e: {  	_ =	swait.ge [sflag:s25], $0x2000  }
0x2f: {  	[sflag:s25] =	ssyncset.done $0x0  }
0x30: {  	[sflag:s25] =	ssyncadd.s32 $0xFFFFE000  }
0x31: {  	_ =	swait.ge [sflag:s25], $0x2000  }
0x32: {  	[sflag:s25] =	ssyncset.done $0x0  }
0x33: {  	[sflag:s25] =	ssyncadd.s32 $0xFFFFE000  }
0x34: {  	_ =	swait.ge [sflag:s25], $0x2000  }
0x35: {  	[sflag:s25] =	ssyncset.done $0x0  }
0x36: {  	s28 =	ssub.s32 $0x2, s28;
	[sflag:s25] =	ssyncadd.s32 $0xFFFFE000  }
0x37: {  	s30 =	sshrl.u32 s28, $0x1;
	_ =	swait.ge [sflag:s25], $0x2000  }
0x38: {  	s28 =	ssub.s32 s28, s30;
	[sflag:s25] =	ssyncset.done $0x0  }
0x39: {  	s29 =	smul.u32 $0x2800, s29;
	s28 =	smax.u32 s28, $0x1;
	[sflag:s25] =	ssyncadd.s32 $0xFFFFE000  }
0x3a: {  	p0 =	sne.s32 s28, $0x1;
	_ =	swait.ge [sflag:s25], $0x2000  }
.Ltmp0:
0x3b: {  	s26 =	sadd.s32 s29, s26;
	[sflag:s25] =	ssyncset.done $0x0;
	(pc) =	sbr.rel @!p0 .LBB2_2-.Ltmp0, $4  }
0x3c: {  	s26 =	sadd.s32 $0x16DE00, s26;
	[sflag:s25] =	ssyncadd.s32 $0xFFFFE000  }
0x3d: {  	[hbm4b:s26+s2] =	stream.linear.scatter [tilespmem:s7], [sflag:$0x2], $0x14000, $0x38;
	[tilespmem:$0x14500] =	vst v63  }
0x3e: {  	_ =	swait.ge [sflag:s3], $0x14000  }
0x3f: {  	s28 =	sadd.s32 $0xFFFFFFFF, s28;
	[sflag:s3] =	ssyncset.done $0x0  }
.LBB2_1:
0x40: {  	p0 =	sne.s32 s28, $0x1;
	s28 =	sadd.s32 $0xFFFFFFFF, s28;
	[sflag:s3] =	ssyncadd.s32 $0xFFFEC000  }
0x41: {  	[tilespmem:s2], [sflag:$0x2] =	stream.linear.gather [hbm4b:s4+s2], $0x500, $0x38;
	[tilespmem:$0x14500] =	vst v63  }
0x42: {  	_ =	swait.ge [sflag:s3], $0x500  }
0x43: {  	[sflag:s3] =	ssyncset.done $0x0  }
0x44: {  	[sflag:s3] =	ssyncadd.s32 $0xFFFFFB00  }
0x45: {  	[tilespmem:s7], [sflag:$0x1] =	stream.indirect.gather [hbm4b:s5+s6], $0x40, s2, s6, $0xb8;
	[tilespmem:$0x14500] =	vst v63  }
0x46: {  	_ = 	snop  }
0x47: {  	[tilespmem:s8], [sflag:$0x1] =	stream.indirect.gather [hbm4b:s5+s6], $0x40, s6, s6, $0xb8;
	[tilespmem:$0x14500] =	vst v63  }
0x48: {  	_ = 	snop  }
0x49: {  	[tilespmem:s10], [sflag:$0x1] =	stream.indirect.gather [hbm4b:s5+s6], $0x40, s9, s6, $0xb8;
	[tilespmem:$0x14500] =	vst v63  }
0x4a: {  	_ = 	snop  }
0x4b: {  	[tilespmem:s12], [sflag:$0x1] =	stream.indirect.gather [hbm4b:s5+s6], $0x40, s11, s6, $0xb8;
	[tilespmem:$0x14500] =	vst v63  }
0x4c: {  	_ = 	snop  }
0x4d: {  	[tilespmem:s14], [sflag:$0x1] =	stream.indirect.gather [hbm4b:s5+s6], $0x40, s13, s6, $0xb8;
	[tilespmem:$0x14500] =	vst v63  }
0x4e: {  	_ = 	snop  }
0x4f: {  	[tilespmem:s16], [sflag:$0x1] =	stream.indirect.gather [hbm4b:s5+s6], $0x40, s15, s6, $0xb8;
	[tilespmem:$0x14500] =	vst v63  }
0x50: {  	_ = 	snop  }
0x51: {  	[tilespmem:s18], [sflag:$0x1] =	stream.indirect.gather [hbm4b:s5+s6], $0x40, s17, s6, $0xb8;
	[tilespmem:$0x14500] =	vst v63  }
0x52: {  	_ = 	snop  }
0x53: {  	[tilespmem:s20], [sflag:$0x1] =	stream.indirect.gather [hbm4b:s5+s6], $0x40, s19, s6, $0xb8;
	[tilespmem:$0x14500] =	vst v63  }
0x54: {  	_ = 	snop  }
0x55: {  	[tilespmem:s22], [sflag:$0x1] =	stream.indirect.gather [hbm4b:s5+s6], $0x40, s21, s6, $0xb8;
	[tilespmem:$0x14500] =	vst v63  }
0x56: {  	_ = 	snop  }
0x57: {  	[tilespmem:s24], [sflag:$0x1] =	stream.indirect.gather [hbm4b:s5+s6], $0x40, s23, s6, $0xb8;
	[tilespmem:$0x14500] =	vst v63  }
0x58: {  	_ =	swait.ge [sflag:s25], $0x2000  }
0x59: {  	[sflag:s25] =	ssyncset.done $0x0  }
0x5a: {  	[sflag:s25] =	ssyncadd.s32 $0xFFFFE000  }
0x5b: {  	_ =	swait.ge [sflag:s25], $0x2000  }
0x5c: {  	[sflag:s25] =	ssyncset.done $0x0  }
0x5d: {  	[sflag:s25] =	ssyncadd.s32 $0xFFFFE000  }
0x5e: {  	_ =	swait.ge [sflag:s25], $0x2000  }
0x5f: {  	[sflag:s25] =	ssyncset.done $0x0  }
0x60: {  	[sflag:s25] =	ssyncadd.s32 $0xFFFFE000  }
0x61: {  	_ =	swait.ge [sflag:s25], $0x2000  }
0x62: {  	[sflag:s25] =	ssyncset.done $0x0  }
0x63: {  	[sflag:s25] =	ssyncadd.s32 $0xFFFFE000  }
0x64: {  	_ =	swait.ge [sflag:s25], $0x2000  }
0x65: {  	[sflag:s25] =	ssyncset.done $0x0  }
0x66: {  	[sflag:s25] =	ssyncadd.s32 $0xFFFFE000  }
0x67: {  	_ =	swait.ge [sflag:s25], $0x2000  }
0x68: {  	[sflag:s25] =	ssyncset.done $0x0  }
0x69: {  	[sflag:s25] =	ssyncadd.s32 $0xFFFFE000  }
0x6a: {  	_ =	swait.ge [sflag:s25], $0x2000  }
0x6b: {  	[sflag:s25] =	ssyncset.done $0x0  }
0x6c: {  	[sflag:s25] =	ssyncadd.s32 $0xFFFFE000  }
0x6d: {  	_ =	swait.ge [sflag:s25], $0x2000  }
0x6e: {  	[sflag:s25] =	ssyncset.done $0x0  }
0x6f: {  	[sflag:s25] =	ssyncadd.s32 $0xFFFFE000  }
0x70: {  	_ =	swait.ge [sflag:s25], $0x2000  }
0x71: {  	[sflag:s25] =	ssyncset.done $0x0  }
0x72: {  	[sflag:s25] =	ssyncadd.s32 $0xFFFFE000  }
0x73: {  	_ =	swait.ge [sflag:s25], $0x2000  }
.Ltmp1:
0x74: {  	[sflag:s25] =	ssyncset.done $0x0;
	(pc) =	sbr.rel @p0 .LBB2_1-.Ltmp1, $4  }
0x75: {  	[sflag:s25] =	ssyncadd.s32 $0xFFFFE000  }
0x76: {  	[hbm4b:s26+s2] =	stream.linear.scatter [tilespmem:s7], [sflag:$0x2], $0x14000, $0x38;
	[tilespmem:$0x14500] =	vst v63  }
0x77: {  	_ =	swait.ge [sflag:s3], $0x14000  }
0x78: {  	[sflag:s3] =	ssyncset.done $0x0  }
.LBB2_2:
0x79: {  	[sflag:s3] =	ssyncadd.s32 $0xFFFEC000  }
0x7a: {  	_ =	sfence.sel $0x180000  }
0x7b: {  	[bflag:$0x0] =	sbarrier.arrive $0xFFFF  }
0x7c: {  	p0 =	sne.s32 s0, $0x0;
	_ =	strace $0x9000004D  }
0x7d: {  	s0 =	sadd.s32 @!p0 $0x100000, s1;
	[bflag:$0x2] =	sbarrier.arrive $0xFFFF  }
0x7e: {  	[sflag:s0] =	ssyncadd.tile.s32 @!p0 $0x1;
	_ =	shalt  }
.Lfunc_end2:
_tile_overlayer_lowered:
.L_overlay_start_2:
0x7f: {  	(tag) =	ssettag $0x2  }
0x80: {  	s0 =	rddreg [dreg:$0x0];
	s2 =	stileid.u32  }
0x81: {  	s1 =	rddreg [dreg:$0x1];
	p0 =	sne.s32 s2, $0x0  }
0x82: {  	s3 =	rddreg [dreg:$0x2];
	[bflag:$0x3] =	sbarrier.arrive $0xFFFF;
	s2 =	simm.s32 @!p0 $0x1C02  }
0x83: {  	[timem:s3], [sflag:s2] =	dma.local @!p0 [hbm:s0], s1  }
0x84: {  	s0 =	simm.s32 @!p0 $0x2  }
0x85: {  	_ =	swait.ge @!p0 [sflag:s0], s1  }
0x86: {  	s1 =	ssub.s32 @!p0 $0x0, s1;
	[sflag:s0] =	ssyncset.done @!p0 $0x0  }
0x87: {  	[sflag:s0] =	ssyncadd.s32 @!p0 s1  }
0x88: {  	[bflag:$0x3] =	sbarrier.arrive $0xFFFF  }
0x89: {  	_ =	shalt  }

// kernel: kernel.27.cloned.1.call-start
scs
__scs_entry_jumppad:
0x0: {  	(pc) =	sbr.rel $0x88, $3  }
0x1: {  	(tag) =	ssettag $0x0;
	lr =	simm.s32 $0x1  }
0x2: {  	[smem:$0x3F86] =	sst lr;
	_ =	strace $0xD0000000  }
0x3: {  	_ = 	snop  }
0x4: {  	_ = 	snop  }
0x5: {  	_ = 	snop  }
0x6: {  	_ = 	snop  }
0x7: {  	_ = 	snop  }
__scs_overlays_trampoline_lowered:
0x8: {  	[smem:$0x3F95] =	sst s0  }
0x9: {  	[smem:$0x3F96] =	sst s1  }
0xa: {  	[smem:$0x3F97] =	sst s2  }
0xb: {  	[smem:$0x3F98] =	sst s3  }
0xc: {  	[smem:$0x3F99] =	sst s4  }
0xd: {  	[smem:$0x3F9A] =	sst s5  }
0xe: {  	[smem:$0x3F9B] =	sst s6  }
0xf: {  	[smem:$0x3F9C] =	sst s7  }
0x10: {  	[smem:$0x3F9D] =	sst s8  }
0x11: {  	[smem:$0x3F9E] =	sst s9;
	s0 =	simm.s32 @!p0 $0x0  }
0x12: {  	s1 =	sld [smem:$0x3F84];
	s0 =	simm.s32 @p0 $0x1  }
0x13: {  	[smem:$0x3F9F] =	sst s0;
	s0 =	simm.s32 @!p1 $0x0  }
0x14: {  	s2 =	sld [smem:$0x3F83];
	s0 =	simm.s32 @p1 $0x1  }
0x15: {  	[smem:$0x3FA0] =	sst s0;
	s0 =	simm.s32 @!p2 $0x0  }
0x16: {  	s3 =	sld [smem:$0x3FDB];
	s0 =	simm.s32 @p2 $0x1  }
0x17: {  	s4 =	simm.s32 $0x1BF5;
	[smem:$0x3FA2] =	sst s0  }
0x18: {  	s0 =	sld [smem:$0x3F85];
	_ =	swait.ge [sflag:s4], $0x0  }
0x19: {  	s7 =	sld [smem:$0x3F86]  }
0x1a: {  	s8 =	sadd.s32 $0xFFFFE003, lr  }
0x1b: {  	s9 =	sadd.s32 $0xFFFFFEF7, lr;
	s5 =	simm.s32 $0xFFFFFFFF;
	p2 =	slt.u32 s8, $0xFFFFF086  }
0x1c: {  	p1 =	slt.u32 s9, $0xF7A;
	s5 =	simm.s32 @!p2 $0x0  }
0x1d: {  	s5 =	simm.s32 @p1 $0x1;
	p0 =	seq.s32 s7, s2  }
0x1e: {  	s7 =	smul.u32 @!p0 $0xF7A, s2;
	p2 =	seq.s32 @!p0 s5, $0x0  }
0x1f: {  	s9 =	smul.u32 $0xF7A, s1;
	s8 =	simm.s32 @!p0 $0x1BF5;
	p2 =	por !p2, p0  }
0x20: {  	[sflag:s8] =	ssyncset.s32 @!p0 $0xFFFFF086;
	s6 =	sadd.s32 @!p0 s3, s7;
	s7 =	simm.s32 @!p0 $0x108  }
0x21: {  	s3 =	sadd.s32 s3, s9;
	s6 =	sadd.s32 @!p0 $0x88, s6;
	s7 =	simm.s32 @p2 $0x1082  }
0x22: {  	[simem:s7], [sflag:s8] =	dma.local @!p0 [hbm:s6], $0xF7A  }
0x23: {  	s9 =	sor.u32 $0xD0000000, s2;
	s6 =	simm.s32 $0x108;
	_ =	swait.ge @!p0 [sflag:s8], $0x0  }
0x24: {  	s3 =	sadd.s32 $0x88, s3;
	s6 =	simm.s32 @!p1 $0x1082;
	[sflag:s4] =	ssyncset.s32 $0xFFFFF086  }
0x25: {  	[simem:s6], [sflag:s4] =	dma.local [hbm:s3], $0xF7A  }
0x26: {  	[smem:$0x3F86] =	sst s1;
	(tag) =	ssettag s2;
	_ =	strace s9  }
0x27: {  	s1 =	sld [smem:$0x3F96]  }
0x28: {  	s2 =	sld [smem:$0x3F97]  }
0x29: {  	s4 =	sld [smem:$0x3F99]  }
0x2a: {  	p0 =	seq.s32 s5, $0x0;
	s5 =	sld [smem:$0x3F9A]  }
0x2b: {  	s6 =	sld [smem:$0x3F9B]  }
0x2c: {  	s7 =	sld [smem:$0x3F9C]  }
0x2d: {  	s3 =	simm.s32 $0x108;
	s8 =	sld [smem:$0x3F9D]  }
0x2e: {  	s3 =	simm.s32 @!p0 $0x1082;
	s9 =	sld [smem:$0x3F9E]  }
0x2f: {  	lr =	sadd.s32 s0, s3;
	s0 =	sld [smem:$0x3F95]  }
0x30: {  	s3 =	sld [smem:$0x3F98]  }
0x31: {  	[smem:$0x3FA1] =	sst s10  }
0x32: {  	s10 =	sld [smem:$0x3F9F];
	_ =	sdelay $0x3  }
0x33: {  	p0 =	seq.s32 s10, $0x1;
	s10 =	sld [smem:$0x3FA1];
	_ =	sdelay $0x3  }
0x34: {  	[smem:$0x3FA1] =	sst s10  }
0x35: {  	s10 =	sld [smem:$0x3FA0];
	_ =	sdelay $0x3  }
0x36: {  	p1 =	seq.s32 s10, $0x1;
	s10 =	sld [smem:$0x3FA1];
	_ =	sdelay $0x3  }
0x37: {  	[smem:$0x3FA1] =	sst s10  }
0x38: {  	s10 =	sld [smem:$0x3FA2]  }
0x39: {  	_ = 	snop;
	(pc) =	sbr.ind lr, $3  }
0x3a: {  	_ = 	snop  }
0x3b: {  	_ = 	snop  }
0x3c: {  	p2 =	seq.s32 s10, $0x1;
	s10 =	sld [smem:$0x3FA1]  }
0x3d: {  	_ =	shalt  }
0x3e: {  	_ =	shalt  }
0x3f: {  	_ =	shalt  }
0x40: {  	_ =	shalt  }
0x41: {  	_ =	shalt  }
0x42: {  	_ =	shalt  }
0x43: {  	_ =	shalt  }
0x44: {  	_ =	shalt  }
0x45: {  	_ =	shalt  }
0x46: {  	_ =	shalt  }
0x47: {  	_ =	shalt  }
0x48: {  	_ =	shalt  }
0x49: {  	_ =	shalt  }
0x4a: {  	_ =	shalt  }
0x4b: {  	_ =	shalt  }
0x4c: {  	_ =	shalt  }
0x4d: {  	_ =	shalt  }
0x4e: {  	_ =	shalt  }
0x4f: {  	_ =	shalt  }
0x50: {  	_ =	shalt  }
0x51: {  	_ =	shalt  }
0x52: {  	_ =	shalt  }
0x53: {  	_ =	shalt  }
0x54: {  	_ =	shalt  }
0x55: {  	_ =	shalt  }
0x56: {  	_ =	shalt  }
0x57: {  	_ =	shalt  }
0x58: {  	_ =	shalt  }
0x59: {  	_ =	shalt  }
0x5a: {  	_ =	shalt  }
0x5b: {  	_ =	shalt  }
0x5c: {  	_ =	shalt  }
0x5d: {  	_ =	shalt  }
0x5e: {  	_ =	shalt  }
0x5f: {  	_ =	shalt  }
0x60: {  	_ =	shalt  }
0x61: {  	_ =	shalt  }
0x62: {  	_ =	shalt  }
0x63: {  	_ =	shalt  }
0x64: {  	_ =	shalt  }
0x65: {  	_ =	shalt  }
0x66: {  	_ =	shalt  }
0x67: {  	_ =	shalt  }
0x68: {  	_ =	shalt  }
0x69: {  	_ =	shalt  }
0x6a: {  	_ =	shalt  }
0x6b: {  	_ =	shalt  }
0x6c: {  	_ =	shalt  }
0x6d: {  	_ =	shalt  }
0x6e: {  	_ =	shalt  }
0x6f: {  	_ =	shalt  }
0x70: {  	_ =	shalt  }
0x71: {  	_ =	shalt  }
0x72: {  	_ =	shalt  }
0x73: {  	_ =	shalt  }
0x74: {  	_ =	shalt  }
0x75: {  	_ =	shalt  }
0x76: {  	_ =	shalt  }
0x77: {  	_ =	shalt  }
0x78: {  	_ =	shalt  }
0x79: {  	_ =	shalt  }
0x7a: {  	_ =	shalt  }
0x7b: {  	_ =	shalt  }
0x7c: {  	_ =	shalt  }
0x7d: {  	_ =	shalt  }
0x7e: {  	_ =	shalt  }
0x7f: {  	_ =	shalt  }
0x80: {  	_ =	shalt  }
0x81: {  	_ =	shalt  }
0x82: {  	_ =	shalt  }
0x83: {  	_ =	shalt  }
0x84: {  	_ =	shalt  }
0x85: {  	_ =	shalt  }
0x86: {  	_ =	shalt  }
0x87: {  	_ =	shalt  }
.Lfunc_end0:
.L_simem_size_0:
called_computation.3_lowered:
.L_overlay_start_0:
0x88: {  	s2 =	sld [smem:$0x3FD9]  }
0x89: {  	s3 =	sld [smem:$0x3FFE];
	_ =	sdelay $0x1  }
0x8a: {  	s1 =	srdreg.scid  }
0x8b: {  	s0 =	sand.u32 $0x1, s1  }
0x8c: {  	s16 =	sshll.u32 s0, $0xA;
	s2 =	sadd.s32 s3, s2  }
0x8d: {  	s2 =	sadd.s32 s2, s16  }
0x8e: {  	[smem:$0x3FAD] =	sst s2  }
0x8f: {  	_ = 	snop  }
0x90: {  	(tm) =	ssettm $0x1  }
0x91: {  	s17 =	sld [smem:$0x3FFB];
	_ =	sdelay $0x3  }
0x92: {  	_ =	strace s17  }
0x93: {  	s2 =	sld [smem:$0x3FFC];
	_ =	sdelay $0x3  }
0x94: {  	_ =	strace s2  }
0x95: {  	s2 =	sld [smem:$0x3FFD];
	_ =	sdelay $0x3  }
0x96: {  	_ =	strace s2  }
0x97: {  	_ =	strace $0x8FFFFFFF  }
0x98: {  	s18 =	sld [smem:$0x3FDB];
	_ =	sdelay $0x1  }
0x99: {  	s19 =	simm.s32 $_scs_section_size  }
0x9a: {  	s4 =	simm.s32 $_size__tile_overlayer_lowered;
	s5 =	simm.s32 $_tile_overlayer_lowered  }
0x9b: {  	s22 =	simm.s32 $0x1BFF;
	s21 =	sshll.u32 s5, $0x1;
	s2 =	sadd.s32 s19, s18  }
0x9c: {  	s6 =	simm.s32 $0x0;
	s20 =	sshll.u32 s4, $0x1;
	s4 =	sadd.s32 s21, s2  }
0x9d: {  	[timem:s6], [sflag:s22] =	dma.local [hbm:s4], s20  }
0x9e: {  	_ =	swait.ge [sflag:s22], s20  }
0x9f: {  	s3 =	ssub.s32 $0x0, s20;
	[sflag:s22] =	ssyncset.done $0x0  }
0xa0: {  	[sflag:s22] =	ssyncadd.s32 s3;
	_ =	sdelay $0x1  }
0xa1: {  	s23 =	simm.s32 $0x1B8B  }
0xa2: {  	_ =	swait.ge [sflag:s23], $0x1  }
0xa3: {  	[sflag:s23] =	ssyncset.done $0x0  }
0xa4: {  	s25 =	simm.s32 $0x1B8E;
	s24 =	sld [smem:$0x3FFE];
	[sflag:s23] =	ssyncadd.s32 $0xFFFFFFFF  }
0xa5: {  	s26 =	simm.s32 $execute0_lowered;
	[smem:$0x3FD2] =	sst s25  }
0xa6: {  	s4 =	sshll.u32 s26, $0x1;
	_ =	strace $0x8000004F;
	[dreg:$0x1] =	wrdreg $0xFFFFFFFF  }
0xa7: {  	s28 =	simm.s32 $_size_execute0_lowered;
	s2 =	sadd.s32 s2, s4;
	[dreg:$0x0] =	wrdreg $0x0  }
0xa8: {  	s4 =	sshll.u32 s28, $0x1;
	[dreg:$0x2] =	wrdreg s2  }
0xa9: {  	[dreg:$0x3] =	wrdreg s4  }
0xaa: {  	[dreg:$0x4] =	wrdreg $0xC0  }
0xab: {  	_ =	task [dreg:s6], $0x5FFFF  }
0xac: {  	[dreg:$0x1] =	wrdreg $0xFFFFFFFF  }
0xad: {  	[dreg:$0x0] =	wrdreg $0x60  }
0xae: {  	[dreg:$0x2] =	wrdreg s24  }
0xaf: {  	[dreg:$0x3] =	wrdreg $0x145000  }
0xb0: {  	[dreg:$0x4] =	wrdreg $0x9  }
0xb1: {  	_ =	task.clear_ibuf [dreg:s6], $0x5FFFF;
	_ =	strace $0x9000004F  }
0xb2: {  	s29 =	simm.s32 $0x9;
	_ =	strace $0x80000051  }
0xb3: {  	_ =	swait.ge [sflag:s29], $0x1  }
0xb4: {  	[sflag:s29] =	ssyncadd.s32 $0xFFFFFFFF  }
0xb5: {  	_ =	strace $0x90000051  }
0xb6: {  	_ =	sfence  }
0xb7: {  	s30 =	sld [smem:$0x0];
	_ =	sdelay $0x2  }
0xb8: {  	s31 =	sshll.u32 s1, $0xD;
	s1 =	sshrl.u32 s1, $0x2  }
0xb9: {  	s3 =	sand.u32 $0x4000, s31;
	s1 =	sadd.s32 s1, s30  }
0xba: {  	s0 =	sor.u32 s3, s0;
	s1 =	sshll.u32 s1, $0x11  }
0xbb: {  	s0 =	sor.u32 s1, s0  }
0xbc: {  	s0 =	sadd.s32 $0x8F2B, s0  }
0xbd: {  	[sflag:s0] =	ssyncadd.remote.s32 $0x1  }
0xbe: {  	_ =	sfence.sel $0xFFFF  }
0xbf: {  	[dreg:$0x0] =	wrdreg $0xFFFFFFFF;
	(pc) =	sbr.abs _section_cstart, $3  }
0xc0: {  	[dreg:$0x1] =	wrdreg $0xFFFFFFFF  }
0xc1: {  	_ =	task.clear_ibuf [dreg:s6], $0x2FFFF;
	_ =	strace $0x9FFFFFFF  }
0xc2: {  	(tm) =	ssettm $0x7FFFFFFF  }
0xc3: {  	_ =	shalt  }
tec
execute0_lowered:
.L_overlay_start_1:
0x0: {  	(tag) =	ssettag $0x1  }
0x1: {  	s29 =	rddreg [dreg:$0x0];
	s0 =	stileid.u32  }
0x2: {  	s2 =	rddreg [dreg:$0x1];
	s3 =	simm.s32 $0x0;
	s4 =	smul.u32 $0xA200, s0  }
0x3: {  	s5 =	srdreg.scid;
	[smem:$0x7FF] =	sst s3  }
0x4: {  	s26 =	sand.u32 $0x1, s5;
	s7 =	smul.u32 $0x500, s0;
	s6 =	sshrl.u32 s4, $0x3  }
0x5: {  	s24 =	sshll.u32 s0, $0x6;
	s23 =	smul.u32 $0x5000, s26;
	s22 =	sadd.s32 s6, s29  }
0x6: {  	_ =	strace $0x80000050;
	s4 =	sadd.s32 s4, s2;
	s5 =	sadd.s32 $0xA4A00, s22  }
0x7: {  	s9 =	sadd.s32 s7, s23;
	s6 =	sshrl.u32 s4, $0x3;
	[dreg:$0x3] =	wrdreg s5  }
0x8: {  	s4 =	simm.s32 $0x1;
	s5 =	sor.u32 $0x1C01, s24;
	s8 =	rddreg [dreg:$0x3]  }
0x9: {  	[spmem:s6], [sflag:s5] =	dma.local [hbm:s8], $0x1440  }
0xa: {  	s7 =	sshrl.u32 s9, $0x3;
	_ =	swait.ge [sflag:s4], $0x1440  }
0xb: {  	s7 =	sadd.s32 s7, s29;
	[sflag:s4] =	ssyncset.done $0x0  }
0xc: {  	s7 =	sadd.s32 $0x16CA00, s7;
	[sflag:s4] =	ssyncadd.s32 $0xFFFFEBC0  }
0xd: {  	[tilespmem:s3], [sflag:$0x1] =	stream.linear.gather [hbm4b:s7+s3], $0x500, $0x38;
	[tilespmem:$0x1E700] =	vst v63  }
0xe: {  	s25 =	sshll.u32 s9, $0x3;
	_ =	swait.ge [sflag:s4], $0x500  }
0xf: {  	s8 =	sadd.s32 s25, s29;
	[sflag:s4] =	ssyncset.done $0x0  }
0x10: {  	s9 =	simm.s32 $0x500;
	s8 =	sadd.s32 $0x54A00, s8;
	[sflag:s4] =	ssyncadd.s32 $0xFFFFFB00  }
0x11: {  	[tilespmem:s9], [sflag:$0x1] =	stream.linear.gather [hbm4b:s8+s3], $0x14000, $0x38;
	[tilespmem:$0x1E700] =	vst v63  }
0x12: {  	_ =	swait.ge [sflag:s4], $0x14000  }
0x13: {  	[sflag:s4] =	ssyncset.done $0x0  }
0x14: {  	[sflag:s4] =	ssyncadd.s32 $0xFFFEC000  }
0x15: {  	s10 =	simm.s32 $0x80;
	[bflag:$0x0] =	sbarrier.arrive $0xFFFF  }
0x16: {  	[spmem:s2] =	stream.indirect.scatter.add.f32 [tilespmem:s9], [sflag:$0x1], $0x40, s3, s10, $0xb8;
	[tilespmem:$0x1E700] =	vst v63  }
0x17: {  	_ =	swait.ge [sflag:s4], $0x2000  }
0x18: {  	[sflag:s4] =	ssyncset.done $0x0  }
0x19: {  	s11 =	simm.s32 $0x2500;
	[sflag:s4] =	ssyncadd.s32 $0xFFFFE000  }
0x1a: {  	[spmem:s2] =	stream.indirect.scatter.add.f32 [tilespmem:s11], [sflag:$0x1], $0x40, s10, s10, $0xb8;
	[tilespmem:$0x1E700] =	vst v63  }
0x1b: {  	_ =	swait.ge [sflag:s4], $0x2000  }
0x1c: {  	[sflag:s4] =	ssyncset.done $0x0  }
0x1d: {  	s12 =	simm.s32 $0x100;
	s13 =	simm.s32 $0x4500;
	[sflag:s4] =	ssyncadd.s32 $0xFFFFE000  }
0x1e: {  	[spmem:s2] =	stream.indirect.scatter.add.f32 [tilespmem:s13], [sflag:$0x1], $0x40, s12, s10, $0xb8;
	[tilespmem:$0x1E700] =	vst v63  }
0x1f: {  	_ =	swait.ge [sflag:s4], $0x2000  }
0x20: {  	[sflag:s4] =	ssyncset.done $0x0  }
0x21: {  	s14 =	simm.s32 $0x180;
	s15 =	simm.s32 $0x6500;
	[sflag:s4] =	ssyncadd.s32 $0xFFFFE000  }
0x22: {  	[spmem:s2] =	stream.indirect.scatter.add.f32 [tilespmem:s15], [sflag:$0x1], $0x40, s14, s10, $0xb8;
	[tilespmem:$0x1E700] =	vst v63  }
0x23: {  	_ =	swait.ge [sflag:s4], $0x2000  }
0x24: {  	[sflag:s4] =	ssyncset.done $0x0  }
0x25: {  	s16 =	simm.s32 $0x200;
	s17 =	simm.s32 $0x8500;
	[sflag:s4] =	ssyncadd.s32 $0xFFFFE000  }
0x26: {  	[spmem:s2] =	stream.indirect.scatter.add.f32 [tilespmem:s17], [sflag:$0x1], $0x40, s16, s10, $0xb8;
	[tilespmem:$0x1E700] =	vst v63  }
0x27: {  	_ =	swait.ge [sflag:s4], $0x2000  }
0x28: {  	[sflag:s4] =	ssyncset.done $0x0  }
0x29: {  	s18 =	simm.s32 $0x280;
	s19 =	simm.s32 $0xA500;
	[sflag:s4] =	ssyncadd.s32 $0xFFFFE000  }
0x2a: {  	[spmem:s2] =	stream.indirect.scatter.add.f32 [tilespmem:s19], [sflag:$0x1], $0x40, s18, s10, $0xb8;
	[tilespmem:$0x1E700] =	vst v63  }
0x2b: {  	_ =	swait.ge [sflag:s4], $0x2000  }
0x2c: {  	[sflag:s4] =	ssyncset.done $0x0  }
0x2d: {  	s20 =	simm.s32 $0x300;
	s21 =	simm.s32 $0xC500;
	[sflag:s4] =	ssyncadd.s32 $0xFFFFE000  }
0x2e: {  	[spmem:s2] =	stream.indirect.scatter.add.f32 [tilespmem:s21], [sflag:$0x1], $0x40, s20, s10, $0xb8;
	[tilespmem:$0x1E700] =	vst v63  }
0x2f: {  	_ =	swait.ge [sflag:s4], $0x2000  }
0x30: {  	[sflag:s4] =	ssyncset.done $0x0  }
0x31: {  	s23 =	simm.s32 $0xE500;
	s22 =	simm.s32 $0x380;
	[sflag:s4] =	ssyncadd.s32 $0xFFFFE000  }
0x32: {  	[spmem:s2] =	stream.indirect.scatter.add.f32 [tilespmem:s23], [sflag:$0x1], $0x40, s22, s10, $0xb8;
	[tilespmem:$0x1E700] =	vst v63  }
0x33: {  	s30 =	smul.u32 $0xA000, s0;
	_ =	swait.ge [sflag:s4], $0x2000  }
0x34: {  	s28 =	smul.u32 $0xA0000, s26;
	s1 =	ssub.s32 $0x2, s26;
	[sflag:s4] =	ssyncset.done $0x0  }
0x35: {  	s24 =	simm.s32 $0x400;
	s25 =	simm.s32 $0x10500;
	[sflag:s4] =	ssyncadd.s32 $0xFFFFE000  }
0x36: {  	[spmem:s2] =	stream.indirect.scatter.add.f32 [tilespmem:s25], [sflag:$0x1], $0x40, s24, s10, $0xb8;
	[tilespmem:$0x1E700] =	vst v63  }
0x37: {  	s26 =	simm.s32 $0x480;
	s0 =	sshrl.u32 s1, $0x1;
	_ =	swait.ge [sflag:s4], $0x2000  }
0x38: {  	s31 =	sadd.s32 s30, s28;
	s0 =	ssub.s32 s1, s0;
	[sflag:s4] =	ssyncset.done $0x0  }
0x39: {  	s28 =	simm.s32 $0x12500;
	s0 =	smax.u32 s0, $0x1;
	[sflag:s4] =	ssyncadd.s32 $0xFFFFE000  }
0x3a: {  	[spmem:s2] =	stream.indirect.scatter.add.f32 [tilespmem:s28], [sflag:$0x1], $0x40, s26, s10, $0xb8;
	[tilespmem:$0x1E700] =	vst v63  }
0x3b: {  	p0 =	sne.s32 s0, $0x1;
	_ =	swait.ge [sflag:s4], $0x2000  }
.Ltmp0:
0x3c: {  	s31 =	sshrl.u32 s31, $0x3;
	[sflag:s4] =	ssyncset.done $0x0;
	(pc) =	sbr.rel @!p0 .LBB2_2-.Ltmp0, $4  }
0x3d: {  	s1 =	sadd.s32 s30, s2;
	s29 =	sadd.s32 s31, s29;
	[sflag:s4] =	ssyncadd.s32 $0xFFFFE000  }
0x3e: {  	s30 =	sshrl.u32 s1, $0x3;
	s29 =	sadd.s32 $0x16DE00, s29;
	[bflag:$0x0] =	sbarrier.arrive $0xFFFF  }
0x3f: {  	[hbm:s29], [sflag:s5] =	dma.local [spmem:s30], $0x1400  }
0x40: {  	s31 =	sadd.s32 $0xFFFFFFFF, s0;
	_ =	swait.ge [sflag:s4], $0x1400  }
.LBB2_1:
0x41: {  	[sflag:s4] =	ssyncset.done $0x0  }
0x42: {  	s0 =	rddreg [dreg:$0x3];
	[sflag:s4] =	ssyncadd.s32 $0xFFFFEC00  }
0x43: {  	[spmem:s6], [sflag:s5] =	dma.local [hbm:s0], $0x1440  }
0x44: {  	_ =	swait.ge [sflag:s4], $0x1440  }
0x45: {  	[sflag:s4] =	ssyncset.done $0x0  }
0x46: {  	[sflag:s4] =	ssyncadd.s32 $0xFFFFEBC0  }
0x47: {  	[tilespmem:s3], [sflag:$0x1] =	stream.linear.gather [hbm4b:s7+s3], $0x500, $0x38;
	[tilespmem:$0x1E700] =	vst v63  }
0x48: {  	_ =	swait.ge [sflag:s4], $0x500  }
0x49: {  	[sflag:s4] =	ssyncset.done $0x0  }
0x4a: {  	[sflag:s4] =	ssyncadd.s32 $0xFFFFFB00  }
0x4b: {  	[tilespmem:s9], [sflag:$0x1] =	stream.linear.gather [hbm4b:s8+s3], $0x14000, $0x38;
	[tilespmem:$0x1E700] =	vst v63  }
0x4c: {  	_ =	swait.ge [sflag:s4], $0x14000  }
0x4d: {  	[sflag:s4] =	ssyncset.done $0x0  }
0x4e: {  	[sflag:s4] =	ssyncadd.s32 $0xFFFEC000  }
0x4f: {  	[bflag:$0x0] =	sbarrier.arrive $0xFFFF  }
0x50: {  	[spmem:s2] =	stream.indirect.scatter.add.f32 [tilespmem:s9], [sflag:$0x1], $0x40, s3, s10, $0xb8;
	[tilespmem:$0x1E700] =	vst v63  }
0x51: {  	_ =	swait.ge [sflag:s4], $0x2000  }
0x52: {  	[sflag:s4] =	ssyncset.done $0x0  }
0x53: {  	[sflag:s4] =	ssyncadd.s32 $0xFFFFE000  }
0x54: {  	[spmem:s2] =	stream.indirect.scatter.add.f32 [tilespmem:s11], [sflag:$0x1], $0x40, s10, s10, $0xb8;
	[tilespmem:$0x1E700] =	vst v63  }
0x55: {  	_ =	swait.ge [sflag:s4], $0x2000  }
0x56: {  	[sflag:s4] =	ssyncset.done $0x0  }
0x57: {  	[sflag:s4] =	ssyncadd.s32 $0xFFFFE000  }
0x58: {  	[spmem:s2] =	stream.indirect.scatter.add.f32 [tilespmem:s13], [sflag:$0x1], $0x40, s12, s10, $0xb8;
	[tilespmem:$0x1E700] =	vst v63  }
0x59: {  	_ =	swait.ge [sflag:s4], $0x2000  }
0x5a: {  	[sflag:s4] =	ssyncset.done $0x0  }
0x5b: {  	[sflag:s4] =	ssyncadd.s32 $0xFFFFE000  }
0x5c: {  	[spmem:s2] =	stream.indirect.scatter.add.f32 [tilespmem:s15], [sflag:$0x1], $0x40, s14, s10, $0xb8;
	[tilespmem:$0x1E700] =	vst v63  }
0x5d: {  	_ =	swait.ge [sflag:s4], $0x2000  }
0x5e: {  	[sflag:s4] =	ssyncset.done $0x0  }
0x5f: {  	[sflag:s4] =	ssyncadd.s32 $0xFFFFE000  }
0x60: {  	[spmem:s2] =	stream.indirect.scatter.add.f32 [tilespmem:s17], [sflag:$0x1], $0x40, s16, s10, $0xb8;
	[tilespmem:$0x1E700] =	vst v63  }
0x61: {  	_ =	swait.ge [sflag:s4], $0x2000  }
0x62: {  	[sflag:s4] =	ssyncset.done $0x0  }
0x63: {  	[sflag:s4] =	ssyncadd.s32 $0xFFFFE000  }
0x64: {  	[spmem:s2] =	stream.indirect.scatter.add.f32 [tilespmem:s19], [sflag:$0x1], $0x40, s18, s10, $0xb8;
	[tilespmem:$0x1E700] =	vst v63  }
0x65: {  	_ =	swait.ge [sflag:s4], $0x2000  }
0x66: {  	[sflag:s4] =	ssyncset.done $0x0  }
0x67: {  	[sflag:s4] =	ssyncadd.s32 $0xFFFFE000  }
0x68: {  	[spmem:s2] =	stream.indirect.scatter.add.f32 [tilespmem:s21], [sflag:$0x1], $0x40, s20, s10, $0xb8;
	[tilespmem:$0x1E700] =	vst v63  }
0x69: {  	_ =	swait.ge [sflag:s4], $0x2000  }
0x6a: {  	[sflag:s4] =	ssyncset.done $0x0  }
0x6b: {  	[sflag:s4] =	ssyncadd.s32 $0xFFFFE000  }
0x6c: {  	[spmem:s2] =	stream.indirect.scatter.add.f32 [tilespmem:s23], [sflag:$0x1], $0x40, s22, s10, $0xb8;
	[tilespmem:$0x1E700] =	vst v63  }
0x6d: {  	_ =	swait.ge [sflag:s4], $0x2000  }
0x6e: {  	[sflag:s4] =	ssyncset.done $0x0  }
0x6f: {  	[sflag:s4] =	ssyncadd.s32 $0xFFFFE000  }
0x70: {  	[spmem:s2] =	stream.indirect.scatter.add.f32 [tilespmem:s25], [sflag:$0x1], $0x40, s24, s10, $0xb8;
	[tilespmem:$0x1E700] =	vst v63  }
0x71: {  	_ =	swait.ge [sflag:s4], $0x2000  }
0x72: {  	[sflag:s4] =	ssyncset.done $0x0  }
0x73: {  	[sflag:s4] =	ssyncadd.s32 $0xFFFFE000  }
0x74: {  	[spmem:s2] =	stream.indirect.scatter.add.f32 [tilespmem:s28], [sflag:$0x1], $0x40, s26, s10, $0xb8;
	[tilespmem:$0x1E700] =	vst v63  }
0x75: {  	p0 =	sne.s32 s31, $0x1;
	_ =	swait.ge [sflag:s4], $0x2000  }
.Ltmp1:
0x76: {  	[sflag:s4] =	ssyncset.done $0x0;
	(pc) =	sbr.rel @p0 .LBB2_1-.Ltmp1, $4  }
0x77: {  	[sflag:s4] =	ssyncadd.s32 $0xFFFFE000  }
0x78: {  	[bflag:$0x0] =	sbarrier.arrive $0xFFFF  }
0x79: {  	[hbm:s29], [sflag:s5] =	dma.local [spmem:s30], $0x1400  }
0x7a: {  	s31 =	sadd.s32 $0xFFFFFFFF, s31;
	_ =	swait.ge [sflag:s4], $0x1400  }
.LBB2_2:
0x7b: {  	[sflag:s4] =	ssyncset.done $0x0  }
0x7c: {  	[sflag:s4] =	ssyncadd.s32 $0xFFFFEC00  }
0x7d: {  	_ =	sfence.sel $0x180000  }
0x7e: {  	[bflag:$0x0] =	sbarrier.arrive $0xFFFF  }
0x7f: {  	_ =	strace $0x90000050  }
0x80: {  	s0 =	stileid.u32;
	[bflag:$0x2] =	sbarrier.arrive $0xFFFF  }
0x81: {  	p0 =	sne.s32 s0, $0x0;
	s0 =	rddreg [dreg:$0x2]  }
0x82: {  	s0 =	sadd.s32 @!p0 $0x100000, s0  }
0x83: {  	[sflag:s0] =	ssyncadd.tile.s32 @!p0 $0x1;
	_ =	shalt  }
.Lfunc_end2:
_tile_overlayer_lowered:
.L_overlay_start_2:
0x84: {  	(tag) =	ssettag $0x2  }
0x85: {  	s0 =	rddreg [dreg:$0x0];
	s2 =	stileid.u32  }
0x86: {  	s1 =	rddreg [dreg:$0x1];
	p0 =	sne.s32 s2, $0x0  }
0x87: {  	s3 =	rddreg [dreg:$0x2];
	[bflag:$0x3] =	sbarrier.arrive $0xFFFF;
	s2 =	simm.s32 @!p0 $0x1C01  }
0x88: {  	[timem:s3], [sflag:s2] =	dma.local @!p0 [hbm:s0], s1  }
0x89: {  	s0 =	simm.s32 @!p0 $0x1  }
0x8a: {  	_ =	swait.ge @!p0 [sflag:s0], s1  }
0x8b: {  	s1 =	ssub.s32 @!p0 $0x0, s1;
	[sflag:s0] =	ssyncset.done @!p0 $0x0  }
0x8c: {  	[sflag:s0] =	ssyncadd.s32 @!p0 s1  }
0x8d: {  	[bflag:$0x3] =	sbarrier.arrive $0xFFFF  }
0x8e: {  	_ =	shalt  }

// kernel: kernel.30.cloned.1.call-start
scs
__scs_entry_jumppad:
0x0: {  	(pc) =	sbr.rel $0x88, $3  }
0x1: {  	(tag) =	ssettag $0x0;
	lr =	simm.s32 $0x1  }
0x2: {  	[smem:$0x3F86] =	sst lr;
	_ =	strace $0xD0000000  }
0x3: {  	_ = 	snop  }
0x4: {  	_ = 	snop  }
0x5: {  	_ = 	snop  }
0x6: {  	_ = 	snop  }
0x7: {  	_ = 	snop  }
__scs_overlays_trampoline_lowered:
0x8: {  	[smem:$0x3F95] =	sst s0  }
0x9: {  	[smem:$0x3F96] =	sst s1  }
0xa: {  	[smem:$0x3F97] =	sst s2  }
0xb: {  	[smem:$0x3F98] =	sst s3  }
0xc: {  	[smem:$0x3F99] =	sst s4  }
0xd: {  	[smem:$0x3F9A] =	sst s5  }
0xe: {  	[smem:$0x3F9B] =	sst s6  }
0xf: {  	[smem:$0x3F9C] =	sst s7  }
0x10: {  	[smem:$0x3F9D] =	sst s8  }
0x11: {  	[smem:$0x3F9E] =	sst s9;
	s0 =	simm.s32 @!p0 $0x0  }
0x12: {  	s1 =	sld [smem:$0x3F84];
	s0 =	simm.s32 @p0 $0x1  }
0x13: {  	[smem:$0x3F9F] =	sst s0;
	s0 =	simm.s32 @!p1 $0x0  }
0x14: {  	s2 =	sld [smem:$0x3F83];
	s0 =	simm.s32 @p1 $0x1  }
0x15: {  	[smem:$0x3FA0] =	sst s0;
	s0 =	simm.s32 @!p2 $0x0  }
0x16: {  	s3 =	sld [smem:$0x3FDB];
	s0 =	simm.s32 @p2 $0x1  }
0x17: {  	s4 =	simm.s32 $0x1BF5;
	[smem:$0x3FA2] =	sst s0  }
0x18: {  	s0 =	sld [smem:$0x3F85];
	_ =	swait.ge [sflag:s4], $0x0  }
0x19: {  	s7 =	sld [smem:$0x3F86]  }
0x1a: {  	s8 =	sadd.s32 $0xFFFFE003, lr  }
0x1b: {  	s9 =	sadd.s32 $0xFFFFFEF7, lr;
	s5 =	simm.s32 $0xFFFFFFFF;
	p2 =	slt.u32 s8, $0xFFFFF086  }
0x1c: {  	p1 =	slt.u32 s9, $0xF7A;
	s5 =	simm.s32 @!p2 $0x0  }
0x1d: {  	s5 =	simm.s32 @p1 $0x1;
	p0 =	seq.s32 s7, s2  }
0x1e: {  	s7 =	smul.u32 @!p0 $0xF7A, s2;
	p2 =	seq.s32 @!p0 s5, $0x0  }
0x1f: {  	s9 =	smul.u32 $0xF7A, s1;
	s8 =	simm.s32 @!p0 $0x1BF5;
	p2 =	por !p2, p0  }
0x20: {  	[sflag:s8] =	ssyncset.s32 @!p0 $0xFFFFF086;
	s6 =	sadd.s32 @!p0 s3, s7;
	s7 =	simm.s32 @!p0 $0x108  }
0x21: {  	s3 =	sadd.s32 s3, s9;
	s6 =	sadd.s32 @!p0 $0x88, s6;
	s7 =	simm.s32 @p2 $0x1082  }
0x22: {  	[simem:s7], [sflag:s8] =	dma.local @!p0 [hbm:s6], $0xF7A  }
0x23: {  	s9 =	sor.u32 $0xD0000000, s2;
	s6 =	simm.s32 $0x108;
	_ =	swait.ge @!p0 [sflag:s8], $0x0  }
0x24: {  	s3 =	sadd.s32 $0x88, s3;
	s6 =	simm.s32 @!p1 $0x1082;
	[sflag:s4] =	ssyncset.s32 $0xFFFFF086  }
0x25: {  	[simem:s6], [sflag:s4] =	dma.local [hbm:s3], $0xF7A  }
0x26: {  	[smem:$0x3F86] =	sst s1;
	(tag) =	ssettag s2;
	_ =	strace s9  }
0x27: {  	s1 =	sld [smem:$0x3F96]  }
0x28: {  	s2 =	sld [smem:$0x3F97]  }
0x29: {  	s4 =	sld [smem:$0x3F99]  }
0x2a: {  	p0 =	seq.s32 s5, $0x0;
	s5 =	sld [smem:$0x3F9A]  }
0x2b: {  	s6 =	sld [smem:$0x3F9B]  }
0x2c: {  	s7 =	sld [smem:$0x3F9C]  }
0x2d: {  	s3 =	simm.s32 $0x108;
	s8 =	sld [smem:$0x3F9D]  }
0x2e: {  	s3 =	simm.s32 @!p0 $0x1082;
	s9 =	sld [smem:$0x3F9E]  }
0x2f: {  	lr =	sadd.s32 s0, s3;
	s0 =	sld [smem:$0x3F95]  }
0x30: {  	s3 =	sld [smem:$0x3F98]  }
0x31: {  	[smem:$0x3FA1] =	sst s10  }
0x32: {  	s10 =	sld [smem:$0x3F9F];
	_ =	sdelay $0x3  }
0x33: {  	p0 =	seq.s32 s10, $0x1;
	s10 =	sld [smem:$0x3FA1];
	_ =	sdelay $0x3  }
0x34: {  	[smem:$0x3FA1] =	sst s10  }
0x35: {  	s10 =	sld [smem:$0x3FA0];
	_ =	sdelay $0x3  }
0x36: {  	p1 =	seq.s32 s10, $0x1;
	s10 =	sld [smem:$0x3FA1];
	_ =	sdelay $0x3  }
0x37: {  	[smem:$0x3FA1] =	sst s10  }
0x38: {  	s10 =	sld [smem:$0x3FA2]  }
0x39: {  	_ = 	snop;
	(pc) =	sbr.ind lr, $3  }
0x3a: {  	_ = 	snop  }
0x3b: {  	_ = 	snop  }
0x3c: {  	p2 =	seq.s32 s10, $0x1;
	s10 =	sld [smem:$0x3FA1]  }
0x3d: {  	_ =	shalt  }
0x3e: {  	_ =	shalt  }
0x3f: {  	_ =	shalt  }
0x40: {  	_ =	shalt  }
0x41: {  	_ =	shalt  }
0x42: {  	_ =	shalt  }
0x43: {  	_ =	shalt  }
0x44: {  	_ =	shalt  }
0x45: {  	_ =	shalt  }
0x46: {  	_ =	shalt  }
0x47: {  	_ =	shalt  }
0x48: {  	_ =	shalt  }
0x49: {  	_ =	shalt  }
0x4a: {  	_ =	shalt  }
0x4b: {  	_ =	shalt  }
0x4c: {  	_ =	shalt  }
0x4d: {  	_ =	shalt  }
0x4e: {  	_ =	shalt  }
0x4f: {  	_ =	shalt  }
0x50: {  	_ =	shalt  }
0x51: {  	_ =	shalt  }
0x52: {  	_ =	shalt  }
0x53: {  	_ =	shalt  }
0x54: {  	_ =	shalt  }
0x55: {  	_ =	shalt  }
0x56: {  	_ =	shalt  }
0x57: {  	_ =	shalt  }
0x58: {  	_ =	shalt  }
0x59: {  	_ =	shalt  }
0x5a: {  	_ =	shalt  }
0x5b: {  	_ =	shalt  }
0x5c: {  	_ =	shalt  }
0x5d: {  	_ =	shalt  }
0x5e: {  	_ =	shalt  }
0x5f: {  	_ =	shalt  }
0x60: {  	_ =	shalt  }
0x61: {  	_ =	shalt  }
0x62: {  	_ =	shalt  }
0x63: {  	_ =	shalt  }
0x64: {  	_ =	shalt  }
0x65: {  	_ =	shalt  }
0x66: {  	_ =	shalt  }
0x67: {  	_ =	shalt  }
0x68: {  	_ =	shalt  }
0x69: {  	_ =	shalt  }
0x6a: {  	_ =	shalt  }
0x6b: {  	_ =	shalt  }
0x6c: {  	_ =	shalt  }
0x6d: {  	_ =	shalt  }
0x6e: {  	_ =	shalt  }
0x6f: {  	_ =	shalt  }
0x70: {  	_ =	shalt  }
0x71: {  	_ =	shalt  }
0x72: {  	_ =	shalt  }
0x73: {  	_ =	shalt  }
0x74: {  	_ =	shalt  }
0x75: {  	_ =	shalt  }
0x76: {  	_ =	shalt  }
0x77: {  	_ =	shalt  }
0x78: {  	_ =	shalt  }
0x79: {  	_ =	shalt  }
0x7a: {  	_ =	shalt  }
0x7b: {  	_ =	shalt  }
0x7c: {  	_ =	shalt  }
0x7d: {  	_ =	shalt  }
0x7e: {  	_ =	shalt  }
0x7f: {  	_ =	shalt  }
0x80: {  	_ =	shalt  }
0x81: {  	_ =	shalt  }
0x82: {  	_ =	shalt  }
0x83: {  	_ =	shalt  }
0x84: {  	_ =	shalt  }
0x85: {  	_ =	shalt  }
0x86: {  	_ =	shalt  }
0x87: {  	_ =	shalt  }
.Lfunc_end0:
.L_simem_size_0:
called_computation.4_lowered:
.L_overlay_start_0:
0x88: {  	s2 =	sld [smem:$0x3FD9]  }
0x89: {  	s3 =	sld [smem:$0x3FFE];
	_ =	sdelay $0x1  }
0x8a: {  	s1 =	srdreg.scid  }
0x8b: {  	s0 =	sand.u32 $0x1, s1  }
0x8c: {  	s16 =	sshll.u32 s0, $0xA;
	s2 =	sadd.s32 s3, s2  }
0x8d: {  	s2 =	sadd.s32 s2, s16  }
0x8e: {  	[smem:$0x3FAD] =	sst s2  }
0x8f: {  	_ = 	snop  }
0x90: {  	(tm) =	ssettm $0x1  }
0x91: {  	s17 =	sld [smem:$0x3FFB];
	_ =	sdelay $0x3  }
0x92: {  	_ =	strace s17  }
0x93: {  	s2 =	sld [smem:$0x3FFC];
	_ =	sdelay $0x3  }
0x94: {  	_ =	strace s2  }
0x95: {  	s2 =	sld [smem:$0x3FFD];
	_ =	sdelay $0x3  }
0x96: {  	_ =	strace s2  }
0x97: {  	_ =	strace $0x8FFFFFFF  }
0x98: {  	s18 =	sld [smem:$0x3FDB];
	_ =	sdelay $0x1  }
0x99: {  	s19 =	simm.s32 $_scs_section_size  }
0x9a: {  	s4 =	simm.s32 $_size__tile_overlayer_lowered;
	s5 =	simm.s32 $_tile_overlayer_lowered  }
0x9b: {  	s22 =	simm.s32 $0x1BFF;
	s21 =	sshll.u32 s5, $0x1;
	s2 =	sadd.s32 s19, s18  }
0x9c: {  	s6 =	simm.s32 $0x0;
	s20 =	sshll.u32 s4, $0x1;
	s4 =	sadd.s32 s21, s2  }
0x9d: {  	[timem:s6], [sflag:s22] =	dma.local [hbm:s4], s20  }
0x9e: {  	_ =	swait.ge [sflag:s22], s20  }
0x9f: {  	s3 =	ssub.s32 $0x0, s20;
	[sflag:s22] =	ssyncset.done $0x0  }
0xa0: {  	[sflag:s22] =	ssyncadd.s32 s3;
	_ =	sdelay $0x1  }
0xa1: {  	s23 =	simm.s32 $0x1B8B  }
0xa2: {  	_ =	swait.ge [sflag:s23], $0x1  }
0xa3: {  	[sflag:s23] =	ssyncset.done $0x0  }
0xa4: {  	s25 =	simm.s32 $0x1B8E;
	s24 =	sld [smem:$0x3FFE];
	[sflag:s23] =	ssyncadd.s32 $0xFFFFFFFF  }
0xa5: {  	s26 =	simm.s32 $execute0_lowered;
	[smem:$0x3FD2] =	sst s25  }
0xa6: {  	s4 =	sshll.u32 s26, $0x1;
	_ =	strace $0x80000052;
	[dreg:$0x1] =	wrdreg $0xFFFFFFFF  }
0xa7: {  	s28 =	simm.s32 $_size_execute0_lowered;
	s2 =	sadd.s32 s2, s4;
	[dreg:$0x0] =	wrdreg $0x0  }
0xa8: {  	s4 =	sshll.u32 s28, $0x1;
	[dreg:$0x2] =	wrdreg s2  }
0xa9: {  	[dreg:$0x3] =	wrdreg s4  }
0xaa: {  	[dreg:$0x4] =	wrdreg $0xC0  }
0xab: {  	_ =	task [dreg:s6], $0x5FFFF  }
0xac: {  	[dreg:$0x1] =	wrdreg $0xFFFFFFFF  }
0xad: {  	[dreg:$0x0] =	wrdreg $0x60  }
0xae: {  	[dreg:$0x2] =	wrdreg s24  }
0xaf: {  	[dreg:$0x3] =	wrdreg $0x9  }
0xb0: {  	_ =	task.clear_ibuf [dreg:s6], $0x4FFFF;
	_ =	strace $0x90000052  }
0xb1: {  	s29 =	simm.s32 $0x9;
	_ =	strace $0x80000054  }
0xb2: {  	_ =	swait.ge [sflag:s29], $0x1  }
0xb3: {  	[sflag:s29] =	ssyncadd.s32 $0xFFFFFFFF  }
0xb4: {  	_ =	strace $0x90000054  }
0xb5: {  	_ =	sfence  }
0xb6: {  	s30 =	sld [smem:$0x0];
	_ =	sdelay $0x2  }
0xb7: {  	s31 =	sshll.u32 s1, $0xD;
	s1 =	sshrl.u32 s1, $0x2  }
0xb8: {  	s3 =	sand.u32 $0x4000, s31;
	s1 =	sadd.s32 s1, s30  }
0xb9: {  	s0 =	sor.u32 s3, s0;
	s1 =	sshll.u32 s1, $0x11  }
0xba: {  	s0 =	sor.u32 s1, s0  }
0xbb: {  	s0 =	sadd.s32 $0x8F2B, s0  }
0xbc: {  	[sflag:s0] =	ssyncadd.remote.s32 $0x1  }
0xbd: {  	_ =	sfence.sel $0xFFFF  }
0xbe: {  	[dreg:$0x0] =	wrdreg $0xFFFFFFFF;
	(pc) =	sbr.abs _section_cstart, $3  }
0xbf: {  	[dreg:$0x1] =	wrdreg $0xFFFFFFFF  }
0xc0: {  	_ =	task.clear_ibuf [dreg:s6], $0x2FFFF;
	_ =	strace $0x9FFFFFFF  }
0xc1: {  	(tm) =	ssettm $0x7FFFFFFF  }
tec
execute0_lowered:
.L_overlay_start_1:
0x0: {  	(tag) =	ssettag $0x1  }
0x1: {  	s1 =	srdreg.scid;
	s0 =	stileid.u32  }
0x2: {  	s28 =	sand.u32 $0x1, s1;
	s31 =	sshll.u32 s0, $0x1  }
0x3: {  	s29 =	sor.u32 s28, s31  }
0x4: {  	s26 =	rddreg [dreg:$0x0];
	s3 =	smul.u32 $0xA0, s29  }
0x5: {  	s2 =	simm.s32 $0x0;
	s1 =	rddreg [dreg:$0x1]  }
0x6: {  	[smem:$0x7FF] =	sst s2;
	s3 =	sadd.s32 s3, s26  }
0x7: {  	_ =	strace $0x80000053;
	s4 =	sadd.s32 $0x3600, s3;
	s3 =	simm.s32 $0x2  }
0x8: {  	[tilespmem:s2], [sflag:$0x2] =	stream.linear.gather [hbm4b:s4+s2], $0x500, $0x38;
	[tilespmem:$0x14500] =	vst v63  }
0x9: {  	_ =	swait.ge [sflag:s3], $0x500  }
0xa: {  	s6 =	simm.s32 $0x80;
	[sflag:s3] =	ssyncset.done $0x0  }
0xb: {  	s7 =	simm.s32 $0x500;
	s5 =	sadd.s32 $0x54A00, s26;
	[sflag:s3] =	ssyncadd.s32 $0xFFFFFB00  }
0xc: {  	[tilespmem:s7], [sflag:$0x1] =	stream.indirect.gather [hbm4b:s5+s6], $0x40, s2, s6, $0xb8;
	[tilespmem:$0x14500] =	vst v63  }
0xd: {  	s8 =	simm.s32 $0x2500  }
0xe: {  	[tilespmem:s8], [sflag:$0x1] =	stream.indirect.gather [hbm4b:s5+s6], $0x40, s6, s6, $0xb8;
	[tilespmem:$0x14500] =	vst v63  }
0xf: {  	s9 =	simm.s32 $0x100;
	s10 =	simm.s32 $0x4500  }
0x10: {  	[tilespmem:s10], [sflag:$0x1] =	stream.indirect.gather [hbm4b:s5+s6], $0x40, s9, s6, $0xb8;
	[tilespmem:$0x14500] =	vst v63  }
0x11: {  	s11 =	simm.s32 $0x180;
	s12 =	simm.s32 $0x6500  }
0x12: {  	[tilespmem:s12], [sflag:$0x1] =	stream.indirect.gather [hbm4b:s5+s6], $0x40, s11, s6, $0xb8;
	[tilespmem:$0x14500] =	vst v63  }
0x13: {  	s13 =	simm.s32 $0x200;
	s14 =	simm.s32 $0x8500  }
0x14: {  	[tilespmem:s14], [sflag:$0x1] =	stream.indirect.gather [hbm4b:s5+s6], $0x40, s13, s6, $0xb8;
	[tilespmem:$0x14500] =	vst v63  }
0x15: {  	s15 =	simm.s32 $0x280;
	s16 =	simm.s32 $0xA500  }
0x16: {  	[tilespmem:s16], [sflag:$0x1] =	stream.indirect.gather [hbm4b:s5+s6], $0x40, s15, s6, $0xb8;
	[tilespmem:$0x14500] =	vst v63  }
0x17: {  	s17 =	simm.s32 $0x300;
	s18 =	simm.s32 $0xC500  }
0x18: {  	[tilespmem:s18], [sflag:$0x1] =	stream.indirect.gather [hbm4b:s5+s6], $0x40, s17, s6, $0xb8;
	[tilespmem:$0x14500] =	vst v63  }
0x19: {  	s19 =	simm.s32 $0x380;
	s20 =	simm.s32 $0xE500  }
0x1a: {  	[tilespmem:s20], [sflag:$0x1] =	stream.indirect.gather [hbm4b:s5+s6], $0x40, s19, s6, $0xb8;
	[tilespmem:$0x14500] =	vst v63  }
0x1b: {  	s21 =	simm.s32 $0x400;
	s22 =	simm.s32 $0x10500  }
0x1c: {  	[tilespmem:s22], [sflag:$0x1] =	stream.indirect.gather [hbm4b:s5+s6], $0x40, s21, s6, $0xb8;
	[tilespmem:$0x14500] =	vst v63  }
0x1d: {  	s23 =	simm.s32 $0x480;
	s24 =	simm.s32 $0x12500;
	s25 =	simm.s32 $0x1  }
0x1e: {  	[tilespmem:s24], [sflag:$0x1] =	stream.indirect.gather [hbm4b:s5+s6], $0x40, s23, s6, $0xb8;
	[tilespmem:$0x14500] =	vst v63  }
0x1f: {  	_ =	swait.ge [sflag:s25], $0x2000  }
0x20: {  	[sflag:s25] =	ssyncset.done $0x0  }
0x21: {  	[sflag:s25] =	ssyncadd.s32 $0xFFFFE000  }
0x22: {  	_ =	swait.ge [sflag:s25], $0x2000  }
0x23: {  	[sflag:s25] =	ssyncset.done $0x0  }
0x24: {  	[sflag:s25] =	ssyncadd.s32 $0xFFFFE000  }
0x25: {  	_ =	swait.ge [sflag:s25], $0x2000  }
0x26: {  	[sflag:s25] =	ssyncset.done $0x0  }
0x27: {  	[sflag:s25] =	ssyncadd.s32 $0xFFFFE000  }
0x28: {  	_ =	swait.ge [sflag:s25], $0x2000  }
0x29: {  	[sflag:s25] =	ssyncset.done $0x0  }
0x2a: {  	[sflag:s25] =	ssyncadd.s32 $0xFFFFE000  }
0x2b: {  	_ =	swait.ge [sflag:s25], $0x2000  }
0x2c: {  	[sflag:s25] =	ssyncset.done $0x0  }
0x2d: {  	[sflag:s25] =	ssyncadd.s32 $0xFFFFE000  }
0x2e: {  	_ =	swait.ge [sflag:s25], $0x2000  }
0x2f: {  	[sflag:s25] =	ssyncset.done $0x0  }
0x30: {  	[sflag:s25] =	ssyncadd.s32 $0xFFFFE000  }
0x31: {  	_ =	swait.ge [sflag:s25], $0x2000  }
0x32: {  	[sflag:s25] =	ssyncset.done $0x0  }
0x33: {  	[sflag:s25] =	ssyncadd.s32 $0xFFFFE000  }
0x34: {  	_ =	swait.ge [sflag:s25], $0x2000  }
0x35: {  	[sflag:s25] =	ssyncset.done $0x0  }
0x36: {  	s28 =	ssub.s32 $0x2, s28;
	[sflag:s25] =	ssyncadd.s32 $0xFFFFE000  }
0x37: {  	s30 =	sshrl.u32 s28, $0x1;
	_ =	swait.ge [sflag:s25], $0x2000  }
0x38: {  	s28 =	ssub.s32 s28, s30;
	[sflag:s25] =	ssyncset.done $0x0  }
0x39: {  	s29 =	smul.u32 $0x2800, s29;
	s28 =	smax.u32 s28, $0x1;
	[sflag:s25] =	ssyncadd.s32 $0xFFFFE000  }
0x3a: {  	p0 =	sne.s32 s28, $0x1;
	_ =	swait.ge [sflag:s25], $0x2000  }
.Ltmp0:
0x3b: {  	s26 =	sadd.s32 s29, s26;
	[sflag:s25] =	ssyncset.done $0x0;
	(pc) =	sbr.rel @!p0 .LBB2_2-.Ltmp0, $4  }
0x3c: {  	s26 =	sadd.s32 $0x16DE00, s26;
	[sflag:s25] =	ssyncadd.s32 $0xFFFFE000  }
0x3d: {  	[hbm4b:s26+s2] =	stream.linear.scatter [tilespmem:s7], [sflag:$0x2], $0x14000, $0x38;
	[tilespmem:$0x14500] =	vst v63  }
0x3e: {  	_ =	swait.ge [sflag:s3], $0x14000  }
0x3f: {  	s28 =	sadd.s32 $0xFFFFFFFF, s28;
	[sflag:s3] =	ssyncset.done $0x0  }
.LBB2_1:
0x40: {  	p0 =	sne.s32 s28, $0x1;
	s28 =	sadd.s32 $0xFFFFFFFF, s28;
	[sflag:s3] =	ssyncadd.s32 $0xFFFEC000  }
0x41: {  	[tilespmem:s2], [sflag:$0x2] =	stream.linear.gather [hbm4b:s4+s2], $0x500, $0x38;
	[tilespmem:$0x14500] =	vst v63  }
0x42: {  	_ =	swait.ge [sflag:s3], $0x500  }
0x43: {  	[sflag:s3] =	ssyncset.done $0x0  }
0x44: {  	[sflag:s3] =	ssyncadd.s32 $0xFFFFFB00  }
0x45: {  	[tilespmem:s7], [sflag:$0x1] =	stream.indirect.gather [hbm4b:s5+s6], $0x40, s2, s6, $0xb8;
	[tilespmem:$0x14500] =	vst v63  }
0x46: {  	_ = 	snop  }
0x47: {  	[tilespmem:s8], [sflag:$0x1] =	stream.indirect.gather [hbm4b:s5+s6], $0x40, s6, s6, $0xb8;
	[tilespmem:$0x14500] =	vst v63  }
0x48: {  	_ = 	snop  }
0x49: {  	[tilespmem:s10], [sflag:$0x1] =	stream.indirect.gather [hbm4b:s5+s6], $0x40, s9, s6, $0xb8;
	[tilespmem:$0x14500] =	vst v63  }
0x4a: {  	_ = 	snop  }
0x4b: {  	[tilespmem:s12], [sflag:$0x1] =	stream.indirect.gather [hbm4b:s5+s6], $0x40, s11, s6, $0xb8;
	[tilespmem:$0x14500] =	vst v63  }
0x4c: {  	_ = 	snop  }
0x4d: {  	[tilespmem:s14], [sflag:$0x1] =	stream.indirect.gather [hbm4b:s5+s6], $0x40, s13, s6, $0xb8;
	[tilespmem:$0x14500] =	vst v63  }
0x4e: {  	_ = 	snop  }
0x4f: {  	[tilespmem:s16], [sflag:$0x1] =	stream.indirect.gather [hbm4b:s5+s6], $0x40, s15, s6, $0xb8;
	[tilespmem:$0x14500] =	vst v63  }
0x50: {  	_ = 	snop  }
0x51: {  	[tilespmem:s18], [sflag:$0x1] =	stream.indirect.gather [hbm4b:s5+s6], $0x40, s17, s6, $0xb8;
	[tilespmem:$0x14500] =	vst v63  }
0x52: {  	_ = 	snop  }
0x53: {  	[tilespmem:s20], [sflag:$0x1] =	stream.indirect.gather [hbm4b:s5+s6], $0x40, s19, s6, $0xb8;
	[tilespmem:$0x14500] =	vst v63  }
0x54: {  	_ = 	snop  }
0x55: {  	[tilespmem:s22], [sflag:$0x1] =	stream.indirect.gather [hbm4b:s5+s6], $0x40, s21, s6, $0xb8;
	[tilespmem:$0x14500] =	vst v63  }
0x56: {  	_ = 	snop  }
0x57: {  	[tilespmem:s24], [sflag:$0x1] =	stream.indirect.gather [hbm4b:s5+s6], $0x40, s23, s6, $0xb8;
	[tilespmem:$0x14500] =	vst v63  }
0x58: {  	_ =	swait.ge [sflag:s25], $0x2000  }
0x59: {  	[sflag:s25] =	ssyncset.done $0x0  }
0x5a: {  	[sflag:s25] =	ssyncadd.s32 $0xFFFFE000  }
0x5b: {  	_ =	swait.ge [sflag:s25], $0x2000  }
0x5c: {  	[sflag:s25] =	ssyncset.done $0x0  }
0x5d: {  	[sflag:s25] =	ssyncadd.s32 $0xFFFFE000  }
0x5e: {  	_ =	swait.ge [sflag:s25], $0x2000  }
0x5f: {  	[sflag:s25] =	ssyncset.done $0x0  }
0x60: {  	[sflag:s25] =	ssyncadd.s32 $0xFFFFE000  }
0x61: {  	_ =	swait.ge [sflag:s25], $0x2000  }
0x62: {  	[sflag:s25] =	ssyncset.done $0x0  }
0x63: {  	[sflag:s25] =	ssyncadd.s32 $0xFFFFE000  }
0x64: {  	_ =	swait.ge [sflag:s25], $0x2000  }
0x65: {  	[sflag:s25] =	ssyncset.done $0x0  }
0x66: {  	[sflag:s25] =	ssyncadd.s32 $0xFFFFE000  }
0x67: {  	_ =	swait.ge [sflag:s25], $0x2000  }
0x68: {  	[sflag:s25] =	ssyncset.done $0x0  }
0x69: {  	[sflag:s25] =	ssyncadd.s32 $0xFFFFE000  }
0x6a: {  	_ =	swait.ge [sflag:s25], $0x2000  }
0x6b: {  	[sflag:s25] =	ssyncset.done $0x0  }
0x6c: {  	[sflag:s25] =	ssyncadd.s32 $0xFFFFE000  }
0x6d: {  	_ =	swait.ge [sflag:s25], $0x2000  }
0x6e: {  	[sflag:s25] =	ssyncset.done $0x0  }
0x6f: {  	[sflag:s25] =	ssyncadd.s32 $0xFFFFE000  }
0x70: {  	_ =	swait.ge [sflag:s25], $0x2000  }
0x71: {  	[sflag:s25] =	ssyncset.done $0x0  }
0x72: {  	[sflag:s25] =	ssyncadd.s32 $0xFFFFE000  }
0x73: {  	_ =	swait.ge [sflag:s25], $0x2000  }
.Ltmp1:
0x74: {  	[sflag:s25] =	ssyncset.done $0x0;
	(pc) =	sbr.rel @p0 .LBB2_1-.Ltmp1, $4  }
0x75: {  	[sflag:s25] =	ssyncadd.s32 $0xFFFFE000  }
0x76: {  	[hbm4b:s26+s2] =	stream.linear.scatter [tilespmem:s7], [sflag:$0x2], $0x14000, $0x38;
	[tilespmem:$0x14500] =	vst v63  }
0x77: {  	_ =	swait.ge [sflag:s3], $0x14000  }
0x78: {  	[sflag:s3] =	ssyncset.done $0x0  }
.LBB2_2:
0x79: {  	[sflag:s3] =	ssyncadd.s32 $0xFFFEC000  }
0x7a: {  	_ =	sfence.sel $0x180000  }
0x7b: {  	[bflag:$0x0] =	sbarrier.arrive $0xFFFF  }
0x7c: {  	p0 =	sne.s32 s0, $0x0;
	_ =	strace $0x90000053  }
0x7d: {  	s0 =	sadd.s32 @!p0 $0x100000, s1;
	[bflag:$0x2] =	sbarrier.arrive $0xFFFF  }
0x7e: {  	[sflag:s0] =	ssyncadd.tile.s32 @!p0 $0x1;
	_ =	shalt  }
.Lfunc_end2:
_tile_overlayer_lowered:
.L_overlay_start_2:
0x7f: {  	(tag) =	ssettag $0x2  }
0x80: {  	s0 =	rddreg [dreg:$0x0];
	s2 =	stileid.u32  }
0x81: {  	s1 =	rddreg [dreg:$0x1];
	p0 =	sne.s32 s2, $0x0  }
0x82: {  	s3 =	rddreg [dreg:$0x2];
	[bflag:$0x3] =	sbarrier.arrive $0xFFFF;
	s2 =	simm.s32 @!p0 $0x1C02  }
0x83: {  	[timem:s3], [sflag:s2] =	dma.local @!p0 [hbm:s0], s1  }
0x84: {  	s0 =	simm.s32 @!p0 $0x2  }
0x85: {  	_ =	swait.ge @!p0 [sflag:s0], s1  }
0x86: {  	s1 =	ssub.s32 @!p0 $0x0, s1;
	[sflag:s0] =	ssyncset.done @!p0 $0x0  }
0x87: {  	[sflag:s0] =	ssyncadd.s32 @!p0 s1  }
0x88: {  	[bflag:$0x3] =	sbarrier.arrive $0xFFFF  }
0x89: {  	_ =	shalt  }

// kernel: kernel.33.cloned.1.call-start
scs
__scs_entry_jumppad:
0x0: {  	(pc) =	sbr.rel $0x88, $3  }
0x1: {  	(tag) =	ssettag $0x0;
	lr =	simm.s32 $0x1  }
0x2: {  	[smem:$0x3F86] =	sst lr;
	_ =	strace $0xD0000000  }
0x3: {  	_ = 	snop  }
0x4: {  	_ = 	snop  }
0x5: {  	_ = 	snop  }
0x6: {  	_ = 	snop  }
0x7: {  	_ = 	snop  }
__scs_overlays_trampoline_lowered:
0x8: {  	[smem:$0x3F95] =	sst s0  }
0x9: {  	[smem:$0x3F96] =	sst s1  }
0xa: {  	[smem:$0x3F97] =	sst s2  }
0xb: {  	[smem:$0x3F98] =	sst s3  }
0xc: {  	[smem:$0x3F99] =	sst s4  }
0xd: {  	[smem:$0x3F9A] =	sst s5  }
0xe: {  	[smem:$0x3F9B] =	sst s6  }
0xf: {  	[smem:$0x3F9C] =	sst s7  }
0x10: {  	[smem:$0x3F9D] =	sst s8  }
0x11: {  	[smem:$0x3F9E] =	sst s9;
	s0 =	simm.s32 @!p0 $0x0  }
0x12: {  	s1 =	sld [smem:$0x3F84];
	s0 =	simm.s32 @p0 $0x1  }
0x13: {  	[smem:$0x3F9F] =	sst s0;
	s0 =	simm.s32 @!p1 $0x0  }
0x14: {  	s2 =	sld [smem:$0x3F83];
	s0 =	simm.s32 @p1 $0x1  }
0x15: {  	[smem:$0x3FA0] =	sst s0;
	s0 =	simm.s32 @!p2 $0x0  }
0x16: {  	s3 =	sld [smem:$0x3FDB];
	s0 =	simm.s32 @p2 $0x1  }
0x17: {  	s4 =	simm.s32 $0x1BF5;
	[smem:$0x3FA2] =	sst s0  }
0x18: {  	s0 =	sld [smem:$0x3F85];
	_ =	swait.ge [sflag:s4], $0x0  }
0x19: {  	s7 =	sld [smem:$0x3F86]  }
0x1a: {  	s8 =	sadd.s32 $0xFFFFE003, lr  }
0x1b: {  	s9 =	sadd.s32 $0xFFFFFEF7, lr;
	s5 =	simm.s32 $0xFFFFFFFF;
	p2 =	slt.u32 s8, $0xFFFFF086  }
0x1c: {  	p1 =	slt.u32 s9, $0xF7A;
	s5 =	simm.s32 @!p2 $0x0  }
0x1d: {  	s5 =	simm.s32 @p1 $0x1;
	p0 =	seq.s32 s7, s2  }
0x1e: {  	s7 =	smul.u32 @!p0 $0xF7A, s2;
	p2 =	seq.s32 @!p0 s5, $0x0  }
0x1f: {  	s9 =	smul.u32 $0xF7A, s1;
	s8 =	simm.s32 @!p0 $0x1BF5;
	p2 =	por !p2, p0  }
0x20: {  	[sflag:s8] =	ssyncset.s32 @!p0 $0xFFFFF086;
	s6 =	sadd.s32 @!p0 s3, s7;
	s7 =	simm.s32 @!p0 $0x108  }
0x21: {  	s3 =	sadd.s32 s3, s9;
	s6 =	sadd.s32 @!p0 $0x88, s6;
	s7 =	simm.s32 @p2 $0x1082  }
0x22: {  	[simem:s7], [sflag:s8] =	dma.local @!p0 [hbm:s6], $0xF7A  }
0x23: {  	s9 =	sor.u32 $0xD0000000, s2;
	s6 =	simm.s32 $0x108;
	_ =	swait.ge @!p0 [sflag:s8], $0x0  }
0x24: {  	s3 =	sadd.s32 $0x88, s3;
	s6 =	simm.s32 @!p1 $0x1082;
	[sflag:s4] =	ssyncset.s32 $0xFFFFF086  }
0x25: {  	[simem:s6], [sflag:s4] =	dma.local [hbm:s3], $0xF7A  }
0x26: {  	[smem:$0x3F86] =	sst s1;
	(tag) =	ssettag s2;
	_ =	strace s9  }
0x27: {  	s1 =	sld [smem:$0x3F96]  }
0x28: {  	s2 =	sld [smem:$0x3F97]  }
0x29: {  	s4 =	sld [smem:$0x3F99]  }
0x2a: {  	p0 =	seq.s32 s5, $0x0;
	s5 =	sld [smem:$0x3F9A]  }
0x2b: {  	s6 =	sld [smem:$0x3F9B]  }
0x2c: {  	s7 =	sld [smem:$0x3F9C]  }
0x2d: {  	s3 =	simm.s32 $0x108;
	s8 =	sld [smem:$0x3F9D]  }
0x2e: {  	s3 =	simm.s32 @!p0 $0x1082;
	s9 =	sld [smem:$0x3F9E]  }
0x2f: {  	lr =	sadd.s32 s0, s3;
	s0 =	sld [smem:$0x3F95]  }
0x30: {  	s3 =	sld [smem:$0x3F98]  }
0x31: {  	[smem:$0x3FA1] =	sst s10  }
0x32: {  	s10 =	sld [smem:$0x3F9F];
	_ =	sdelay $0x3  }
0x33: {  	p0 =	seq.s32 s10, $0x1;
	s10 =	sld [smem:$0x3FA1];
	_ =	sdelay $0x3  }
0x34: {  	[smem:$0x3FA1] =	sst s10  }
0x35: {  	s10 =	sld [smem:$0x3FA0];
	_ =	sdelay $0x3  }
0x36: {  	p1 =	seq.s32 s10, $0x1;
	s10 =	sld [smem:$0x3FA1];
	_ =	sdelay $0x3  }
0x37: {  	[smem:$0x3FA1] =	sst s10  }
0x38: {  	s10 =	sld [smem:$0x3FA2]  }
0x39: {  	_ = 	snop;
	(pc) =	sbr.ind lr, $3  }
0x3a: {  	_ = 	snop  }
0x3b: {  	_ = 	snop  }
0x3c: {  	p2 =	seq.s32 s10, $0x1;
	s10 =	sld [smem:$0x3FA1]  }
0x3d: {  	_ =	shalt  }
0x3e: {  	_ =	shalt  }
0x3f: {  	_ =	shalt  }
0x40: {  	_ =	shalt  }
0x41: {  	_ =	shalt  }
0x42: {  	_ =	shalt  }
0x43: {  	_ =	shalt  }
0x44: {  	_ =	shalt  }
0x45: {  	_ =	shalt  }
0x46: {  	_ =	shalt  }
0x47: {  	_ =	shalt  }
0x48: {  	_ =	shalt  }
0x49: {  	_ =	shalt  }
0x4a: {  	_ =	shalt  }
0x4b: {  	_ =	shalt  }
0x4c: {  	_ =	shalt  }
0x4d: {  	_ =	shalt  }
0x4e: {  	_ =	shalt  }
0x4f: {  	_ =	shalt  }
0x50: {  	_ =	shalt  }
0x51: {  	_ =	shalt  }
0x52: {  	_ =	shalt  }
0x53: {  	_ =	shalt  }
0x54: {  	_ =	shalt  }
0x55: {  	_ =	shalt  }
0x56: {  	_ =	shalt  }
0x57: {  	_ =	shalt  }
0x58: {  	_ =	shalt  }
0x59: {  	_ =	shalt  }
0x5a: {  	_ =	shalt  }
0x5b: {  	_ =	shalt  }
0x5c: {  	_ =	shalt  }
0x5d: {  	_ =	shalt  }
0x5e: {  	_ =	shalt  }
0x5f: {  	_ =	shalt  }
0x60: {  	_ =	shalt  }
0x61: {  	_ =	shalt  }
0x62: {  	_ =	shalt  }
0x63: {  	_ =	shalt  }
0x64: {  	_ =	shalt  }
0x65: {  	_ =	shalt  }
0x66: {  	_ =	shalt  }
0x67: {  	_ =	shalt  }
0x68: {  	_ =	shalt  }
0x69: {  	_ =	shalt  }
0x6a: {  	_ =	shalt  }
0x6b: {  	_ =	shalt  }
0x6c: {  	_ =	shalt  }
0x6d: {  	_ =	shalt  }
0x6e: {  	_ =	shalt  }
0x6f: {  	_ =	shalt  }
0x70: {  	_ =	shalt  }
0x71: {  	_ =	shalt  }
0x72: {  	_ =	shalt  }
0x73: {  	_ =	shalt  }
0x74: {  	_ =	shalt  }
0x75: {  	_ =	shalt  }
0x76: {  	_ =	shalt  }
0x77: {  	_ =	shalt  }
0x78: {  	_ =	shalt  }
0x79: {  	_ =	shalt  }
0x7a: {  	_ =	shalt  }
0x7b: {  	_ =	shalt  }
0x7c: {  	_ =	shalt  }
0x7d: {  	_ =	shalt  }
0x7e: {  	_ =	shalt  }
0x7f: {  	_ =	shalt  }
0x80: {  	_ =	shalt  }
0x81: {  	_ =	shalt  }
0x82: {  	_ =	shalt  }
0x83: {  	_ =	shalt  }
0x84: {  	_ =	shalt  }
0x85: {  	_ =	shalt  }
0x86: {  	_ =	shalt  }
0x87: {  	_ =	shalt  }
.Lfunc_end0:
.L_simem_size_0:
called_computation.5_lowered:
.L_overlay_start_0:
0x88: {  	s2 =	sld [smem:$0x3FD9]  }
0x89: {  	s3 =	sld [smem:$0x3FFE];
	_ =	sdelay $0x1  }
0x8a: {  	s1 =	srdreg.scid  }
0x8b: {  	s0 =	sand.u32 $0x1, s1  }
0x8c: {  	s16 =	sshll.u32 s0, $0xA;
	s2 =	sadd.s32 s3, s2  }
0x8d: {  	s2 =	sadd.s32 s2, s16  }
0x8e: {  	[smem:$0x3FAD] =	sst s2  }
0x8f: {  	_ = 	snop  }
0x90: {  	(tm) =	ssettm $0x1  }
0x91: {  	s17 =	sld [smem:$0x3FFB];
	_ =	sdelay $0x3  }
0x92: {  	_ =	strace s17  }
0x93: {  	s2 =	sld [smem:$0x3FFC];
	_ =	sdelay $0x3  }
0x94: {  	_ =	strace s2  }
0x95: {  	s2 =	sld [smem:$0x3FFD];
	_ =	sdelay $0x3  }
0x96: {  	_ =	strace s2  }
0x97: {  	_ =	strace $0x8FFFFFFF  }
0x98: {  	s18 =	sld [smem:$0x3FDB];
	_ =	sdelay $0x1  }
0x99: {  	s19 =	simm.s32 $_scs_section_size  }
0x9a: {  	s4 =	simm.s32 $_size__tile_overlayer_lowered;
	s5 =	simm.s32 $_tile_overlayer_lowered  }
0x9b: {  	s22 =	simm.s32 $0x1BFF;
	s21 =	sshll.u32 s5, $0x1;
	s2 =	sadd.s32 s19, s18  }
0x9c: {  	s6 =	simm.s32 $0x0;
	s20 =	sshll.u32 s4, $0x1;
	s4 =	sadd.s32 s21, s2  }
0x9d: {  	[timem:s6], [sflag:s22] =	dma.local [hbm:s4], s20  }
0x9e: {  	_ =	swait.ge [sflag:s22], s20  }
0x9f: {  	s3 =	ssub.s32 $0x0, s20;
	[sflag:s22] =	ssyncset.done $0x0  }
0xa0: {  	[sflag:s22] =	ssyncadd.s32 s3;
	_ =	sdelay $0x1  }
0xa1: {  	s23 =	simm.s32 $0x1B8B  }
0xa2: {  	_ =	swait.ge [sflag:s23], $0x1  }
0xa3: {  	[sflag:s23] =	ssyncset.done $0x0  }
0xa4: {  	s25 =	simm.s32 $0x1B8E;
	s24 =	sld [smem:$0x3FFE];
	[sflag:s23] =	ssyncadd.s32 $0xFFFFFFFF  }
0xa5: {  	s26 =	simm.s32 $execute0_lowered;
	[smem:$0x3FD2] =	sst s25  }
0xa6: {  	s4 =	sshll.u32 s26, $0x1;
	_ =	strace $0x80000055;
	[dreg:$0x1] =	wrdreg $0xFFFFFFFF  }
0xa7: {  	s28 =	simm.s32 $_size_execute0_lowered;
	s2 =	sadd.s32 s2, s4;
	[dreg:$0x0] =	wrdreg $0x0  }
0xa8: {  	s4 =	sshll.u32 s28, $0x1;
	[dreg:$0x2] =	wrdreg s2  }
0xa9: {  	[dreg:$0x3] =	wrdreg s4  }
0xaa: {  	[dreg:$0x4] =	wrdreg $0xC0  }
0xab: {  	_ =	task [dreg:s6], $0x5FFFF  }
0xac: {  	[dreg:$0x1] =	wrdreg $0xFFFFFFFF  }
0xad: {  	[dreg:$0x0] =	wrdreg $0x60  }
0xae: {  	[dreg:$0x2] =	wrdreg s24  }
0xaf: {  	[dreg:$0x3] =	wrdreg $0x145000  }
0xb0: {  	[dreg:$0x4] =	wrdreg $0x9  }
0xb1: {  	_ =	task.clear_ibuf [dreg:s6], $0x5FFFF;
	_ =	strace $0x90000055  }
0xb2: {  	s29 =	simm.s32 $0x9;
	_ =	strace $0x80000057  }
0xb3: {  	_ =	swait.ge [sflag:s29], $0x1  }
0xb4: {  	[sflag:s29] =	ssyncadd.s32 $0xFFFFFFFF  }
0xb5: {  	_ =	strace $0x90000057  }
0xb6: {  	_ =	sfence  }
0xb7: {  	s30 =	sld [smem:$0x0];
	_ =	sdelay $0x2  }
0xb8: {  	s31 =	sshll.u32 s1, $0xD;
	s1 =	sshrl.u32 s1, $0x2  }
0xb9: {  	s3 =	sand.u32 $0x4000, s31;
	s1 =	sadd.s32 s1, s30  }
0xba: {  	s0 =	sor.u32 s3, s0;
	s1 =	sshll.u32 s1, $0x11  }
0xbb: {  	s0 =	sor.u32 s1, s0  }
0xbc: {  	s0 =	sadd.s32 $0x8F2B, s0  }
0xbd: {  	[sflag:s0] =	ssyncadd.remote.s32 $0x1  }
0xbe: {  	_ =	sfence.sel $0xFFFF  }
0xbf: {  	[dreg:$0x0] =	wrdreg $0xFFFFFFFF;
	(pc) =	sbr.abs _section_cstart, $3  }
0xc0: {  	[dreg:$0x1] =	wrdreg $0xFFFFFFFF  }
0xc1: {  	_ =	task.clear_ibuf [dreg:s6], $0x2FFFF;
	_ =	strace $0x9FFFFFFF  }
0xc2: {  	(tm) =	ssettm $0x7FFFFFFF  }
0xc3: {  	_ =	shalt  }
tec
execute0_lowered:
.L_overlay_start_1:
0x0: {  	(tag) =	ssettag $0x1  }
0x1: {  	s29 =	rddreg [dreg:$0x0];
	s0 =	stileid.u32  }
0x2: {  	s2 =	rddreg [dreg:$0x1];
	s3 =	simm.s32 $0x0;
	s4 =	smul.u32 $0xA200, s0  }
0x3: {  	s5 =	srdreg.scid;
	[smem:$0x7FF] =	sst s3  }
0x4: {  	s26 =	sand.u32 $0x1, s5;
	s7 =	smul.u32 $0x500, s0;
	s6 =	sshrl.u32 s4, $0x3  }
0x5: {  	s24 =	sshll.u32 s0, $0x6;
	s23 =	smul.u32 $0x5000, s26;
	s22 =	sadd.s32 s6, s29  }
0x6: {  	_ =	strace $0x80000056;
	s4 =	sadd.s32 s4, s2;
	s5 =	sadd.s32 $0xA4A00, s22  }
0x7: {  	s9 =	sadd.s32 s7, s23;
	s6 =	sshrl.u32 s4, $0x3;
	[dreg:$0x3] =	wrdreg s5  }
0x8: {  	s4 =	simm.s32 $0x1;
	s5 =	sor.u32 $0x1C01, s24;
	s8 =	rddreg [dreg:$0x3]  }
0x9: {  	[spmem:s6], [sflag:s5] =	dma.local [hbm:s8], $0x1440  }
0xa: {  	s7 =	sshrl.u32 s9, $0x3;
	_ =	swait.ge [sflag:s4], $0x1440  }
0xb: {  	s7 =	sadd.s32 s7, s29;
	[sflag:s4] =	ssyncset.done $0x0  }
0xc: {  	s7 =	sadd.s32 $0x16CA00, s7;
	[sflag:s4] =	ssyncadd.s32 $0xFFFFEBC0  }
0xd: {  	[tilespmem:s3], [sflag:$0x1] =	stream.linear.gather [hbm4b:s7+s3], $0x500, $0x38;
	[tilespmem:$0x1E700] =	vst v63  }
0xe: {  	s25 =	sshll.u32 s9, $0x3;
	_ =	swait.ge [sflag:s4], $0x500  }
0xf: {  	s8 =	sadd.s32 s25, s29;
	[sflag:s4] =	ssyncset.done $0x0  }
0x10: {  	s9 =	simm.s32 $0x500;
	s8 =	sadd.s32 $0x54A00, s8;
	[sflag:s4] =	ssyncadd.s32 $0xFFFFFB00  }
0x11: {  	[tilespmem:s9], [sflag:$0x1] =	stream.linear.gather [hbm4b:s8+s3], $0x14000, $0x38;
	[tilespmem:$0x1E700] =	vst v63  }
0x12: {  	_ =	swait.ge [sflag:s4], $0x14000  }
0x13: {  	[sflag:s4] =	ssyncset.done $0x0  }
0x14: {  	[sflag:s4] =	ssyncadd.s32 $0xFFFEC000  }
0x15: {  	s10 =	simm.s32 $0x80;
	[bflag:$0x0] =	sbarrier.arrive $0xFFFF  }
0x16: {  	[spmem:s2] =	stream.indirect.scatter.add.f32 [tilespmem:s9], [sflag:$0x1], $0x40, s3, s10, $0xb8;
	[tilespmem:$0x1E700] =	vst v63  }
0x17: {  	_ =	swait.ge [sflag:s4], $0x2000  }
0x18: {  	[sflag:s4] =	ssyncset.done $0x0  }
0x19: {  	s11 =	simm.s32 $0x2500;
	[sflag:s4] =	ssyncadd.s32 $0xFFFFE000  }
0x1a: {  	[spmem:s2] =	stream.indirect.scatter.add.f32 [tilespmem:s11], [sflag:$0x1], $0x40, s10, s10, $0xb8;
	[tilespmem:$0x1E700] =	vst v63  }
0x1b: {  	_ =	swait.ge [sflag:s4], $0x2000  }
0x1c: {  	[sflag:s4] =	ssyncset.done $0x0  }
0x1d: {  	s12 =	simm.s32 $0x100;
	s13 =	simm.s32 $0x4500;
	[sflag:s4] =	ssyncadd.s32 $0xFFFFE000  }
0x1e: {  	[spmem:s2] =	stream.indirect.scatter.add.f32 [tilespmem:s13], [sflag:$0x1], $0x40, s12, s10, $0xb8;
	[tilespmem:$0x1E700] =	vst v63  }
0x1f: {  	_ =	swait.ge [sflag:s4], $0x2000  }
0x20: {  	[sflag:s4] =	ssyncset.done $0x0  }
0x21: {  	s14 =	simm.s32 $0x180;
	s15 =	simm.s32 $0x6500;
	[sflag:s4] =	ssyncadd.s32 $0xFFFFE000  }
0x22: {  	[spmem:s2] =	stream.indirect.scatter.add.f32 [tilespmem:s15], [sflag:$0x1], $0x40, s14, s10, $0xb8;
	[tilespmem:$0x1E700] =	vst v63  }
0x23: {  	_ =	swait.ge [sflag:s4], $0x2000  }
0x24: {  	[sflag:s4] =	ssyncset.done $0x0  }
0x25: {  	s16 =	simm.s32 $0x200;
	s17 =	simm.s32 $0x8500;
	[sflag:s4] =	ssyncadd.s32 $0xFFFFE000  }
0x26: {  	[spmem:s2] =	stream.indirect.scatter.add.f32 [tilespmem:s17], [sflag:$0x1], $0x40, s16, s10, $0xb8;
	[tilespmem:$0x1E700] =	vst v63  }
0x27: {  	_ =	swait.ge [sflag:s4], $0x2000  }
0x28: {  	[sflag:s4] =	ssyncset.done $0x0  }
0x29: {  	s18 =	simm.s32 $0x280;
	s19 =	simm.s32 $0xA500;
	[sflag:s4] =	ssyncadd.s32 $0xFFFFE000  }
0x2a: {  	[spmem:s2] =	stream.indirect.scatter.add.f32 [tilespmem:s19], [sflag:$0x1], $0x40, s18, s10, $0xb8;
	[tilespmem:$0x1E700] =	vst v63  }
0x2b: {  	_ =	swait.ge [sflag:s4], $0x2000  }
0x2c: {  	[sflag:s4] =	ssyncset.done $0x0  }
0x2d: {  	s20 =	simm.s32 $0x300;
	s21 =	simm.s32 $0xC500;
	[sflag:s4] =	ssyncadd.s32 $0xFFFFE000  }
0x2e: {  	[spmem:s2] =	stream.indirect.scatter.add.f32 [tilespmem:s21], [sflag:$0x1], $0x40, s20, s10, $0xb8;
	[tilespmem:$0x1E700] =	vst v63  }
0x2f: {  	_ =	swait.ge [sflag:s4], $0x2000  }
0x30: {  	[sflag:s4] =	ssyncset.done $0x0  }
0x31: {  	s23 =	simm.s32 $0xE500;
	s22 =	simm.s32 $0x380;
	[sflag:s4] =	ssyncadd.s32 $0xFFFFE000  }
0x32: {  	[spmem:s2] =	stream.indirect.scatter.add.f32 [tilespmem:s23], [sflag:$0x1], $0x40, s22, s10, $0xb8;
	[tilespmem:$0x1E700] =	vst v63  }
0x33: {  	s30 =	smul.u32 $0xA000, s0;
	_ =	swait.ge [sflag:s4], $0x2000  }
0x34: {  	s28 =	smul.u32 $0xA0000, s26;
	s1 =	ssub.s32 $0x2, s26;
	[sflag:s4] =	ssyncset.done $0x0  }
0x35: {  	s24 =	simm.s32 $0x400;
	s25 =	simm.s32 $0x10500;
	[sflag:s4] =	ssyncadd.s32 $0xFFFFE000  }
0x36: {  	[spmem:s2] =	stream.indirect.scatter.add.f32 [tilespmem:s25], [sflag:$0x1], $0x40, s24, s10, $0xb8;
	[tilespmem:$0x1E700] =	vst v63  }
0x37: {  	s26 =	simm.s32 $0x480;
	s0 =	sshrl.u32 s1, $0x1;
	_ =	swait.ge [sflag:s4], $0x2000  }
0x38: {  	s31 =	sadd.s32 s30, s28;
	s0 =	ssub.s32 s1, s0;
	[sflag:s4] =	ssyncset.done $0x0  }
0x39: {  	s28 =	simm.s32 $0x12500;
	s0 =	smax.u32 s0, $0x1;
	[sflag:s4] =	ssyncadd.s32 $0xFFFFE000  }
0x3a: {  	[spmem:s2] =	stream.indirect.scatter.add.f32 [tilespmem:s28], [sflag:$0x1], $0x40, s26, s10, $0xb8;
	[tilespmem:$0x1E700] =	vst v63  }
0x3b: {  	p0 =	sne.s32 s0, $0x1;
	_ =	swait.ge [sflag:s4], $0x2000  }
.Ltmp0:
0x3c: {  	s31 =	sshrl.u32 s31, $0x3;
	[sflag:s4] =	ssyncset.done $0x0;
	(pc) =	sbr.rel @!p0 .LBB2_2-.Ltmp0, $4  }
0x3d: {  	s1 =	sadd.s32 s30, s2;
	s29 =	sadd.s32 s31, s29;
	[sflag:s4] =	ssyncadd.s32 $0xFFFFE000  }
0x3e: {  	s30 =	sshrl.u32 s1, $0x3;
	s29 =	sadd.s32 $0xB8E00, s29;
	[bflag:$0x0] =	sbarrier.arrive $0xFFFF  }
0x3f: {  	[hbm:s29], [sflag:s5] =	dma.local [spmem:s30], $0x1400  }
0x40: {  	s31 =	sadd.s32 $0xFFFFFFFF, s0;
	_ =	swait.ge [sflag:s4], $0x1400  }
.LBB2_1:
0x41: {  	[sflag:s4] =	ssyncset.done $0x0  }
0x42: {  	s0 =	rddreg [dreg:$0x3];
	[sflag:s4] =	ssyncadd.s32 $0xFFFFEC00  }
0x43: {  	[spmem:s6], [sflag:s5] =	dma.local [hbm:s0], $0x1440  }
0x44: {  	_ =	swait.ge [sflag:s4], $0x1440  }
0x45: {  	[sflag:s4] =	ssyncset.done $0x0  }
0x46: {  	[sflag:s4] =	ssyncadd.s32 $0xFFFFEBC0  }
0x47: {  	[tilespmem:s3], [sflag:$0x1] =	stream.linear.gather [hbm4b:s7+s3], $0x500, $0x38;
	[tilespmem:$0x1E700] =	vst v63  }
0x48: {  	_ =	swait.ge [sflag:s4], $0x500  }
0x49: {  	[sflag:s4] =	ssyncset.done $0x0  }
0x4a: {  	[sflag:s4] =	ssyncadd.s32 $0xFFFFFB00  }
0x4b: {  	[tilespmem:s9], [sflag:$0x1] =	stream.linear.gather [hbm4b:s8+s3], $0x14000, $0x38;
	[tilespmem:$0x1E700] =	vst v63  }
0x4c: {  	_ =	swait.ge [sflag:s4], $0x14000  }
0x4d: {  	[sflag:s4] =	ssyncset.done $0x0  }
0x4e: {  	[sflag:s4] =	ssyncadd.s32 $0xFFFEC000  }
0x4f: {  	[bflag:$0x0] =	sbarrier.arrive $0xFFFF  }
0x50: {  	[spmem:s2] =	stream.indirect.scatter.add.f32 [tilespmem:s9], [sflag:$0x1], $0x40, s3, s10, $0xb8;
	[tilespmem:$0x1E700] =	vst v63  }
0x51: {  	_ =	swait.ge [sflag:s4], $0x2000  }
0x52: {  	[sflag:s4] =	ssyncset.done $0x0  }
0x53: {  	[sflag:s4] =	ssyncadd.s32 $0xFFFFE000  }
0x54: {  	[spmem:s2] =	stream.indirect.scatter.add.f32 [tilespmem:s11], [sflag:$0x1], $0x40, s10, s10, $0xb8;
	[tilespmem:$0x1E700] =	vst v63  }
0x55: {  	_ =	swait.ge [sflag:s4], $0x2000  }
0x56: {  	[sflag:s4] =	ssyncset.done $0x0  }
0x57: {  	[sflag:s4] =	ssyncadd.s32 $0xFFFFE000  }
0x58: {  	[spmem:s2] =	stream.indirect.scatter.add.f32 [tilespmem:s13], [sflag:$0x1], $0x40, s12, s10, $0xb8;
	[tilespmem:$0x1E700] =	vst v63  }
0x59: {  	_ =	swait.ge [sflag:s4], $0x2000  }
0x5a: {  	[sflag:s4] =	ssyncset.done $0x0  }
0x5b: {  	[sflag:s4] =	ssyncadd.s32 $0xFFFFE000  }
0x5c: {  	[spmem:s2] =	stream.indirect.scatter.add.f32 [tilespmem:s15], [sflag:$0x1], $0x40, s14, s10, $0xb8;
	[tilespmem:$0x1E700] =	vst v63  }
0x5d: {  	_ =	swait.ge [sflag:s4], $0x2000  }
0x5e: {  	[sflag:s4] =	ssyncset.done $0x0  }
0x5f: {  	[sflag:s4] =	ssyncadd.s32 $0xFFFFE000  }
0x60: {  	[spmem:s2] =	stream.indirect.scatter.add.f32 [tilespmem:s17], [sflag:$0x1], $0x40, s16, s10, $0xb8;
	[tilespmem:$0x1E700] =	vst v63  }
0x61: {  	_ =	swait.ge [sflag:s4], $0x2000  }
0x62: {  	[sflag:s4] =	ssyncset.done $0x0  }
0x63: {  	[sflag:s4] =	ssyncadd.s32 $0xFFFFE000  }
0x64: {  	[spmem:s2] =	stream.indirect.scatter.add.f32 [tilespmem:s19], [sflag:$0x1], $0x40, s18, s10, $0xb8;
	[tilespmem:$0x1E700] =	vst v63  }
0x65: {  	_ =	swait.ge [sflag:s4], $0x2000  }
0x66: {  	[sflag:s4] =	ssyncset.done $0x0  }
0x67: {  	[sflag:s4] =	ssyncadd.s32 $0xFFFFE000  }
0x68: {  	[spmem:s2] =	stream.indirect.scatter.add.f32 [tilespmem:s21], [sflag:$0x1], $0x40, s20, s10, $0xb8;
	[tilespmem:$0x1E700] =	vst v63  }
0x69: {  	_ =	swait.ge [sflag:s4], $0x2000  }
0x6a: {  	[sflag:s4] =	ssyncset.done $0x0  }
0x6b: {  	[sflag:s4] =	ssyncadd.s32 $0xFFFFE000  }
0x6c: {  	[spmem:s2] =	stream.indirect.scatter.add.f32 [tilespmem:s23], [sflag:$0x1], $0x40, s22, s10, $0xb8;
	[tilespmem:$0x1E700] =	vst v63  }
0x6d: {  	_ =	swait.ge [sflag:s4], $0x2000  }
0x6e: {  	[sflag:s4] =	ssyncset.done $0x0  }
0x6f: {  	[sflag:s4] =	ssyncadd.s32 $0xFFFFE000  }
0x70: {  	[spmem:s2] =	stream.indirect.scatter.add.f32 [tilespmem:s25], [sflag:$0x1], $0x40, s24, s10, $0xb8;
	[tilespmem:$0x1E700] =	vst v63  }
0x71: {  	_ =	swait.ge [sflag:s4], $0x2000  }
0x72: {  	[sflag:s4] =	ssyncset.done $0x0  }
0x73: {  	[sflag:s4] =	ssyncadd.s32 $0xFFFFE000  }
0x74: {  	[spmem:s2] =	stream.indirect.scatter.add.f32 [tilespmem:s28], [sflag:$0x1], $0x40, s26, s10, $0xb8;
	[tilespmem:$0x1E700] =	vst v63  }
0x75: {  	p0 =	sne.s32 s31, $0x1;
	_ =	swait.ge [sflag:s4], $0x2000  }
.Ltmp1:
0x76: {  	[sflag:s4] =	ssyncset.done $0x0;
	(pc) =	sbr.rel @p0 .LBB2_1-.Ltmp1, $4  }
0x77: {  	[sflag:s4] =	ssyncadd.s32 $0xFFFFE000  }
0x78: {  	[bflag:$0x0] =	sbarrier.arrive $0xFFFF  }
0x79: {  	[hbm:s29], [sflag:s5] =	dma.local [spmem:s30], $0x1400  }
0x7a: {  	s31 =	sadd.s32 $0xFFFFFFFF, s31;
	_ =	swait.ge [sflag:s4], $0x1400  }
.LBB2_2:
0x7b: {  	[sflag:s4] =	ssyncset.done $0x0  }
0x7c: {  	[sflag:s4] =	ssyncadd.s32 $0xFFFFEC00  }
0x7d: {  	_ =	sfence.sel $0x180000  }
0x7e: {  	[bflag:$0x0] =	sbarrier.arrive $0xFFFF  }
0x7f: {  	_ =	strace $0x90000056  }
0x80: {  	s0 =	stileid.u32;
	[bflag:$0x2] =	sbarrier.arrive $0xFFFF  }
0x81: {  	p0 =	sne.s32 s0, $0x0;
	s0 =	rddreg [dreg:$0x2]  }
0x82: {  	s0 =	sadd.s32 @!p0 $0x100000, s0  }
0x83: {  	[sflag:s0] =	ssyncadd.tile.s32 @!p0 $0x1;
	_ =	shalt  }
.Lfunc_end2:
_tile_overlayer_lowered:
.L_overlay_start_2:
0x84: {  	(tag) =	ssettag $0x2  }
0x85: {  	s0 =	rddreg [dreg:$0x0];
	s2 =	stileid.u32  }
0x86: {  	s1 =	rddreg [dreg:$0x1];
	p0 =	sne.s32 s2, $0x0  }
0x87: {  	s3 =	rddreg [dreg:$0x2];
	[bflag:$0x3] =	sbarrier.arrive $0xFFFF;
	s2 =	simm.s32 @!p0 $0x1C01  }
0x88: {  	[timem:s3], [sflag:s2] =	dma.local @!p0 [hbm:s0], s1  }
0x89: {  	s0 =	simm.s32 @!p0 $0x1  }
0x8a: {  	_ =	swait.ge @!p0 [sflag:s0], s1  }
0x8b: {  	s1 =	ssub.s32 @!p0 $0x0, s1;
	[sflag:s0] =	ssyncset.done @!p0 $0x0  }
0x8c: {  	[sflag:s0] =	ssyncadd.s32 @!p0 s1  }
0x8d: {  	[bflag:$0x3] =	sbarrier.arrive $0xFFFF  }
0x8e: {  	_ =	shalt  }

// kernel: kernel.36.cloned.1.call-start
scs
__scs_entry_jumppad:
0x0: {  	(pc) =	sbr.rel $0x88, $3  }
0x1: {  	(tag) =	ssettag $0x0;
	lr =	simm.s32 $0x1  }
0x2: {  	[smem:$0x3F86] =	sst lr;
	_ =	strace $0xD0000000  }
0x3: {  	_ = 	snop  }
0x4: {  	_ = 	snop  }
0x5: {  	_ = 	snop  }
0x6: {  	_ = 	snop  }
0x7: {  	_ = 	snop  }
__scs_overlays_trampoline_lowered:
0x8: {  	[smem:$0x3F95] =	sst s0  }
0x9: {  	[smem:$0x3F96] =	sst s1  }
0xa: {  	[smem:$0x3F97] =	sst s2  }
0xb: {  	[smem:$0x3F98] =	sst s3  }
0xc: {  	[smem:$0x3F99] =	sst s4  }
0xd: {  	[smem:$0x3F9A] =	sst s5  }
0xe: {  	[smem:$0x3F9B] =	sst s6  }
0xf: {  	[smem:$0x3F9C] =	sst s7  }
0x10: {  	[smem:$0x3F9D] =	sst s8  }
0x11: {  	[smem:$0x3F9E] =	sst s9;
	s0 =	simm.s32 @!p0 $0x0  }
0x12: {  	s1 =	sld [smem:$0x3F84];
	s0 =	simm.s32 @p0 $0x1  }
0x13: {  	[smem:$0x3F9F] =	sst s0;
	s0 =	simm.s32 @!p1 $0x0  }
0x14: {  	s2 =	sld [smem:$0x3F83];
	s0 =	simm.s32 @p1 $0x1  }
0x15: {  	[smem:$0x3FA0] =	sst s0;
	s0 =	simm.s32 @!p2 $0x0  }
0x16: {  	s3 =	sld [smem:$0x3FDB];
	s0 =	simm.s32 @p2 $0x1  }
0x17: {  	s4 =	simm.s32 $0x1BF5;
	[smem:$0x3FA2] =	sst s0  }
0x18: {  	s0 =	sld [smem:$0x3F85];
	_ =	swait.ge [sflag:s4], $0x0  }
0x19: {  	s7 =	sld [smem:$0x3F86]  }
0x1a: {  	s8 =	sadd.s32 $0xFFFFE003, lr  }
0x1b: {  	s9 =	sadd.s32 $0xFFFFFEF7, lr;
	s5 =	simm.s32 $0xFFFFFFFF;
	p2 =	slt.u32 s8, $0xFFFFF086  }
0x1c: {  	p1 =	slt.u32 s9, $0xF7A;
	s5 =	simm.s32 @!p2 $0x0  }
0x1d: {  	s5 =	simm.s32 @p1 $0x1;
	p0 =	seq.s32 s7, s2  }
0x1e: {  	s7 =	smul.u32 @!p0 $0xF7A, s2;
	p2 =	seq.s32 @!p0 s5, $0x0  }
0x1f: {  	s9 =	smul.u32 $0xF7A, s1;
	s8 =	simm.s32 @!p0 $0x1BF5;
	p2 =	por !p2, p0  }
0x20: {  	[sflag:s8] =	ssyncset.s32 @!p0 $0xFFFFF086;
	s6 =	sadd.s32 @!p0 s3, s7;
	s7 =	simm.s32 @!p0 $0x108  }
0x21: {  	s3 =	sadd.s32 s3, s9;
	s6 =	sadd.s32 @!p0 $0x88, s6;
	s7 =	simm.s32 @p2 $0x1082  }
0x22: {  	[simem:s7], [sflag:s8] =	dma.local @!p0 [hbm:s6], $0xF7A  }
0x23: {  	s9 =	sor.u32 $0xD0000000, s2;
	s6 =	simm.s32 $0x108;
	_ =	swait.ge @!p0 [sflag:s8], $0x0  }
0x24: {  	s3 =	sadd.s32 $0x88, s3;
	s6 =	simm.s32 @!p1 $0x1082;
	[sflag:s4] =	ssyncset.s32 $0xFFFFF086  }
0x25: {  	[simem:s6], [sflag:s4] =	dma.local [hbm:s3], $0xF7A  }
0x26: {  	[smem:$0x3F86] =	sst s1;
	(tag) =	ssettag s2;
	_ =	strace s9  }
0x27: {  	s1 =	sld [smem:$0x3F96]  }
0x28: {  	s2 =	sld [smem:$0x3F97]  }
0x29: {  	s4 =	sld [smem:$0x3F99]  }
0x2a: {  	p0 =	seq.s32 s5, $0x0;
	s5 =	sld [smem:$0x3F9A]  }
0x2b: {  	s6 =	sld [smem:$0x3F9B]  }
0x2c: {  	s7 =	sld [smem:$0x3F9C]  }
0x2d: {  	s3 =	simm.s32 $0x108;
	s8 =	sld [smem:$0x3F9D]  }
0x2e: {  	s3 =	simm.s32 @!p0 $0x1082;
	s9 =	sld [smem:$0x3F9E]  }
0x2f: {  	lr =	sadd.s32 s0, s3;
	s0 =	sld [smem:$0x3F95]  }
0x30: {  	s3 =	sld [smem:$0x3F98]  }
0x31: {  	[smem:$0x3FA1] =	sst s10  }
0x32: {  	s10 =	sld [smem:$0x3F9F];
	_ =	sdelay $0x3  }
0x33: {  	p0 =	seq.s32 s10, $0x1;
	s10 =	sld [smem:$0x3FA1];
	_ =	sdelay $0x3  }
0x34: {  	[smem:$0x3FA1] =	sst s10  }
0x35: {  	s10 =	sld [smem:$0x3FA0];
	_ =	sdelay $0x3  }
0x36: {  	p1 =	seq.s32 s10, $0x1;
	s10 =	sld [smem:$0x3FA1];
	_ =	sdelay $0x3  }
0x37: {  	[smem:$0x3FA1] =	sst s10  }
0x38: {  	s10 =	sld [smem:$0x3FA2]  }
0x39: {  	_ = 	snop;
	(pc) =	sbr.ind lr, $3  }
0x3a: {  	_ = 	snop  }
0x3b: {  	_ = 	snop  }
0x3c: {  	p2 =	seq.s32 s10, $0x1;
	s10 =	sld [smem:$0x3FA1]  }
0x3d: {  	_ =	shalt  }
0x3e: {  	_ =	shalt  }
0x3f: {  	_ =	shalt  }
0x40: {  	_ =	shalt  }
0x41: {  	_ =	shalt  }
0x42: {  	_ =	shalt  }
0x43: {  	_ =	shalt  }
0x44: {  	_ =	shalt  }
0x45: {  	_ =	shalt  }
0x46: {  	_ =	shalt  }
0x47: {  	_ =	shalt  }
0x48: {  	_ =	shalt  }
0x49: {  	_ =	shalt  }
0x4a: {  	_ =	shalt  }
0x4b: {  	_ =	shalt  }
0x4c: {  	_ =	shalt  }
0x4d: {  	_ =	shalt  }
0x4e: {  	_ =	shalt  }
0x4f: {  	_ =	shalt  }
0x50: {  	_ =	shalt  }
0x51: {  	_ =	shalt  }
0x52: {  	_ =	shalt  }
0x53: {  	_ =	shalt  }
0x54: {  	_ =	shalt  }
0x55: {  	_ =	shalt  }
0x56: {  	_ =	shalt  }
0x57: {  	_ =	shalt  }
0x58: {  	_ =	shalt  }
0x59: {  	_ =	shalt  }
0x5a: {  	_ =	shalt  }
0x5b: {  	_ =	shalt  }
0x5c: {  	_ =	shalt  }
0x5d: {  	_ =	shalt  }
0x5e: {  	_ =	shalt  }
0x5f: {  	_ =	shalt  }
0x60: {  	_ =	shalt  }
0x61: {  	_ =	shalt  }
0x62: {  	_ =	shalt  }
0x63: {  	_ =	shalt  }
0x64: {  	_ =	shalt  }
0x65: {  	_ =	shalt  }
0x66: {  	_ =	shalt  }
0x67: {  	_ =	shalt  }
0x68: {  	_ =	shalt  }
0x69: {  	_ =	shalt  }
0x6a: {  	_ =	shalt  }
0x6b: {  	_ =	shalt  }
0x6c: {  	_ =	shalt  }
0x6d: {  	_ =	shalt  }
0x6e: {  	_ =	shalt  }
0x6f: {  	_ =	shalt  }
0x70: {  	_ =	shalt  }
0x71: {  	_ =	shalt  }
0x72: {  	_ =	shalt  }
0x73: {  	_ =	shalt  }
0x74: {  	_ =	shalt  }
0x75: {  	_ =	shalt  }
0x76: {  	_ =	shalt  }
0x77: {  	_ =	shalt  }
0x78: {  	_ =	shalt  }
0x79: {  	_ =	shalt  }
0x7a: {  	_ =	shalt  }
0x7b: {  	_ =	shalt  }
0x7c: {  	_ =	shalt  }
0x7d: {  	_ =	shalt  }
0x7e: {  	_ =	shalt  }
0x7f: {  	_ =	shalt  }
0x80: {  	_ =	shalt  }
0x81: {  	_ =	shalt  }
0x82: {  	_ =	shalt  }
0x83: {  	_ =	shalt  }
0x84: {  	_ =	shalt  }
0x85: {  	_ =	shalt  }
0x86: {  	_ =	shalt  }
0x87: {  	_ =	shalt  }
.Lfunc_end0:
.L_simem_size_0:
called_computation.6_lowered:
.L_overlay_start_0:
0x88: {  	s2 =	sld [smem:$0x3FD9]  }
0x89: {  	s3 =	sld [smem:$0x3FFE];
	_ =	sdelay $0x1  }
0x8a: {  	s1 =	srdreg.scid  }
0x8b: {  	s0 =	sand.u32 $0x1, s1  }
0x8c: {  	s16 =	sshll.u32 s0, $0xA;
	s2 =	sadd.s32 s3, s2  }
0x8d: {  	s2 =	sadd.s32 s2, s16  }
0x8e: {  	[smem:$0x3FAD] =	sst s2  }
0x8f: {  	_ = 	snop  }
0x90: {  	(tm) =	ssettm $0x1  }
0x91: {  	s17 =	sld [smem:$0x3FFB];
	_ =	sdelay $0x3  }
0x92: {  	_ =	strace s17  }
0x93: {  	s2 =	sld [smem:$0x3FFC];
	_ =	sdelay $0x3  }
0x94: {  	_ =	strace s2  }
0x95: {  	s2 =	sld [smem:$0x3FFD];
	_ =	sdelay $0x3  }
0x96: {  	_ =	strace s2  }
0x97: {  	_ =	strace $0x8FFFFFFF  }
0x98: {  	s18 =	sld [smem:$0x3FDB];
	_ =	sdelay $0x1  }
0x99: {  	s19 =	simm.s32 $_scs_section_size  }
0x9a: {  	s4 =	simm.s32 $_size__tile_overlayer_lowered;
	s5 =	simm.s32 $_tile_overlayer_lowered  }
0x9b: {  	s22 =	simm.s32 $0x1BFF;
	s21 =	sshll.u32 s5, $0x1;
	s2 =	sadd.s32 s19, s18  }
0x9c: {  	s6 =	simm.s32 $0x0;
	s20 =	sshll.u32 s4, $0x1;
	s4 =	sadd.s32 s21, s2  }
0x9d: {  	[timem:s6], [sflag:s22] =	dma.local [hbm:s4], s20  }
0x9e: {  	_ =	swait.ge [sflag:s22], s20  }
0x9f: {  	s3 =	ssub.s32 $0x0, s20;
	[sflag:s22] =	ssyncset.done $0x0  }
0xa0: {  	[sflag:s22] =	ssyncadd.s32 s3;
	_ =	sdelay $0x1  }
0xa1: {  	s23 =	simm.s32 $0x1B8B  }
0xa2: {  	_ =	swait.ge [sflag:s23], $0x1  }
0xa3: {  	[sflag:s23] =	ssyncset.done $0x0  }
0xa4: {  	s25 =	simm.s32 $0x1B8E;
	s24 =	sld [smem:$0x3FFE];
	[sflag:s23] =	ssyncadd.s32 $0xFFFFFFFF  }
0xa5: {  	s26 =	simm.s32 $execute0_lowered;
	[smem:$0x3FD2] =	sst s25  }
0xa6: {  	s4 =	sshll.u32 s26, $0x1;
	_ =	strace $0x80000058;
	[dreg:$0x1] =	wrdreg $0xFFFFFFFF  }
0xa7: {  	s28 =	simm.s32 $_size_execute0_lowered;
	s2 =	sadd.s32 s2, s4;
	[dreg:$0x0] =	wrdreg $0x0  }
0xa8: {  	s4 =	sshll.u32 s28, $0x1;
	[dreg:$0x2] =	wrdreg s2  }
0xa9: {  	[dreg:$0x3] =	wrdreg s4  }
0xaa: {  	[dreg:$0x4] =	wrdreg $0xC0  }
0xab: {  	_ =	task [dreg:s6], $0x5FFFF  }
0xac: {  	[dreg:$0x1] =	wrdreg $0xFFFFFFFF  }
0xad: {  	[dreg:$0x0] =	wrdreg $0x60  }
0xae: {  	[dreg:$0x2] =	wrdreg s24  }
0xaf: {  	[dreg:$0x3] =	wrdreg $0x9  }
0xb0: {  	_ =	task.clear_ibuf [dreg:s6], $0x4FFFF;
	_ =	strace $0x90000058  }
0xb1: {  	s29 =	simm.s32 $0x9;
	_ =	strace $0x8000005A  }
0xb2: {  	_ =	swait.ge [sflag:s29], $0x1  }
0xb3: {  	[sflag:s29] =	ssyncadd.s32 $0xFFFFFFFF  }
0xb4: {  	_ =	strace $0x9000005A  }
0xb5: {  	_ =	sfence  }
0xb6: {  	s30 =	sld [smem:$0x0];
	_ =	sdelay $0x2  }
0xb7: {  	s31 =	sshll.u32 s1, $0xD;
	s1 =	sshrl.u32 s1, $0x2  }
0xb8: {  	s3 =	sand.u32 $0x4000, s31;
	s1 =	sadd.s32 s1, s30  }
0xb9: {  	s0 =	sor.u32 s3, s0;
	s1 =	sshll.u32 s1, $0x11  }
0xba: {  	s0 =	sor.u32 s1, s0  }
0xbb: {  	s0 =	sadd.s32 $0x8F2B, s0  }
0xbc: {  	[sflag:s0] =	ssyncadd.remote.s32 $0x1  }
0xbd: {  	_ =	sfence.sel $0xFFFF  }
0xbe: {  	[dreg:$0x0] =	wrdreg $0xFFFFFFFF;
	(pc) =	sbr.abs _section_cstart, $3  }
0xbf: {  	[dreg:$0x1] =	wrdreg $0xFFFFFFFF  }
0xc0: {  	_ =	task.clear_ibuf [dreg:s6], $0x2FFFF;
	_ =	strace $0x9FFFFFFF  }
0xc1: {  	(tm) =	ssettm $0x7FFFFFFF  }
tec
execute0_lowered:
.L_overlay_start_1:
0x0: {  	(tag) =	ssettag $0x1  }
0x1: {  	s1 =	srdreg.scid;
	s0 =	stileid.u32  }
0x2: {  	s12 =	sand.u32 $0x1, s1;
	s29 =	sshll.u32 s0, $0x1  }
0x3: {  	s13 =	sor.u32 s12, s29  }
0x4: {  	s14 =	rddreg [dreg:$0x0];
	s3 =	smul.u32 $0x30, s13  }
0x5: {  	s2 =	simm.s32 $0x0;
	s1 =	rddreg [dreg:$0x1]  }
0x6: {  	[smem:$0x7FF] =	sst s2;
	s3 =	sadd.s32 s3, s14  }
0x7: {  	_ =	strace $0x80000059;
	s4 =	sadd.s32 $0x3600, s3;
	s3 =	simm.s32 $0x2  }
0x8: {  	[tilespmem:s2], [sflag:$0x2] =	stream.linear.gather [hbm4b:s4+s2], $0x180, $0x38;
	[tilespmem:$0x6180] =	vst v63  }
0x9: {  	_ =	swait.ge [sflag:s3], $0x180  }
0xa: {  	s6 =	simm.s32 $0x80;
	[sflag:s3] =	ssyncset.done $0x0  }
0xb: {  	s7 =	simm.s32 $0x180;
	s5 =	sadd.s32 $0x3C00, s14;
	[sflag:s3] =	ssyncadd.s32 $0xFFFFFE80  }
0xc: {  	[tilespmem:s7], [sflag:$0x1] =	stream.indirect.gather [hbm4b:s5+s6], $0x40, s2, s6, $0xb8;
	[tilespmem:$0x6180] =	vst v63  }
0xd: {  	s8 =	simm.s32 $0x2180  }
0xe: {  	[tilespmem:s8], [sflag:$0x1] =	stream.indirect.gather [hbm4b:s5+s6], $0x40, s6, s6, $0xb8;
	[tilespmem:$0x6180] =	vst v63  }
0xf: {  	s9 =	simm.s32 $0x100;
	s10 =	simm.s32 $0x4180;
	s11 =	simm.s32 $0x1  }
0x10: {  	[tilespmem:s10], [sflag:$0x1] =	stream.indirect.gather [hbm4b:s5+s6], $0x40, s9, s6, $0xb8;
	[tilespmem:$0x6180] =	vst v63  }
0x11: {  	_ =	swait.ge [sflag:s11], $0x2000  }
0x12: {  	[sflag:s11] =	ssyncset.done $0x0  }
0x13: {  	s12 =	ssub.s32 $0x2, s12;
	[sflag:s11] =	ssyncadd.s32 $0xFFFFE000  }
0x14: {  	s15 =	sshrl.u32 s12, $0x1;
	_ =	swait.ge [sflag:s11], $0x2000  }
0x15: {  	s30 =	ssub.s32 s12, s15;
	[sflag:s11] =	ssyncset.done $0x0  }
0x16: {  	s13 =	smul.u32 $0xC00, s13;
	s31 =	smax.u32 s30, $0x1;
	[sflag:s11] =	ssyncadd.s32 $0xFFFFE000  }
0x17: {  	p0 =	sne.s32 s31, $0x1;
	_ =	swait.ge [sflag:s11], $0x2000  }
.Ltmp0:
0x18: {  	s13 =	sadd.s32 s13, s14;
	[sflag:s11] =	ssyncset.done $0x0;
	(pc) =	sbr.rel @!p0 .LBB2_2-.Ltmp0, $4  }
0x19: {  	s12 =	sadd.s32 $0x2BC00, s13;
	[sflag:s11] =	ssyncadd.s32 $0xFFFFE000  }
0x1a: {  	[hbm4b:s12+s2] =	stream.linear.scatter [tilespmem:s7], [sflag:$0x2], $0x6000, $0x38;
	[tilespmem:$0x6180] =	vst v63  }
0x1b: {  	_ =	swait.ge [sflag:s3], $0x6000  }
0x1c: {  	s13 =	sadd.s32 $0xFFFFFFFF, s31;
	[sflag:s3] =	ssyncset.done $0x0  }
.LBB2_1:
0x1d: {  	p0 =	sne.s32 s13, $0x1;
	s13 =	sadd.s32 $0xFFFFFFFF, s13;
	[sflag:s3] =	ssyncadd.s32 $0xFFFFA000  }
0x1e: {  	[tilespmem:s2], [sflag:$0x2] =	stream.linear.gather [hbm4b:s4+s2], $0x180, $0x38;
	[tilespmem:$0x6180] =	vst v63  }
0x1f: {  	_ =	swait.ge [sflag:s3], $0x180  }
0x20: {  	[sflag:s3] =	ssyncset.done $0x0  }
0x21: {  	[sflag:s3] =	ssyncadd.s32 $0xFFFFFE80  }
0x22: {  	[tilespmem:s7], [sflag:$0x1] =	stream.indirect.gather [hbm4b:s5+s6], $0x40, s2, s6, $0xb8;
	[tilespmem:$0x6180] =	vst v63  }
0x23: {  	_ = 	snop  }
0x24: {  	[tilespmem:s8], [sflag:$0x1] =	stream.indirect.gather [hbm4b:s5+s6], $0x40, s6, s6, $0xb8;
	[tilespmem:$0x6180] =	vst v63  }
0x25: {  	_ = 	snop  }
0x26: {  	[tilespmem:s10], [sflag:$0x1] =	stream.indirect.gather [hbm4b:s5+s6], $0x40, s9, s6, $0xb8;
	[tilespmem:$0x6180] =	vst v63  }
0x27: {  	_ =	swait.ge [sflag:s11], $0x2000  }
0x28: {  	[sflag:s11] =	ssyncset.done $0x0  }
0x29: {  	[sflag:s11] =	ssyncadd.s32 $0xFFFFE000  }
0x2a: {  	_ =	swait.ge [sflag:s11], $0x2000  }
0x2b: {  	[sflag:s11] =	ssyncset.done $0x0  }
0x2c: {  	[sflag:s11] =	ssyncadd.s32 $0xFFFFE000  }
0x2d: {  	_ =	swait.ge [sflag:s11], $0x2000  }
.Ltmp1:
0x2e: {  	[sflag:s11] =	ssyncset.done $0x0;
	(pc) =	sbr.rel @p0 .LBB2_1-.Ltmp1, $4  }
0x2f: {  	[sflag:s11] =	ssyncadd.s32 $0xFFFFE000  }
0x30: {  	[hbm4b:s12+s2] =	stream.linear.scatter [tilespmem:s7], [sflag:$0x2], $0x6000, $0x38;
	[tilespmem:$0x6180] =	vst v63  }
0x31: {  	_ =	swait.ge [sflag:s3], $0x6000  }
0x32: {  	[sflag:s3] =	ssyncset.done $0x0  }
.LBB2_2:
0x33: {  	[sflag:s3] =	ssyncadd.s32 $0xFFFFA000  }
0x34: {  	_ =	sfence.sel $0x180000  }
0x35: {  	[bflag:$0x0] =	sbarrier.arrive $0xFFFF  }
0x36: {  	p0 =	sne.s32 s0, $0x0;
	_ =	strace $0x90000059  }
0x37: {  	s0 =	sadd.s32 @!p0 $0x100000, s1;
	[bflag:$0x2] =	sbarrier.arrive $0xFFFF  }
0x38: {  	[sflag:s0] =	ssyncadd.tile.s32 @!p0 $0x1;
	_ =	shalt  }
.Lfunc_end2:
_tile_overlayer_lowered:
.L_overlay_start_2:
0x39: {  	(tag) =	ssettag $0x2  }
0x3a: {  	s0 =	rddreg [dreg:$0x0];
	s2 =	stileid.u32  }
0x3b: {  	s1 =	rddreg [dreg:$0x1];
	p0 =	sne.s32 s2, $0x0  }
0x3c: {  	s3 =	rddreg [dreg:$0x2];
	[bflag:$0x3] =	sbarrier.arrive $0xFFFF;
	s2 =	simm.s32 @!p0 $0x1C02  }
0x3d: {  	[timem:s3], [sflag:s2] =	dma.local @!p0 [hbm:s0], s1  }
0x3e: {  	s0 =	simm.s32 @!p0 $0x2  }
0x3f: {  	_ =	swait.ge @!p0 [sflag:s0], s1  }
0x40: {  	s1 =	ssub.s32 @!p0 $0x0, s1;
	[sflag:s0] =	ssyncset.done @!p0 $0x0  }
0x41: {  	[sflag:s0] =	ssyncadd.s32 @!p0 s1  }
0x42: {  	[bflag:$0x3] =	sbarrier.arrive $0xFFFF  }
0x43: {  	_ =	shalt  }

</sc_bundles>
